<compile_context>
chip_gen: v7x
topology: tpu7x:2x2x1
jax: 0.10.2.dev20260603
libtpu: 0.0.44.dev20260713+nightly
codegen_flags: <defaults>
</compile_context>

<pallas_src>
import functools

import jax
import jax.numpy as jnp
from jax import lax
from jax.experimental import pallas as pl
from jax.experimental.pallas import tpu as pltpu
from jax.experimental.pallas import tpu_sc as plsc

_PRIME = 31
_NMIN, _NMAX = 3, 20
_NT = _NMAX - _NMIN + 1
_TBL = 16384
_D = 64
_B, _L = 4, 8192
_NPOS = _B * _L
_INV = 1.0 / (_NT + 1)

_NW = 32
_W = 1024
_P = 512
_G = 128


def _hash_body(byte_ref, ids_ref):
    b = byte_ref[...]
    is_dna = (b >= 1) & (b <= 4)
    safe = jnp.where(is_dna, b - 1, 0)
    invalid = jnp.where(is_dna, 0, 1)
    first = jnp.where(
        lax.broadcasted_iota(jnp.int32, b.shape, 1) == 0, 1, 0)
    h = safe
    bad = invalid
    for n in range(2, _NMAX + 1):
        h = (pltpu.roll(h, 1, 1) * _PRIME + safe) & (_TBL - 1)
        bad = pltpu.roll(bad, 1, 1) | first | invalid
        if n >= _NMIN:
            ids_ref[n - _NMIN, :, :] = jnp.where(bad == 1, _TBL, h)


_hash_call = pl.pallas_call(
    _hash_body,
    out_shape=jax.ShapeDtypeStruct((_NT, _B, _L), jnp.int32),
)


def _sc_body(tab_ref, ids_ref, out_ref,
             ids_v, out_v, fixpos, rows0, rows1, mrows, suffix, dslot,
             sem_s, sem_m, sem_g0, sem_g1, sem_o0, sem_o1):
    i16 = lax.iota(jnp.int32, 16)
    wid = lax.axis_index("s") * 2 + lax.axis_index("c")
    wbase = wid * _W
    bb = wbase // _L
    l0 = wbase % _L

    slab_cp = pltpu.async_copy(ids_ref.at[:, bb, pl.ds(l0, _W)], ids_v,
                               sem_s)
    mcps = [pltpu.async_copy(tab_ref.at[i, pl.ds(_TBL, 1), :],
                             mrows.at[pl.ds(i, 1), :], sem_m)
            for i in range(_NT)]
    for cp in mcps:
        cp.wait()

    zf = jnp.zeros((16,), jnp.float32)
    for k in range(4):
        suffix[pl.ds(_NT * _D + 16 * k, 16)] = zf
    for i in range(_NT - 1, -1, -1):
        for k in range(4):
            mr = mrows[i, pl.ds(16 * k, 16)]
            suffix[pl.ds(i * _D + 16 * k, 16)] = (
                suffix[pl.ds((i + 1) * _D + 16 * k, 16)] + mr)
    cst = [suffix[pl.ds(16 * k, 16)] * _INV for k in range(4)]

    def _lane(ref, f):
        off = f & (-16)
        lane = f & 15
        v = ref[pl.ds(off, 16)]
        return jnp.sum(jnp.where(i16 == lane, v, 0))

    def _cand(jl):
        fullj = jnp.broadcast_to(jl, (16,))
        v1 = plsc.load_gather(ids_v, [i16, fullj])
        m1 = v1 != _TBL
        v2 = plsc.load_gather(ids_v, [jnp.minimum(i16 + 16, _NT - 1), fullj])
        m2 = (v2 != _TBL) & (i16 < (_NT - 16))
        return v1, m1, v2, m2

    slab_cp.wait()

    def scan_body(m, nfix):
        v = ids_v[0, pl.ds(16 * m, 16)]
        msk = v != _TBL
        plsc.store_compressed(fixpos.at[pl.ds(nfix, 16)],
                              i16 + 16 * m, mask=msk)
        return nfix + jnp.sum(jnp.where(msk, 1, 0))
    n0 = lax.fori_loop(0, _P // 16, scan_body, 0)
    ntot = lax.fori_loop(_P // 16, _W // 16, scan_body, n0)

    def _fire(fstart, limit, rows_v, gsem):
        def body(st):
            f, goff = st
            jl = _lane(fixpos, f)
            v1, m1, v2, m2 = _cand(jl)
            c1 = jnp.sum(jnp.where(m1, 1, 0))
            c2 = jnp.sum(jnp.where(m2, 1, 0))

            def fire1(r, carry):
                idr = jnp.sum(jnp.where(i16 == r, v1, 0))
                pltpu.async_copy(tab_ref.at[r, pl.ds(idr, 1), :],
                                 rows_v.at[pl.ds(goff + r, 1), :], gsem)
                return carry
            lax.fori_loop(0, c1, fire1, 0)

            def fire2(r, carry):
                idr = jnp.sum(jnp.where(i16 == r, v2, 0))
                pltpu.async_copy(tab_ref.at[16 + r, pl.ds(idr, 1), :],
                                 rows_v.at[pl.ds(goff + c1 + r, 1), :], gsem)
                return carry
            lax.fori_loop(0, c2, fire2, 0)
            return f + 1, goff + c1 + c2

        def cond(st):
            f, goff = st
            return (f < limit) & (goff <= _G - _NT)
        return lax.while_loop(cond, body, (fstart, 0))

    def _drain(count, gsem):
        def body(r, carry):
            pltpu.make_async_copy(tab_ref.at[0, pl.ds(0, 1), :], dslot,
                                  gsem).wait()
            return carry
        lax.fori_loop(0, count, body, 0)

    f1_0, k0 = _fire(0, n0, rows0, sem_g0)
    f1_1, k1 = _fire(n0, ntot, rows1, sem_g1)

    def _p2(fstart, fend, roff0, rows_v, choff):
        def body(st):
            f, roff = st
            jl = _lane(fixpos, f)
            v1, m1, v2, m2 = _cand(jl)
            c = jnp.sum(jnp.where(m1, 1, 0)) + jnp.sum(jnp.where(m2, 1, 0))
            accs = tuple(suffix[pl.ds(c * _D + 16 * k, 16)]
                         for k in range(4))

            def inner(r, accs):
                return tuple(
                    a + rows_v[roff + r, pl.ds(16 * k, 16)]
                    for k, a in enumerate(accs))
            accs = lax.fori_loop(0, c, inner, accs)
            for k in range(4):
                out_v[jl - choff, pl.ds(16 * k, 16)] = accs[k] * _INV
            return f + 1, roff + c
        return lax.while_loop(lambda st: st[0] < fend, body,
                              (fstart, roff0))

    chunk_meta = [
        (0, f1_0, n0, k0, rows0, sem_g0, sem_o0),
        (n0, f1_1, ntot, k1, rows1, sem_g1, sem_o1),
    ]
    out_copies = []
    for ch in range(2):
        s_ch, f1_ch, e_ch, k_ch, rv, gsem, osem = chunk_meta[ch]
        if ch == 1:
            out_copies[0].wait()

        def fill_body(q, carry):
            for u in range(4):
                for k in range(4):
                    out_v[q * 4 + u, pl.ds(16 * k, 16)] = cst[k]
            return carry
        lax.fori_loop(0, _P // 4, fill_body, 0)

        _drain(k_ch, gsem)
        fdone, _ = _p2(s_ch, f1_ch, 0, rv, ch * _P)

        def rem_body(f):
            fn, kk = _fire(f, e_ch, rv, gsem)
            _drain(kk, gsem)
            fn2, _ = _p2(f, fn, 0, rv, ch * _P)
            return fn2
        lax.while_loop(lambda f: f < e_ch, rem_body, fdone)

        out_copies.append(
            pltpu.async_copy(out_v,
                             out_ref.at[bb, pl.ds(l0 + ch * _P, _P), :],
                             osem))
    out_copies[1].wait()


@functools.cache
def _sc_call():
    return pl.kernel(
        _sc_body,
        out_type=jax.ShapeDtypeStruct((_B, _L, _D), jnp.float32),
        mesh=plsc.VectorSubcoreMesh(core_axis_name="c", subcore_axis_name="s"),
        compiler_params=pltpu.CompilerParams(needs_layout_passes=False),
        scratch_types=[
            pltpu.VMEM((_NT, _W), jnp.int32),
            pltpu.VMEM((_P, _D), jnp.float32),
            pltpu.VMEM((_W + 16,), jnp.int32),
            pltpu.VMEM((_G, _D), jnp.float32),
            pltpu.VMEM((_G, _D), jnp.float32),
            pltpu.VMEM((_NT, _D), jnp.float32),
            pltpu.VMEM(((_NT + 1) * _D,), jnp.float32),
            pltpu.VMEM((1, _D), jnp.float32),
            pltpu.SemaphoreType.DMA,
            pltpu.SemaphoreType.DMA,
            pltpu.SemaphoreType.DMA,
            pltpu.SemaphoreType.DMA,
            pltpu.SemaphoreType.DMA,
            pltpu.SemaphoreType.DMA,
        ],
    )


def kernel(byte_ids, tables):
    byte_ids = byte_ids.astype(jnp.int32)
    ids = _hash_call(byte_ids)
    return _sc_call()(tables, ids).astype(tables.dtype)

# --- scband reference (transcript-rebuilt; emitter-appended) ---
"""Pipeline reference for scband-ngram-embedding-73718818668652 (READ-ONLY COPY).

The authoritative reference and input builder live on the scoring server;
editing this copy changes nothing except your own understanding.
"""

import jax, jax.numpy as jnp
import numpy as np

_HASH_PRIME = 31
_SIZES = tuple(range(3, 21))
_TBL_SIZE = 16384
_EMBED_DIM = 64


def _hash_ngrams(byte_ids, n, tbl_size):
    B, L = byte_ids.shape
    mixed_id = tbl_size
    dna_map = jnp.full((14,), -1, dtype=byte_ids.dtype)
    dna_map = dna_map.at[jnp.array([1, 2, 3, 4])].set(jnp.array([0, 1, 2, 3], dtype=byte_ids.dtype))
    dna_idx = dna_map[byte_ids]
    result = jnp.full((B, L), mixed_id, dtype=byte_ids.dtype)
    if L < n:
        return result
    valid_L = L - n + 1
    safe = jnp.clip(dna_idx, 0, None)
    h = safe[..., :valid_L]
    bad = dna_idx[..., :valid_L] == -1
    for j in range(1, n):
        next_safe = safe[..., j:j + valid_L]
        bad = bad | (dna_idx[..., j:j + valid_L] == -1)
        h = (h * _HASH_PRIME + next_safe) % tbl_size
    h = jnp.where(bad, mixed_id, h)
    result = result.at[..., n - 1:].set(h)
    return result


def setup_inputs(seed: int = 0) -> dict:
    key = jax.random.key(seed)
    k_ids, k_tab = jax.random.split(key)
    byte_ids = jax.random.randint(k_ids, (4, 8192), 0, 14)
    tables = jax.random.normal(k_tab, (len(_SIZES), _TBL_SIZE + 1, _EMBED_DIM), dtype=jnp.float32) * 0.02
    return {"byte_ids": byte_ids, "tables": tables}


def reference(byte_ids, tables):
    B, L = byte_ids.shape
    total = jnp.zeros((B, L, tables.shape[-1]), dtype=tables.dtype)
    for i, n in enumerate(_SIZES):
        ids = _hash_ngrams(byte_ids, n, _TBL_SIZE)
        total = total + jnp.take(tables[i], ids, axis=0)
    return total / (len(_SIZES) + 1)

if __name__ == "__main__":
    import jax
    _d = setup_inputs()
    print(jax.jit(kernel)(*tuple(_d.values())))

</pallas_src>

<mosaic_0001>
#map = affine_map<(d0, d1) -> (0, 0, 0)>
module attributes {stable_mosaic.version = 14 : i64} {
  func.func @_sc_body(%arg0: i32, %arg1: i32, %arg2: memref<18x16385x64xf32, #tpu.memory_space<hbm>>, %arg3: memref<18x4x8192xi32, #tpu.memory_space<hbm>>, %arg4: memref<4x8192x64xf32, #tpu.memory_space<hbm>>, %arg5: memref<18x1024xi32, #tpu.memory_space<vmem>>, %arg6: memref<512x64xf32, #tpu.memory_space<vmem>>, %arg7: memref<1040xi32, #tpu.memory_space<vmem>>, %arg8: memref<128x64xf32, #tpu.memory_space<vmem>>, %arg9: memref<128x64xf32, #tpu.memory_space<vmem>>, %arg10: memref<18x64xf32, #tpu.memory_space<vmem>>, %arg11: memref<1216xf32, #tpu.memory_space<vmem>>, %arg12: memref<1x64xf32, #tpu.memory_space<vmem>>, %arg13: memref<!tpu.dma_semaphore, #tpu.memory_space<semaphore_mem>>, %arg14: memref<!tpu.dma_semaphore, #tpu.memory_space<semaphore_mem>>, %arg15: memref<!tpu.dma_semaphore, #tpu.memory_space<semaphore_mem>>, %arg16: memref<!tpu.dma_semaphore, #tpu.memory_space<semaphore_mem>>, %arg17: memref<!tpu.dma_semaphore, #tpu.memory_space<semaphore_mem>>, %arg18: memref<!tpu.dma_semaphore, #tpu.memory_space<semaphore_mem>>) attributes {dimension_semantics = [#tpu.dimension_semantics<core_parallel>, #tpu.dimension_semantics<subcore_parallel>], iteration_bounds = array<i64: 2, 16>, scalar_prefetch = 0 : i64, scratch_operands = 14 : i64, tpu.core_type = #tpu.core_type<sc_vector_subcore>, window_params = [{transform_indices = #map}, {transform_indices = #map}, {transform_indices = #map}]} {
    %iota3A = tpu.iota {dimensions = array<i32: 0>} : vector<16xi32>
    %mul3A = arith.constant 2 : i32
    %mul3A_0 = arith.muli %arg1, %mul3A : i32
    %add3A = arith.addi %mul3A_0, %arg0 : i32
    %mul3A_1 = arith.constant 1024 : i32
    %mul3A_2 = arith.muli %add3A, %mul3A_1 : i32
    %jit3A = arith.constant 8192 : i32
    %div3A = arith.divsi %mul3A_2, %jit3A : i32
    %sign3A = arith.constant 0 : i32
    %sign3A_3 = arith.cmpi sgt, %mul3A_2, %sign3A : i32
    %sign3A_4 = arith.extui %sign3A_3 : i1 to i32
    %sign3A_5 = arith.constant 0 : i32
    %sign3A_6 = arith.cmpi slt, %mul3A_2, %sign3A_5 : i32
    %sign3A_7 = arith.extui %sign3A_6 : i1 to i32
    %sign3A_8 = arith.subi %sign3A_4, %sign3A_7 : i32
    %sign3A_9 = arith.constant 0 : i32
    %sign3A_10 = arith.cmpi sgt, %jit3A, %sign3A_9 : i32
    %sign3A_11 = arith.extui %sign3A_10 : i1 to i32
    %sign3A_12 = arith.constant 0 : i32
    %sign3A_13 = arith.cmpi slt, %jit3A, %sign3A_12 : i32
    %sign3A_14 = arith.extui %sign3A_13 : i1 to i32
    %sign3A_15 = arith.subi %sign3A_11, %sign3A_14 : i32
    %ne3A = arith.cmpi ne, %sign3A_8, %sign3A_15 : i32
    %rem3A = arith.remsi %mul3A_2, %jit3A : i32
    %ne3A_16 = arith.constant 0 : i32
    %ne3A_17 = arith.cmpi ne, %rem3A, %ne3A_16 : i32
    %and3A = arith.andi %ne3A, %ne3A_17 : i1
    %sub3A = arith.constant 1 : i32
    %sub3A_18 = arith.subi %div3A, %sub3A : i32
    %select_n3A = arith.select %and3A, %sub3A_18, %div3A : i32
    %jit3A_19 = arith.constant 8192 : i32
    %eq3A = arith.constant 0 : i32
    %eq3A_20 = arith.cmpi eq, %jit3A_19, %eq3A : i32
    %jit3A_21 = arith.constant 1 : i32
    %select_n3A_22 = arith.select %eq3A_20, %jit3A_21, %jit3A_19 : i32
    %rem3A_23 = arith.remsi %mul3A_2, %select_n3A_22 : i32
    %ne3A_24 = arith.constant 0 : i32
    %ne3A_25 = arith.cmpi ne, %rem3A_23, %ne3A_24 : i32
    %lt3A = arith.constant 0 : i32
    %lt3A_26 = arith.cmpi slt, %rem3A_23, %lt3A : i32
    %lt3A_27 = arith.constant 0 : i32
    %lt3A_28 = arith.cmpi slt, %select_n3A_22, %lt3A_27 : i32
    %ne3A_29 = arith.xori %lt3A_26, %lt3A_28 : i1
    %and3A_30 = arith.andi %ne3A_29, %ne3A_25 : i1
    %add3A_31 = arith.addi %rem3A_23, %select_n3A_22 : i32
    %select_n3A_32 = arith.select %and3A_30, %add3A_31, %rem3A_23 : i32
    %dma_start3A = arith.constant 0 : i32
    %dma_start3A_33 = tpu.memref_slice %arg3[%dma_start3A, %select_n3A, %select_n3A_32] : memref<18x4x8192xi32, #tpu.memory_space<hbm>> -> memref<18x1x1024xi32, #tpu.memory_space<hbm>>
    %dma_start3A_34 = tpu.memref_squeeze %dma_start3A_33 : memref<18x1x1024xi32, #tpu.memory_space<hbm>> -> memref<18x1024xi32, #tpu.memory_space<hbm>>
    %dma_start3A_35 = arith.constant 0 : i32
    %dma_start3A_36 = tpu.memref_slice %arg3[%dma_start3A_35, %select_n3A, %select_n3A_32] : memref<18x4x8192xi32, #tpu.memory_space<hbm>> -> memref<18x1x1024xi32, #tpu.memory_space<hbm>>
    %dma_start3A_37 = tpu.memref_squeeze %dma_start3A_36 : memref<18x1x1024xi32, #tpu.memory_space<hbm>> -> memref<18x1024xi32, #tpu.memory_space<hbm>>
    tpu.enqueue_dma source(%dma_start3A_37 : memref<18x1024xi32, #tpu.memory_space<hbm>>) target(%arg5 : memref<18x1024xi32, #tpu.memory_space<vmem>>) target_semaphore(%arg13 : memref<!tpu.dma_semaphore, #tpu.memory_space<semaphore_mem>>)
    %dma_start3A_38 = arith.constant 0 : i32
    %dma_start3A_39 = arith.constant 0 : i32
    %dma_start3A_40 = arith.constant 0 : i32
    %dma_start3A_41 = tpu.memref_slice %arg10[%dma_start3A_39, %dma_start3A_40] : memref<18x64xf32, #tpu.memory_space<vmem>> -> memref<1x64xf32, #tpu.memory_space<vmem>>
    %dma_start3A_42 = arith.constant 16384 : i32
    %dma_start3A_43 = arith.constant 0 : i32
    %dma_start3A_44 = tpu.memref_slice %arg2[%dma_start3A_38, %dma_start3A_42, %dma_start3A_43] : memref<18x16385x64xf32, #tpu.memory_space<hbm>> -> memref<1x1x64xf32, #tpu.memory_space<hbm>>
    %dma_start3A_45 = tpu.memref_squeeze %dma_start3A_44 : memref<1x1x64xf32, #tpu.memory_space<hbm>> -> memref<1x64xf32, #tpu.memory_space<hbm>>
    %dma_start3A_46 = arith.constant 0 : i32
    %dma_start3A_47 = arith.constant 0 : i32
    %dma_start3A_48 = tpu.memref_slice %arg10[%dma_start3A_46, %dma_start3A_47] : memref<18x64xf32, #tpu.memory_space<vmem>> -> memref<1x64xf32, #tpu.memory_space<vmem>>
    %dma_start3A_49 = arith.constant 16384 : i32
    %dma_start3A_50 = arith.constant 0 : i32
    %dma_start3A_51 = tpu.memref_slice %arg2[%dma_start3A_38, %dma_start3A_49, %dma_start3A_50] : memref<18x16385x64xf32, #tpu.memory_space<hbm>> -> memref<1x1x64xf32, #tpu.memory_space<hbm>>
    %dma_start3A_52 = tpu.memref_squeeze %dma_start3A_51 : memref<1x1x64xf32, #tpu.memory_space<hbm>> -> memref<1x64xf32, #tpu.memory_space<hbm>>
    tpu.enqueue_dma source(%dma_start3A_52 : memref<1x64xf32, #tpu.memory_space<hbm>>) target(%dma_start3A_48 : memref<1x64xf32, #tpu.memory_space<vmem>>) target_semaphore(%arg14 : memref<!tpu.dma_semaphore, #tpu.memory_space<semaphore_mem>>)
    %dma_start3A_53 = arith.constant 1 : i32
    %dma_start3A_54 = arith.constant 1 : i32
    %dma_start3A_55 = arith.constant 0 : i32
    %dma_start3A_56 = tpu.memref_slice %arg10[%dma_start3A_54, %dma_start3A_55] : memref<18x64xf32, #tpu.memory_space<vmem>> -> memref<1x64xf32, #tpu.memory_space<vmem>>
    %dma_start3A_57 = arith.constant 16384 : i32
    %dma_start3A_58 = arith.constant 0 : i32
    %dma_start3A_59 = tpu.memref_slice %arg2[%dma_start3A_53, %dma_start3A_57, %dma_start3A_58] : memref<18x16385x64xf32, #tpu.memory_space<hbm>> -> memref<1x1x64xf32, #tpu.memory_space<hbm>>
    %dma_start3A_60 = tpu.memref_squeeze %dma_start3A_59 : memref<1x1x64xf32, #tpu.memory_space<hbm>> -> memref<1x64xf32, #tpu.memory_space<hbm>>
    %dma_start3A_61 = arith.constant 1 : i32
    %dma_start3A_62 = arith.constant 0 : i32
    %dma_start3A_63 = tpu.memref_slice %arg10[%dma_start3A_61, %dma_start3A_62] : memref<18x64xf32, #tpu.memory_space<vmem>> -> memref<1x64xf32, #tpu.memory_space<vmem>>
    %dma_start3A_64 = arith.constant 16384 : i32
    %dma_start3A_65 = arith.constant 0 : i32
    %dma_start3A_66 = tpu.memref_slice %arg2[%dma_start3A_53, %dma_start3A_64, %dma_start3A_65] : memref<18x16385x64xf32, #tpu.memory_space<hbm>> -> memref<1x1x64xf32, #tpu.memory_space<hbm>>
    %dma_start3A_67 = tpu.memref_squeeze %dma_start3A_66 : memref<1x1x64xf32, #tpu.memory_space<hbm>> -> memref<1x64xf32, #tpu.memory_space<hbm>>
    tpu.enqueue_dma source(%dma_start3A_67 : memref<1x64xf32, #tpu.memory_space<hbm>>) target(%dma_start3A_63 : memref<1x64xf32, #tpu.memory_space<vmem>>) target_semaphore(%arg14 : memref<!tpu.dma_semaphore, #tpu.memory_space<semaphore_mem>>)
    %dma_start3A_68 = arith.constant 2 : i32
    %dma_start3A_69 = arith.constant 2 : i32
    %dma_start3A_70 = arith.constant 0 : i32
    %dma_start3A_71 = tpu.memref_slice %arg10[%dma_start3A_69, %dma_start3A_70] : memref<18x64xf32, #tpu.memory_space<vmem>> -> memref<1x64xf32, #tpu.memory_space<vmem>>
    %dma_start3A_72 = arith.constant 16384 : i32
    %dma_start3A_73 = arith.constant 0 : i32
    %dma_start3A_74 = tpu.memref_slice %arg2[%dma_start3A_68, %dma_start3A_72, %dma_start3A_73] : memref<18x16385x64xf32, #tpu.memory_space<hbm>> -> memref<1x1x64xf32, #tpu.memory_space<hbm>>
    %dma_start3A_75 = tpu.memref_squeeze %dma_start3A_74 : memref<1x1x64xf32, #tpu.memory_space<hbm>> -> memref<1x64xf32, #tpu.memory_space<hbm>>
    %dma_start3A_76 = arith.constant 2 : i32
    %dma_start3A_77 = arith.constant 0 : i32
    %dma_start3A_78 = tpu.memref_slice %arg10[%dma_start3A_76, %dma_start3A_77] : memref<18x64xf32, #tpu.memory_space<vmem>> -> memref<1x64xf32, #tpu.memory_space<vmem>>
    %dma_start3A_79 = arith.constant 16384 : i32
    %dma_start3A_80 = arith.constant 0 : i32
    %dma_start3A_81 = tpu.memref_slice %arg2[%dma_start3A_68, %dma_start3A_79, %dma_start3A_80] : memref<18x16385x64xf32, #tpu.memory_space<hbm>> -> memref<1x1x64xf32, #tpu.memory_space<hbm>>
    %dma_start3A_82 = tpu.memref_squeeze %dma_start3A_81 : memref<1x1x64xf32, #tpu.memory_space<hbm>> -> memref<1x64xf32, #tpu.memory_space<hbm>>
    tpu.enqueue_dma source(%dma_start3A_82 : memref<1x64xf32, #tpu.memory_space<hbm>>) target(%dma_start3A_78 : memref<1x64xf32, #tpu.memory_space<vmem>>) target_semaphore(%arg14 : memref<!tpu.dma_semaphore, #tpu.memory_space<semaphore_mem>>)
    %dma_start3A_83 = arith.constant 3 : i32
    %dma_start3A_84 = arith.constant 3 : i32
    %dma_start3A_85 = arith.constant 0 : i32
    %dma_start3A_86 = tpu.memref_slice %arg10[%dma_start3A_84, %dma_start3A_85] : memref<18x64xf32, #tpu.memory_space<vmem>> -> memref<1x64xf32, #tpu.memory_space<vmem>>
    %dma_start3A_87 = arith.constant 16384 : i32
    %dma_start3A_88 = arith.constant 0 : i32
    %dma_start3A_89 = tpu.memref_slice %arg2[%dma_start3A_83, %dma_start3A_87, %dma_start3A_88] : memref<18x16385x64xf32, #tpu.memory_space<hbm>> -> memref<1x1x64xf32, #tpu.memory_space<hbm>>
    %dma_start3A_90 = tpu.memref_squeeze %dma_start3A_89 : memref<1x1x64xf32, #tpu.memory_space<hbm>> -> memref<1x64xf32, #tpu.memory_space<hbm>>
    %dma_start3A_91 = arith.constant 3 : i32
    %dma_start3A_92 = arith.constant 0 : i32
    %dma_start3A_93 = tpu.memref_slice %arg10[%dma_start3A_91, %dma_start3A_92] : memref<18x64xf32, #tpu.memory_space<vmem>> -> memref<1x64xf32, #tpu.memory_space<vmem>>
    %dma_start3A_94 = arith.constant 16384 : i32
    %dma_start3A_95 = arith.constant 0 : i32
    %dma_start3A_96 = tpu.memref_slice %arg2[%dma_start3A_83, %dma_start3A_94, %dma_start3A_95] : memref<18x16385x64xf32, #tpu.memory_space<hbm>> -> memref<1x1x64xf32, #tpu.memory_space<hbm>>
    %dma_start3A_97 = tpu.memref_squeeze %dma_start3A_96 : memref<1x1x64xf32, #tpu.memory_space<hbm>> -> memref<1x64xf32, #tpu.memory_space<hbm>>
    tpu.enqueue_dma source(%dma_start3A_97 : memref<1x64xf32, #tpu.memory_space<hbm>>) target(%dma_start3A_93 : memref<1x64xf32, #tpu.memory_space<vmem>>) target_semaphore(%arg14 : memref<!tpu.dma_semaphore, #tpu.memory_space<semaphore_mem>>)
    %dma_start3A_98 = arith.constant 4 : i32
    %dma_start3A_99 = arith.constant 4 : i32
    %dma_start3A_100 = arith.constant 0 : i32
    %dma_start3A_101 = tpu.memref_slice %arg10[%dma_start3A_99, %dma_start3A_100] : memref<18x64xf32, #tpu.memory_space<vmem>> -> memref<1x64xf32, #tpu.memory_space<vmem>>
    %dma_start3A_102 = arith.constant 16384 : i32
    %dma_start3A_103 = arith.constant 0 : i32
    %dma_start3A_104 = tpu.memref_slice %arg2[%dma_start3A_98, %dma_start3A_102, %dma_start3A_103] : memref<18x16385x64xf32, #tpu.memory_space<hbm>> -> memref<1x1x64xf32, #tpu.memory_space<hbm>>
    %dma_start3A_105 = tpu.memref_squeeze %dma_start3A_104 : memref<1x1x64xf32, #tpu.memory_space<hbm>> -> memref<1x64xf32, #tpu.memory_space<hbm>>
    %dma_start3A_106 = arith.constant 4 : i32
    %dma_start3A_107 = arith.constant 0 : i32
    %dma_start3A_108 = tpu.memref_slice %arg10[%dma_start3A_106, %dma_start3A_107] : memref<18x64xf32, #tpu.memory_space<vmem>> -> memref<1x64xf32, #tpu.memory_space<vmem>>
    %dma_start3A_109 = arith.constant 16384 : i32
    %dma_start3A_110 = arith.constant 0 : i32
    %dma_start3A_111 = tpu.memref_slice %arg2[%dma_start3A_98, %dma_start3A_109, %dma_start3A_110] : memref<18x16385x64xf32, #tpu.memory_space<hbm>> -> memref<1x1x64xf32, #tpu.memory_space<hbm>>
    %dma_start3A_112 = tpu.memref_squeeze %dma_start3A_111 : memref<1x1x64xf32, #tpu.memory_space<hbm>> -> memref<1x64xf32, #tpu.memory_space<hbm>>
    tpu.enqueue_dma source(%dma_start3A_112 : memref<1x64xf32, #tpu.memory_space<hbm>>) target(%dma_start3A_108 : memref<1x64xf32, #tpu.memory_space<vmem>>) target_semaphore(%arg14 : memref<!tpu.dma_semaphore, #tpu.memory_space<semaphore_mem>>)
    %dma_start3A_113 = arith.constant 5 : i32
    %dma_start3A_114 = arith.constant 5 : i32
    %dma_start3A_115 = arith.constant 0 : i32
    %dma_start3A_116 = tpu.memref_slice %arg10[%dma_start3A_114, %dma_start3A_115] : memref<18x64xf32, #tpu.memory_space<vmem>> -> memref<1x64xf32, #tpu.memory_space<vmem>>
    %dma_start3A_117 = arith.constant 16384 : i32
    %dma_start3A_118 = arith.constant 0 : i32
    %dma_start3A_119 = tpu.memref_slice %arg2[%dma_start3A_113, %dma_start3A_117, %dma_start3A_118] : memref<18x16385x64xf32, #tpu.memory_space<hbm>> -> memref<1x1x64xf32, #tpu.memory_space<hbm>>
    %dma_start3A_120 = tpu.memref_squeeze %dma_start3A_119 : memref<1x1x64xf32, #tpu.memory_space<hbm>> -> memref<1x64xf32, #tpu.memory_space<hbm>>
    %dma_start3A_121 = arith.constant 5 : i32
    %dma_start3A_122 = arith.constant 0 : i32
    %dma_start3A_123 = tpu.memref_slice %arg10[%dma_start3A_121, %dma_start3A_122] : memref<18x64xf32, #tpu.memory_space<vmem>> -> memref<1x64xf32, #tpu.memory_space<vmem>>
    %dma_start3A_124 = arith.constant 16384 : i32
    %dma_start3A_125 = arith.constant 0 : i32
    %dma_start3A_126 = tpu.memref_slice %arg2[%dma_start3A_113, %dma_start3A_124, %dma_start3A_125] : memref<18x16385x64xf32, #tpu.memory_space<hbm>> -> memref<1x1x64xf32, #tpu.memory_space<hbm>>
    %dma_start3A_127 = tpu.memref_squeeze %dma_start3A_126 : memref<1x1x64xf32, #tpu.memory_space<hbm>> -> memref<1x64xf32, #tpu.memory_space<hbm>>
    tpu.enqueue_dma source(%dma_start3A_127 : memref<1x64xf32, #tpu.memory_space<hbm>>) target(%dma_start3A_123 : memref<1x64xf32, #tpu.memory_space<vmem>>) target_semaphore(%arg14 : memref<!tpu.dma_semaphore, #tpu.memory_space<semaphore_mem>>)
    %dma_start3A_128 = arith.constant 6 : i32
    %dma_start3A_129 = arith.constant 6 : i32
    %dma_start3A_130 = arith.constant 0 : i32
    %dma_start3A_131 = tpu.memref_slice %arg10[%dma_start3A_129, %dma_start3A_130] : memref<18x64xf32, #tpu.memory_space<vmem>> -> memref<1x64xf32, #tpu.memory_space<vmem>>
    %dma_start3A_132 = arith.constant 16384 : i32
    %dma_start3A_133 = arith.constant 0 : i32
    %dma_start3A_134 = tpu.memref_slice %arg2[%dma_start3A_128, %dma_start3A_132, %dma_start3A_133] : memref<18x16385x64xf32, #tpu.memory_space<hbm>> -> memref<1x1x64xf32, #tpu.memory_space<hbm>>
    %dma_start3A_135 = tpu.memref_squeeze %dma_start3A_134 : memref<1x1x64xf32, #tpu.memory_space<hbm>> -> memref<1x64xf32, #tpu.memory_space<hbm>>
    %dma_start3A_136 = arith.constant 6 : i32
    %dma_start3A_137 = arith.constant 0 : i32
    %dma_start3A_138 = tpu.memref_slice %arg10[%dma_start3A_136, %dma_start3A_137] : memref<18x64xf32, #tpu.memory_space<vmem>> -> memref<1x64xf32, #tpu.memory_space<vmem>>
    %dma_start3A_139 = arith.constant 16384 : i32
    %dma_start3A_140 = arith.constant 0 : i32
    %dma_start3A_141 = tpu.memref_slice %arg2[%dma_start3A_128, %dma_start3A_139, %dma_start3A_140] : memref<18x16385x64xf32, #tpu.memory_space<hbm>> -> memref<1x1x64xf32, #tpu.memory_space<hbm>>
    %dma_start3A_142 = tpu.memref_squeeze %dma_start3A_141 : memref<1x1x64xf32, #tpu.memory_space<hbm>> -> memref<1x64xf32, #tpu.memory_space<hbm>>
    tpu.enqueue_dma source(%dma_start3A_142 : memref<1x64xf32, #tpu.memory_space<hbm>>) target(%dma_start3A_138 : memref<1x64xf32, #tpu.memory_space<vmem>>) target_semaphore(%arg14 : memref<!tpu.dma_semaphore, #tpu.memory_space<semaphore_mem>>)
    %dma_start3A_143 = arith.constant 7 : i32
    %dma_start3A_144 = arith.constant 7 : i32
    %dma_start3A_145 = arith.constant 0 : i32
    %dma_start3A_146 = tpu.memref_slice %arg10[%dma_start3A_144, %dma_start3A_145] : memref<18x64xf32, #tpu.memory_space<vmem>> -> memref<1x64xf32, #tpu.memory_space<vmem>>
    %dma_start3A_147 = arith.constant 16384 : i32
    %dma_start3A_148 = arith.constant 0 : i32
    %dma_start3A_149 = tpu.memref_slice %arg2[%dma_start3A_143, %dma_start3A_147, %dma_start3A_148] : memref<18x16385x64xf32, #tpu.memory_space<hbm>> -> memref<1x1x64xf32, #tpu.memory_space<hbm>>
    %dma_start3A_150 = tpu.memref_squeeze %dma_start3A_149 : memref<1x1x64xf32, #tpu.memory_space<hbm>> -> memref<1x64xf32, #tpu.memory_space<hbm>>
    %dma_start3A_151 = arith.constant 7 : i32
    %dma_start3A_152 = arith.constant 0 : i32
    %dma_start3A_153 = tpu.memref_slice %arg10[%dma_start3A_151, %dma_start3A_152] : memref<18x64xf32, #tpu.memory_space<vmem>> -> memref<1x64xf32, #tpu.memory_space<vmem>>
    %dma_start3A_154 = arith.constant 16384 : i32
    %dma_start3A_155 = arith.constant 0 : i32
    %dma_start3A_156 = tpu.memref_slice %arg2[%dma_start3A_143, %dma_start3A_154, %dma_start3A_155] : memref<18x16385x64xf32, #tpu.memory_space<hbm>> -> memref<1x1x64xf32, #tpu.memory_space<hbm>>
    %dma_start3A_157 = tpu.memref_squeeze %dma_start3A_156 : memref<1x1x64xf32, #tpu.memory_space<hbm>> -> memref<1x64xf32, #tpu.memory_space<hbm>>
    tpu.enqueue_dma source(%dma_start3A_157 : memref<1x64xf32, #tpu.memory_space<hbm>>) target(%dma_start3A_153 : memref<1x64xf32, #tpu.memory_space<vmem>>) target_semaphore(%arg14 : memref<!tpu.dma_semaphore, #tpu.memory_space<semaphore_mem>>)
    %dma_start3A_158 = arith.constant 8 : i32
    %dma_start3A_159 = arith.constant 8 : i32
    %dma_start3A_160 = arith.constant 0 : i32
    %dma_start3A_161 = tpu.memref_slice %arg10[%dma_start3A_159, %dma_start3A_160] : memref<18x64xf32, #tpu.memory_space<vmem>> -> memref<1x64xf32, #tpu.memory_space<vmem>>
    %dma_start3A_162 = arith.constant 16384 : i32
    %dma_start3A_163 = arith.constant 0 : i32
    %dma_start3A_164 = tpu.memref_slice %arg2[%dma_start3A_158, %dma_start3A_162, %dma_start3A_163] : memref<18x16385x64xf32, #tpu.memory_space<hbm>> -> memref<1x1x64xf32, #tpu.memory_space<hbm>>
    %dma_start3A_165 = tpu.memref_squeeze %dma_start3A_164 : memref<1x1x64xf32, #tpu.memory_space<hbm>> -> memref<1x64xf32, #tpu.memory_space<hbm>>
    %dma_start3A_166 = arith.constant 8 : i32
    %dma_start3A_167 = arith.constant 0 : i32
    %dma_start3A_168 = tpu.memref_slice %arg10[%dma_start3A_166, %dma_start3A_167] : memref<18x64xf32, #tpu.memory_space<vmem>> -> memref<1x64xf32, #tpu.memory_space<vmem>>
    %dma_start3A_169 = arith.constant 16384 : i32
    %dma_start3A_170 = arith.constant 0 : i32
    %dma_start3A_171 = tpu.memref_slice %arg2[%dma_start3A_158, %dma_start3A_169, %dma_start3A_170] : memref<18x16385x64xf32, #tpu.memory_space<hbm>> -> memref<1x1x64xf32, #tpu.memory_space<hbm>>
    %dma_start3A_172 = tpu.memref_squeeze %dma_start3A_171 : memref<1x1x64xf32, #tpu.memory_space<hbm>> -> memref<1x64xf32, #tpu.memory_space<hbm>>
    tpu.enqueue_dma source(%dma_start3A_172 : memref<1x64xf32, #tpu.memory_space<hbm>>) target(%dma_start3A_168 : memref<1x64xf32, #tpu.memory_space<vmem>>) target_semaphore(%arg14 : memref<!tpu.dma_semaphore, #tpu.memory_space<semaphore_mem>>)
    %dma_start3A_173 = arith.constant 9 : i32
    %dma_start3A_174 = arith.constant 9 : i32
    %dma_start3A_175 = arith.constant 0 : i32
    %dma_start3A_176 = tpu.memref_slice %arg10[%dma_start3A_174, %dma_start3A_175] : memref<18x64xf32, #tpu.memory_space<vmem>> -> memref<1x64xf32, #tpu.memory_space<vmem>>
    %dma_start3A_177 = arith.constant 16384 : i32
    %dma_start3A_178 = arith.constant 0 : i32
    %dma_start3A_179 = tpu.memref_slice %arg2[%dma_start3A_173, %dma_start3A_177, %dma_start3A_178] : memref<18x16385x64xf32, #tpu.memory_space<hbm>> -> memref<1x1x64xf32, #tpu.memory_space<hbm>>
    %dma_start3A_180 = tpu.memref_squeeze %dma_start3A_179 : memref<1x1x64xf32, #tpu.memory_space<hbm>> -> memref<1x64xf32, #tpu.memory_space<hbm>>
    %dma_start3A_181 = arith.constant 9 : i32
    %dma_start3A_182 = arith.constant 0 : i32
    %dma_start3A_183 = tpu.memref_slice %arg10[%dma_start3A_181, %dma_start3A_182] : memref<18x64xf32, #tpu.memory_space<vmem>> -> memref<1x64xf32, #tpu.memory_space<vmem>>
    %dma_start3A_184 = arith.constant 16384 : i32
    %dma_start3A_185 = arith.constant 0 : i32
    %dma_start3A_186 = tpu.memref_slice %arg2[%dma_start3A_173, %dma_start3A_184, %dma_start3A_185] : memref<18x16385x64xf32, #tpu.memory_space<hbm>> -> memref<1x1x64xf32, #tpu.memory_space<hbm>>
    %dma_start3A_187 = tpu.memref_squeeze %dma_start3A_186 : memref<1x1x64xf32, #tpu.memory_space<hbm>> -> memref<1x64xf32, #tpu.memory_space<hbm>>
    tpu.enqueue_dma source(%dma_start3A_187 : memref<1x64xf32, #tpu.memory_space<hbm>>) target(%dma_start3A_183 : memref<1x64xf32, #tpu.memory_space<vmem>>) target_semaphore(%arg14 : memref<!tpu.dma_semaphore, #tpu.memory_space<semaphore_mem>>)
    %dma_start3A_188 = arith.constant 10 : i32
    %dma_start3A_189 = arith.constant 10 : i32
    %dma_start3A_190 = arith.constant 0 : i32
    %dma_start3A_191 = tpu.memref_slice %arg10[%dma_start3A_189, %dma_start3A_190] : memref<18x64xf32, #tpu.memory_space<vmem>> -> memref<1x64xf32, #tpu.memory_space<vmem>>
    %dma_start3A_192 = arith.constant 16384 : i32
    %dma_start3A_193 = arith.constant 0 : i32
    %dma_start3A_194 = tpu.memref_slice %arg2[%dma_start3A_188, %dma_start3A_192, %dma_start3A_193] : memref<18x16385x64xf32, #tpu.memory_space<hbm>> -> memref<1x1x64xf32, #tpu.memory_space<hbm>>
    %dma_start3A_195 = tpu.memref_squeeze %dma_start3A_194 : memref<1x1x64xf32, #tpu.memory_space<hbm>> -> memref<1x64xf32, #tpu.memory_space<hbm>>
    %dma_start3A_196 = arith.constant 10 : i32
    %dma_start3A_197 = arith.constant 0 : i32
    %dma_start3A_198 = tpu.memref_slice %arg10[%dma_start3A_196, %dma_start3A_197] : memref<18x64xf32, #tpu.memory_space<vmem>> -> memref<1x64xf32, #tpu.memory_space<vmem>>
    %dma_start3A_199 = arith.constant 16384 : i32
    %dma_start3A_200 = arith.constant 0 : i32
    %dma_start3A_201 = tpu.memref_slice %arg2[%dma_start3A_188, %dma_start3A_199, %dma_start3A_200] : memref<18x16385x64xf32, #tpu.memory_space<hbm>> -> memref<1x1x64xf32, #tpu.memory_space<hbm>>
    %dma_start3A_202 = tpu.memref_squeeze %dma_start3A_201 : memref<1x1x64xf32, #tpu.memory_space<hbm>> -> memref<1x64xf32, #tpu.memory_space<hbm>>
    tpu.enqueue_dma source(%dma_start3A_202 : memref<1x64xf32, #tpu.memory_space<hbm>>) target(%dma_start3A_198 : memref<1x64xf32, #tpu.memory_space<vmem>>) target_semaphore(%arg14 : memref<!tpu.dma_semaphore, #tpu.memory_space<semaphore_mem>>)
    %dma_start3A_203 = arith.constant 11 : i32
    %dma_start3A_204 = arith.constant 11 : i32
    %dma_start3A_205 = arith.constant 0 : i32
    %dma_start3A_206 = tpu.memref_slice %arg10[%dma_start3A_204, %dma_start3A_205] : memref<18x64xf32, #tpu.memory_space<vmem>> -> memref<1x64xf32, #tpu.memory_space<vmem>>
    %dma_start3A_207 = arith.constant 16384 : i32
    %dma_start3A_208 = arith.constant 0 : i32
    %dma_start3A_209 = tpu.memref_slice %arg2[%dma_start3A_203, %dma_start3A_207, %dma_start3A_208] : memref<18x16385x64xf32, #tpu.memory_space<hbm>> -> memref<1x1x64xf32, #tpu.memory_space<hbm>>
    %dma_start3A_210 = tpu.memref_squeeze %dma_start3A_209 : memref<1x1x64xf32, #tpu.memory_space<hbm>> -> memref<1x64xf32, #tpu.memory_space<hbm>>
    %dma_start3A_211 = arith.constant 11 : i32
    %dma_start3A_212 = arith.constant 0 : i32
    %dma_start3A_213 = tpu.memref_slice %arg10[%dma_start3A_211, %dma_start3A_212] : memref<18x64xf32, #tpu.memory_space<vmem>> -> memref<1x64xf32, #tpu.memory_space<vmem>>
    %dma_start3A_214 = arith.constant 16384 : i32
    %dma_start3A_215 = arith.constant 0 : i32
    %dma_start3A_216 = tpu.memref_slice %arg2[%dma_start3A_203, %dma_start3A_214, %dma_start3A_215] : memref<18x16385x64xf32, #tpu.memory_space<hbm>> -> memref<1x1x64xf32, #tpu.memory_space<hbm>>
    %dma_start3A_217 = tpu.memref_squeeze %dma_start3A_216 : memref<1x1x64xf32, #tpu.memory_space<hbm>> -> memref<1x64xf32, #tpu.memory_space<hbm>>
    tpu.enqueue_dma source(%dma_start3A_217 : memref<1x64xf32, #tpu.memory_space<hbm>>) target(%dma_start3A_213 : memref<1x64xf32, #tpu.memory_space<vmem>>) target_semaphore(%arg14 : memref<!tpu.dma_semaphore, #tpu.memory_space<semaphore_mem>>)
    %dma_start3A_218 = arith.constant 12 : i32
    %dma_start3A_219 = arith.constant 12 : i32
    %dma_start3A_220 = arith.constant 0 : i32
    %dma_start3A_221 = tpu.memref_slice %arg10[%dma_start3A_219, %dma_start3A_220] : memref<18x64xf32, #tpu.memory_space<vmem>> -> memref<1x64xf32, #tpu.memory_space<vmem>>
    %dma_start3A_222 = arith.constant 16384 : i32
    %dma_start3A_223 = arith.constant 0 : i32
    %dma_start3A_224 = tpu.memref_slice %arg2[%dma_start3A_218, %dma_start3A_222, %dma_start3A_223] : memref<18x16385x64xf32, #tpu.memory_space<hbm>> -> memref<1x1x64xf32, #tpu.memory_space<hbm>>
    %dma_start3A_225 = tpu.memref_squeeze %dma_start3A_224 : memref<1x1x64xf32, #tpu.memory_space<hbm>> -> memref<1x64xf32, #tpu.memory_space<hbm>>
    %dma_start3A_226 = arith.constant 12 : i32
    %dma_start3A_227 = arith.constant 0 : i32
    %dma_start3A_228 = tpu.memref_slice %arg10[%dma_start3A_226, %dma_start3A_227] : memref<18x64xf32, #tpu.memory_space<vmem>> -> memref<1x64xf32, #tpu.memory_space<vmem>>
    %dma_start3A_229 = arith.constant 16384 : i32
    %dma_start3A_230 = arith.constant 0 : i32
    %dma_start3A_231 = tpu.memref_slice %arg2[%dma_start3A_218, %dma_start3A_229, %dma_start3A_230] : memref<18x16385x64xf32, #tpu.memory_space<hbm>> -> memref<1x1x64xf32, #tpu.memory_space<hbm>>
    %dma_start3A_232 = tpu.memref_squeeze %dma_start3A_231 : memref<1x1x64xf32, #tpu.memory_space<hbm>> -> memref<1x64xf32, #tpu.memory_space<hbm>>
    tpu.enqueue_dma source(%dma_start3A_232 : memref<1x64xf32, #tpu.memory_space<hbm>>) target(%dma_start3A_228 : memref<1x64xf32, #tpu.memory_space<vmem>>) target_semaphore(%arg14 : memref<!tpu.dma_semaphore, #tpu.memory_space<semaphore_mem>>)
    %dma_start3A_233 = arith.constant 13 : i32
    %dma_start3A_234 = arith.constant 13 : i32
    %dma_start3A_235 = arith.constant 0 : i32
    %dma_start3A_236 = tpu.memref_slice %arg10[%dma_start3A_234, %dma_start3A_235] : memref<18x64xf32, #tpu.memory_space<vmem>> -> memref<1x64xf32, #tpu.memory_space<vmem>>
    %dma_start3A_237 = arith.constant 16384 : i32
    %dma_start3A_238 = arith.constant 0 : i32
    %dma_start3A_239 = tpu.memref_slice %arg2[%dma_start3A_233, %dma_start3A_237, %dma_start3A_238] : memref<18x16385x64xf32, #tpu.memory_space<hbm>> -> memref<1x1x64xf32, #tpu.memory_space<hbm>>
    %dma_start3A_240 = tpu.memref_squeeze %dma_start3A_239 : memref<1x1x64xf32, #tpu.memory_space<hbm>> -> memref<1x64xf32, #tpu.memory_space<hbm>>
    %dma_start3A_241 = arith.constant 13 : i32
    %dma_start3A_242 = arith.constant 0 : i32
    %dma_start3A_243 = tpu.memref_slice %arg10[%dma_start3A_241, %dma_start3A_242] : memref<18x64xf32, #tpu.memory_space<vmem>> -> memref<1x64xf32, #tpu.memory_space<vmem>>
    %dma_start3A_244 = arith.constant 16384 : i32
    %dma_start3A_245 = arith.constant 0 : i32
    %dma_start3A_246 = tpu.memref_slice %arg2[%dma_start3A_233, %dma_start3A_244, %dma_start3A_245] : memref<18x16385x64xf32, #tpu.memory_space<hbm>> -> memref<1x1x64xf32, #tpu.memory_space<hbm>>
    %dma_start3A_247 = tpu.memref_squeeze %dma_start3A_246 : memref<1x1x64xf32, #tpu.memory_space<hbm>> -> memref<1x64xf32, #tpu.memory_space<hbm>>
    tpu.enqueue_dma source(%dma_start3A_247 : memref<1x64xf32, #tpu.memory_space<hbm>>) target(%dma_start3A_243 : memref<1x64xf32, #tpu.memory_space<vmem>>) target_semaphore(%arg14 : memref<!tpu.dma_semaphore, #tpu.memory_space<semaphore_mem>>)
    %dma_start3A_248 = arith.constant 14 : i32
    %dma_start3A_249 = arith.constant 14 : i32
    %dma_start3A_250 = arith.constant 0 : i32
    %dma_start3A_251 = tpu.memref_slice %arg10[%dma_start3A_249, %dma_start3A_250] : memref<18x64xf32, #tpu.memory_space<vmem>> -> memref<1x64xf32, #tpu.memory_space<vmem>>
    %dma_start3A_252 = arith.constant 16384 : i32
    %dma_start3A_253 = arith.constant 0 : i32
    %dma_start3A_254 = tpu.memref_slice %arg2[%dma_start3A_248, %dma_start3A_252, %dma_start3A_253] : memref<18x16385x64xf32, #tpu.memory_space<hbm>> -> memref<1x1x64xf32, #tpu.memory_space<hbm>>
    %dma_start3A_255 = tpu.memref_squeeze %dma_start3A_254 : memref<1x1x64xf32, #tpu.memory_space<hbm>> -> memref<1x64xf32, #tpu.memory_space<hbm>>
    %dma_start3A_256 = arith.constant 14 : i32
    %dma_start3A_257 = arith.constant 0 : i32
    %dma_start3A_258 = tpu.memref_slice %arg10[%dma_start3A_256, %dma_start3A_257] : memref<18x64xf32, #tpu.memory_space<vmem>> -> memref<1x64xf32, #tpu.memory_space<vmem>>
    %dma_start3A_259 = arith.constant 16384 : i32
    %dma_start3A_260 = arith.constant 0 : i32
    %dma_start3A_261 = tpu.memref_slice %arg2[%dma_start3A_248, %dma_start3A_259, %dma_start3A_260] : memref<18x16385x64xf32, #tpu.memory_space<hbm>> -> memref<1x1x64xf32, #tpu.memory_space<hbm>>
    %dma_start3A_262 = tpu.memref_squeeze %dma_start3A_261 : memref<1x1x64xf32, #tpu.memory_space<hbm>> -> memref<1x64xf32, #tpu.memory_space<hbm>>
    tpu.enqueue_dma source(%dma_start3A_262 : memref<1x64xf32, #tpu.memory_space<hbm>>) target(%dma_start3A_258 : memref<1x64xf32, #tpu.memory_space<vmem>>) target_semaphore(%arg14 : memref<!tpu.dma_semaphore, #tpu.memory_space<semaphore_mem>>)
    %dma_start3A_263 = arith.constant 15 : i32
    %dma_start3A_264 = arith.constant 15 : i32
    %dma_start3A_265 = arith.constant 0 : i32
    %dma_start3A_266 = tpu.memref_slice %arg10[%dma_start3A_264, %dma_start3A_265] : memref<18x64xf32, #tpu.memory_space<vmem>> -> memref<1x64xf32, #tpu.memory_space<vmem>>
    %dma_start3A_267 = arith.constant 16384 : i32
    %dma_start3A_268 = arith.constant 0 : i32
    %dma_start3A_269 = tpu.memref_slice %arg2[%dma_start3A_263, %dma_start3A_267, %dma_start3A_268] : memref<18x16385x64xf32, #tpu.memory_space<hbm>> -> memref<1x1x64xf32, #tpu.memory_space<hbm>>
    %dma_start3A_270 = tpu.memref_squeeze %dma_start3A_269 : memref<1x1x64xf32, #tpu.memory_space<hbm>> -> memref<1x64xf32, #tpu.memory_space<hbm>>
    %dma_start3A_271 = arith.constant 15 : i32
    %dma_start3A_272 = arith.constant 0 : i32
    %dma_start3A_273 = tpu.memref_slice %arg10[%dma_start3A_271, %dma_start3A_272] : memref<18x64xf32, #tpu.memory_space<vmem>> -> memref<1x64xf32, #tpu.memory_space<vmem>>
    %dma_start3A_274 = arith.constant 16384 : i32
    %dma_start3A_275 = arith.constant 0 : i32
    %dma_start3A_276 = tpu.memref_slice %arg2[%dma_start3A_263, %dma_start3A_274, %dma_start3A_275] : memref<18x16385x64xf32, #tpu.memory_space<hbm>> -> memref<1x1x64xf32, #tpu.memory_space<hbm>>
    %dma_start3A_277 = tpu.memref_squeeze %dma_start3A_276 : memref<1x1x64xf32, #tpu.memory_space<hbm>> -> memref<1x64xf32, #tpu.memory_space<hbm>>
    tpu.enqueue_dma source(%dma_start3A_277 : memref<1x64xf32, #tpu.memory_space<hbm>>) target(%dma_start3A_273 : memref<1x64xf32, #tpu.memory_space<vmem>>) target_semaphore(%arg14 : memref<!tpu.dma_semaphore, #tpu.memory_space<semaphore_mem>>)
    %dma_start3A_278 = arith.constant 16 : i32
    %dma_start3A_279 = arith.constant 16 : i32
    %dma_start3A_280 = arith.constant 0 : i32
    %dma_start3A_281 = tpu.memref_slice %arg10[%dma_start3A_279, %dma_start3A_280] : memref<18x64xf32, #tpu.memory_space<vmem>> -> memref<1x64xf32, #tpu.memory_space<vmem>>
    %dma_start3A_282 = arith.constant 16384 : i32
    %dma_start3A_283 = arith.constant 0 : i32
    %dma_start3A_284 = tpu.memref_slice %arg2[%dma_start3A_278, %dma_start3A_282, %dma_start3A_283] : memref<18x16385x64xf32, #tpu.memory_space<hbm>> -> memref<1x1x64xf32, #tpu.memory_space<hbm>>
    %dma_start3A_285 = tpu.memref_squeeze %dma_start3A_284 : memref<1x1x64xf32, #tpu.memory_space<hbm>> -> memref<1x64xf32, #tpu.memory_space<hbm>>
    %dma_start3A_286 = arith.constant 16 : i32
    %dma_start3A_287 = arith.constant 0 : i32
    %dma_start3A_288 = tpu.memref_slice %arg10[%dma_start3A_286, %dma_start3A_287] : memref<18x64xf32, #tpu.memory_space<vmem>> -> memref<1x64xf32, #tpu.memory_space<vmem>>
    %dma_start3A_289 = arith.constant 16384 : i32
    %dma_start3A_290 = arith.constant 0 : i32
    %dma_start3A_291 = tpu.memref_slice %arg2[%dma_start3A_278, %dma_start3A_289, %dma_start3A_290] : memref<18x16385x64xf32, #tpu.memory_space<hbm>> -> memref<1x1x64xf32, #tpu.memory_space<hbm>>
    %dma_start3A_292 = tpu.memref_squeeze %dma_start3A_291 : memref<1x1x64xf32, #tpu.memory_space<hbm>> -> memref<1x64xf32, #tpu.memory_space<hbm>>
    tpu.enqueue_dma source(%dma_start3A_292 : memref<1x64xf32, #tpu.memory_space<hbm>>) target(%dma_start3A_288 : memref<1x64xf32, #tpu.memory_space<vmem>>) target_semaphore(%arg14 : memref<!tpu.dma_semaphore, #tpu.memory_space<semaphore_mem>>)
    %dma_start3A_293 = arith.constant 17 : i32
    %dma_start3A_294 = arith.constant 17 : i32
    %dma_start3A_295 = arith.constant 0 : i32
    %dma_start3A_296 = tpu.memref_slice %arg10[%dma_start3A_294, %dma_start3A_295] : memref<18x64xf32, #tpu.memory_space<vmem>> -> memref<1x64xf32, #tpu.memory_space<vmem>>
    %dma_start3A_297 = arith.constant 16384 : i32
    %dma_start3A_298 = arith.constant 0 : i32
    %dma_start3A_299 = tpu.memref_slice %arg2[%dma_start3A_293, %dma_start3A_297, %dma_start3A_298] : memref<18x16385x64xf32, #tpu.memory_space<hbm>> -> memref<1x1x64xf32, #tpu.memory_space<hbm>>
    %dma_start3A_300 = tpu.memref_squeeze %dma_start3A_299 : memref<1x1x64xf32, #tpu.memory_space<hbm>> -> memref<1x64xf32, #tpu.memory_space<hbm>>
    %dma_start3A_301 = arith.constant 17 : i32
    %dma_start3A_302 = arith.constant 0 : i32
    %dma_start3A_303 = tpu.memref_slice %arg10[%dma_start3A_301, %dma_start3A_302] : memref<18x64xf32, #tpu.memory_space<vmem>> -> memref<1x64xf32, #tpu.memory_space<vmem>>
    %dma_start3A_304 = arith.constant 16384 : i32
    %dma_start3A_305 = arith.constant 0 : i32
    %dma_start3A_306 = tpu.memref_slice %arg2[%dma_start3A_293, %dma_start3A_304, %dma_start3A_305] : memref<18x16385x64xf32, #tpu.memory_space<hbm>> -> memref<1x1x64xf32, #tpu.memory_space<hbm>>
    %dma_start3A_307 = tpu.memref_squeeze %dma_start3A_306 : memref<1x1x64xf32, #tpu.memory_space<hbm>> -> memref<1x64xf32, #tpu.memory_space<hbm>>
    tpu.enqueue_dma source(%dma_start3A_307 : memref<1x64xf32, #tpu.memory_space<hbm>>) target(%dma_start3A_303 : memref<1x64xf32, #tpu.memory_space<vmem>>) target_semaphore(%arg14 : memref<!tpu.dma_semaphore, #tpu.memory_space<semaphore_mem>>)
    %dma_wait3A = arith.constant 0 : i32
    %dma_wait3A_308 = arith.constant 0 : i32
    %dma_wait3A_309 = arith.constant 0 : i32
    %dma_wait3A_310 = tpu.memref_slice %arg10[%dma_wait3A_308, %dma_wait3A_309] : memref<18x64xf32, #tpu.memory_space<vmem>> -> memref<1x64xf32, #tpu.memory_space<vmem>>
    %dma_wait3A_311 = arith.constant 16384 : i32
    %dma_wait3A_312 = arith.constant 0 : i32
    %dma_wait3A_313 = tpu.memref_slice %arg2[%dma_wait3A, %dma_wait3A_311, %dma_wait3A_312] : memref<18x16385x64xf32, #tpu.memory_space<hbm>> -> memref<1x1x64xf32, #tpu.memory_space<hbm>>
    %dma_wait3A_314 = tpu.memref_squeeze %dma_wait3A_313 : memref<1x1x64xf32, #tpu.memory_space<hbm>> -> memref<1x64xf32, #tpu.memory_space<hbm>>
    %dma_wait3A_315 = arith.constant 0 : i32
    %dma_wait3A_316 = arith.constant 0 : i32
    %dma_wait3A_317 = tpu.memref_slice %arg10[%dma_wait3A_315, %dma_wait3A_316] : memref<18x64xf32, #tpu.memory_space<vmem>> -> memref<1x64xf32, #tpu.memory_space<vmem>>
    %dma_wait3A_318 = arith.constant 16384 : i32
    %dma_wait3A_319 = arith.constant 0 : i32
    %dma_wait3A_320 = tpu.memref_slice %arg2[%dma_wait3A, %dma_wait3A_318, %dma_wait3A_319] : memref<18x16385x64xf32, #tpu.memory_space<hbm>> -> memref<1x1x64xf32, #tpu.memory_space<hbm>>
    %dma_wait3A_321 = tpu.memref_squeeze %dma_wait3A_320 : memref<1x1x64xf32, #tpu.memory_space<hbm>> -> memref<1x64xf32, #tpu.memory_space<hbm>>
    tpu.wait_dma2 semaphore(%arg14 : memref<!tpu.dma_semaphore, #tpu.memory_space<semaphore_mem>>) src(%dma_wait3A_321 : memref<1x64xf32, #tpu.memory_space<hbm>>) dst(%dma_wait3A_317 : memref<1x64xf32, #tpu.memory_space<vmem>>)
    %dma_wait3A_322 = arith.constant 1 : i32
    %dma_wait3A_323 = arith.constant 1 : i32
    %dma_wait3A_324 = arith.constant 0 : i32
    %dma_wait3A_325 = tpu.memref_slice %arg10[%dma_wait3A_323, %dma_wait3A_324] : memref<18x64xf32, #tpu.memory_space<vmem>> -> memref<1x64xf32, #tpu.memory_space<vmem>>
    %dma_wait3A_326 = arith.constant 16384 : i32
    %dma_wait3A_327 = arith.constant 0 : i32
    %dma_wait3A_328 = tpu.memref_slice %arg2[%dma_wait3A_322, %dma_wait3A_326, %dma_wait3A_327] : memref<18x16385x64xf32, #tpu.memory_space<hbm>> -> memref<1x1x64xf32, #tpu.memory_space<hbm>>
    %dma_wait3A_329 = tpu.memref_squeeze %dma_wait3A_328 : memref<1x1x64xf32, #tpu.memory_space<hbm>> -> memref<1x64xf32, #tpu.memory_space<hbm>>
    %dma_wait3A_330 = arith.constant 1 : i32
    %dma_wait3A_331 = arith.constant 0 : i32
    %dma_wait3A_332 = tpu.memref_slice %arg10[%dma_wait3A_330, %dma_wait3A_331] : memref<18x64xf32, #tpu.memory_space<vmem>> -> memref<1x64xf32, #tpu.memory_space<vmem>>
    %dma_wait3A_333 = arith.constant 16384 : i32
    %dma_wait3A_334 = arith.constant 0 : i32
    %dma_wait3A_335 = tpu.memref_slice %arg2[%dma_wait3A_322, %dma_wait3A_333, %dma_wait3A_334] : memref<18x16385x64xf32, #tpu.memory_space<hbm>> -> memref<1x1x64xf32, #tpu.memory_space<hbm>>
    %dma_wait3A_336 = tpu.memref_squeeze %dma_wait3A_335 : memref<1x1x64xf32, #tpu.memory_space<hbm>> -> memref<1x64xf32, #tpu.memory_space<hbm>>
    tpu.wait_dma2 semaphore(%arg14 : memref<!tpu.dma_semaphore, #tpu.memory_space<semaphore_mem>>) src(%dma_wait3A_336 : memref<1x64xf32, #tpu.memory_space<hbm>>) dst(%dma_wait3A_332 : memref<1x64xf32, #tpu.memory_space<vmem>>)
    %dma_wait3A_337 = arith.constant 2 : i32
    %dma_wait3A_338 = arith.constant 2 : i32
    %dma_wait3A_339 = arith.constant 0 : i32
    %dma_wait3A_340 = tpu.memref_slice %arg10[%dma_wait3A_338, %dma_wait3A_339] : memref<18x64xf32, #tpu.memory_space<vmem>> -> memref<1x64xf32, #tpu.memory_space<vmem>>
    %dma_wait3A_341 = arith.constant 16384 : i32
    %dma_wait3A_342 = arith.constant 0 : i32
    %dma_wait3A_343 = tpu.memref_slice %arg2[%dma_wait3A_337, %dma_wait3A_341, %dma_wait3A_342] : memref<18x16385x64xf32, #tpu.memory_space<hbm>> -> memref<1x1x64xf32, #tpu.memory_space<hbm>>
    %dma_wait3A_344 = tpu.memref_squeeze %dma_wait3A_343 : memref<1x1x64xf32, #tpu.memory_space<hbm>> -> memref<1x64xf32, #tpu.memory_space<hbm>>
    %dma_wait3A_345 = arith.constant 2 : i32
    %dma_wait3A_346 = arith.constant 0 : i32
    %dma_wait3A_347 = tpu.memref_slice %arg10[%dma_wait3A_345, %dma_wait3A_346] : memref<18x64xf32, #tpu.memory_space<vmem>> -> memref<1x64xf32, #tpu.memory_space<vmem>>
    %dma_wait3A_348 = arith.constant 16384 : i32
    %dma_wait3A_349 = arith.constant 0 : i32
    %dma_wait3A_350 = tpu.memref_slice %arg2[%dma_wait3A_337, %dma_wait3A_348, %dma_wait3A_349] : memref<18x16385x64xf32, #tpu.memory_space<hbm>> -> memref<1x1x64xf32, #tpu.memory_space<hbm>>
    %dma_wait3A_351 = tpu.memref_squeeze %dma_wait3A_350 : memref<1x1x64xf32, #tpu.memory_space<hbm>> -> memref<1x64xf32, #tpu.memory_space<hbm>>
    tpu.wait_dma2 semaphore(%arg14 : memref<!tpu.dma_semaphore, #tpu.memory_space<semaphore_mem>>) src(%dma_wait3A_351 : memref<1x64xf32, #tpu.memory_space<hbm>>) dst(%dma_wait3A_347 : memref<1x64xf32, #tpu.memory_space<vmem>>)
    %dma_wait3A_352 = arith.constant 3 : i32
    %dma_wait3A_353 = arith.constant 3 : i32
    %dma_wait3A_354 = arith.constant 0 : i32
    %dma_wait3A_355 = tpu.memref_slice %arg10[%dma_wait3A_353, %dma_wait3A_354] : memref<18x64xf32, #tpu.memory_space<vmem>> -> memref<1x64xf32, #tpu.memory_space<vmem>>
    %dma_wait3A_356 = arith.constant 16384 : i32
    %dma_wait3A_357 = arith.constant 0 : i32
    %dma_wait3A_358 = tpu.memref_slice %arg2[%dma_wait3A_352, %dma_wait3A_356, %dma_wait3A_357] : memref<18x16385x64xf32, #tpu.memory_space<hbm>> -> memref<1x1x64xf32, #tpu.memory_space<hbm>>
    %dma_wait3A_359 = tpu.memref_squeeze %dma_wait3A_358 : memref<1x1x64xf32, #tpu.memory_space<hbm>> -> memref<1x64xf32, #tpu.memory_space<hbm>>
    %dma_wait3A_360 = arith.constant 3 : i32
    %dma_wait3A_361 = arith.constant 0 : i32
    %dma_wait3A_362 = tpu.memref_slice %arg10[%dma_wait3A_360, %dma_wait3A_361] : memref<18x64xf32, #tpu.memory_space<vmem>> -> memref<1x64xf32, #tpu.memory_space<vmem>>
    %dma_wait3A_363 = arith.constant 16384 : i32
    %dma_wait3A_364 = arith.constant 0 : i32
    %dma_wait3A_365 = tpu.memref_slice %arg2[%dma_wait3A_352, %dma_wait3A_363, %dma_wait3A_364] : memref<18x16385x64xf32, #tpu.memory_space<hbm>> -> memref<1x1x64xf32, #tpu.memory_space<hbm>>
    %dma_wait3A_366 = tpu.memref_squeeze %dma_wait3A_365 : memref<1x1x64xf32, #tpu.memory_space<hbm>> -> memref<1x64xf32, #tpu.memory_space<hbm>>
    tpu.wait_dma2 semaphore(%arg14 : memref<!tpu.dma_semaphore, #tpu.memory_space<semaphore_mem>>) src(%dma_wait3A_366 : memref<1x64xf32, #tpu.memory_space<hbm>>) dst(%dma_wait3A_362 : memref<1x64xf32, #tpu.memory_space<vmem>>)
    %dma_wait3A_367 = arith.constant 4 : i32
    %dma_wait3A_368 = arith.constant 4 : i32
    %dma_wait3A_369 = arith.constant 0 : i32
    %dma_wait3A_370 = tpu.memref_slice %arg10[%dma_wait3A_368, %dma_wait3A_369] : memref<18x64xf32, #tpu.memory_space<vmem>> -> memref<1x64xf32, #tpu.memory_space<vmem>>
    %dma_wait3A_371 = arith.constant 16384 : i32
    %dma_wait3A_372 = arith.constant 0 : i32
    %dma_wait3A_373 = tpu.memref_slice %arg2[%dma_wait3A_367, %dma_wait3A_371, %dma_wait3A_372] : memref<18x16385x64xf32, #tpu.memory_space<hbm>> -> memref<1x1x64xf32, #tpu.memory_space<hbm>>
    %dma_wait3A_374 = tpu.memref_squeeze %dma_wait3A_373 : memref<1x1x64xf32, #tpu.memory_space<hbm>> -> memref<1x64xf32, #tpu.memory_space<hbm>>
    %dma_wait3A_375 = arith.constant 4 : i32
    %dma_wait3A_376 = arith.constant 0 : i32
    %dma_wait3A_377 = tpu.memref_slice %arg10[%dma_wait3A_375, %dma_wait3A_376] : memref<18x64xf32, #tpu.memory_space<vmem>> -> memref<1x64xf32, #tpu.memory_space<vmem>>
    %dma_wait3A_378 = arith.constant 16384 : i32
    %dma_wait3A_379 = arith.constant 0 : i32
    %dma_wait3A_380 = tpu.memref_slice %arg2[%dma_wait3A_367, %dma_wait3A_378, %dma_wait3A_379] : memref<18x16385x64xf32, #tpu.memory_space<hbm>> -> memref<1x1x64xf32, #tpu.memory_space<hbm>>
    %dma_wait3A_381 = tpu.memref_squeeze %dma_wait3A_380 : memref<1x1x64xf32, #tpu.memory_space<hbm>> -> memref<1x64xf32, #tpu.memory_space<hbm>>
    tpu.wait_dma2 semaphore(%arg14 : memref<!tpu.dma_semaphore, #tpu.memory_space<semaphore_mem>>) src(%dma_wait3A_381 : memref<1x64xf32, #tpu.memory_space<hbm>>) dst(%dma_wait3A_377 : memref<1x64xf32, #tpu.memory_space<vmem>>)
    %dma_wait3A_382 = arith.constant 5 : i32
    %dma_wait3A_383 = arith.constant 5 : i32
    %dma_wait3A_384 = arith.constant 0 : i32
    %dma_wait3A_385 = tpu.memref_slice %arg10[%dma_wait3A_383, %dma_wait3A_384] : memref<18x64xf32, #tpu.memory_space<vmem>> -> memref<1x64xf32, #tpu.memory_space<vmem>>
    %dma_wait3A_386 = arith.constant 16384 : i32
    %dma_wait3A_387 = arith.constant 0 : i32
    %dma_wait3A_388 = tpu.memref_slice %arg2[%dma_wait3A_382, %dma_wait3A_386, %dma_wait3A_387] : memref<18x16385x64xf32, #tpu.memory_space<hbm>> -> memref<1x1x64xf32, #tpu.memory_space<hbm>>
    %dma_wait3A_389 = tpu.memref_squeeze %dma_wait3A_388 : memref<1x1x64xf32, #tpu.memory_space<hbm>> -> memref<1x64xf32, #tpu.memory_space<hbm>>
    %dma_wait3A_390 = arith.constant 5 : i32
    %dma_wait3A_391 = arith.constant 0 : i32
    %dma_wait3A_392 = tpu.memref_slice %arg10[%dma_wait3A_390, %dma_wait3A_391] : memref<18x64xf32, #tpu.memory_space<vmem>> -> memref<1x64xf32, #tpu.memory_space<vmem>>
    %dma_wait3A_393 = arith.constant 16384 : i32
    %dma_wait3A_394 = arith.constant 0 : i32
    %dma_wait3A_395 = tpu.memref_slice %arg2[%dma_wait3A_382, %dma_wait3A_393, %dma_wait3A_394] : memref<18x16385x64xf32, #tpu.memory_space<hbm>> -> memref<1x1x64xf32, #tpu.memory_space<hbm>>
    %dma_wait3A_396 = tpu.memref_squeeze %dma_wait3A_395 : memref<1x1x64xf32, #tpu.memory_space<hbm>> -> memref<1x64xf32, #tpu.memory_space<hbm>>
    tpu.wait_dma2 semaphore(%arg14 : memref<!tpu.dma_semaphore, #tpu.memory_space<semaphore_mem>>) src(%dma_wait3A_396 : memref<1x64xf32, #tpu.memory_space<hbm>>) dst(%dma_wait3A_392 : memref<1x64xf32, #tpu.memory_space<vmem>>)
    %dma_wait3A_397 = arith.constant 6 : i32
    %dma_wait3A_398 = arith.constant 6 : i32
    %dma_wait3A_399 = arith.constant 0 : i32
    %dma_wait3A_400 = tpu.memref_slice %arg10[%dma_wait3A_398, %dma_wait3A_399] : memref<18x64xf32, #tpu.memory_space<vmem>> -> memref<1x64xf32, #tpu.memory_space<vmem>>
    %dma_wait3A_401 = arith.constant 16384 : i32
    %dma_wait3A_402 = arith.constant 0 : i32
    %dma_wait3A_403 = tpu.memref_slice %arg2[%dma_wait3A_397, %dma_wait3A_401, %dma_wait3A_402] : memref<18x16385x64xf32, #tpu.memory_space<hbm>> -> memref<1x1x64xf32, #tpu.memory_space<hbm>>
    %dma_wait3A_404 = tpu.memref_squeeze %dma_wait3A_403 : memref<1x1x64xf32, #tpu.memory_space<hbm>> -> memref<1x64xf32, #tpu.memory_space<hbm>>
    %dma_wait3A_405 = arith.constant 6 : i32
    %dma_wait3A_406 = arith.constant 0 : i32
    %dma_wait3A_407 = tpu.memref_slice %arg10[%dma_wait3A_405, %dma_wait3A_406] : memref<18x64xf32, #tpu.memory_space<vmem>> -> memref<1x64xf32, #tpu.memory_space<vmem>>
    %dma_wait3A_408 = arith.constant 16384 : i32
    %dma_wait3A_409 = arith.constant 0 : i32
    %dma_wait3A_410 = tpu.memref_slice %arg2[%dma_wait3A_397, %dma_wait3A_408, %dma_wait3A_409] : memref<18x16385x64xf32, #tpu.memory_space<hbm>> -> memref<1x1x64xf32, #tpu.memory_space<hbm>>
    %dma_wait3A_411 = tpu.memref_squeeze %dma_wait3A_410 : memref<1x1x64xf32, #tpu.memory_space<hbm>> -> memref<1x64xf32, #tpu.memory_space<hbm>>
    tpu.wait_dma2 semaphore(%arg14 : memref<!tpu.dma_semaphore, #tpu.memory_space<semaphore_mem>>) src(%dma_wait3A_411 : memref<1x64xf32, #tpu.memory_space<hbm>>) dst(%dma_wait3A_407 : memref<1x64xf32, #tpu.memory_space<vmem>>)
    %dma_wait3A_412 = arith.constant 7 : i32
    %dma_wait3A_413 = arith.constant 7 : i32
    %dma_wait3A_414 = arith.constant 0 : i32
    %dma_wait3A_415 = tpu.memref_slice %arg10[%dma_wait3A_413, %dma_wait3A_414] : memref<18x64xf32, #tpu.memory_space<vmem>> -> memref<1x64xf32, #tpu.memory_space<vmem>>
    %dma_wait3A_416 = arith.constant 16384 : i32
    %dma_wait3A_417 = arith.constant 0 : i32
    %dma_wait3A_418 = tpu.memref_slice %arg2[%dma_wait3A_412, %dma_wait3A_416, %dma_wait3A_417] : memref<18x16385x64xf32, #tpu.memory_space<hbm>> -> memref<1x1x64xf32, #tpu.memory_space<hbm>>
    %dma_wait3A_419 = tpu.memref_squeeze %dma_wait3A_418 : memref<1x1x64xf32, #tpu.memory_space<hbm>> -> memref<1x64xf32, #tpu.memory_space<hbm>>
    %dma_wait3A_420 = arith.constant 7 : i32
    %dma_wait3A_421 = arith.constant 0 : i32
    %dma_wait3A_422 = tpu.memref_slice %arg10[%dma_wait3A_420, %dma_wait3A_421] : memref<18x64xf32, #tpu.memory_space<vmem>> -> memref<1x64xf32, #tpu.memory_space<vmem>>
    %dma_wait3A_423 = arith.constant 16384 : i32
    %dma_wait3A_424 = arith.constant 0 : i32
    %dma_wait3A_425 = tpu.memref_slice %arg2[%dma_wait3A_412, %dma_wait3A_423, %dma_wait3A_424] : memref<18x16385x64xf32, #tpu.memory_space<hbm>> -> memref<1x1x64xf32, #tpu.memory_space<hbm>>
    %dma_wait3A_426 = tpu.memref_squeeze %dma_wait3A_425 : memref<1x1x64xf32, #tpu.memory_space<hbm>> -> memref<1x64xf32, #tpu.memory_space<hbm>>
    tpu.wait_dma2 semaphore(%arg14 : memref<!tpu.dma_semaphore, #tpu.memory_space<semaphore_mem>>) src(%dma_wait3A_426 : memref<1x64xf32, #tpu.memory_space<hbm>>) dst(%dma_wait3A_422 : memref<1x64xf32, #tpu.memory_space<vmem>>)
    %dma_wait3A_427 = arith.constant 8 : i32
    %dma_wait3A_428 = arith.constant 8 : i32
    %dma_wait3A_429 = arith.constant 0 : i32
    %dma_wait3A_430 = tpu.memref_slice %arg10[%dma_wait3A_428, %dma_wait3A_429] : memref<18x64xf32, #tpu.memory_space<vmem>> -> memref<1x64xf32, #tpu.memory_space<vmem>>
    %dma_wait3A_431 = arith.constant 16384 : i32
    %dma_wait3A_432 = arith.constant 0 : i32
    %dma_wait3A_433 = tpu.memref_slice %arg2[%dma_wait3A_427, %dma_wait3A_431, %dma_wait3A_432] : memref<18x16385x64xf32, #tpu.memory_space<hbm>> -> memref<1x1x64xf32, #tpu.memory_space<hbm>>
    %dma_wait3A_434 = tpu.memref_squeeze %dma_wait3A_433 : memref<1x1x64xf32, #tpu.memory_space<hbm>> -> memref<1x64xf32, #tpu.memory_space<hbm>>
    %dma_wait3A_435 = arith.constant 8 : i32
    %dma_wait3A_436 = arith.constant 0 : i32
    %dma_wait3A_437 = tpu.memref_slice %arg10[%dma_wait3A_435, %dma_wait3A_436] : memref<18x64xf32, #tpu.memory_space<vmem>> -> memref<1x64xf32, #tpu.memory_space<vmem>>
    %dma_wait3A_438 = arith.constant 16384 : i32
    %dma_wait3A_439 = arith.constant 0 : i32
    %dma_wait3A_440 = tpu.memref_slice %arg2[%dma_wait3A_427, %dma_wait3A_438, %dma_wait3A_439] : memref<18x16385x64xf32, #tpu.memory_space<hbm>> -> memref<1x1x64xf32, #tpu.memory_space<hbm>>
    %dma_wait3A_441 = tpu.memref_squeeze %dma_wait3A_440 : memref<1x1x64xf32, #tpu.memory_space<hbm>> -> memref<1x64xf32, #tpu.memory_space<hbm>>
    tpu.wait_dma2 semaphore(%arg14 : memref<!tpu.dma_semaphore, #tpu.memory_space<semaphore_mem>>) src(%dma_wait3A_441 : memref<1x64xf32, #tpu.memory_space<hbm>>) dst(%dma_wait3A_437 : memref<1x64xf32, #tpu.memory_space<vmem>>)
    %dma_wait3A_442 = arith.constant 9 : i32
    %dma_wait3A_443 = arith.constant 9 : i32
    %dma_wait3A_444 = arith.constant 0 : i32
    %dma_wait3A_445 = tpu.memref_slice %arg10[%dma_wait3A_443, %dma_wait3A_444] : memref<18x64xf32, #tpu.memory_space<vmem>> -> memref<1x64xf32, #tpu.memory_space<vmem>>
    %dma_wait3A_446 = arith.constant 16384 : i32
    %dma_wait3A_447 = arith.constant 0 : i32
    %dma_wait3A_448 = tpu.memref_slice %arg2[%dma_wait3A_442, %dma_wait3A_446, %dma_wait3A_447] : memref<18x16385x64xf32, #tpu.memory_space<hbm>> -> memref<1x1x64xf32, #tpu.memory_space<hbm>>
    %dma_wait3A_449 = tpu.memref_squeeze %dma_wait3A_448 : memref<1x1x64xf32, #tpu.memory_space<hbm>> -> memref<1x64xf32, #tpu.memory_space<hbm>>
    %dma_wait3A_450 = arith.constant 9 : i32
    %dma_wait3A_451 = arith.constant 0 : i32
    %dma_wait3A_452 = tpu.memref_slice %arg10[%dma_wait3A_450, %dma_wait3A_451] : memref<18x64xf32, #tpu.memory_space<vmem>> -> memref<1x64xf32, #tpu.memory_space<vmem>>
    %dma_wait3A_453 = arith.constant 16384 : i32
    %dma_wait3A_454 = arith.constant 0 : i32
    %dma_wait3A_455 = tpu.memref_slice %arg2[%dma_wait3A_442, %dma_wait3A_453, %dma_wait3A_454] : memref<18x16385x64xf32, #tpu.memory_space<hbm>> -> memref<1x1x64xf32, #tpu.memory_space<hbm>>
    %dma_wait3A_456 = tpu.memref_squeeze %dma_wait3A_455 : memref<1x1x64xf32, #tpu.memory_space<hbm>> -> memref<1x64xf32, #tpu.memory_space<hbm>>
    tpu.wait_dma2 semaphore(%arg14 : memref<!tpu.dma_semaphore, #tpu.memory_space<semaphore_mem>>) src(%dma_wait3A_456 : memref<1x64xf32, #tpu.memory_space<hbm>>) dst(%dma_wait3A_452 : memref<1x64xf32, #tpu.memory_space<vmem>>)
    %dma_wait3A_457 = arith.constant 10 : i32
    %dma_wait3A_458 = arith.constant 10 : i32
    %dma_wait3A_459 = arith.constant 0 : i32
    %dma_wait3A_460 = tpu.memref_slice %arg10[%dma_wait3A_458, %dma_wait3A_459] : memref<18x64xf32, #tpu.memory_space<vmem>> -> memref<1x64xf32, #tpu.memory_space<vmem>>
    %dma_wait3A_461 = arith.constant 16384 : i32
    %dma_wait3A_462 = arith.constant 0 : i32
    %dma_wait3A_463 = tpu.memref_slice %arg2[%dma_wait3A_457, %dma_wait3A_461, %dma_wait3A_462] : memref<18x16385x64xf32, #tpu.memory_space<hbm>> -> memref<1x1x64xf32, #tpu.memory_space<hbm>>
    %dma_wait3A_464 = tpu.memref_squeeze %dma_wait3A_463 : memref<1x1x64xf32, #tpu.memory_space<hbm>> -> memref<1x64xf32, #tpu.memory_space<hbm>>
    %dma_wait3A_465 = arith.constant 10 : i32
    %dma_wait3A_466 = arith.constant 0 : i32
    %dma_wait3A_467 = tpu.memref_slice %arg10[%dma_wait3A_465, %dma_wait3A_466] : memref<18x64xf32, #tpu.memory_space<vmem>> -> memref<1x64xf32, #tpu.memory_space<vmem>>
    %dma_wait3A_468 = arith.constant 16384 : i32
    %dma_wait3A_469 = arith.constant 0 : i32
    %dma_wait3A_470 = tpu.memref_slice %arg2[%dma_wait3A_457, %dma_wait3A_468, %dma_wait3A_469] : memref<18x16385x64xf32, #tpu.memory_space<hbm>> -> memref<1x1x64xf32, #tpu.memory_space<hbm>>
    %dma_wait3A_471 = tpu.memref_squeeze %dma_wait3A_470 : memref<1x1x64xf32, #tpu.memory_space<hbm>> -> memref<1x64xf32, #tpu.memory_space<hbm>>
    tpu.wait_dma2 semaphore(%arg14 : memref<!tpu.dma_semaphore, #tpu.memory_space<semaphore_mem>>) src(%dma_wait3A_471 : memref<1x64xf32, #tpu.memory_space<hbm>>) dst(%dma_wait3A_467 : memref<1x64xf32, #tpu.memory_space<vmem>>)
    %dma_wait3A_472 = arith.constant 11 : i32
    %dma_wait3A_473 = arith.constant 11 : i32
    %dma_wait3A_474 = arith.constant 0 : i32
    %dma_wait3A_475 = tpu.memref_slice %arg10[%dma_wait3A_473, %dma_wait3A_474] : memref<18x64xf32, #tpu.memory_space<vmem>> -> memref<1x64xf32, #tpu.memory_space<vmem>>
    %dma_wait3A_476 = arith.constant 16384 : i32
    %dma_wait3A_477 = arith.constant 0 : i32
    %dma_wait3A_478 = tpu.memref_slice %arg2[%dma_wait3A_472, %dma_wait3A_476, %dma_wait3A_477] : memref<18x16385x64xf32, #tpu.memory_space<hbm>> -> memref<1x1x64xf32, #tpu.memory_space<hbm>>
    %dma_wait3A_479 = tpu.memref_squeeze %dma_wait3A_478 : memref<1x1x64xf32, #tpu.memory_space<hbm>> -> memref<1x64xf32, #tpu.memory_space<hbm>>
    %dma_wait3A_480 = arith.constant 11 : i32
    %dma_wait3A_481 = arith.constant 0 : i32
    %dma_wait3A_482 = tpu.memref_slice %arg10[%dma_wait3A_480, %dma_wait3A_481] : memref<18x64xf32, #tpu.memory_space<vmem>> -> memref<1x64xf32, #tpu.memory_space<vmem>>
    %dma_wait3A_483 = arith.constant 16384 : i32
    %dma_wait3A_484 = arith.constant 0 : i32
    %dma_wait3A_485 = tpu.memref_slice %arg2[%dma_wait3A_472, %dma_wait3A_483, %dma_wait3A_484] : memref<18x16385x64xf32, #tpu.memory_space<hbm>> -> memref<1x1x64xf32, #tpu.memory_space<hbm>>
    %dma_wait3A_486 = tpu.memref_squeeze %dma_wait3A_485 : memref<1x1x64xf32, #tpu.memory_space<hbm>> -> memref<1x64xf32, #tpu.memory_space<hbm>>
    tpu.wait_dma2 semaphore(%arg14 : memref<!tpu.dma_semaphore, #tpu.memory_space<semaphore_mem>>) src(%dma_wait3A_486 : memref<1x64xf32, #tpu.memory_space<hbm>>) dst(%dma_wait3A_482 : memref<1x64xf32, #tpu.memory_space<vmem>>)
    %dma_wait3A_487 = arith.constant 12 : i32
    %dma_wait3A_488 = arith.constant 12 : i32
    %dma_wait3A_489 = arith.constant 0 : i32
    %dma_wait3A_490 = tpu.memref_slice %arg10[%dma_wait3A_488, %dma_wait3A_489] : memref<18x64xf32, #tpu.memory_space<vmem>> -> memref<1x64xf32, #tpu.memory_space<vmem>>
    %dma_wait3A_491 = arith.constant 16384 : i32
    %dma_wait3A_492 = arith.constant 0 : i32
    %dma_wait3A_493 = tpu.memref_slice %arg2[%dma_wait3A_487, %dma_wait3A_491, %dma_wait3A_492] : memref<18x16385x64xf32, #tpu.memory_space<hbm>> -> memref<1x1x64xf32, #tpu.memory_space<hbm>>
    %dma_wait3A_494 = tpu.memref_squeeze %dma_wait3A_493 : memref<1x1x64xf32, #tpu.memory_space<hbm>> -> memref<1x64xf32, #tpu.memory_space<hbm>>
    %dma_wait3A_495 = arith.constant 12 : i32
    %dma_wait3A_496 = arith.constant 0 : i32
    %dma_wait3A_497 = tpu.memref_slice %arg10[%dma_wait3A_495, %dma_wait3A_496] : memref<18x64xf32, #tpu.memory_space<vmem>> -> memref<1x64xf32, #tpu.memory_space<vmem>>
    %dma_wait3A_498 = arith.constant 16384 : i32
    %dma_wait3A_499 = arith.constant 0 : i32
    %dma_wait3A_500 = tpu.memref_slice %arg2[%dma_wait3A_487, %dma_wait3A_498, %dma_wait3A_499] : memref<18x16385x64xf32, #tpu.memory_space<hbm>> -> memref<1x1x64xf32, #tpu.memory_space<hbm>>
    %dma_wait3A_501 = tpu.memref_squeeze %dma_wait3A_500 : memref<1x1x64xf32, #tpu.memory_space<hbm>> -> memref<1x64xf32, #tpu.memory_space<hbm>>
    tpu.wait_dma2 semaphore(%arg14 : memref<!tpu.dma_semaphore, #tpu.memory_space<semaphore_mem>>) src(%dma_wait3A_501 : memref<1x64xf32, #tpu.memory_space<hbm>>) dst(%dma_wait3A_497 : memref<1x64xf32, #tpu.memory_space<vmem>>)
    %dma_wait3A_502 = arith.constant 13 : i32
    %dma_wait3A_503 = arith.constant 13 : i32
    %dma_wait3A_504 = arith.constant 0 : i32
    %dma_wait3A_505 = tpu.memref_slice %arg10[%dma_wait3A_503, %dma_wait3A_504] : memref<18x64xf32, #tpu.memory_space<vmem>> -> memref<1x64xf32, #tpu.memory_space<vmem>>
    %dma_wait3A_506 = arith.constant 16384 : i32
    %dma_wait3A_507 = arith.constant 0 : i32
    %dma_wait3A_508 = tpu.memref_slice %arg2[%dma_wait3A_502, %dma_wait3A_506, %dma_wait3A_507] : memref<18x16385x64xf32, #tpu.memory_space<hbm>> -> memref<1x1x64xf32, #tpu.memory_space<hbm>>
    %dma_wait3A_509 = tpu.memref_squeeze %dma_wait3A_508 : memref<1x1x64xf32, #tpu.memory_space<hbm>> -> memref<1x64xf32, #tpu.memory_space<hbm>>
    %dma_wait3A_510 = arith.constant 13 : i32
    %dma_wait3A_511 = arith.constant 0 : i32
    %dma_wait3A_512 = tpu.memref_slice %arg10[%dma_wait3A_510, %dma_wait3A_511] : memref<18x64xf32, #tpu.memory_space<vmem>> -> memref<1x64xf32, #tpu.memory_space<vmem>>
    %dma_wait3A_513 = arith.constant 16384 : i32
    %dma_wait3A_514 = arith.constant 0 : i32
    %dma_wait3A_515 = tpu.memref_slice %arg2[%dma_wait3A_502, %dma_wait3A_513, %dma_wait3A_514] : memref<18x16385x64xf32, #tpu.memory_space<hbm>> -> memref<1x1x64xf32, #tpu.memory_space<hbm>>
    %dma_wait3A_516 = tpu.memref_squeeze %dma_wait3A_515 : memref<1x1x64xf32, #tpu.memory_space<hbm>> -> memref<1x64xf32, #tpu.memory_space<hbm>>
    tpu.wait_dma2 semaphore(%arg14 : memref<!tpu.dma_semaphore, #tpu.memory_space<semaphore_mem>>) src(%dma_wait3A_516 : memref<1x64xf32, #tpu.memory_space<hbm>>) dst(%dma_wait3A_512 : memref<1x64xf32, #tpu.memory_space<vmem>>)
    %dma_wait3A_517 = arith.constant 14 : i32
    %dma_wait3A_518 = arith.constant 14 : i32
    %dma_wait3A_519 = arith.constant 0 : i32
    %dma_wait3A_520 = tpu.memref_slice %arg10[%dma_wait3A_518, %dma_wait3A_519] : memref<18x64xf32, #tpu.memory_space<vmem>> -> memref<1x64xf32, #tpu.memory_space<vmem>>
    %dma_wait3A_521 = arith.constant 16384 : i32
    %dma_wait3A_522 = arith.constant 0 : i32
    %dma_wait3A_523 = tpu.memref_slice %arg2[%dma_wait3A_517, %dma_wait3A_521, %dma_wait3A_522] : memref<18x16385x64xf32, #tpu.memory_space<hbm>> -> memref<1x1x64xf32, #tpu.memory_space<hbm>>
    %dma_wait3A_524 = tpu.memref_squeeze %dma_wait3A_523 : memref<1x1x64xf32, #tpu.memory_space<hbm>> -> memref<1x64xf32, #tpu.memory_space<hbm>>
    %dma_wait3A_525 = arith.constant 14 : i32
    %dma_wait3A_526 = arith.constant 0 : i32
    %dma_wait3A_527 = tpu.memref_slice %arg10[%dma_wait3A_525, %dma_wait3A_526] : memref<18x64xf32, #tpu.memory_space<vmem>> -> memref<1x64xf32, #tpu.memory_space<vmem>>
    %dma_wait3A_528 = arith.constant 16384 : i32
    %dma_wait3A_529 = arith.constant 0 : i32
    %dma_wait3A_530 = tpu.memref_slice %arg2[%dma_wait3A_517, %dma_wait3A_528, %dma_wait3A_529] : memref<18x16385x64xf32, #tpu.memory_space<hbm>> -> memref<1x1x64xf32, #tpu.memory_space<hbm>>
    %dma_wait3A_531 = tpu.memref_squeeze %dma_wait3A_530 : memref<1x1x64xf32, #tpu.memory_space<hbm>> -> memref<1x64xf32, #tpu.memory_space<hbm>>
    tpu.wait_dma2 semaphore(%arg14 : memref<!tpu.dma_semaphore, #tpu.memory_space<semaphore_mem>>) src(%dma_wait3A_531 : memref<1x64xf32, #tpu.memory_space<hbm>>) dst(%dma_wait3A_527 : memref<1x64xf32, #tpu.memory_space<vmem>>)
    %dma_wait3A_532 = arith.constant 15 : i32
    %dma_wait3A_533 = arith.constant 15 : i32
    %dma_wait3A_534 = arith.constant 0 : i32
    %dma_wait3A_535 = tpu.memref_slice %arg10[%dma_wait3A_533, %dma_wait3A_534] : memref<18x64xf32, #tpu.memory_space<vmem>> -> memref<1x64xf32, #tpu.memory_space<vmem>>
    %dma_wait3A_536 = arith.constant 16384 : i32
    %dma_wait3A_537 = arith.constant 0 : i32
    %dma_wait3A_538 = tpu.memref_slice %arg2[%dma_wait3A_532, %dma_wait3A_536, %dma_wait3A_537] : memref<18x16385x64xf32, #tpu.memory_space<hbm>> -> memref<1x1x64xf32, #tpu.memory_space<hbm>>
    %dma_wait3A_539 = tpu.memref_squeeze %dma_wait3A_538 : memref<1x1x64xf32, #tpu.memory_space<hbm>> -> memref<1x64xf32, #tpu.memory_space<hbm>>
    %dma_wait3A_540 = arith.constant 15 : i32
    %dma_wait3A_541 = arith.constant 0 : i32
    %dma_wait3A_542 = tpu.memref_slice %arg10[%dma_wait3A_540, %dma_wait3A_541] : memref<18x64xf32, #tpu.memory_space<vmem>> -> memref<1x64xf32, #tpu.memory_space<vmem>>
    %dma_wait3A_543 = arith.constant 16384 : i32
    %dma_wait3A_544 = arith.constant 0 : i32
    %dma_wait3A_545 = tpu.memref_slice %arg2[%dma_wait3A_532, %dma_wait3A_543, %dma_wait3A_544] : memref<18x16385x64xf32, #tpu.memory_space<hbm>> -> memref<1x1x64xf32, #tpu.memory_space<hbm>>
    %dma_wait3A_546 = tpu.memref_squeeze %dma_wait3A_545 : memref<1x1x64xf32, #tpu.memory_space<hbm>> -> memref<1x64xf32, #tpu.memory_space<hbm>>
    tpu.wait_dma2 semaphore(%arg14 : memref<!tpu.dma_semaphore, #tpu.memory_space<semaphore_mem>>) src(%dma_wait3A_546 : memref<1x64xf32, #tpu.memory_space<hbm>>) dst(%dma_wait3A_542 : memref<1x64xf32, #tpu.memory_space<vmem>>)
    %dma_wait3A_547 = arith.constant 16 : i32
    %dma_wait3A_548 = arith.constant 16 : i32
    %dma_wait3A_549 = arith.constant 0 : i32
    %dma_wait3A_550 = tpu.memref_slice %arg10[%dma_wait3A_548, %dma_wait3A_549] : memref<18x64xf32, #tpu.memory_space<vmem>> -> memref<1x64xf32, #tpu.memory_space<vmem>>
    %dma_wait3A_551 = arith.constant 16384 : i32
    %dma_wait3A_552 = arith.constant 0 : i32
    %dma_wait3A_553 = tpu.memref_slice %arg2[%dma_wait3A_547, %dma_wait3A_551, %dma_wait3A_552] : memref<18x16385x64xf32, #tpu.memory_space<hbm>> -> memref<1x1x64xf32, #tpu.memory_space<hbm>>
    %dma_wait3A_554 = tpu.memref_squeeze %dma_wait3A_553 : memref<1x1x64xf32, #tpu.memory_space<hbm>> -> memref<1x64xf32, #tpu.memory_space<hbm>>
    %dma_wait3A_555 = arith.constant 16 : i32
    %dma_wait3A_556 = arith.constant 0 : i32
    %dma_wait3A_557 = tpu.memref_slice %arg10[%dma_wait3A_555, %dma_wait3A_556] : memref<18x64xf32, #tpu.memory_space<vmem>> -> memref<1x64xf32, #tpu.memory_space<vmem>>
    %dma_wait3A_558 = arith.constant 16384 : i32
    %dma_wait3A_559 = arith.constant 0 : i32
    %dma_wait3A_560 = tpu.memref_slice %arg2[%dma_wait3A_547, %dma_wait3A_558, %dma_wait3A_559] : memref<18x16385x64xf32, #tpu.memory_space<hbm>> -> memref<1x1x64xf32, #tpu.memory_space<hbm>>
    %dma_wait3A_561 = tpu.memref_squeeze %dma_wait3A_560 : memref<1x1x64xf32, #tpu.memory_space<hbm>> -> memref<1x64xf32, #tpu.memory_space<hbm>>
    tpu.wait_dma2 semaphore(%arg14 : memref<!tpu.dma_semaphore, #tpu.memory_space<semaphore_mem>>) src(%dma_wait3A_561 : memref<1x64xf32, #tpu.memory_space<hbm>>) dst(%dma_wait3A_557 : memref<1x64xf32, #tpu.memory_space<vmem>>)
    %dma_wait3A_562 = arith.constant 17 : i32
    %dma_wait3A_563 = arith.constant 17 : i32
    %dma_wait3A_564 = arith.constant 0 : i32
    %dma_wait3A_565 = tpu.memref_slice %arg10[%dma_wait3A_563, %dma_wait3A_564] : memref<18x64xf32, #tpu.memory_space<vmem>> -> memref<1x64xf32, #tpu.memory_space<vmem>>
    %dma_wait3A_566 = arith.constant 16384 : i32
    %dma_wait3A_567 = arith.constant 0 : i32
    %dma_wait3A_568 = tpu.memref_slice %arg2[%dma_wait3A_562, %dma_wait3A_566, %dma_wait3A_567] : memref<18x16385x64xf32, #tpu.memory_space<hbm>> -> memref<1x1x64xf32, #tpu.memory_space<hbm>>
    %dma_wait3A_569 = tpu.memref_squeeze %dma_wait3A_568 : memref<1x1x64xf32, #tpu.memory_space<hbm>> -> memref<1x64xf32, #tpu.memory_space<hbm>>
    %dma_wait3A_570 = arith.constant 17 : i32
    %dma_wait3A_571 = arith.constant 0 : i32
    %dma_wait3A_572 = tpu.memref_slice %arg10[%dma_wait3A_570, %dma_wait3A_571] : memref<18x64xf32, #tpu.memory_space<vmem>> -> memref<1x64xf32, #tpu.memory_space<vmem>>
    %dma_wait3A_573 = arith.constant 16384 : i32
    %dma_wait3A_574 = arith.constant 0 : i32
    %dma_wait3A_575 = tpu.memref_slice %arg2[%dma_wait3A_562, %dma_wait3A_573, %dma_wait3A_574] : memref<18x16385x64xf32, #tpu.memory_space<hbm>> -> memref<1x1x64xf32, #tpu.memory_space<hbm>>
    %dma_wait3A_576 = tpu.memref_squeeze %dma_wait3A_575 : memref<1x1x64xf32, #tpu.memory_space<hbm>> -> memref<1x64xf32, #tpu.memory_space<hbm>>
    tpu.wait_dma2 semaphore(%arg14 : memref<!tpu.dma_semaphore, #tpu.memory_space<semaphore_mem>>) src(%dma_wait3A_576 : memref<1x64xf32, #tpu.memory_space<hbm>>) dst(%dma_wait3A_572 : memref<1x64xf32, #tpu.memory_space<vmem>>)
    %broadcast_in_dim3A = arith.constant 0.000000e+00 : f32
    %broadcast_in_dim3A_577 = vector.broadcast %broadcast_in_dim3A : f32 to vector<16xf32>
    %swap3A = arith.constant 1152 : index
    %swap3A_578 = tpu.vector_load %arg11[%swap3A] {strides = array<i32>} : memref<1216xf32, #tpu.memory_space<vmem>>, vector<16xf32>,
    tpu.vector_store %arg11[%swap3A], %broadcast_in_dim3A_577 {strides = array<i32>} : memref<1216xf32, #tpu.memory_space<vmem>>, vector<16xf32>,
    %swap3A_579 = arith.constant 1168 : index
    %swap3A_580 = tpu.vector_load %arg11[%swap3A_579] {strides = array<i32>} : memref<1216xf32, #tpu.memory_space<vmem>>, vector<16xf32>,
    tpu.vector_store %arg11[%swap3A_579], %broadcast_in_dim3A_577 {strides = array<i32>} : memref<1216xf32, #tpu.memory_space<vmem>>, vector<16xf32>,
    %swap3A_581 = arith.constant 1184 : index
    %swap3A_582 = tpu.vector_load %arg11[%swap3A_581] {strides = array<i32>} : memref<1216xf32, #tpu.memory_space<vmem>>, vector<16xf32>,
    tpu.vector_store %arg11[%swap3A_581], %broadcast_in_dim3A_577 {strides = array<i32>} : memref<1216xf32, #tpu.memory_space<vmem>>, vector<16xf32>,
    %swap3A_583 = arith.constant 1200 : index
    %swap3A_584 = tpu.vector_load %arg11[%swap3A_583] {strides = array<i32>} : memref<1216xf32, #tpu.memory_space<vmem>>, vector<16xf32>,
    tpu.vector_store %arg11[%swap3A_583], %broadcast_in_dim3A_577 {strides = array<i32>} : memref<1216xf32, #tpu.memory_space<vmem>>, vector<16xf32>,
    %get3A = arith.constant 17 : i32
    %get3A_585 = arith.index_cast %get3A : i32 to index
    %get3A_586 = arith.constant 0 : index
    %get3A_587 = tpu.vector_load %arg10[%get3A_585, %get3A_586] {strides = array<i32>} : memref<18x64xf32, #tpu.memory_space<vmem>>, vector<16xf32>,
    %get3A_588 = arith.constant 1152 : index
    %get3A_589 = tpu.vector_load %arg11[%get3A_588] {strides = array<i32>} : memref<1216xf32, #tpu.memory_space<vmem>>, vector<16xf32>,
    %add3A_590 = arith.addf %get3A_589, %get3A_587 : vector<16xf32>
    %swap3A_591 = arith.constant 1088 : index
    %swap3A_592 = tpu.vector_load %arg11[%swap3A_591] {strides = array<i32>} : memref<1216xf32, #tpu.memory_space<vmem>>, vector<16xf32>,
    tpu.vector_store %arg11[%swap3A_591], %add3A_590 {strides = array<i32>} : memref<1216xf32, #tpu.memory_space<vmem>>, vector<16xf32>,
    %get3A_593 = arith.constant 17 : i32
    %get3A_594 = arith.index_cast %get3A_593 : i32 to index
    %get3A_595 = arith.constant 16 : index
    %get3A_596 = tpu.vector_load %arg10[%get3A_594, %get3A_595] {strides = array<i32>} : memref<18x64xf32, #tpu.memory_space<vmem>>, vector<16xf32>,
    %get3A_597 = arith.constant 1168 : index
    %get3A_598 = tpu.vector_load %arg11[%get3A_597] {strides = array<i32>} : memref<1216xf32, #tpu.memory_space<vmem>>, vector<16xf32>,
    %add3A_599 = arith.addf %get3A_598, %get3A_596 : vector<16xf32>
    %swap3A_600 = arith.constant 1104 : index
    %swap3A_601 = tpu.vector_load %arg11[%swap3A_600] {strides = array<i32>} : memref<1216xf32, #tpu.memory_space<vmem>>, vector<16xf32>,
    tpu.vector_store %arg11[%swap3A_600], %add3A_599 {strides = array<i32>} : memref<1216xf32, #tpu.memory_space<vmem>>, vector<16xf32>,
    %get3A_602 = arith.constant 17 : i32
    %get3A_603 = arith.index_cast %get3A_602 : i32 to index
    %get3A_604 = arith.constant 32 : index
    %get3A_605 = tpu.vector_load %arg10[%get3A_603, %get3A_604] {strides = array<i32>} : memref<18x64xf32, #tpu.memory_space<vmem>>, vector<16xf32>,
    %get3A_606 = arith.constant 1184 : index
    %get3A_607 = tpu.vector_load %arg11[%get3A_606] {strides = array<i32>} : memref<1216xf32, #tpu.memory_space<vmem>>, vector<16xf32>,
    %add3A_608 = arith.addf %get3A_607, %get3A_605 : vector<16xf32>
    %swap3A_609 = arith.constant 1120 : index
    %swap3A_610 = tpu.vector_load %arg11[%swap3A_609] {strides = array<i32>} : memref<1216xf32, #tpu.memory_space<vmem>>, vector<16xf32>,
    tpu.vector_store %arg11[%swap3A_609], %add3A_608 {strides = array<i32>} : memref<1216xf32, #tpu.memory_space<vmem>>, vector<16xf32>,
    %get3A_611 = arith.constant 17 : i32
    %get3A_612 = arith.index_cast %get3A_611 : i32 to index
    %get3A_613 = arith.constant 48 : index
    %get3A_614 = tpu.vector_load %arg10[%get3A_612, %get3A_613] {strides = array<i32>} : memref<18x64xf32, #tpu.memory_space<vmem>>, vector<16xf32>,
    %get3A_615 = arith.constant 1200 : index
    %get3A_616 = tpu.vector_load %arg11[%get3A_615] {strides = array<i32>} : memref<1216xf32, #tpu.memory_space<vmem>>, vector<16xf32>,
    %add3A_617 = arith.addf %get3A_616, %get3A_614 : vector<16xf32>
    %swap3A_618 = arith.constant 1136 : index
    %swap3A_619 = tpu.vector_load %arg11[%swap3A_618] {strides = array<i32>} : memref<1216xf32, #tpu.memory_space<vmem>>, vector<16xf32>,
    tpu.vector_store %arg11[%swap3A_618], %add3A_617 {strides = array<i32>} : memref<1216xf32, #tpu.memory_space<vmem>>, vector<16xf32>,
    %get3A_620 = arith.constant 16 : i32
    %get3A_621 = arith.index_cast %get3A_620 : i32 to index
    %get3A_622 = arith.constant 0 : index
    %get3A_623 = tpu.vector_load %arg10[%get3A_621, %get3A_622] {strides = array<i32>} : memref<18x64xf32, #tpu.memory_space<vmem>>, vector<16xf32>,
    %get3A_624 = arith.constant 1088 : index
    %get3A_625 = tpu.vector_load %arg11[%get3A_624] {strides = array<i32>} : memref<1216xf32, #tpu.memory_space<vmem>>, vector<16xf32>,
    %add3A_626 = arith.addf %get3A_625, %get3A_623 : vector<16xf32>
    %swap3A_627 = arith.constant 1024 : index
    %swap3A_628 = tpu.vector_load %arg11[%swap3A_627] {strides = array<i32>} : memref<1216xf32, #tpu.memory_space<vmem>>, vector<16xf32>,
    tpu.vector_store %arg11[%swap3A_627], %add3A_626 {strides = array<i32>} : memref<1216xf32, #tpu.memory_space<vmem>>, vector<16xf32>,
    %get3A_629 = arith.constant 16 : i32
    %get3A_630 = arith.index_cast %get3A_629 : i32 to index
    %get3A_631 = arith.constant 16 : index
    %get3A_632 = tpu.vector_load %arg10[%get3A_630, %get3A_631] {strides = array<i32>} : memref<18x64xf32, #tpu.memory_space<vmem>>, vector<16xf32>,
    %get3A_633 = arith.constant 1104 : index
    %get3A_634 = tpu.vector_load %arg11[%get3A_633] {strides = array<i32>} : memref<1216xf32, #tpu.memory_space<vmem>>, vector<16xf32>,
    %add3A_635 = arith.addf %get3A_634, %get3A_632 : vector<16xf32>
    %swap3A_636 = arith.constant 1040 : index
    %swap3A_637 = tpu.vector_load %arg11[%swap3A_636] {strides = array<i32>} : memref<1216xf32, #tpu.memory_space<vmem>>, vector<16xf32>,
    tpu.vector_store %arg11[%swap3A_636], %add3A_635 {strides = array<i32>} : memref<1216xf32, #tpu.memory_space<vmem>>, vector<16xf32>,
    %get3A_638 = arith.constant 16 : i32
    %get3A_639 = arith.index_cast %get3A_638 : i32 to index
    %get3A_640 = arith.constant 32 : index
    %get3A_641 = tpu.vector_load %arg10[%get3A_639, %get3A_640] {strides = array<i32>} : memref<18x64xf32, #tpu.memory_space<vmem>>, vector<16xf32>,
    %get3A_642 = arith.constant 1120 : index
    %get3A_643 = tpu.vector_load %arg11[%get3A_642] {strides = array<i32>} : memref<1216xf32, #tpu.memory_space<vmem>>, vector<16xf32>,
    %add3A_644 = arith.addf %get3A_643, %get3A_641 : vector<16xf32>
    %swap3A_645 = arith.constant 1056 : index
    %swap3A_646 = tpu.vector_load %arg11[%swap3A_645] {strides = array<i32>} : memref<1216xf32, #tpu.memory_space<vmem>>, vector<16xf32>,
    tpu.vector_store %arg11[%swap3A_645], %add3A_644 {strides = array<i32>} : memref<1216xf32, #tpu.memory_space<vmem>>, vector<16xf32>,
    %get3A_647 = arith.constant 16 : i32
    %get3A_648 = arith.index_cast %get3A_647 : i32 to index
    %get3A_649 = arith.constant 48 : index
    %get3A_650 = tpu.vector_load %arg10[%get3A_648, %get3A_649] {strides = array<i32>} : memref<18x64xf32, #tpu.memory_space<vmem>>, vector<16xf32>,
    %get3A_651 = arith.constant 1136 : index
    %get3A_652 = tpu.vector_load %arg11[%get3A_651] {strides = array<i32>} : memref<1216xf32, #tpu.memory_space<vmem>>, vector<16xf32>,
    %add3A_653 = arith.addf %get3A_652, %get3A_650 : vector<16xf32>
    %swap3A_654 = arith.constant 1072 : index
    %swap3A_655 = tpu.vector_load %arg11[%swap3A_654] {strides = array<i32>} : memref<1216xf32, #tpu.memory_space<vmem>>, vector<16xf32>,
    tpu.vector_store %arg11[%swap3A_654], %add3A_653 {strides = array<i32>} : memref<1216xf32, #tpu.memory_space<vmem>>, vector<16xf32>,
    %get3A_656 = arith.constant 15 : i32
    %get3A_657 = arith.index_cast %get3A_656 : i32 to index
    %get3A_658 = arith.constant 0 : index
    %get3A_659 = tpu.vector_load %arg10[%get3A_657, %get3A_658] {strides = array<i32>} : memref<18x64xf32, #tpu.memory_space<vmem>>, vector<16xf32>,
    %get3A_660 = arith.constant 1024 : index
    %get3A_661 = tpu.vector_load %arg11[%get3A_660] {strides = array<i32>} : memref<1216xf32, #tpu.memory_space<vmem>>, vector<16xf32>,
    %add3A_662 = arith.addf %get3A_661, %get3A_659 : vector<16xf32>
    %swap3A_663 = arith.constant 960 : index
    %swap3A_664 = tpu.vector_load %arg11[%swap3A_663] {strides = array<i32>} : memref<1216xf32, #tpu.memory_space<vmem>>, vector<16xf32>,
    tpu.vector_store %arg11[%swap3A_663], %add3A_662 {strides = array<i32>} : memref<1216xf32, #tpu.memory_space<vmem>>, vector<16xf32>,
    %get3A_665 = arith.constant 15 : i32
    %get3A_666 = arith.index_cast %get3A_665 : i32 to index
    %get3A_667 = arith.constant 16 : index
    %get3A_668 = tpu.vector_load %arg10[%get3A_666, %get3A_667] {strides = array<i32>} : memref<18x64xf32, #tpu.memory_space<vmem>>, vector<16xf32>,
    %get3A_669 = arith.constant 1040 : index
    %get3A_670 = tpu.vector_load %arg11[%get3A_669] {strides = array<i32>} : memref<1216xf32, #tpu.memory_space<vmem>>, vector<16xf32>,
    %add3A_671 = arith.addf %get3A_670, %get3A_668 : vector<16xf32>
    %swap3A_672 = arith.constant 976 : index
    %swap3A_673 = tpu.vector_load %arg11[%swap3A_672] {strides = array<i32>} : memref<1216xf32, #tpu.memory_space<vmem>>, vector<16xf32>,
    tpu.vector_store %arg11[%swap3A_672], %add3A_671 {strides = array<i32>} : memref<1216xf32, #tpu.memory_space<vmem>>, vector<16xf32>,
    %get3A_674 = arith.constant 15 : i32
    %get3A_675 = arith.index_cast %get3A_674 : i32 to index
    %get3A_676 = arith.constant 32 : index
    %get3A_677 = tpu.vector_load %arg10[%get3A_675, %get3A_676] {strides = array<i32>} : memref<18x64xf32, #tpu.memory_space<vmem>>, vector<16xf32>,
    %get3A_678 = arith.constant 1056 : index
    %get3A_679 = tpu.vector_load %arg11[%get3A_678] {strides = array<i32>} : memref<1216xf32, #tpu.memory_space<vmem>>, vector<16xf32>,
    %add3A_680 = arith.addf %get3A_679, %get3A_677 : vector<16xf32>
    %swap3A_681 = arith.constant 992 : index
    %swap3A_682 = tpu.vector_load %arg11[%swap3A_681] {strides = array<i32>} : memref<1216xf32, #tpu.memory_space<vmem>>, vector<16xf32>,
    tpu.vector_store %arg11[%swap3A_681], %add3A_680 {strides = array<i32>} : memref<1216xf32, #tpu.memory_space<vmem>>, vector<16xf32>,
    %get3A_683 = arith.constant 15 : i32
    %get3A_684 = arith.index_cast %get3A_683 : i32 to index
    %get3A_685 = arith.constant 48 : index
    %get3A_686 = tpu.vector_load %arg10[%get3A_684, %get3A_685] {strides = array<i32>} : memref<18x64xf32, #tpu.memory_space<vmem>>, vector<16xf32>,
    %get3A_687 = arith.constant 1072 : index
    %get3A_688 = tpu.vector_load %arg11[%get3A_687] {strides = array<i32>} : memref<1216xf32, #tpu.memory_space<vmem>>, vector<16xf32>,
    %add3A_689 = arith.addf %get3A_688, %get3A_686 : vector<16xf32>
    %swap3A_690 = arith.constant 1008 : index
    %swap3A_691 = tpu.vector_load %arg11[%swap3A_690] {strides = array<i32>} : memref<1216xf32, #tpu.memory_space<vmem>>, vector<16xf32>,
    tpu.vector_store %arg11[%swap3A_690], %add3A_689 {strides = array<i32>} : memref<1216xf32, #tpu.memory_space<vmem>>, vector<16xf32>,
    %get3A_692 = arith.constant 14 : i32
    %get3A_693 = arith.index_cast %get3A_692 : i32 to index
    %get3A_694 = arith.constant 0 : index
    %get3A_695 = tpu.vector_load %arg10[%get3A_693, %get3A_694] {strides = array<i32>} : memref<18x64xf32, #tpu.memory_space<vmem>>, vector<16xf32>,
    %get3A_696 = arith.constant 960 : index
    %get3A_697 = tpu.vector_load %arg11[%get3A_696] {strides = array<i32>} : memref<1216xf32, #tpu.memory_space<vmem>>, vector<16xf32>,
    %add3A_698 = arith.addf %get3A_697, %get3A_695 : vector<16xf32>
    %swap3A_699 = arith.constant 896 : index
    %swap3A_700 = tpu.vector_load %arg11[%swap3A_699] {strides = array<i32>} : memref<1216xf32, #tpu.memory_space<vmem>>, vector<16xf32>,
    tpu.vector_store %arg11[%swap3A_699], %add3A_698 {strides = array<i32>} : memref<1216xf32, #tpu.memory_space<vmem>>, vector<16xf32>,
    %get3A_701 = arith.constant 14 : i32
    %get3A_702 = arith.index_cast %get3A_701 : i32 to index
    %get3A_703 = arith.constant 16 : index
    %get3A_704 = tpu.vector_load %arg10[%get3A_702, %get3A_703] {strides = array<i32>} : memref<18x64xf32, #tpu.memory_space<vmem>>, vector<16xf32>,
    %get3A_705 = arith.constant 976 : index
    %get3A_706 = tpu.vector_load %arg11[%get3A_705] {strides = array<i32>} : memref<1216xf32, #tpu.memory_space<vmem>>, vector<16xf32>,
    %add3A_707 = arith.addf %get3A_706, %get3A_704 : vector<16xf32>
    %swap3A_708 = arith.constant 912 : index
    %swap3A_709 = tpu.vector_load %arg11[%swap3A_708] {strides = array<i32>} : memref<1216xf32, #tpu.memory_space<vmem>>, vector<16xf32>,
    tpu.vector_store %arg11[%swap3A_708], %add3A_707 {strides = array<i32>} : memref<1216xf32, #tpu.memory_space<vmem>>, vector<16xf32>,
    %get3A_710 = arith.constant 14 : i32
    %get3A_711 = arith.index_cast %get3A_710 : i32 to index
    %get3A_712 = arith.constant 32 : index
    %get3A_713 = tpu.vector_load %arg10[%get3A_711, %get3A_712] {strides = array<i32>} : memref<18x64xf32, #tpu.memory_space<vmem>>, vector<16xf32>,
    %get3A_714 = arith.constant 992 : index
    %get3A_715 = tpu.vector_load %arg11[%get3A_714] {strides = array<i32>} : memref<1216xf32, #tpu.memory_space<vmem>>, vector<16xf32>,
    %add3A_716 = arith.addf %get3A_715, %get3A_713 : vector<16xf32>
    %swap3A_717 = arith.constant 928 : index
    %swap3A_718 = tpu.vector_load %arg11[%swap3A_717] {strides = array<i32>} : memref<1216xf32, #tpu.memory_space<vmem>>, vector<16xf32>,
    tpu.vector_store %arg11[%swap3A_717], %add3A_716 {strides = array<i32>} : memref<1216xf32, #tpu.memory_space<vmem>>, vector<16xf32>,
    %get3A_719 = arith.constant 14 : i32
    %get3A_720 = arith.index_cast %get3A_719 : i32 to index
    %get3A_721 = arith.constant 48 : index
    %get3A_722 = tpu.vector_load %arg10[%get3A_720, %get3A_721] {strides = array<i32>} : memref<18x64xf32, #tpu.memory_space<vmem>>, vector<16xf32>,
    %get3A_723 = arith.constant 1008 : index
    %get3A_724 = tpu.vector_load %arg11[%get3A_723] {strides = array<i32>} : memref<1216xf32, #tpu.memory_space<vmem>>, vector<16xf32>,
    %add3A_725 = arith.addf %get3A_724, %get3A_722 : vector<16xf32>
    %swap3A_726 = arith.constant 944 : index
    %swap3A_727 = tpu.vector_load %arg11[%swap3A_726] {strides = array<i32>} : memref<1216xf32, #tpu.memory_space<vmem>>, vector<16xf32>,
    tpu.vector_store %arg11[%swap3A_726], %add3A_725 {strides = array<i32>} : memref<1216xf32, #tpu.memory_space<vmem>>, vector<16xf32>,
    %get3A_728 = arith.constant 13 : i32
    %get3A_729 = arith.index_cast %get3A_728 : i32 to index
    %get3A_730 = arith.constant 0 : index
    %get3A_731 = tpu.vector_load %arg10[%get3A_729, %get3A_730] {strides = array<i32>} : memref<18x64xf32, #tpu.memory_space<vmem>>, vector<16xf32>,
    %get3A_732 = arith.constant 896 : index
    %get3A_733 = tpu.vector_load %arg11[%get3A_732] {strides = array<i32>} : memref<1216xf32, #tpu.memory_space<vmem>>, vector<16xf32>,
    %add3A_734 = arith.addf %get3A_733, %get3A_731 : vector<16xf32>
    %swap3A_735 = arith.constant 832 : index
    %swap3A_736 = tpu.vector_load %arg11[%swap3A_735] {strides = array<i32>} : memref<1216xf32, #tpu.memory_space<vmem>>, vector<16xf32>,
    tpu.vector_store %arg11[%swap3A_735], %add3A_734 {strides = array<i32>} : memref<1216xf32, #tpu.memory_space<vmem>>, vector<16xf32>,
    %get3A_737 = arith.constant 13 : i32
    %get3A_738 = arith.index_cast %get3A_737 : i32 to index
    %get3A_739 = arith.constant 16 : index
    %get3A_740 = tpu.vector_load %arg10[%get3A_738, %get3A_739] {strides = array<i32>} : memref<18x64xf32, #tpu.memory_space<vmem>>, vector<16xf32>,
    %get3A_741 = arith.constant 912 : index
    %get3A_742 = tpu.vector_load %arg11[%get3A_741] {strides = array<i32>} : memref<1216xf32, #tpu.memory_space<vmem>>, vector<16xf32>,
    %add3A_743 = arith.addf %get3A_742, %get3A_740 : vector<16xf32>
    %swap3A_744 = arith.constant 848 : index
    %swap3A_745 = tpu.vector_load %arg11[%swap3A_744] {strides = array<i32>} : memref<1216xf32, #tpu.memory_space<vmem>>, vector<16xf32>,
    tpu.vector_store %arg11[%swap3A_744], %add3A_743 {strides = array<i32>} : memref<1216xf32, #tpu.memory_space<vmem>>, vector<16xf32>,
    %get3A_746 = arith.constant 13 : i32
    %get3A_747 = arith.index_cast %get3A_746 : i32 to index
    %get3A_748 = arith.constant 32 : index
    %get3A_749 = tpu.vector_load %arg10[%get3A_747, %get3A_748] {strides = array<i32>} : memref<18x64xf32, #tpu.memory_space<vmem>>, vector<16xf32>,
    %get3A_750 = arith.constant 928 : index
    %get3A_751 = tpu.vector_load %arg11[%get3A_750] {strides = array<i32>} : memref<1216xf32, #tpu.memory_space<vmem>>, vector<16xf32>,
    %add3A_752 = arith.addf %get3A_751, %get3A_749 : vector<16xf32>
    %swap3A_753 = arith.constant 864 : index
    %swap3A_754 = tpu.vector_load %arg11[%swap3A_753] {strides = array<i32>} : memref<1216xf32, #tpu.memory_space<vmem>>, vector<16xf32>,
    tpu.vector_store %arg11[%swap3A_753], %add3A_752 {strides = array<i32>} : memref<1216xf32, #tpu.memory_space<vmem>>, vector<16xf32>,
    %get3A_755 = arith.constant 13 : i32
    %get3A_756 = arith.index_cast %get3A_755 : i32 to index
    %get3A_757 = arith.constant 48 : index
    %get3A_758 = tpu.vector_load %arg10[%get3A_756, %get3A_757] {strides = array<i32>} : memref<18x64xf32, #tpu.memory_space<vmem>>, vector<16xf32>,
    %get3A_759 = arith.constant 944 : index
    %get3A_760 = tpu.vector_load %arg11[%get3A_759] {strides = array<i32>} : memref<1216xf32, #tpu.memory_space<vmem>>, vector<16xf32>,
    %add3A_761 = arith.addf %get3A_760, %get3A_758 : vector<16xf32>
    %swap3A_762 = arith.constant 880 : index
    %swap3A_763 = tpu.vector_load %arg11[%swap3A_762] {strides = array<i32>} : memref<1216xf32, #tpu.memory_space<vmem>>, vector<16xf32>,
    tpu.vector_store %arg11[%swap3A_762], %add3A_761 {strides = array<i32>} : memref<1216xf32, #tpu.memory_space<vmem>>, vector<16xf32>,
    %get3A_764 = arith.constant 12 : i32
    %get3A_765 = arith.index_cast %get3A_764 : i32 to index
    %get3A_766 = arith.constant 0 : index
    %get3A_767 = tpu.vector_load %arg10[%get3A_765, %get3A_766] {strides = array<i32>} : memref<18x64xf32, #tpu.memory_space<vmem>>, vector<16xf32>,
    %get3A_768 = arith.constant 832 : index
    %get3A_769 = tpu.vector_load %arg11[%get3A_768] {strides = array<i32>} : memref<1216xf32, #tpu.memory_space<vmem>>, vector<16xf32>,
    %add3A_770 = arith.addf %get3A_769, %get3A_767 : vector<16xf32>
    %swap3A_771 = arith.constant 768 : index
    %swap3A_772 = tpu.vector_load %arg11[%swap3A_771] {strides = array<i32>} : memref<1216xf32, #tpu.memory_space<vmem>>, vector<16xf32>,
    tpu.vector_store %arg11[%swap3A_771], %add3A_770 {strides = array<i32>} : memref<1216xf32, #tpu.memory_space<vmem>>, vector<16xf32>,
    %get3A_773 = arith.constant 12 : i32
    %get3A_774 = arith.index_cast %get3A_773 : i32 to index
    %get3A_775 = arith.constant 16 : index
    %get3A_776 = tpu.vector_load %arg10[%get3A_774, %get3A_775] {strides = array<i32>} : memref<18x64xf32, #tpu.memory_space<vmem>>, vector<16xf32>,
    %get3A_777 = arith.constant 848 : index
    %get3A_778 = tpu.vector_load %arg11[%get3A_777] {strides = array<i32>} : memref<1216xf32, #tpu.memory_space<vmem>>, vector<16xf32>,
    %add3A_779 = arith.addf %get3A_778, %get3A_776 : vector<16xf32>
    %swap3A_780 = arith.constant 784 : index
    %swap3A_781 = tpu.vector_load %arg11[%swap3A_780] {strides = array<i32>} : memref<1216xf32, #tpu.memory_space<vmem>>, vector<16xf32>,
    tpu.vector_store %arg11[%swap3A_780], %add3A_779 {strides = array<i32>} : memref<1216xf32, #tpu.memory_space<vmem>>, vector<16xf32>,
    %get3A_782 = arith.constant 12 : i32
    %get3A_783 = arith.index_cast %get3A_782 : i32 to index
    %get3A_784 = arith.constant 32 : index
    %get3A_785 = tpu.vector_load %arg10[%get3A_783, %get3A_784] {strides = array<i32>} : memref<18x64xf32, #tpu.memory_space<vmem>>, vector<16xf32>,
    %get3A_786 = arith.constant 864 : index
    %get3A_787 = tpu.vector_load %arg11[%get3A_786] {strides = array<i32>} : memref<1216xf32, #tpu.memory_space<vmem>>, vector<16xf32>,
    %add3A_788 = arith.addf %get3A_787, %get3A_785 : vector<16xf32>
    %swap3A_789 = arith.constant 800 : index
    %swap3A_790 = tpu.vector_load %arg11[%swap3A_789] {strides = array<i32>} : memref<1216xf32, #tpu.memory_space<vmem>>, vector<16xf32>,
    tpu.vector_store %arg11[%swap3A_789], %add3A_788 {strides = array<i32>} : memref<1216xf32, #tpu.memory_space<vmem>>, vector<16xf32>,
    %get3A_791 = arith.constant 12 : i32
    %get3A_792 = arith.index_cast %get3A_791 : i32 to index
    %get3A_793 = arith.constant 48 : index
    %get3A_794 = tpu.vector_load %arg10[%get3A_792, %get3A_793] {strides = array<i32>} : memref<18x64xf32, #tpu.memory_space<vmem>>, vector<16xf32>,
    %get3A_795 = arith.constant 880 : index
    %get3A_796 = tpu.vector_load %arg11[%get3A_795] {strides = array<i32>} : memref<1216xf32, #tpu.memory_space<vmem>>, vector<16xf32>,
    %add3A_797 = arith.addf %get3A_796, %get3A_794 : vector<16xf32>
    %swap3A_798 = arith.constant 816 : index
    %swap3A_799 = tpu.vector_load %arg11[%swap3A_798] {strides = array<i32>} : memref<1216xf32, #tpu.memory_space<vmem>>, vector<16xf32>,
    tpu.vector_store %arg11[%swap3A_798], %add3A_797 {strides = array<i32>} : memref<1216xf32, #tpu.memory_space<vmem>>, vector<16xf32>,
    %get3A_800 = arith.constant 11 : i32
    %get3A_801 = arith.index_cast %get3A_800 : i32 to index
    %get3A_802 = arith.constant 0 : index
    %get3A_803 = tpu.vector_load %arg10[%get3A_801, %get3A_802] {strides = array<i32>} : memref<18x64xf32, #tpu.memory_space<vmem>>, vector<16xf32>,
    %get3A_804 = arith.constant 768 : index
    %get3A_805 = tpu.vector_load %arg11[%get3A_804] {strides = array<i32>} : memref<1216xf32, #tpu.memory_space<vmem>>, vector<16xf32>,
    %add3A_806 = arith.addf %get3A_805, %get3A_803 : vector<16xf32>
    %swap3A_807 = arith.constant 704 : index
    %swap3A_808 = tpu.vector_load %arg11[%swap3A_807] {strides = array<i32>} : memref<1216xf32, #tpu.memory_space<vmem>>, vector<16xf32>,
    tpu.vector_store %arg11[%swap3A_807], %add3A_806 {strides = array<i32>} : memref<1216xf32, #tpu.memory_space<vmem>>, vector<16xf32>,
    %get3A_809 = arith.constant 11 : i32
    %get3A_810 = arith.index_cast %get3A_809 : i32 to index
    %get3A_811 = arith.constant 16 : index
    %get3A_812 = tpu.vector_load %arg10[%get3A_810, %get3A_811] {strides = array<i32>} : memref<18x64xf32, #tpu.memory_space<vmem>>, vector<16xf32>,
    %get3A_813 = arith.constant 784 : index
    %get3A_814 = tpu.vector_load %arg11[%get3A_813] {strides = array<i32>} : memref<1216xf32, #tpu.memory_space<vmem>>, vector<16xf32>,
    %add3A_815 = arith.addf %get3A_814, %get3A_812 : vector<16xf32>
    %swap3A_816 = arith.constant 720 : index
    %swap3A_817 = tpu.vector_load %arg11[%swap3A_816] {strides = array<i32>} : memref<1216xf32, #tpu.memory_space<vmem>>, vector<16xf32>,
    tpu.vector_store %arg11[%swap3A_816], %add3A_815 {strides = array<i32>} : memref<1216xf32, #tpu.memory_space<vmem>>, vector<16xf32>,
    %get3A_818 = arith.constant 11 : i32
    %get3A_819 = arith.index_cast %get3A_818 : i32 to index
    %get3A_820 = arith.constant 32 : index
    %get3A_821 = tpu.vector_load %arg10[%get3A_819, %get3A_820] {strides = array<i32>} : memref<18x64xf32, #tpu.memory_space<vmem>>, vector<16xf32>,
    %get3A_822 = arith.constant 800 : index
    %get3A_823 = tpu.vector_load %arg11[%get3A_822] {strides = array<i32>} : memref<1216xf32, #tpu.memory_space<vmem>>, vector<16xf32>,
    %add3A_824 = arith.addf %get3A_823, %get3A_821 : vector<16xf32>
    %swap3A_825 = arith.constant 736 : index
    %swap3A_826 = tpu.vector_load %arg11[%swap3A_825] {strides = array<i32>} : memref<1216xf32, #tpu.memory_space<vmem>>, vector<16xf32>,
    tpu.vector_store %arg11[%swap3A_825], %add3A_824 {strides = array<i32>} : memref<1216xf32, #tpu.memory_space<vmem>>, vector<16xf32>,
    %get3A_827 = arith.constant 11 : i32
    %get3A_828 = arith.index_cast %get3A_827 : i32 to index
    %get3A_829 = arith.constant 48 : index
    %get3A_830 = tpu.vector_load %arg10[%get3A_828, %get3A_829] {strides = array<i32>} : memref<18x64xf32, #tpu.memory_space<vmem>>, vector<16xf32>,
    %get3A_831 = arith.constant 816 : index
    %get3A_832 = tpu.vector_load %arg11[%get3A_831] {strides = array<i32>} : memref<1216xf32, #tpu.memory_space<vmem>>, vector<16xf32>,
    %add3A_833 = arith.addf %get3A_832, %get3A_830 : vector<16xf32>
    %swap3A_834 = arith.constant 752 : index
    %swap3A_835 = tpu.vector_load %arg11[%swap3A_834] {strides = array<i32>} : memref<1216xf32, #tpu.memory_space<vmem>>, vector<16xf32>,
    tpu.vector_store %arg11[%swap3A_834], %add3A_833 {strides = array<i32>} : memref<1216xf32, #tpu.memory_space<vmem>>, vector<16xf32>,
    %get3A_836 = arith.constant 10 : i32
    %get3A_837 = arith.index_cast %get3A_836 : i32 to index
    %get3A_838 = arith.constant 0 : index
    %get3A_839 = tpu.vector_load %arg10[%get3A_837, %get3A_838] {strides = array<i32>} : memref<18x64xf32, #tpu.memory_space<vmem>>, vector<16xf32>,
    %get3A_840 = arith.constant 704 : index
    %get3A_841 = tpu.vector_load %arg11[%get3A_840] {strides = array<i32>} : memref<1216xf32, #tpu.memory_space<vmem>>, vector<16xf32>,
    %add3A_842 = arith.addf %get3A_841, %get3A_839 : vector<16xf32>
    %swap3A_843 = arith.constant 640 : index
    %swap3A_844 = tpu.vector_load %arg11[%swap3A_843] {strides = array<i32>} : memref<1216xf32, #tpu.memory_space<vmem>>, vector<16xf32>,
    tpu.vector_store %arg11[%swap3A_843], %add3A_842 {strides = array<i32>} : memref<1216xf32, #tpu.memory_space<vmem>>, vector<16xf32>,
    %get3A_845 = arith.constant 10 : i32
    %get3A_846 = arith.index_cast %get3A_845 : i32 to index
    %get3A_847 = arith.constant 16 : index
    %get3A_848 = tpu.vector_load %arg10[%get3A_846, %get3A_847] {strides = array<i32>} : memref<18x64xf32, #tpu.memory_space<vmem>>, vector<16xf32>,
    %get3A_849 = arith.constant 720 : index
    %get3A_850 = tpu.vector_load %arg11[%get3A_849] {strides = array<i32>} : memref<1216xf32, #tpu.memory_space<vmem>>, vector<16xf32>,
    %add3A_851 = arith.addf %get3A_850, %get3A_848 : vector<16xf32>
    %swap3A_852 = arith.constant 656 : index
    %swap3A_853 = tpu.vector_load %arg11[%swap3A_852] {strides = array<i32>} : memref<1216xf32, #tpu.memory_space<vmem>>, vector<16xf32>,
    tpu.vector_store %arg11[%swap3A_852], %add3A_851 {strides = array<i32>} : memref<1216xf32, #tpu.memory_space<vmem>>, vector<16xf32>,
    %get3A_854 = arith.constant 10 : i32
    %get3A_855 = arith.index_cast %get3A_854 : i32 to index
    %get3A_856 = arith.constant 32 : index
    %get3A_857 = tpu.vector_load %arg10[%get3A_855, %get3A_856] {strides = array<i32>} : memref<18x64xf32, #tpu.memory_space<vmem>>, vector<16xf32>,
    %get3A_858 = arith.constant 736 : index
    %get3A_859 = tpu.vector_load %arg11[%get3A_858] {strides = array<i32>} : memref<1216xf32, #tpu.memory_space<vmem>>, vector<16xf32>,
    %add3A_860 = arith.addf %get3A_859, %get3A_857 : vector<16xf32>
    %swap3A_861 = arith.constant 672 : index
    %swap3A_862 = tpu.vector_load %arg11[%swap3A_861] {strides = array<i32>} : memref<1216xf32, #tpu.memory_space<vmem>>, vector<16xf32>,
    tpu.vector_store %arg11[%swap3A_861], %add3A_860 {strides = array<i32>} : memref<1216xf32, #tpu.memory_space<vmem>>, vector<16xf32>,
    %get3A_863 = arith.constant 10 : i32
    %get3A_864 = arith.index_cast %get3A_863 : i32 to index
    %get3A_865 = arith.constant 48 : index
    %get3A_866 = tpu.vector_load %arg10[%get3A_864, %get3A_865] {strides = array<i32>} : memref<18x64xf32, #tpu.memory_space<vmem>>, vector<16xf32>,
    %get3A_867 = arith.constant 752 : index
    %get3A_868 = tpu.vector_load %arg11[%get3A_867] {strides = array<i32>} : memref<1216xf32, #tpu.memory_space<vmem>>, vector<16xf32>,
    %add3A_869 = arith.addf %get3A_868, %get3A_866 : vector<16xf32>
    %swap3A_870 = arith.constant 688 : index
    %swap3A_871 = tpu.vector_load %arg11[%swap3A_870] {strides = array<i32>} : memref<1216xf32, #tpu.memory_space<vmem>>, vector<16xf32>,
    tpu.vector_store %arg11[%swap3A_870], %add3A_869 {strides = array<i32>} : memref<1216xf32, #tpu.memory_space<vmem>>, vector<16xf32>,
    %get3A_872 = arith.constant 9 : i32
    %get3A_873 = arith.index_cast %get3A_872 : i32 to index
    %get3A_874 = arith.constant 0 : index
    %get3A_875 = tpu.vector_load %arg10[%get3A_873, %get3A_874] {strides = array<i32>} : memref<18x64xf32, #tpu.memory_space<vmem>>, vector<16xf32>,
    %get3A_876 = arith.constant 640 : index
    %get3A_877 = tpu.vector_load %arg11[%get3A_876] {strides = array<i32>} : memref<1216xf32, #tpu.memory_space<vmem>>, vector<16xf32>,
    %add3A_878 = arith.addf %get3A_877, %get3A_875 : vector<16xf32>
    %swap3A_879 = arith.constant 576 : index
    %swap3A_880 = tpu.vector_load %arg11[%swap3A_879] {strides = array<i32>} : memref<1216xf32, #tpu.memory_space<vmem>>, vector<16xf32>,
    tpu.vector_store %arg11[%swap3A_879], %add3A_878 {strides = array<i32>} : memref<1216xf32, #tpu.memory_space<vmem>>, vector<16xf32>,
    %get3A_881 = arith.constant 9 : i32
    %get3A_882 = arith.index_cast %get3A_881 : i32 to index
    %get3A_883 = arith.constant 16 : index
    %get3A_884 = tpu.vector_load %arg10[%get3A_882, %get3A_883] {strides = array<i32>} : memref<18x64xf32, #tpu.memory_space<vmem>>, vector<16xf32>,
    %get3A_885 = arith.constant 656 : index
    %get3A_886 = tpu.vector_load %arg11[%get3A_885] {strides = array<i32>} : memref<1216xf32, #tpu.memory_space<vmem>>, vector<16xf32>,
    %add3A_887 = arith.addf %get3A_886, %get3A_884 : vector<16xf32>
    %swap3A_888 = arith.constant 592 : index
    %swap3A_889 = tpu.vector_load %arg11[%swap3A_888] {strides = array<i32>} : memref<1216xf32, #tpu.memory_space<vmem>>, vector<16xf32>,
    tpu.vector_store %arg11[%swap3A_888], %add3A_887 {strides = array<i32>} : memref<1216xf32, #tpu.memory_space<vmem>>, vector<16xf32>,
    %get3A_890 = arith.constant 9 : i32
    %get3A_891 = arith.index_cast %get3A_890 : i32 to index
    %get3A_892 = arith.constant 32 : index
    %get3A_893 = tpu.vector_load %arg10[%get3A_891, %get3A_892] {strides = array<i32>} : memref<18x64xf32, #tpu.memory_space<vmem>>, vector<16xf32>,
    %get3A_894 = arith.constant 672 : index
    %get3A_895 = tpu.vector_load %arg11[%get3A_894] {strides = array<i32>} : memref<1216xf32, #tpu.memory_space<vmem>>, vector<16xf32>,
    %add3A_896 = arith.addf %get3A_895, %get3A_893 : vector<16xf32>
    %swap3A_897 = arith.constant 608 : index
    %swap3A_898 = tpu.vector_load %arg11[%swap3A_897] {strides = array<i32>} : memref<1216xf32, #tpu.memory_space<vmem>>, vector<16xf32>,
    tpu.vector_store %arg11[%swap3A_897], %add3A_896 {strides = array<i32>} : memref<1216xf32, #tpu.memory_space<vmem>>, vector<16xf32>,
    %get3A_899 = arith.constant 9 : i32
    %get3A_900 = arith.index_cast %get3A_899 : i32 to index
    %get3A_901 = arith.constant 48 : index
    %get3A_902 = tpu.vector_load %arg10[%get3A_900, %get3A_901] {strides = array<i32>} : memref<18x64xf32, #tpu.memory_space<vmem>>, vector<16xf32>,
    %get3A_903 = arith.constant 688 : index
    %get3A_904 = tpu.vector_load %arg11[%get3A_903] {strides = array<i32>} : memref<1216xf32, #tpu.memory_space<vmem>>, vector<16xf32>,
    %add3A_905 = arith.addf %get3A_904, %get3A_902 : vector<16xf32>
    %swap3A_906 = arith.constant 624 : index
    %swap3A_907 = tpu.vector_load %arg11[%swap3A_906] {strides = array<i32>} : memref<1216xf32, #tpu.memory_space<vmem>>, vector<16xf32>,
    tpu.vector_store %arg11[%swap3A_906], %add3A_905 {strides = array<i32>} : memref<1216xf32, #tpu.memory_space<vmem>>, vector<16xf32>,
    %get3A_908 = arith.constant 8 : i32
    %get3A_909 = arith.index_cast %get3A_908 : i32 to index
    %get3A_910 = arith.constant 0 : index
    %get3A_911 = tpu.vector_load %arg10[%get3A_909, %get3A_910] {strides = array<i32>} : memref<18x64xf32, #tpu.memory_space<vmem>>, vector<16xf32>,
    %get3A_912 = arith.constant 576 : index
    %get3A_913 = tpu.vector_load %arg11[%get3A_912] {strides = array<i32>} : memref<1216xf32, #tpu.memory_space<vmem>>, vector<16xf32>,
    %add3A_914 = arith.addf %get3A_913, %get3A_911 : vector<16xf32>
    %swap3A_915 = arith.constant 512 : index
    %swap3A_916 = tpu.vector_load %arg11[%swap3A_915] {strides = array<i32>} : memref<1216xf32, #tpu.memory_space<vmem>>, vector<16xf32>,
    tpu.vector_store %arg11[%swap3A_915], %add3A_914 {strides = array<i32>} : memref<1216xf32, #tpu.memory_space<vmem>>, vector<16xf32>,
    %get3A_917 = arith.constant 8 : i32
    %get3A_918 = arith.index_cast %get3A_917 : i32 to index
    %get3A_919 = arith.constant 16 : index
    %get3A_920 = tpu.vector_load %arg10[%get3A_918, %get3A_919] {strides = array<i32>} : memref<18x64xf32, #tpu.memory_space<vmem>>, vector<16xf32>,
    %get3A_921 = arith.constant 592 : index
    %get3A_922 = tpu.vector_load %arg11[%get3A_921] {strides = array<i32>} : memref<1216xf32, #tpu.memory_space<vmem>>, vector<16xf32>,
    %add3A_923 = arith.addf %get3A_922, %get3A_920 : vector<16xf32>
    %swap3A_924 = arith.constant 528 : index
    %swap3A_925 = tpu.vector_load %arg11[%swap3A_924] {strides = array<i32>} : memref<1216xf32, #tpu.memory_space<vmem>>, vector<16xf32>,
    tpu.vector_store %arg11[%swap3A_924], %add3A_923 {strides = array<i32>} : memref<1216xf32, #tpu.memory_space<vmem>>, vector<16xf32>,
    %get3A_926 = arith.constant 8 : i32
    %get3A_927 = arith.index_cast %get3A_926 : i32 to index
    %get3A_928 = arith.constant 32 : index
    %get3A_929 = tpu.vector_load %arg10[%get3A_927, %get3A_928] {strides = array<i32>} : memref<18x64xf32, #tpu.memory_space<vmem>>, vector<16xf32>,
    %get3A_930 = arith.constant 608 : index
    %get3A_931 = tpu.vector_load %arg11[%get3A_930] {strides = array<i32>} : memref<1216xf32, #tpu.memory_space<vmem>>, vector<16xf32>,
    %add3A_932 = arith.addf %get3A_931, %get3A_929 : vector<16xf32>
    %swap3A_933 = arith.constant 544 : index
    %swap3A_934 = tpu.vector_load %arg11[%swap3A_933] {strides = array<i32>} : memref<1216xf32, #tpu.memory_space<vmem>>, vector<16xf32>,
    tpu.vector_store %arg11[%swap3A_933], %add3A_932 {strides = array<i32>} : memref<1216xf32, #tpu.memory_space<vmem>>, vector<16xf32>,
    %get3A_935 = arith.constant 8 : i32
    %get3A_936 = arith.index_cast %get3A_935 : i32 to index
    %get3A_937 = arith.constant 48 : index
    %get3A_938 = tpu.vector_load %arg10[%get3A_936, %get3A_937] {strides = array<i32>} : memref<18x64xf32, #tpu.memory_space<vmem>>, vector<16xf32>,
    %get3A_939 = arith.constant 624 : index
    %get3A_940 = tpu.vector_load %arg11[%get3A_939] {strides = array<i32>} : memref<1216xf32, #tpu.memory_space<vmem>>, vector<16xf32>,
    %add3A_941 = arith.addf %get3A_940, %get3A_938 : vector<16xf32>
    %swap3A_942 = arith.constant 560 : index
    %swap3A_943 = tpu.vector_load %arg11[%swap3A_942] {strides = array<i32>} : memref<1216xf32, #tpu.memory_space<vmem>>, vector<16xf32>,
    tpu.vector_store %arg11[%swap3A_942], %add3A_941 {strides = array<i32>} : memref<1216xf32, #tpu.memory_space<vmem>>, vector<16xf32>,
    %get3A_944 = arith.constant 7 : i32
    %get3A_945 = arith.index_cast %get3A_944 : i32 to index
    %get3A_946 = arith.constant 0 : index
    %get3A_947 = tpu.vector_load %arg10[%get3A_945, %get3A_946] {strides = array<i32>} : memref<18x64xf32, #tpu.memory_space<vmem>>, vector<16xf32>,
    %get3A_948 = arith.constant 512 : index
    %get3A_949 = tpu.vector_load %arg11[%get3A_948] {strides = array<i32>} : memref<1216xf32, #tpu.memory_space<vmem>>, vector<16xf32>,
    %add3A_950 = arith.addf %get3A_949, %get3A_947 : vector<16xf32>
    %swap3A_951 = arith.constant 448 : index
    %swap3A_952 = tpu.vector_load %arg11[%swap3A_951] {strides = array<i32>} : memref<1216xf32, #tpu.memory_space<vmem>>, vector<16xf32>,
    tpu.vector_store %arg11[%swap3A_951], %add3A_950 {strides = array<i32>} : memref<1216xf32, #tpu.memory_space<vmem>>, vector<16xf32>,
    %get3A_953 = arith.constant 7 : i32
    %get3A_954 = arith.index_cast %get3A_953 : i32 to index
    %get3A_955 = arith.constant 16 : index
    %get3A_956 = tpu.vector_load %arg10[%get3A_954, %get3A_955] {strides = array<i32>} : memref<18x64xf32, #tpu.memory_space<vmem>>, vector<16xf32>,
    %get3A_957 = arith.constant 528 : index
    %get3A_958 = tpu.vector_load %arg11[%get3A_957] {strides = array<i32>} : memref<1216xf32, #tpu.memory_space<vmem>>, vector<16xf32>,
    %add3A_959 = arith.addf %get3A_958, %get3A_956 : vector<16xf32>
    %swap3A_960 = arith.constant 464 : index
    %swap3A_961 = tpu.vector_load %arg11[%swap3A_960] {strides = array<i32>} : memref<1216xf32, #tpu.memory_space<vmem>>, vector<16xf32>,
    tpu.vector_store %arg11[%swap3A_960], %add3A_959 {strides = array<i32>} : memref<1216xf32, #tpu.memory_space<vmem>>, vector<16xf32>,
    %get3A_962 = arith.constant 7 : i32
    %get3A_963 = arith.index_cast %get3A_962 : i32 to index
    %get3A_964 = arith.constant 32 : index
    %get3A_965 = tpu.vector_load %arg10[%get3A_963, %get3A_964] {strides = array<i32>} : memref<18x64xf32, #tpu.memory_space<vmem>>, vector<16xf32>,
    %get3A_966 = arith.constant 544 : index
    %get3A_967 = tpu.vector_load %arg11[%get3A_966] {strides = array<i32>} : memref<1216xf32, #tpu.memory_space<vmem>>, vector<16xf32>,
    %add3A_968 = arith.addf %get3A_967, %get3A_965 : vector<16xf32>
    %swap3A_969 = arith.constant 480 : index
    %swap3A_970 = tpu.vector_load %arg11[%swap3A_969] {strides = array<i32>} : memref<1216xf32, #tpu.memory_space<vmem>>, vector<16xf32>,
    tpu.vector_store %arg11[%swap3A_969], %add3A_968 {strides = array<i32>} : memref<1216xf32, #tpu.memory_space<vmem>>, vector<16xf32>,
    %get3A_971 = arith.constant 7 : i32
    %get3A_972 = arith.index_cast %get3A_971 : i32 to index
    %get3A_973 = arith.constant 48 : index
    %get3A_974 = tpu.vector_load %arg10[%get3A_972, %get3A_973] {strides = array<i32>} : memref<18x64xf32, #tpu.memory_space<vmem>>, vector<16xf32>,
    %get3A_975 = arith.constant 560 : index
    %get3A_976 = tpu.vector_load %arg11[%get3A_975] {strides = array<i32>} : memref<1216xf32, #tpu.memory_space<vmem>>, vector<16xf32>,
    %add3A_977 = arith.addf %get3A_976, %get3A_974 : vector<16xf32>
    %swap3A_978 = arith.constant 496 : index
    %swap3A_979 = tpu.vector_load %arg11[%swap3A_978] {strides = array<i32>} : memref<1216xf32, #tpu.memory_space<vmem>>, vector<16xf32>,
    tpu.vector_store %arg11[%swap3A_978], %add3A_977 {strides = array<i32>} : memref<1216xf32, #tpu.memory_space<vmem>>, vector<16xf32>,
    %get3A_980 = arith.constant 6 : i32
    %get3A_981 = arith.index_cast %get3A_980 : i32 to index
    %get3A_982 = arith.constant 0 : index
    %get3A_983 = tpu.vector_load %arg10[%get3A_981, %get3A_982] {strides = array<i32>} : memref<18x64xf32, #tpu.memory_space<vmem>>, vector<16xf32>,
    %get3A_984 = arith.constant 448 : index
    %get3A_985 = tpu.vector_load %arg11[%get3A_984] {strides = array<i32>} : memref<1216xf32, #tpu.memory_space<vmem>>, vector<16xf32>,
    %add3A_986 = arith.addf %get3A_985, %get3A_983 : vector<16xf32>
    %swap3A_987 = arith.constant 384 : index
    %swap3A_988 = tpu.vector_load %arg11[%swap3A_987] {strides = array<i32>} : memref<1216xf32, #tpu.memory_space<vmem>>, vector<16xf32>,
    tpu.vector_store %arg11[%swap3A_987], %add3A_986 {strides = array<i32>} : memref<1216xf32, #tpu.memory_space<vmem>>, vector<16xf32>,
    %get3A_989 = arith.constant 6 : i32
    %get3A_990 = arith.index_cast %get3A_989 : i32 to index
    %get3A_991 = arith.constant 16 : index
    %get3A_992 = tpu.vector_load %arg10[%get3A_990, %get3A_991] {strides = array<i32>} : memref<18x64xf32, #tpu.memory_space<vmem>>, vector<16xf32>,
    %get3A_993 = arith.constant 464 : index
    %get3A_994 = tpu.vector_load %arg11[%get3A_993] {strides = array<i32>} : memref<1216xf32, #tpu.memory_space<vmem>>, vector<16xf32>,
    %add3A_995 = arith.addf %get3A_994, %get3A_992 : vector<16xf32>
    %swap3A_996 = arith.constant 400 : index
    %swap3A_997 = tpu.vector_load %arg11[%swap3A_996] {strides = array<i32>} : memref<1216xf32, #tpu.memory_space<vmem>>, vector<16xf32>,
    tpu.vector_store %arg11[%swap3A_996], %add3A_995 {strides = array<i32>} : memref<1216xf32, #tpu.memory_space<vmem>>, vector<16xf32>,
    %get3A_998 = arith.constant 6 : i32
    %get3A_999 = arith.index_cast %get3A_998 : i32 to index
    %get3A_1000 = arith.constant 32 : index
    %get3A_1001 = tpu.vector_load %arg10[%get3A_999, %get3A_1000] {strides = array<i32>} : memref<18x64xf32, #tpu.memory_space<vmem>>, vector<16xf32>,
    %get3A_1002 = arith.constant 480 : index
    %get3A_1003 = tpu.vector_load %arg11[%get3A_1002] {strides = array<i32>} : memref<1216xf32, #tpu.memory_space<vmem>>, vector<16xf32>,
    %add3A_1004 = arith.addf %get3A_1003, %get3A_1001 : vector<16xf32>
    %swap3A_1005 = arith.constant 416 : index
    %swap3A_1006 = tpu.vector_load %arg11[%swap3A_1005] {strides = array<i32>} : memref<1216xf32, #tpu.memory_space<vmem>>, vector<16xf32>,
    tpu.vector_store %arg11[%swap3A_1005], %add3A_1004 {strides = array<i32>} : memref<1216xf32, #tpu.memory_space<vmem>>, vector<16xf32>,
    %get3A_1007 = arith.constant 6 : i32
    %get3A_1008 = arith.index_cast %get3A_1007 : i32 to index
    %get3A_1009 = arith.constant 48 : index
    %get3A_1010 = tpu.vector_load %arg10[%get3A_1008, %get3A_1009] {strides = array<i32>} : memref<18x64xf32, #tpu.memory_space<vmem>>, vector<16xf32>,
    %get3A_1011 = arith.constant 496 : index
    %get3A_1012 = tpu.vector_load %arg11[%get3A_1011] {strides = array<i32>} : memref<1216xf32, #tpu.memory_space<vmem>>, vector<16xf32>,
    %add3A_1013 = arith.addf %get3A_1012, %get3A_1010 : vector<16xf32>
    %swap3A_1014 = arith.constant 432 : index
    %swap3A_1015 = tpu.vector_load %arg11[%swap3A_1014] {strides = array<i32>} : memref<1216xf32, #tpu.memory_space<vmem>>, vector<16xf32>,
    tpu.vector_store %arg11[%swap3A_1014], %add3A_1013 {strides = array<i32>} : memref<1216xf32, #tpu.memory_space<vmem>>, vector<16xf32>,
    %get3A_1016 = arith.constant 5 : i32
    %get3A_1017 = arith.index_cast %get3A_1016 : i32 to index
    %get3A_1018 = arith.constant 0 : index
    %get3A_1019 = tpu.vector_load %arg10[%get3A_1017, %get3A_1018] {strides = array<i32>} : memref<18x64xf32, #tpu.memory_space<vmem>>, vector<16xf32>,
    %get3A_1020 = arith.constant 384 : index
    %get3A_1021 = tpu.vector_load %arg11[%get3A_1020] {strides = array<i32>} : memref<1216xf32, #tpu.memory_space<vmem>>, vector<16xf32>,
    %add3A_1022 = arith.addf %get3A_1021, %get3A_1019 : vector<16xf32>
    %swap3A_1023 = arith.constant 320 : index
    %swap3A_1024 = tpu.vector_load %arg11[%swap3A_1023] {strides = array<i32>} : memref<1216xf32, #tpu.memory_space<vmem>>, vector<16xf32>,
    tpu.vector_store %arg11[%swap3A_1023], %add3A_1022 {strides = array<i32>} : memref<1216xf32, #tpu.memory_space<vmem>>, vector<16xf32>,
    %get3A_1025 = arith.constant 5 : i32
    %get3A_1026 = arith.index_cast %get3A_1025 : i32 to index
    %get3A_1027 = arith.constant 16 : index
    %get3A_1028 = tpu.vector_load %arg10[%get3A_1026, %get3A_1027] {strides = array<i32>} : memref<18x64xf32, #tpu.memory_space<vmem>>, vector<16xf32>,
    %get3A_1029 = arith.constant 400 : index
    %get3A_1030 = tpu.vector_load %arg11[%get3A_1029] {strides = array<i32>} : memref<1216xf32, #tpu.memory_space<vmem>>, vector<16xf32>,
    %add3A_1031 = arith.addf %get3A_1030, %get3A_1028 : vector<16xf32>
    %swap3A_1032 = arith.constant 336 : index
    %swap3A_1033 = tpu.vector_load %arg11[%swap3A_1032] {strides = array<i32>} : memref<1216xf32, #tpu.memory_space<vmem>>, vector<16xf32>,
    tpu.vector_store %arg11[%swap3A_1032], %add3A_1031 {strides = array<i32>} : memref<1216xf32, #tpu.memory_space<vmem>>, vector<16xf32>,
    %get3A_1034 = arith.constant 5 : i32
    %get3A_1035 = arith.index_cast %get3A_1034 : i32 to index
    %get3A_1036 = arith.constant 32 : index
    %get3A_1037 = tpu.vector_load %arg10[%get3A_1035, %get3A_1036] {strides = array<i32>} : memref<18x64xf32, #tpu.memory_space<vmem>>, vector<16xf32>,
    %get3A_1038 = arith.constant 416 : index
    %get3A_1039 = tpu.vector_load %arg11[%get3A_1038] {strides = array<i32>} : memref<1216xf32, #tpu.memory_space<vmem>>, vector<16xf32>,
    %add3A_1040 = arith.addf %get3A_1039, %get3A_1037 : vector<16xf32>
    %swap3A_1041 = arith.constant 352 : index
    %swap3A_1042 = tpu.vector_load %arg11[%swap3A_1041] {strides = array<i32>} : memref<1216xf32, #tpu.memory_space<vmem>>, vector<16xf32>,
    tpu.vector_store %arg11[%swap3A_1041], %add3A_1040 {strides = array<i32>} : memref<1216xf32, #tpu.memory_space<vmem>>, vector<16xf32>,
    %get3A_1043 = arith.constant 5 : i32
    %get3A_1044 = arith.index_cast %get3A_1043 : i32 to index
    %get3A_1045 = arith.constant 48 : index
    %get3A_1046 = tpu.vector_load %arg10[%get3A_1044, %get3A_1045] {strides = array<i32>} : memref<18x64xf32, #tpu.memory_space<vmem>>, vector<16xf32>,
    %get3A_1047 = arith.constant 432 : index
    %get3A_1048 = tpu.vector_load %arg11[%get3A_1047] {strides = array<i32>} : memref<1216xf32, #tpu.memory_space<vmem>>, vector<16xf32>,
    %add3A_1049 = arith.addf %get3A_1048, %get3A_1046 : vector<16xf32>
    %swap3A_1050 = arith.constant 368 : index
    %swap3A_1051 = tpu.vector_load %arg11[%swap3A_1050] {strides = array<i32>} : memref<1216xf32, #tpu.memory_space<vmem>>, vector<16xf32>,
    tpu.vector_store %arg11[%swap3A_1050], %add3A_1049 {strides = array<i32>} : memref<1216xf32, #tpu.memory_space<vmem>>, vector<16xf32>,
    %get3A_1052 = arith.constant 4 : i32
    %get3A_1053 = arith.index_cast %get3A_1052 : i32 to index
    %get3A_1054 = arith.constant 0 : index
    %get3A_1055 = tpu.vector_load %arg10[%get3A_1053, %get3A_1054] {strides = array<i32>} : memref<18x64xf32, #tpu.memory_space<vmem>>, vector<16xf32>,
    %get3A_1056 = arith.constant 320 : index
    %get3A_1057 = tpu.vector_load %arg11[%get3A_1056] {strides = array<i32>} : memref<1216xf32, #tpu.memory_space<vmem>>, vector<16xf32>,
    %add3A_1058 = arith.addf %get3A_1057, %get3A_1055 : vector<16xf32>
    %swap3A_1059 = arith.constant 256 : index
    %swap3A_1060 = tpu.vector_load %arg11[%swap3A_1059] {strides = array<i32>} : memref<1216xf32, #tpu.memory_space<vmem>>, vector<16xf32>,
    tpu.vector_store %arg11[%swap3A_1059], %add3A_1058 {strides = array<i32>} : memref<1216xf32, #tpu.memory_space<vmem>>, vector<16xf32>,
    %get3A_1061 = arith.constant 4 : i32
    %get3A_1062 = arith.index_cast %get3A_1061 : i32 to index
    %get3A_1063 = arith.constant 16 : index
    %get3A_1064 = tpu.vector_load %arg10[%get3A_1062, %get3A_1063] {strides = array<i32>} : memref<18x64xf32, #tpu.memory_space<vmem>>, vector<16xf32>,
    %get3A_1065 = arith.constant 336 : index
    %get3A_1066 = tpu.vector_load %arg11[%get3A_1065] {strides = array<i32>} : memref<1216xf32, #tpu.memory_space<vmem>>, vector<16xf32>,
    %add3A_1067 = arith.addf %get3A_1066, %get3A_1064 : vector<16xf32>
    %swap3A_1068 = arith.constant 272 : index
    %swap3A_1069 = tpu.vector_load %arg11[%swap3A_1068] {strides = array<i32>} : memref<1216xf32, #tpu.memory_space<vmem>>, vector<16xf32>,
    tpu.vector_store %arg11[%swap3A_1068], %add3A_1067 {strides = array<i32>} : memref<1216xf32, #tpu.memory_space<vmem>>, vector<16xf32>,
    %get3A_1070 = arith.constant 4 : i32
    %get3A_1071 = arith.index_cast %get3A_1070 : i32 to index
    %get3A_1072 = arith.constant 32 : index
    %get3A_1073 = tpu.vector_load %arg10[%get3A_1071, %get3A_1072] {strides = array<i32>} : memref<18x64xf32, #tpu.memory_space<vmem>>, vector<16xf32>,
    %get3A_1074 = arith.constant 352 : index
    %get3A_1075 = tpu.vector_load %arg11[%get3A_1074] {strides = array<i32>} : memref<1216xf32, #tpu.memory_space<vmem>>, vector<16xf32>,
    %add3A_1076 = arith.addf %get3A_1075, %get3A_1073 : vector<16xf32>
    %swap3A_1077 = arith.constant 288 : index
    %swap3A_1078 = tpu.vector_load %arg11[%swap3A_1077] {strides = array<i32>} : memref<1216xf32, #tpu.memory_space<vmem>>, vector<16xf32>,
    tpu.vector_store %arg11[%swap3A_1077], %add3A_1076 {strides = array<i32>} : memref<1216xf32, #tpu.memory_space<vmem>>, vector<16xf32>,
    %get3A_1079 = arith.constant 4 : i32
    %get3A_1080 = arith.index_cast %get3A_1079 : i32 to index
    %get3A_1081 = arith.constant 48 : index
    %get3A_1082 = tpu.vector_load %arg10[%get3A_1080, %get3A_1081] {strides = array<i32>} : memref<18x64xf32, #tpu.memory_space<vmem>>, vector<16xf32>,
    %get3A_1083 = arith.constant 368 : index
    %get3A_1084 = tpu.vector_load %arg11[%get3A_1083] {strides = array<i32>} : memref<1216xf32, #tpu.memory_space<vmem>>, vector<16xf32>,
    %add3A_1085 = arith.addf %get3A_1084, %get3A_1082 : vector<16xf32>
    %swap3A_1086 = arith.constant 304 : index
    %swap3A_1087 = tpu.vector_load %arg11[%swap3A_1086] {strides = array<i32>} : memref<1216xf32, #tpu.memory_space<vmem>>, vector<16xf32>,
    tpu.vector_store %arg11[%swap3A_1086], %add3A_1085 {strides = array<i32>} : memref<1216xf32, #tpu.memory_space<vmem>>, vector<16xf32>,
    %get3A_1088 = arith.constant 3 : i32
    %get3A_1089 = arith.index_cast %get3A_1088 : i32 to index
    %get3A_1090 = arith.constant 0 : index
    %get3A_1091 = tpu.vector_load %arg10[%get3A_1089, %get3A_1090] {strides = array<i32>} : memref<18x64xf32, #tpu.memory_space<vmem>>, vector<16xf32>,
    %get3A_1092 = arith.constant 256 : index
    %get3A_1093 = tpu.vector_load %arg11[%get3A_1092] {strides = array<i32>} : memref<1216xf32, #tpu.memory_space<vmem>>, vector<16xf32>,
    %add3A_1094 = arith.addf %get3A_1093, %get3A_1091 : vector<16xf32>
    %swap3A_1095 = arith.constant 192 : index
    %swap3A_1096 = tpu.vector_load %arg11[%swap3A_1095] {strides = array<i32>} : memref<1216xf32, #tpu.memory_space<vmem>>, vector<16xf32>,
    tpu.vector_store %arg11[%swap3A_1095], %add3A_1094 {strides = array<i32>} : memref<1216xf32, #tpu.memory_space<vmem>>, vector<16xf32>,
    %get3A_1097 = arith.constant 3 : i32
    %get3A_1098 = arith.index_cast %get3A_1097 : i32 to index
    %get3A_1099 = arith.constant 16 : index
    %get3A_1100 = tpu.vector_load %arg10[%get3A_1098, %get3A_1099] {strides = array<i32>} : memref<18x64xf32, #tpu.memory_space<vmem>>, vector<16xf32>,
    %get3A_1101 = arith.constant 272 : index
    %get3A_1102 = tpu.vector_load %arg11[%get3A_1101] {strides = array<i32>} : memref<1216xf32, #tpu.memory_space<vmem>>, vector<16xf32>,
    %add3A_1103 = arith.addf %get3A_1102, %get3A_1100 : vector<16xf32>
    %swap3A_1104 = arith.constant 208 : index
    %swap3A_1105 = tpu.vector_load %arg11[%swap3A_1104] {strides = array<i32>} : memref<1216xf32, #tpu.memory_space<vmem>>, vector<16xf32>,
    tpu.vector_store %arg11[%swap3A_1104], %add3A_1103 {strides = array<i32>} : memref<1216xf32, #tpu.memory_space<vmem>>, vector<16xf32>,
    %get3A_1106 = arith.constant 3 : i32
    %get3A_1107 = arith.index_cast %get3A_1106 : i32 to index
    %get3A_1108 = arith.constant 32 : index
    %get3A_1109 = tpu.vector_load %arg10[%get3A_1107, %get3A_1108] {strides = array<i32>} : memref<18x64xf32, #tpu.memory_space<vmem>>, vector<16xf32>,
    %get3A_1110 = arith.constant 288 : index
    %get3A_1111 = tpu.vector_load %arg11[%get3A_1110] {strides = array<i32>} : memref<1216xf32, #tpu.memory_space<vmem>>, vector<16xf32>,
    %add3A_1112 = arith.addf %get3A_1111, %get3A_1109 : vector<16xf32>
    %swap3A_1113 = arith.constant 224 : index
    %swap3A_1114 = tpu.vector_load %arg11[%swap3A_1113] {strides = array<i32>} : memref<1216xf32, #tpu.memory_space<vmem>>, vector<16xf32>,
    tpu.vector_store %arg11[%swap3A_1113], %add3A_1112 {strides = array<i32>} : memref<1216xf32, #tpu.memory_space<vmem>>, vector<16xf32>,
    %get3A_1115 = arith.constant 3 : i32
    %get3A_1116 = arith.index_cast %get3A_1115 : i32 to index
    %get3A_1117 = arith.constant 48 : index
    %get3A_1118 = tpu.vector_load %arg10[%get3A_1116, %get3A_1117] {strides = array<i32>} : memref<18x64xf32, #tpu.memory_space<vmem>>, vector<16xf32>,
    %get3A_1119 = arith.constant 304 : index
    %get3A_1120 = tpu.vector_load %arg11[%get3A_1119] {strides = array<i32>} : memref<1216xf32, #tpu.memory_space<vmem>>, vector<16xf32>,
    %add3A_1121 = arith.addf %get3A_1120, %get3A_1118 : vector<16xf32>
    %swap3A_1122 = arith.constant 240 : index
    %swap3A_1123 = tpu.vector_load %arg11[%swap3A_1122] {strides = array<i32>} : memref<1216xf32, #tpu.memory_space<vmem>>, vector<16xf32>,
    tpu.vector_store %arg11[%swap3A_1122], %add3A_1121 {strides = array<i32>} : memref<1216xf32, #tpu.memory_space<vmem>>, vector<16xf32>,
    %get3A_1124 = arith.constant 2 : i32
    %get3A_1125 = arith.index_cast %get3A_1124 : i32 to index
    %get3A_1126 = arith.constant 0 : index
    %get3A_1127 = tpu.vector_load %arg10[%get3A_1125, %get3A_1126] {strides = array<i32>} : memref<18x64xf32, #tpu.memory_space<vmem>>, vector<16xf32>,
    %get3A_1128 = arith.constant 192 : index
    %get3A_1129 = tpu.vector_load %arg11[%get3A_1128] {strides = array<i32>} : memref<1216xf32, #tpu.memory_space<vmem>>, vector<16xf32>,
    %add3A_1130 = arith.addf %get3A_1129, %get3A_1127 : vector<16xf32>
    %swap3A_1131 = arith.constant 128 : index
    %swap3A_1132 = tpu.vector_load %arg11[%swap3A_1131] {strides = array<i32>} : memref<1216xf32, #tpu.memory_space<vmem>>, vector<16xf32>,
    tpu.vector_store %arg11[%swap3A_1131], %add3A_1130 {strides = array<i32>} : memref<1216xf32, #tpu.memory_space<vmem>>, vector<16xf32>,
    %get3A_1133 = arith.constant 2 : i32
    %get3A_1134 = arith.index_cast %get3A_1133 : i32 to index
    %get3A_1135 = arith.constant 16 : index
    %get3A_1136 = tpu.vector_load %arg10[%get3A_1134, %get3A_1135] {strides = array<i32>} : memref<18x64xf32, #tpu.memory_space<vmem>>, vector<16xf32>,
    %get3A_1137 = arith.constant 208 : index
    %get3A_1138 = tpu.vector_load %arg11[%get3A_1137] {strides = array<i32>} : memref<1216xf32, #tpu.memory_space<vmem>>, vector<16xf32>,
    %add3A_1139 = arith.addf %get3A_1138, %get3A_1136 : vector<16xf32>
    %swap3A_1140 = arith.constant 144 : index
    %swap3A_1141 = tpu.vector_load %arg11[%swap3A_1140] {strides = array<i32>} : memref<1216xf32, #tpu.memory_space<vmem>>, vector<16xf32>,
    tpu.vector_store %arg11[%swap3A_1140], %add3A_1139 {strides = array<i32>} : memref<1216xf32, #tpu.memory_space<vmem>>, vector<16xf32>,
    %get3A_1142 = arith.constant 2 : i32
    %get3A_1143 = arith.index_cast %get3A_1142 : i32 to index
    %get3A_1144 = arith.constant 32 : index
    %get3A_1145 = tpu.vector_load %arg10[%get3A_1143, %get3A_1144] {strides = array<i32>} : memref<18x64xf32, #tpu.memory_space<vmem>>, vector<16xf32>,
    %get3A_1146 = arith.constant 224 : index
    %get3A_1147 = tpu.vector_load %arg11[%get3A_1146] {strides = array<i32>} : memref<1216xf32, #tpu.memory_space<vmem>>, vector<16xf32>,
    %add3A_1148 = arith.addf %get3A_1147, %get3A_1145 : vector<16xf32>
    %swap3A_1149 = arith.constant 160 : index
    %swap3A_1150 = tpu.vector_load %arg11[%swap3A_1149] {strides = array<i32>} : memref<1216xf32, #tpu.memory_space<vmem>>, vector<16xf32>,
    tpu.vector_store %arg11[%swap3A_1149], %add3A_1148 {strides = array<i32>} : memref<1216xf32, #tpu.memory_space<vmem>>, vector<16xf32>,
    %get3A_1151 = arith.constant 2 : i32
    %get3A_1152 = arith.index_cast %get3A_1151 : i32 to index
    %get3A_1153 = arith.constant 48 : index
    %get3A_1154 = tpu.vector_load %arg10[%get3A_1152, %get3A_1153] {strides = array<i32>} : memref<18x64xf32, #tpu.memory_space<vmem>>, vector<16xf32>,
    %get3A_1155 = arith.constant 240 : index
    %get3A_1156 = tpu.vector_load %arg11[%get3A_1155] {strides = array<i32>} : memref<1216xf32, #tpu.memory_space<vmem>>, vector<16xf32>,
    %add3A_1157 = arith.addf %get3A_1156, %get3A_1154 : vector<16xf32>
    %swap3A_1158 = arith.constant 176 : index
    %swap3A_1159 = tpu.vector_load %arg11[%swap3A_1158] {strides = array<i32>} : memref<1216xf32, #tpu.memory_space<vmem>>, vector<16xf32>,
    tpu.vector_store %arg11[%swap3A_1158], %add3A_1157 {strides = array<i32>} : memref<1216xf32, #tpu.memory_space<vmem>>, vector<16xf32>,
    %get3A_1160 = arith.constant 1 : i32
    %get3A_1161 = arith.index_cast %get3A_1160 : i32 to index
    %get3A_1162 = arith.constant 0 : index
    %get3A_1163 = tpu.vector_load %arg10[%get3A_1161, %get3A_1162] {strides = array<i32>} : memref<18x64xf32, #tpu.memory_space<vmem>>, vector<16xf32>,
    %get3A_1164 = arith.constant 128 : index
    %get3A_1165 = tpu.vector_load %arg11[%get3A_1164] {strides = array<i32>} : memref<1216xf32, #tpu.memory_space<vmem>>, vector<16xf32>,
    %add3A_1166 = arith.addf %get3A_1165, %get3A_1163 : vector<16xf32>
    %swap3A_1167 = arith.constant 64 : index
    %swap3A_1168 = tpu.vector_load %arg11[%swap3A_1167] {strides = array<i32>} : memref<1216xf32, #tpu.memory_space<vmem>>, vector<16xf32>,
    tpu.vector_store %arg11[%swap3A_1167], %add3A_1166 {strides = array<i32>} : memref<1216xf32, #tpu.memory_space<vmem>>, vector<16xf32>,
    %get3A_1169 = arith.constant 1 : i32
    %get3A_1170 = arith.index_cast %get3A_1169 : i32 to index
    %get3A_1171 = arith.constant 16 : index
    %get3A_1172 = tpu.vector_load %arg10[%get3A_1170, %get3A_1171] {strides = array<i32>} : memref<18x64xf32, #tpu.memory_space<vmem>>, vector<16xf32>,
    %get3A_1173 = arith.constant 144 : index
    %get3A_1174 = tpu.vector_load %arg11[%get3A_1173] {strides = array<i32>} : memref<1216xf32, #tpu.memory_space<vmem>>, vector<16xf32>,
    %add3A_1175 = arith.addf %get3A_1174, %get3A_1172 : vector<16xf32>
    %swap3A_1176 = arith.constant 80 : index
    %swap3A_1177 = tpu.vector_load %arg11[%swap3A_1176] {strides = array<i32>} : memref<1216xf32, #tpu.memory_space<vmem>>, vector<16xf32>,
    tpu.vector_store %arg11[%swap3A_1176], %add3A_1175 {strides = array<i32>} : memref<1216xf32, #tpu.memory_space<vmem>>, vector<16xf32>,
    %get3A_1178 = arith.constant 1 : i32
    %get3A_1179 = arith.index_cast %get3A_1178 : i32 to index
    %get3A_1180 = arith.constant 32 : index
    %get3A_1181 = tpu.vector_load %arg10[%get3A_1179, %get3A_1180] {strides = array<i32>} : memref<18x64xf32, #tpu.memory_space<vmem>>, vector<16xf32>,
    %get3A_1182 = arith.constant 160 : index
    %get3A_1183 = tpu.vector_load %arg11[%get3A_1182] {strides = array<i32>} : memref<1216xf32, #tpu.memory_space<vmem>>, vector<16xf32>,
    %add3A_1184 = arith.addf %get3A_1183, %get3A_1181 : vector<16xf32>
    %swap3A_1185 = arith.constant 96 : index
    %swap3A_1186 = tpu.vector_load %arg11[%swap3A_1185] {strides = array<i32>} : memref<1216xf32, #tpu.memory_space<vmem>>, vector<16xf32>,
    tpu.vector_store %arg11[%swap3A_1185], %add3A_1184 {strides = array<i32>} : memref<1216xf32, #tpu.memory_space<vmem>>, vector<16xf32>,
    %get3A_1187 = arith.constant 1 : i32
    %get3A_1188 = arith.index_cast %get3A_1187 : i32 to index
    %get3A_1189 = arith.constant 48 : index
    %get3A_1190 = tpu.vector_load %arg10[%get3A_1188, %get3A_1189] {strides = array<i32>} : memref<18x64xf32, #tpu.memory_space<vmem>>, vector<16xf32>,
    %get3A_1191 = arith.constant 176 : index
    %get3A_1192 = tpu.vector_load %arg11[%get3A_1191] {strides = array<i32>} : memref<1216xf32, #tpu.memory_space<vmem>>, vector<16xf32>,
    %add3A_1193 = arith.addf %get3A_1192, %get3A_1190 : vector<16xf32>
    %swap3A_1194 = arith.constant 112 : index
    %swap3A_1195 = tpu.vector_load %arg11[%swap3A_1194] {strides = array<i32>} : memref<1216xf32, #tpu.memory_space<vmem>>, vector<16xf32>,
    tpu.vector_store %arg11[%swap3A_1194], %add3A_1193 {strides = array<i32>} : memref<1216xf32, #tpu.memory_space<vmem>>, vector<16xf32>,
    %get3A_1196 = arith.constant 0 : i32
    %get3A_1197 = arith.index_cast %get3A_1196 : i32 to index
    %get3A_1198 = arith.constant 0 : index
    %get3A_1199 = tpu.vector_load %arg10[%get3A_1197, %get3A_1198] {strides = array<i32>} : memref<18x64xf32, #tpu.memory_space<vmem>>, vector<16xf32>,
    %get3A_1200 = arith.constant 64 : index
    %get3A_1201 = tpu.vector_load %arg11[%get3A_1200] {strides = array<i32>} : memref<1216xf32, #tpu.memory_space<vmem>>, vector<16xf32>,
    %add3A_1202 = arith.addf %get3A_1201, %get3A_1199 : vector<16xf32>
    %swap3A_1203 = arith.constant 0 : index
    %swap3A_1204 = tpu.vector_load %arg11[%swap3A_1203] {strides = array<i32>} : memref<1216xf32, #tpu.memory_space<vmem>>, vector<16xf32>,
    tpu.vector_store %arg11[%swap3A_1203], %add3A_1202 {strides = array<i32>} : memref<1216xf32, #tpu.memory_space<vmem>>, vector<16xf32>,
    %get3A_1205 = arith.constant 0 : i32
    %get3A_1206 = arith.index_cast %get3A_1205 : i32 to index
    %get3A_1207 = arith.constant 16 : index
    %get3A_1208 = tpu.vector_load %arg10[%get3A_1206, %get3A_1207] {strides = array<i32>} : memref<18x64xf32, #tpu.memory_space<vmem>>, vector<16xf32>,
    %get3A_1209 = arith.constant 80 : index
    %get3A_1210 = tpu.vector_load %arg11[%get3A_1209] {strides = array<i32>} : memref<1216xf32, #tpu.memory_space<vmem>>, vector<16xf32>,
    %add3A_1211 = arith.addf %get3A_1210, %get3A_1208 : vector<16xf32>
    %swap3A_1212 = arith.constant 16 : index
    %swap3A_1213 = tpu.vector_load %arg11[%swap3A_1212] {strides = array<i32>} : memref<1216xf32, #tpu.memory_space<vmem>>, vector<16xf32>,
    tpu.vector_store %arg11[%swap3A_1212], %add3A_1211 {strides = array<i32>} : memref<1216xf32, #tpu.memory_space<vmem>>, vector<16xf32>,
    %get3A_1214 = arith.constant 0 : i32
    %get3A_1215 = arith.index_cast %get3A_1214 : i32 to index
    %get3A_1216 = arith.constant 32 : index
    %get3A_1217 = tpu.vector_load %arg10[%get3A_1215, %get3A_1216] {strides = array<i32>} : memref<18x64xf32, #tpu.memory_space<vmem>>, vector<16xf32>,
    %get3A_1218 = arith.constant 96 : index
    %get3A_1219 = tpu.vector_load %arg11[%get3A_1218] {strides = array<i32>} : memref<1216xf32, #tpu.memory_space<vmem>>, vector<16xf32>,
    %add3A_1220 = arith.addf %get3A_1219, %get3A_1217 : vector<16xf32>
    %swap3A_1221 = arith.constant 32 : index
    %swap3A_1222 = tpu.vector_load %arg11[%swap3A_1221] {strides = array<i32>} : memref<1216xf32, #tpu.memory_space<vmem>>, vector<16xf32>,
    tpu.vector_store %arg11[%swap3A_1221], %add3A_1220 {strides = array<i32>} : memref<1216xf32, #tpu.memory_space<vmem>>, vector<16xf32>,
    %get3A_1223 = arith.constant 0 : i32
    %get3A_1224 = arith.index_cast %get3A_1223 : i32 to index
    %get3A_1225 = arith.constant 48 : index
    %get3A_1226 = tpu.vector_load %arg10[%get3A_1224, %get3A_1225] {strides = array<i32>} : memref<18x64xf32, #tpu.memory_space<vmem>>, vector<16xf32>,
    %get3A_1227 = arith.constant 112 : index
    %get3A_1228 = tpu.vector_load %arg11[%get3A_1227] {strides = array<i32>} : memref<1216xf32, #tpu.memory_space<vmem>>, vector<16xf32>,
    %add3A_1229 = arith.addf %get3A_1228, %get3A_1226 : vector<16xf32>
    %swap3A_1230 = arith.constant 48 : index
    %swap3A_1231 = tpu.vector_load %arg11[%swap3A_1230] {strides = array<i32>} : memref<1216xf32, #tpu.memory_space<vmem>>, vector<16xf32>,
    tpu.vector_store %arg11[%swap3A_1230], %add3A_1229 {strides = array<i32>} : memref<1216xf32, #tpu.memory_space<vmem>>, vector<16xf32>,
    %get3A_1232 = arith.constant 0 : index
    %get3A_1233 = tpu.vector_load %arg11[%get3A_1232] {strides = array<i32>} : memref<1216xf32, #tpu.memory_space<vmem>>, vector<16xf32>,
    %mul3A_1234 = arith.constant 0.0526315793 : f32
    %mul3A_1235 = vector.broadcast %mul3A_1234 : f32 to vector<16xf32>
    %mul3A_1236 = arith.mulf %get3A_1233, %mul3A_1235 : vector<16xf32>
    %get3A_1237 = arith.constant 16 : index
    %get3A_1238 = tpu.vector_load %arg11[%get3A_1237] {strides = array<i32>} : memref<1216xf32, #tpu.memory_space<vmem>>, vector<16xf32>,
    %mul3A_1239 = arith.constant 0.0526315793 : f32
    %mul3A_1240 = vector.broadcast %mul3A_1239 : f32 to vector<16xf32>
    %mul3A_1241 = arith.mulf %get3A_1238, %mul3A_1240 : vector<16xf32>
    %get3A_1242 = arith.constant 32 : index
    %get3A_1243 = tpu.vector_load %arg11[%get3A_1242] {strides = array<i32>} : memref<1216xf32, #tpu.memory_space<vmem>>, vector<16xf32>,
    %mul3A_1244 = arith.constant 0.0526315793 : f32
    %mul3A_1245 = vector.broadcast %mul3A_1244 : f32 to vector<16xf32>
    %mul3A_1246 = arith.mulf %get3A_1243, %mul3A_1245 : vector<16xf32>
    %get3A_1247 = arith.constant 48 : index
    %get3A_1248 = tpu.vector_load %arg11[%get3A_1247] {strides = array<i32>} : memref<1216xf32, #tpu.memory_space<vmem>>, vector<16xf32>,
    %mul3A_1249 = arith.constant 0.0526315793 : f32
    %mul3A_1250 = vector.broadcast %mul3A_1249 : f32 to vector<16xf32>
    %mul3A_1251 = arith.mulf %get3A_1248, %mul3A_1250 : vector<16xf32>
    %dma_wait3A_1252 = arith.constant 0 : i32
    %dma_wait3A_1253 = tpu.memref_slice %arg3[%dma_wait3A_1252, %select_n3A, %select_n3A_32] : memref<18x4x8192xi32, #tpu.memory_space<hbm>> -> memref<18x1x1024xi32, #tpu.memory_space<hbm>>
    %dma_wait3A_1254 = tpu.memref_squeeze %dma_wait3A_1253 : memref<18x1x1024xi32, #tpu.memory_space<hbm>> -> memref<18x1024xi32, #tpu.memory_space<hbm>>
    %dma_wait3A_1255 = arith.constant 0 : i32
    %dma_wait3A_1256 = tpu.memref_slice %arg3[%dma_wait3A_1255, %select_n3A, %select_n3A_32] : memref<18x4x8192xi32, #tpu.memory_space<hbm>> -> memref<18x1x1024xi32, #tpu.memory_space<hbm>>
    %dma_wait3A_1257 = tpu.memref_squeeze %dma_wait3A_1256 : memref<18x1x1024xi32, #tpu.memory_space<hbm>> -> memref<18x1024xi32, #tpu.memory_space<hbm>>
    tpu.wait_dma2 semaphore(%arg13 : memref<!tpu.dma_semaphore, #tpu.memory_space<semaphore_mem>>) src(%dma_wait3A_1257 : memref<18x1024xi32, #tpu.memory_space<hbm>>) dst(%arg5 : memref<18x1024xi32, #tpu.memory_space<vmem>>)
    %scan3A = arith.constant 0 : i32
    %scan3A_1258 = arith.constant 0 : i32
    %scan3A_1259 = arith.constant 32 : i32
    %scan3A_1260 = arith.addi %scan3A_1258, %scan3A_1259 : i32
    %scan3A_1261 = arith.constant 1 : i32
    %scan3A_1262 = scf.for %scan3A_1341 = %scan3A_1258 to %scan3A_1260 step %scan3A_1261 iter_args(%scan3A_1342 = %scan3A) -> (i32)  : i32 {
      %mul3A_1343 = arith.constant 16 : i32
      %mul3A_1344 = arith.muli %mul3A_1343, %scan3A_1341 : i32
      %get3A_1345 = arith.constant 0 : i32
      %get3A_1346 = arith.index_cast %get3A_1345 : i32 to index
      %get3A_1347 = arith.index_cast %mul3A_1344 : i32 to index
      %get3A_1348 = tpu.vector_load %arg5[%get3A_1346, %get3A_1347] {strides = array<i32>} : memref<18x1024xi32, #tpu.memory_space<vmem>>, vector<16xi32>,
      %ne3A_1349 = arith.constant 16384 : i32
      %ne3A_1350 = vector.broadcast %ne3A_1349 : i32 to vector<16xi32>
      %ne3A_1351 = arith.cmpi ne, %get3A_1348, %ne3A_1350 : vector<16xi32>
      %mul3A_1352 = arith.constant 16 : i32
      %mul3A_1353 = arith.muli %mul3A_1352, %scan3A_1341 : i32
      %add3A_1354 = vector.broadcast %mul3A_1353 : i32 to vector<16xi32>
      %add3A_1355 = arith.addi %iota3A, %add3A_1354 : vector<16xi32>
      %swap3A_1356 = arith.index_cast %scan3A_1342 : i32 to index
      %swap3A_1357 = tpu.vector_load %arg7[%swap3A_1356] masked %ne3A_1351 {strides = array<i32>} : memref<1040xi32, #tpu.memory_space<vmem>>, vector<16xi32>, vector<16xi1>
      tpu.vector_store %arg7[%swap3A_1356], %add3A_1355 masked %ne3A_1351 {strides = array<i32>} : memref<1040xi32, #tpu.memory_space<vmem>>, vector<16xi32>, vector<16xi1>
      %jit3A_1358 = arith.constant 1 : i32
      %jit3A_1359 = arith.constant 0 : i32
      %broadcast_in_dim3A_1360 = vector.broadcast %jit3A_1358 : i32 to vector<16xi32>
      %broadcast_in_dim3A_1361 = vector.broadcast %jit3A_1359 : i32 to vector<16xi32>
      %select_n3A_1362 = arith.select %ne3A_1351, %broadcast_in_dim3A_1360, %broadcast_in_dim3A_1361 : vector<16xi1>, vector<16xi32>
      %reduce_sum3A = arith.constant true
      %reduce_sum3A_1363 = vector.broadcast %reduce_sum3A : i1 to vector<16xi1>
      %reduce_sum3A_1364 = tpu.scan <sum>, %select_n3A_1362 masked %reduce_sum3A_1363 : vector<16xi32>, vector<16xi1> -> vector<16xi32>
      %reduce_sum3A_1365 = vector.extract %reduce_sum3A_1364[15] : i32 from vector<16xi32>
      %add3A_1366 = arith.addi %scan3A_1342, %reduce_sum3A_1365 : i32
      scf.yield %add3A_1366 : i32
    }
    %scan3A_1263 = arith.constant 32 : i32
    %scan3A_1264 = arith.constant 32 : i32
    %scan3A_1265 = arith.constant 32 : i32
    %scan3A_1266 = arith.addi %scan3A_1264, %scan3A_1265 : i32
    %scan3A_1267 = arith.constant 1 : i32
    %scan3A_1268 = scf.for %scan3A_1341 = %scan3A_1264 to %scan3A_1266 step %scan3A_1267 iter_args(%scan3A_1342 = %scan3A_1262) -> (i32)  : i32 {
      %mul3A_1343 = arith.constant 16 : i32
      %mul3A_1344 = arith.muli %mul3A_1343, %scan3A_1341 : i32
      %get3A_1345 = arith.constant 0 : i32
      %get3A_1346 = arith.index_cast %get3A_1345 : i32 to index
      %get3A_1347 = arith.index_cast %mul3A_1344 : i32 to index
      %get3A_1348 = tpu.vector_load %arg5[%get3A_1346, %get3A_1347] {strides = array<i32>} : memref<18x1024xi32, #tpu.memory_space<vmem>>, vector<16xi32>,
      %ne3A_1349 = arith.constant 16384 : i32
      %ne3A_1350 = vector.broadcast %ne3A_1349 : i32 to vector<16xi32>
      %ne3A_1351 = arith.cmpi ne, %get3A_1348, %ne3A_1350 : vector<16xi32>
      %mul3A_1352 = arith.constant 16 : i32
      %mul3A_1353 = arith.muli %mul3A_1352, %scan3A_1341 : i32
      %add3A_1354 = vector.broadcast %mul3A_1353 : i32 to vector<16xi32>
      %add3A_1355 = arith.addi %iota3A, %add3A_1354 : vector<16xi32>
      %swap3A_1356 = arith.index_cast %scan3A_1342 : i32 to index
      %swap3A_1357 = tpu.vector_load %arg7[%swap3A_1356] masked %ne3A_1351 {strides = array<i32>} : memref<1040xi32, #tpu.memory_space<vmem>>, vector<16xi32>, vector<16xi1>
      tpu.vector_store %arg7[%swap3A_1356], %add3A_1355 masked %ne3A_1351 {strides = array<i32>} : memref<1040xi32, #tpu.memory_space<vmem>>, vector<16xi32>, vector<16xi1>
      %jit3A_1358 = arith.constant 1 : i32
      %jit3A_1359 = arith.constant 0 : i32
      %broadcast_in_dim3A_1360 = vector.broadcast %jit3A_1358 : i32 to vector<16xi32>
      %broadcast_in_dim3A_1361 = vector.broadcast %jit3A_1359 : i32 to vector<16xi32>
      %select_n3A_1362 = arith.select %ne3A_1351, %broadcast_in_dim3A_1360, %broadcast_in_dim3A_1361 : vector<16xi1>, vector<16xi32>
      %reduce_sum3A = arith.constant true
      %reduce_sum3A_1363 = vector.broadcast %reduce_sum3A : i1 to vector<16xi1>
      %reduce_sum3A_1364 = tpu.scan <sum>, %select_n3A_1362 masked %reduce_sum3A_1363 : vector<16xi32>, vector<16xi1> -> vector<16xi32>
      %reduce_sum3A_1365 = vector.extract %reduce_sum3A_1364[15] : i32 from vector<16xi32>
      %add3A_1366 = arith.addi %scan3A_1342, %reduce_sum3A_1365 : i32
      scf.yield %add3A_1366 : i32
    }
    %scan3A_1269 = arith.constant 32 : i32
    %while3A = arith.constant 0 : i32
    %while3A_1270 = arith.constant 0 : i32
    %while3A_1271:2 = scf.while (%while3A_1341 = %while3A, %while3A_1342 = %while3A_1270) : (i32, i32) -> (i32, i32) {
      %lt3A_1343 = arith.cmpi slt, %while3A_1341, %scan3A_1262 : i32
      %le3A = arith.constant 110 : i32
      %le3A_1344 = arith.cmpi sle, %while3A_1342, %le3A : i32
      %and3A_1345 = arith.andi %lt3A_1343, %le3A_1344 : i1
      scf.condition(%and3A_1345) %while3A_1341, %while3A_1342 : i32, i32
    } do {
    ^bb0(%while3A_1341: i32, %while3A_1342: i32):
      %and3A_1343 = arith.constant -16 : i32
      %and3A_1344 = arith.andi %while3A_1341, %and3A_1343 : i32
      %and3A_1345 = arith.constant 15 : i32
      %and3A_1346 = arith.andi %while3A_1341, %and3A_1345 : i32
      %get3A_1347 = arith.index_cast %and3A_1344 : i32 to index
      %get3A_1348 = tpu.vector_load %arg7[%get3A_1347] {strides = array<i32>} : memref<1040xi32, #tpu.memory_space<vmem>>, vector<16xi32>,
      %eq3A_1349 = vector.broadcast %and3A_1346 : i32 to vector<16xi32>
      %eq3A_1350 = arith.cmpi eq, %iota3A, %eq3A_1349 : vector<16xi32>
      %jit3A_1351 = arith.constant 0 : i32
      %broadcast_in_dim3A_1352 = vector.broadcast %jit3A_1351 : i32 to vector<16xi32>
      %select_n3A_1353 = arith.select %eq3A_1350, %get3A_1348, %broadcast_in_dim3A_1352 : vector<16xi1>, vector<16xi32>
      %reduce_sum3A = arith.constant true
      %reduce_sum3A_1354 = vector.broadcast %reduce_sum3A : i1 to vector<16xi1>
      %reduce_sum3A_1355 = tpu.scan <sum>, %select_n3A_1353 masked %reduce_sum3A_1354 : vector<16xi32>, vector<16xi1> -> vector<16xi32>
      %reduce_sum3A_1356 = vector.extract %reduce_sum3A_1355[15] : i32 from vector<16xi32>
      %broadcast_in_dim3A_1357 = vector.broadcast %reduce_sum3A_1356 : i32 to vector<16xi32>
      %gather3A = tpu.vector_load_idx %arg5[%iota3A, %broadcast_in_dim3A_1357] : memref<18x1024xi32, #tpu.memory_space<vmem>>[vector<16xi32>, vector<16xi32>], vector<16xi32>,
      %ne3A_1358 = arith.constant 16384 : i32
      %ne3A_1359 = vector.broadcast %ne3A_1358 : i32 to vector<16xi32>
      %ne3A_1360 = arith.cmpi ne, %gather3A, %ne3A_1359 : vector<16xi32>
      %add3A_1361 = arith.constant 16 : i32
      %add3A_1362 = vector.broadcast %add3A_1361 : i32 to vector<16xi32>
      %add3A_1363 = arith.addi %iota3A, %add3A_1362 : vector<16xi32>
      %min3A = arith.constant 17 : i32
      %min3A_1364 = vector.broadcast %min3A : i32 to vector<16xi32>
      %min3A_1365 = arith.minsi %add3A_1363, %min3A_1364 : vector<16xi32>
      %gather3A_1366 = tpu.vector_load_idx %arg5[%min3A_1365, %broadcast_in_dim3A_1357] : memref<18x1024xi32, #tpu.memory_space<vmem>>[vector<16xi32>, vector<16xi32>], vector<16xi32>,
      %ne3A_1367 = arith.constant 16384 : i32
      %ne3A_1368 = vector.broadcast %ne3A_1367 : i32 to vector<16xi32>
      %ne3A_1369 = arith.cmpi ne, %gather3A_1366, %ne3A_1368 : vector<16xi32>
      %lt3A_1370 = arith.constant 2 : i32
      %lt3A_1371 = vector.broadcast %lt3A_1370 : i32 to vector<16xi32>
      %lt3A_1372 = arith.cmpi slt, %iota3A, %lt3A_1371 : vector<16xi32>
      %and3A_1373 = arith.andi %ne3A_1369, %lt3A_1372 : vector<16xi1>
      %jit3A_1374 = arith.constant 1 : i32
      %jit3A_1375 = arith.constant 0 : i32
      %broadcast_in_dim3A_1376 = vector.broadcast %jit3A_1374 : i32 to vector<16xi32>
      %broadcast_in_dim3A_1377 = vector.broadcast %jit3A_1375 : i32 to vector<16xi32>
      %select_n3A_1378 = arith.select %ne3A_1360, %broadcast_in_dim3A_1376, %broadcast_in_dim3A_1377 : vector<16xi1>, vector<16xi32>
      %reduce_sum3A_1379 = arith.constant true
      %reduce_sum3A_1380 = vector.broadcast %reduce_sum3A_1379 : i1 to vector<16xi1>
      %reduce_sum3A_1381 = tpu.scan <sum>, %select_n3A_1378 masked %reduce_sum3A_1380 : vector<16xi32>, vector<16xi1> -> vector<16xi32>
      %reduce_sum3A_1382 = vector.extract %reduce_sum3A_1381[15] : i32 from vector<16xi32>
      %jit3A_1383 = arith.constant 1 : i32
      %jit3A_1384 = arith.constant 0 : i32
      %broadcast_in_dim3A_1385 = vector.broadcast %jit3A_1383 : i32 to vector<16xi32>
      %broadcast_in_dim3A_1386 = vector.broadcast %jit3A_1384 : i32 to vector<16xi32>
      %select_n3A_1387 = arith.select %and3A_1373, %broadcast_in_dim3A_1385, %broadcast_in_dim3A_1386 : vector<16xi1>, vector<16xi32>
      %reduce_sum3A_1388 = arith.constant true
      %reduce_sum3A_1389 = vector.broadcast %reduce_sum3A_1388 : i1 to vector<16xi1>
      %reduce_sum3A_1390 = tpu.scan <sum>, %select_n3A_1387 masked %reduce_sum3A_1389 : vector<16xi32>, vector<16xi1> -> vector<16xi32>
      %reduce_sum3A_1391 = vector.extract %reduce_sum3A_1390[15] : i32 from vector<16xi32>
      %while3A_1392 = arith.constant 0 : i32
      %while3A_1393 = arith.constant 0 : i32
      %while3A_1394 = arith.subi %reduce_sum3A_1382, %while3A_1393 : i32
      %while3A_1395 = arith.addi %while3A_1393, %while3A_1394 : i32
      %while3A_1396 = arith.constant 1 : i32
      %while3A_1397 = arith.divsi %while3A_1394, %while3A_1396 : i32
      %while3A_1398 = arith.muli %while3A_1397, %while3A_1396 : i32
      %while3A_1399 = arith.addi %while3A_1393, %while3A_1398 : i32
      %while3A_1400 = arith.constant 1 : i32
      scf.for %while3A_1416 = %while3A_1393 to %while3A_1399 step %while3A_1400  : i32 {
        %eq3A_1417 = vector.broadcast %while3A_1416 : i32 to vector<16xi32>
        %eq3A_1418 = arith.cmpi eq, %iota3A, %eq3A_1417 : vector<16xi32>
        %jit3A_1419 = arith.constant 0 : i32
        %broadcast_in_dim3A_1420 = vector.broadcast %jit3A_1419 : i32 to vector<16xi32>
        %select_n3A_1421 = arith.select %eq3A_1418, %gather3A, %broadcast_in_dim3A_1420 : vector<16xi1>, vector<16xi32>
        %reduce_sum3A_1422 = arith.constant true
        %reduce_sum3A_1423 = vector.broadcast %reduce_sum3A_1422 : i1 to vector<16xi1>
        %reduce_sum3A_1424 = tpu.scan <sum>, %select_n3A_1421 masked %reduce_sum3A_1423 : vector<16xi32>, vector<16xi1> -> vector<16xi32>
        %reduce_sum3A_1425 = vector.extract %reduce_sum3A_1424[15] : i32 from vector<16xi32>
        %add3A_1426 = arith.addi %while3A_1342, %while3A_1416 : i32
        %dma_start3A_1427 = arith.constant 0 : i32
        %dma_start3A_1428 = tpu.memref_slice %arg8[%add3A_1426, %dma_start3A_1427] : memref<128x64xf32, #tpu.memory_space<vmem>> -> memref<1x64xf32, #tpu.memory_space<vmem>>
        %dma_start3A_1429 = arith.constant 0 : i32
        %dma_start3A_1430 = tpu.memref_slice %arg2[%while3A_1416, %reduce_sum3A_1425, %dma_start3A_1429] : memref<18x16385x64xf32, #tpu.memory_space<hbm>> -> memref<1x1x64xf32, #tpu.memory_space<hbm>>
        %dma_start3A_1431 = tpu.memref_squeeze %dma_start3A_1430 : memref<1x1x64xf32, #tpu.memory_space<hbm>> -> memref<1x64xf32, #tpu.memory_space<hbm>>
        %dma_start3A_1432 = arith.constant 0 : i32
        %dma_start3A_1433 = tpu.memref_slice %arg8[%add3A_1426, %dma_start3A_1432] : memref<128x64xf32, #tpu.memory_space<vmem>> -> memref<1x64xf32, #tpu.memory_space<vmem>>
        %dma_start3A_1434 = arith.constant 0 : i32
        %dma_start3A_1435 = tpu.memref_slice %arg2[%while3A_1416, %reduce_sum3A_1425, %dma_start3A_1434] : memref<18x16385x64xf32, #tpu.memory_space<hbm>> -> memref<1x1x64xf32, #tpu.memory_space<hbm>>
        %dma_start3A_1436 = tpu.memref_squeeze %dma_start3A_1435 : memref<1x1x64xf32, #tpu.memory_space<hbm>> -> memref<1x64xf32, #tpu.memory_space<hbm>>
        tpu.enqueue_dma source(%dma_start3A_1436 : memref<1x64xf32, #tpu.memory_space<hbm>>) target(%dma_start3A_1433 : memref<1x64xf32, #tpu.memory_space<vmem>>) target_semaphore(%arg15 : memref<!tpu.dma_semaphore, #tpu.memory_space<semaphore_mem>>)
      }
      %while3A_1401 = arith.constant 1 : i32
      scf.for %while3A_1416 = %while3A_1399 to %while3A_1395 step %while3A_1401  : i32 {
        %eq3A_1417 = vector.broadcast %while3A_1416 : i32 to vector<16xi32>
        %eq3A_1418 = arith.cmpi eq, %iota3A, %eq3A_1417 : vector<16xi32>
        %jit3A_1419 = arith.constant 0 : i32
        %broadcast_in_dim3A_1420 = vector.broadcast %jit3A_1419 : i32 to vector<16xi32>
        %select_n3A_1421 = arith.select %eq3A_1418, %gather3A, %broadcast_in_dim3A_1420 : vector<16xi1>, vector<16xi32>
        %reduce_sum3A_1422 = arith.constant true
        %reduce_sum3A_1423 = vector.broadcast %reduce_sum3A_1422 : i1 to vector<16xi1>
        %reduce_sum3A_1424 = tpu.scan <sum>, %select_n3A_1421 masked %reduce_sum3A_1423 : vector<16xi32>, vector<16xi1> -> vector<16xi32>
        %reduce_sum3A_1425 = vector.extract %reduce_sum3A_1424[15] : i32 from vector<16xi32>
        %add3A_1426 = arith.addi %while3A_1342, %while3A_1416 : i32
        %dma_start3A_1427 = arith.constant 0 : i32
        %dma_start3A_1428 = tpu.memref_slice %arg8[%add3A_1426, %dma_start3A_1427] : memref<128x64xf32, #tpu.memory_space<vmem>> -> memref<1x64xf32, #tpu.memory_space<vmem>>
        %dma_start3A_1429 = arith.constant 0 : i32
        %dma_start3A_1430 = tpu.memref_slice %arg2[%while3A_1416, %reduce_sum3A_1425, %dma_start3A_1429] : memref<18x16385x64xf32, #tpu.memory_space<hbm>> -> memref<1x1x64xf32, #tpu.memory_space<hbm>>
        %dma_start3A_1431 = tpu.memref_squeeze %dma_start3A_1430 : memref<1x1x64xf32, #tpu.memory_space<hbm>> -> memref<1x64xf32, #tpu.memory_space<hbm>>
        %dma_start3A_1432 = arith.constant 0 : i32
        %dma_start3A_1433 = tpu.memref_slice %arg8[%add3A_1426, %dma_start3A_1432] : memref<128x64xf32, #tpu.memory_space<vmem>> -> memref<1x64xf32, #tpu.memory_space<vmem>>
        %dma_start3A_1434 = arith.constant 0 : i32
        %dma_start3A_1435 = tpu.memref_slice %arg2[%while3A_1416, %reduce_sum3A_1425, %dma_start3A_1434] : memref<18x16385x64xf32, #tpu.memory_space<hbm>> -> memref<1x1x64xf32, #tpu.memory_space<hbm>>
        %dma_start3A_1436 = tpu.memref_squeeze %dma_start3A_1435 : memref<1x1x64xf32, #tpu.memory_space<hbm>> -> memref<1x64xf32, #tpu.memory_space<hbm>>
        tpu.enqueue_dma source(%dma_start3A_1436 : memref<1x64xf32, #tpu.memory_space<hbm>>) target(%dma_start3A_1433 : memref<1x64xf32, #tpu.memory_space<vmem>>) target_semaphore(%arg15 : memref<!tpu.dma_semaphore, #tpu.memory_space<semaphore_mem>>)
      }
      %while3A_1402 = arith.constant 0 : i32
      %while3A_1403 = arith.constant 0 : i32
      %while3A_1404 = arith.subi %reduce_sum3A_1391, %while3A_1403 : i32
      %while3A_1405 = arith.addi %while3A_1403, %while3A_1404 : i32
      %while3A_1406 = arith.constant 1 : i32
      %while3A_1407 = arith.divsi %while3A_1404, %while3A_1406 : i32
      %while3A_1408 = arith.muli %while3A_1407, %while3A_1406 : i32
      %while3A_1409 = arith.addi %while3A_1403, %while3A_1408 : i32
      %while3A_1410 = arith.constant 1 : i32
      scf.for %while3A_1416 = %while3A_1403 to %while3A_1409 step %while3A_1410  : i32 {
        %eq3A_1417 = vector.broadcast %while3A_1416 : i32 to vector<16xi32>
        %eq3A_1418 = arith.cmpi eq, %iota3A, %eq3A_1417 : vector<16xi32>
        %jit3A_1419 = arith.constant 0 : i32
        %broadcast_in_dim3A_1420 = vector.broadcast %jit3A_1419 : i32 to vector<16xi32>
        %select_n3A_1421 = arith.select %eq3A_1418, %gather3A_1366, %broadcast_in_dim3A_1420 : vector<16xi1>, vector<16xi32>
        %reduce_sum3A_1422 = arith.constant true
        %reduce_sum3A_1423 = vector.broadcast %reduce_sum3A_1422 : i1 to vector<16xi1>
        %reduce_sum3A_1424 = tpu.scan <sum>, %select_n3A_1421 masked %reduce_sum3A_1423 : vector<16xi32>, vector<16xi1> -> vector<16xi32>
        %reduce_sum3A_1425 = vector.extract %reduce_sum3A_1424[15] : i32 from vector<16xi32>
        %add3A_1426 = arith.constant 16 : i32
        %add3A_1427 = arith.addi %add3A_1426, %while3A_1416 : i32
        %add3A_1428 = arith.addi %while3A_1342, %reduce_sum3A_1382 : i32
        %add3A_1429 = arith.addi %add3A_1428, %while3A_1416 : i32
        %dma_start3A_1430 = arith.constant 0 : i32
        %dma_start3A_1431 = tpu.memref_slice %arg8[%add3A_1429, %dma_start3A_1430] : memref<128x64xf32, #tpu.memory_space<vmem>> -> memref<1x64xf32, #tpu.memory_space<vmem>>
        %dma_start3A_1432 = arith.constant 0 : i32
        %dma_start3A_1433 = tpu.memref_slice %arg2[%add3A_1427, %reduce_sum3A_1425, %dma_start3A_1432] : memref<18x16385x64xf32, #tpu.memory_space<hbm>> -> memref<1x1x64xf32, #tpu.memory_space<hbm>>
        %dma_start3A_1434 = tpu.memref_squeeze %dma_start3A_1433 : memref<1x1x64xf32, #tpu.memory_space<hbm>> -> memref<1x64xf32, #tpu.memory_space<hbm>>
        %dma_start3A_1435 = arith.constant 0 : i32
        %dma_start3A_1436 = tpu.memref_slice %arg8[%add3A_1429, %dma_start3A_1435] : memref<128x64xf32, #tpu.memory_space<vmem>> -> memref<1x64xf32, #tpu.memory_space<vmem>>
        %dma_start3A_1437 = arith.constant 0 : i32
        %dma_start3A_1438 = tpu.memref_slice %arg2[%add3A_1427, %reduce_sum3A_1425, %dma_start3A_1437] : memref<18x16385x64xf32, #tpu.memory_space<hbm>> -> memref<1x1x64xf32, #tpu.memory_space<hbm>>
        %dma_start3A_1439 = tpu.memref_squeeze %dma_start3A_1438 : memref<1x1x64xf32, #tpu.memory_space<hbm>> -> memref<1x64xf32, #tpu.memory_space<hbm>>
        tpu.enqueue_dma source(%dma_start3A_1439 : memref<1x64xf32, #tpu.memory_space<hbm>>) target(%dma_start3A_1436 : memref<1x64xf32, #tpu.memory_space<vmem>>) target_semaphore(%arg15 : memref<!tpu.dma_semaphore, #tpu.memory_space<semaphore_mem>>)
      }
      %while3A_1411 = arith.constant 1 : i32
      scf.for %while3A_1416 = %while3A_1409 to %while3A_1405 step %while3A_1411  : i32 {
        %eq3A_1417 = vector.broadcast %while3A_1416 : i32 to vector<16xi32>
        %eq3A_1418 = arith.cmpi eq, %iota3A, %eq3A_1417 : vector<16xi32>
        %jit3A_1419 = arith.constant 0 : i32
        %broadcast_in_dim3A_1420 = vector.broadcast %jit3A_1419 : i32 to vector<16xi32>
        %select_n3A_1421 = arith.select %eq3A_1418, %gather3A_1366, %broadcast_in_dim3A_1420 : vector<16xi1>, vector<16xi32>
        %reduce_sum3A_1422 = arith.constant true
        %reduce_sum3A_1423 = vector.broadcast %reduce_sum3A_1422 : i1 to vector<16xi1>
        %reduce_sum3A_1424 = tpu.scan <sum>, %select_n3A_1421 masked %reduce_sum3A_1423 : vector<16xi32>, vector<16xi1> -> vector<16xi32>
        %reduce_sum3A_1425 = vector.extract %reduce_sum3A_1424[15] : i32 from vector<16xi32>
        %add3A_1426 = arith.constant 16 : i32
        %add3A_1427 = arith.addi %add3A_1426, %while3A_1416 : i32
        %add3A_1428 = arith.addi %while3A_1342, %reduce_sum3A_1382 : i32
        %add3A_1429 = arith.addi %add3A_1428, %while3A_1416 : i32
        %dma_start3A_1430 = arith.constant 0 : i32
        %dma_start3A_1431 = tpu.memref_slice %arg8[%add3A_1429, %dma_start3A_1430] : memref<128x64xf32, #tpu.memory_space<vmem>> -> memref<1x64xf32, #tpu.memory_space<vmem>>
        %dma_start3A_1432 = arith.constant 0 : i32
        %dma_start3A_1433 = tpu.memref_slice %arg2[%add3A_1427, %reduce_sum3A_1425, %dma_start3A_1432] : memref<18x16385x64xf32, #tpu.memory_space<hbm>> -> memref<1x1x64xf32, #tpu.memory_space<hbm>>
        %dma_start3A_1434 = tpu.memref_squeeze %dma_start3A_1433 : memref<1x1x64xf32, #tpu.memory_space<hbm>> -> memref<1x64xf32, #tpu.memory_space<hbm>>
        %dma_start3A_1435 = arith.constant 0 : i32
        %dma_start3A_1436 = tpu.memref_slice %arg8[%add3A_1429, %dma_start3A_1435] : memref<128x64xf32, #tpu.memory_space<vmem>> -> memref<1x64xf32, #tpu.memory_space<vmem>>
        %dma_start3A_1437 = arith.constant 0 : i32
        %dma_start3A_1438 = tpu.memref_slice %arg2[%add3A_1427, %reduce_sum3A_1425, %dma_start3A_1437] : memref<18x16385x64xf32, #tpu.memory_space<hbm>> -> memref<1x1x64xf32, #tpu.memory_space<hbm>>
        %dma_start3A_1439 = tpu.memref_squeeze %dma_start3A_1438 : memref<1x1x64xf32, #tpu.memory_space<hbm>> -> memref<1x64xf32, #tpu.memory_space<hbm>>
        tpu.enqueue_dma source(%dma_start3A_1439 : memref<1x64xf32, #tpu.memory_space<hbm>>) target(%dma_start3A_1436 : memref<1x64xf32, #tpu.memory_space<vmem>>) target_semaphore(%arg15 : memref<!tpu.dma_semaphore, #tpu.memory_space<semaphore_mem>>)
      }
      %add3A_1412 = arith.constant 1 : i32
      %add3A_1413 = arith.addi %while3A_1341, %add3A_1412 : i32
      %add3A_1414 = arith.addi %while3A_1342, %reduce_sum3A_1382 : i32
      %add3A_1415 = arith.addi %add3A_1414, %reduce_sum3A_1391 : i32
      scf.yield %add3A_1413, %add3A_1415 : i32, i32
    }
    %while3A_1272 = arith.constant 0 : i32
    %while3A_1273:2 = scf.while (%while3A_1341 = %scan3A_1262, %while3A_1342 = %while3A_1272) : (i32, i32) -> (i32, i32) {
      %lt3A_1343 = arith.cmpi slt, %while3A_1341, %scan3A_1268 : i32
      %le3A = arith.constant 110 : i32
      %le3A_1344 = arith.cmpi sle, %while3A_1342, %le3A : i32
      %and3A_1345 = arith.andi %lt3A_1343, %le3A_1344 : i1
      scf.condition(%and3A_1345) %while3A_1341, %while3A_1342 : i32, i32
    } do {
    ^bb0(%while3A_1341: i32, %while3A_1342: i32):
      %and3A_1343 = arith.constant -16 : i32
      %and3A_1344 = arith.andi %while3A_1341, %and3A_1343 : i32
      %and3A_1345 = arith.constant 15 : i32
      %and3A_1346 = arith.andi %while3A_1341, %and3A_1345 : i32
      %get3A_1347 = arith.index_cast %and3A_1344 : i32 to index
      %get3A_1348 = tpu.vector_load %arg7[%get3A_1347] {strides = array<i32>} : memref<1040xi32, #tpu.memory_space<vmem>>, vector<16xi32>,
      %eq3A_1349 = vector.broadcast %and3A_1346 : i32 to vector<16xi32>
      %eq3A_1350 = arith.cmpi eq, %iota3A, %eq3A_1349 : vector<16xi32>
      %jit3A_1351 = arith.constant 0 : i32
      %broadcast_in_dim3A_1352 = vector.broadcast %jit3A_1351 : i32 to vector<16xi32>
      %select_n3A_1353 = arith.select %eq3A_1350, %get3A_1348, %broadcast_in_dim3A_1352 : vector<16xi1>, vector<16xi32>
      %reduce_sum3A = arith.constant true
      %reduce_sum3A_1354 = vector.broadcast %reduce_sum3A : i1 to vector<16xi1>
      %reduce_sum3A_1355 = tpu.scan <sum>, %select_n3A_1353 masked %reduce_sum3A_1354 : vector<16xi32>, vector<16xi1> -> vector<16xi32>
      %reduce_sum3A_1356 = vector.extract %reduce_sum3A_1355[15] : i32 from vector<16xi32>
      %broadcast_in_dim3A_1357 = vector.broadcast %reduce_sum3A_1356 : i32 to vector<16xi32>
      %gather3A = tpu.vector_load_idx %arg5[%iota3A, %broadcast_in_dim3A_1357] : memref<18x1024xi32, #tpu.memory_space<vmem>>[vector<16xi32>, vector<16xi32>], vector<16xi32>,
      %ne3A_1358 = arith.constant 16384 : i32
      %ne3A_1359 = vector.broadcast %ne3A_1358 : i32 to vector<16xi32>
      %ne3A_1360 = arith.cmpi ne, %gather3A, %ne3A_1359 : vector<16xi32>
      %add3A_1361 = arith.constant 16 : i32
      %add3A_1362 = vector.broadcast %add3A_1361 : i32 to vector<16xi32>
      %add3A_1363 = arith.addi %iota3A, %add3A_1362 : vector<16xi32>
      %min3A = arith.constant 17 : i32
      %min3A_1364 = vector.broadcast %min3A : i32 to vector<16xi32>
      %min3A_1365 = arith.minsi %add3A_1363, %min3A_1364 : vector<16xi32>
      %gather3A_1366 = tpu.vector_load_idx %arg5[%min3A_1365, %broadcast_in_dim3A_1357] : memref<18x1024xi32, #tpu.memory_space<vmem>>[vector<16xi32>, vector<16xi32>], vector<16xi32>,
      %ne3A_1367 = arith.constant 16384 : i32
      %ne3A_1368 = vector.broadcast %ne3A_1367 : i32 to vector<16xi32>
      %ne3A_1369 = arith.cmpi ne, %gather3A_1366, %ne3A_1368 : vector<16xi32>
      %lt3A_1370 = arith.constant 2 : i32
      %lt3A_1371 = vector.broadcast %lt3A_1370 : i32 to vector<16xi32>
      %lt3A_1372 = arith.cmpi slt, %iota3A, %lt3A_1371 : vector<16xi32>
      %and3A_1373 = arith.andi %ne3A_1369, %lt3A_1372 : vector<16xi1>
      %jit3A_1374 = arith.constant 1 : i32
      %jit3A_1375 = arith.constant 0 : i32
      %broadcast_in_dim3A_1376 = vector.broadcast %jit3A_1374 : i32 to vector<16xi32>
      %broadcast_in_dim3A_1377 = vector.broadcast %jit3A_1375 : i32 to vector<16xi32>
      %select_n3A_1378 = arith.select %ne3A_1360, %broadcast_in_dim3A_1376, %broadcast_in_dim3A_1377 : vector<16xi1>, vector<16xi32>
      %reduce_sum3A_1379 = arith.constant true
      %reduce_sum3A_1380 = vector.broadcast %reduce_sum3A_1379 : i1 to vector<16xi1>
      %reduce_sum3A_1381 = tpu.scan <sum>, %select_n3A_1378 masked %reduce_sum3A_1380 : vector<16xi32>, vector<16xi1> -> vector<16xi32>
      %reduce_sum3A_1382 = vector.extract %reduce_sum3A_1381[15] : i32 from vector<16xi32>
      %jit3A_1383 = arith.constant 1 : i32
      %jit3A_1384 = arith.constant 0 : i32
      %broadcast_in_dim3A_1385 = vector.broadcast %jit3A_1383 : i32 to vector<16xi32>
      %broadcast_in_dim3A_1386 = vector.broadcast %jit3A_1384 : i32 to vector<16xi32>
      %select_n3A_1387 = arith.select %and3A_1373, %broadcast_in_dim3A_1385, %broadcast_in_dim3A_1386 : vector<16xi1>, vector<16xi32>
      %reduce_sum3A_1388 = arith.constant true
      %reduce_sum3A_1389 = vector.broadcast %reduce_sum3A_1388 : i1 to vector<16xi1>
      %reduce_sum3A_1390 = tpu.scan <sum>, %select_n3A_1387 masked %reduce_sum3A_1389 : vector<16xi32>, vector<16xi1> -> vector<16xi32>
      %reduce_sum3A_1391 = vector.extract %reduce_sum3A_1390[15] : i32 from vector<16xi32>
      %while3A_1392 = arith.constant 0 : i32
      %while3A_1393 = arith.constant 0 : i32
      %while3A_1394 = arith.subi %reduce_sum3A_1382, %while3A_1393 : i32
      %while3A_1395 = arith.addi %while3A_1393, %while3A_1394 : i32
      %while3A_1396 = arith.constant 1 : i32
      %while3A_1397 = arith.divsi %while3A_1394, %while3A_1396 : i32
      %while3A_1398 = arith.muli %while3A_1397, %while3A_1396 : i32
      %while3A_1399 = arith.addi %while3A_1393, %while3A_1398 : i32
      %while3A_1400 = arith.constant 1 : i32
      scf.for %while3A_1416 = %while3A_1393 to %while3A_1399 step %while3A_1400  : i32 {
        %eq3A_1417 = vector.broadcast %while3A_1416 : i32 to vector<16xi32>
        %eq3A_1418 = arith.cmpi eq, %iota3A, %eq3A_1417 : vector<16xi32>
        %jit3A_1419 = arith.constant 0 : i32
        %broadcast_in_dim3A_1420 = vector.broadcast %jit3A_1419 : i32 to vector<16xi32>
        %select_n3A_1421 = arith.select %eq3A_1418, %gather3A, %broadcast_in_dim3A_1420 : vector<16xi1>, vector<16xi32>
        %reduce_sum3A_1422 = arith.constant true
        %reduce_sum3A_1423 = vector.broadcast %reduce_sum3A_1422 : i1 to vector<16xi1>
        %reduce_sum3A_1424 = tpu.scan <sum>, %select_n3A_1421 masked %reduce_sum3A_1423 : vector<16xi32>, vector<16xi1> -> vector<16xi32>
        %reduce_sum3A_1425 = vector.extract %reduce_sum3A_1424[15] : i32 from vector<16xi32>
        %add3A_1426 = arith.addi %while3A_1342, %while3A_1416 : i32
        %dma_start3A_1427 = arith.constant 0 : i32
        %dma_start3A_1428 = tpu.memref_slice %arg9[%add3A_1426, %dma_start3A_1427] : memref<128x64xf32, #tpu.memory_space<vmem>> -> memref<1x64xf32, #tpu.memory_space<vmem>>
        %dma_start3A_1429 = arith.constant 0 : i32
        %dma_start3A_1430 = tpu.memref_slice %arg2[%while3A_1416, %reduce_sum3A_1425, %dma_start3A_1429] : memref<18x16385x64xf32, #tpu.memory_space<hbm>> -> memref<1x1x64xf32, #tpu.memory_space<hbm>>
        %dma_start3A_1431 = tpu.memref_squeeze %dma_start3A_1430 : memref<1x1x64xf32, #tpu.memory_space<hbm>> -> memref<1x64xf32, #tpu.memory_space<hbm>>
        %dma_start3A_1432 = arith.constant 0 : i32
        %dma_start3A_1433 = tpu.memref_slice %arg9[%add3A_1426, %dma_start3A_1432] : memref<128x64xf32, #tpu.memory_space<vmem>> -> memref<1x64xf32, #tpu.memory_space<vmem>>
        %dma_start3A_1434 = arith.constant 0 : i32
        %dma_start3A_1435 = tpu.memref_slice %arg2[%while3A_1416, %reduce_sum3A_1425, %dma_start3A_1434] : memref<18x16385x64xf32, #tpu.memory_space<hbm>> -> memref<1x1x64xf32, #tpu.memory_space<hbm>>
        %dma_start3A_1436 = tpu.memref_squeeze %dma_start3A_1435 : memref<1x1x64xf32, #tpu.memory_space<hbm>> -> memref<1x64xf32, #tpu.memory_space<hbm>>
        tpu.enqueue_dma source(%dma_start3A_1436 : memref<1x64xf32, #tpu.memory_space<hbm>>) target(%dma_start3A_1433 : memref<1x64xf32, #tpu.memory_space<vmem>>) target_semaphore(%arg16 : memref<!tpu.dma_semaphore, #tpu.memory_space<semaphore_mem>>)
      }
      %while3A_1401 = arith.constant 1 : i32
      scf.for %while3A_1416 = %while3A_1399 to %while3A_1395 step %while3A_1401  : i32 {
        %eq3A_1417 = vector.broadcast %while3A_1416 : i32 to vector<16xi32>
        %eq3A_1418 = arith.cmpi eq, %iota3A, %eq3A_1417 : vector<16xi32>
        %jit3A_1419 = arith.constant 0 : i32
        %broadcast_in_dim3A_1420 = vector.broadcast %jit3A_1419 : i32 to vector<16xi32>
        %select_n3A_1421 = arith.select %eq3A_1418, %gather3A, %broadcast_in_dim3A_1420 : vector<16xi1>, vector<16xi32>
        %reduce_sum3A_1422 = arith.constant true
        %reduce_sum3A_1423 = vector.broadcast %reduce_sum3A_1422 : i1 to vector<16xi1>
        %reduce_sum3A_1424 = tpu.scan <sum>, %select_n3A_1421 masked %reduce_sum3A_1423 : vector<16xi32>, vector<16xi1> -> vector<16xi32>
        %reduce_sum3A_1425 = vector.extract %reduce_sum3A_1424[15] : i32 from vector<16xi32>
        %add3A_1426 = arith.addi %while3A_1342, %while3A_1416 : i32
        %dma_start3A_1427 = arith.constant 0 : i32
        %dma_start3A_1428 = tpu.memref_slice %arg9[%add3A_1426, %dma_start3A_1427] : memref<128x64xf32, #tpu.memory_space<vmem>> -> memref<1x64xf32, #tpu.memory_space<vmem>>
        %dma_start3A_1429 = arith.constant 0 : i32
        %dma_start3A_1430 = tpu.memref_slice %arg2[%while3A_1416, %reduce_sum3A_1425, %dma_start3A_1429] : memref<18x16385x64xf32, #tpu.memory_space<hbm>> -> memref<1x1x64xf32, #tpu.memory_space<hbm>>
        %dma_start3A_1431 = tpu.memref_squeeze %dma_start3A_1430 : memref<1x1x64xf32, #tpu.memory_space<hbm>> -> memref<1x64xf32, #tpu.memory_space<hbm>>
        %dma_start3A_1432 = arith.constant 0 : i32
        %dma_start3A_1433 = tpu.memref_slice %arg9[%add3A_1426, %dma_start3A_1432] : memref<128x64xf32, #tpu.memory_space<vmem>> -> memref<1x64xf32, #tpu.memory_space<vmem>>
        %dma_start3A_1434 = arith.constant 0 : i32
        %dma_start3A_1435 = tpu.memref_slice %arg2[%while3A_1416, %reduce_sum3A_1425, %dma_start3A_1434] : memref<18x16385x64xf32, #tpu.memory_space<hbm>> -> memref<1x1x64xf32, #tpu.memory_space<hbm>>
        %dma_start3A_1436 = tpu.memref_squeeze %dma_start3A_1435 : memref<1x1x64xf32, #tpu.memory_space<hbm>> -> memref<1x64xf32, #tpu.memory_space<hbm>>
        tpu.enqueue_dma source(%dma_start3A_1436 : memref<1x64xf32, #tpu.memory_space<hbm>>) target(%dma_start3A_1433 : memref<1x64xf32, #tpu.memory_space<vmem>>) target_semaphore(%arg16 : memref<!tpu.dma_semaphore, #tpu.memory_space<semaphore_mem>>)
      }
      %while3A_1402 = arith.constant 0 : i32
      %while3A_1403 = arith.constant 0 : i32
      %while3A_1404 = arith.subi %reduce_sum3A_1391, %while3A_1403 : i32
      %while3A_1405 = arith.addi %while3A_1403, %while3A_1404 : i32
      %while3A_1406 = arith.constant 1 : i32
      %while3A_1407 = arith.divsi %while3A_1404, %while3A_1406 : i32
      %while3A_1408 = arith.muli %while3A_1407, %while3A_1406 : i32
      %while3A_1409 = arith.addi %while3A_1403, %while3A_1408 : i32
      %while3A_1410 = arith.constant 1 : i32
      scf.for %while3A_1416 = %while3A_1403 to %while3A_1409 step %while3A_1410  : i32 {
        %eq3A_1417 = vector.broadcast %while3A_1416 : i32 to vector<16xi32>
        %eq3A_1418 = arith.cmpi eq, %iota3A, %eq3A_1417 : vector<16xi32>
        %jit3A_1419 = arith.constant 0 : i32
        %broadcast_in_dim3A_1420 = vector.broadcast %jit3A_1419 : i32 to vector<16xi32>
        %select_n3A_1421 = arith.select %eq3A_1418, %gather3A_1366, %broadcast_in_dim3A_1420 : vector<16xi1>, vector<16xi32>
        %reduce_sum3A_1422 = arith.constant true
        %reduce_sum3A_1423 = vector.broadcast %reduce_sum3A_1422 : i1 to vector<16xi1>
        %reduce_sum3A_1424 = tpu.scan <sum>, %select_n3A_1421 masked %reduce_sum3A_1423 : vector<16xi32>, vector<16xi1> -> vector<16xi32>
        %reduce_sum3A_1425 = vector.extract %reduce_sum3A_1424[15] : i32 from vector<16xi32>
        %add3A_1426 = arith.constant 16 : i32
        %add3A_1427 = arith.addi %add3A_1426, %while3A_1416 : i32
        %add3A_1428 = arith.addi %while3A_1342, %reduce_sum3A_1382 : i32
        %add3A_1429 = arith.addi %add3A_1428, %while3A_1416 : i32
        %dma_start3A_1430 = arith.constant 0 : i32
        %dma_start3A_1431 = tpu.memref_slice %arg9[%add3A_1429, %dma_start3A_1430] : memref<128x64xf32, #tpu.memory_space<vmem>> -> memref<1x64xf32, #tpu.memory_space<vmem>>
        %dma_start3A_1432 = arith.constant 0 : i32
        %dma_start3A_1433 = tpu.memref_slice %arg2[%add3A_1427, %reduce_sum3A_1425, %dma_start3A_1432] : memref<18x16385x64xf32, #tpu.memory_space<hbm>> -> memref<1x1x64xf32, #tpu.memory_space<hbm>>
        %dma_start3A_1434 = tpu.memref_squeeze %dma_start3A_1433 : memref<1x1x64xf32, #tpu.memory_space<hbm>> -> memref<1x64xf32, #tpu.memory_space<hbm>>
        %dma_start3A_1435 = arith.constant 0 : i32
        %dma_start3A_1436 = tpu.memref_slice %arg9[%add3A_1429, %dma_start3A_1435] : memref<128x64xf32, #tpu.memory_space<vmem>> -> memref<1x64xf32, #tpu.memory_space<vmem>>
        %dma_start3A_1437 = arith.constant 0 : i32
        %dma_start3A_1438 = tpu.memref_slice %arg2[%add3A_1427, %reduce_sum3A_1425, %dma_start3A_1437] : memref<18x16385x64xf32, #tpu.memory_space<hbm>> -> memref<1x1x64xf32, #tpu.memory_space<hbm>>
        %dma_start3A_1439 = tpu.memref_squeeze %dma_start3A_1438 : memref<1x1x64xf32, #tpu.memory_space<hbm>> -> memref<1x64xf32, #tpu.memory_space<hbm>>
        tpu.enqueue_dma source(%dma_start3A_1439 : memref<1x64xf32, #tpu.memory_space<hbm>>) target(%dma_start3A_1436 : memref<1x64xf32, #tpu.memory_space<vmem>>) target_semaphore(%arg16 : memref<!tpu.dma_semaphore, #tpu.memory_space<semaphore_mem>>)
      }
      %while3A_1411 = arith.constant 1 : i32
      scf.for %while3A_1416 = %while3A_1409 to %while3A_1405 step %while3A_1411  : i32 {
        %eq3A_1417 = vector.broadcast %while3A_1416 : i32 to vector<16xi32>
        %eq3A_1418 = arith.cmpi eq, %iota3A, %eq3A_1417 : vector<16xi32>
        %jit3A_1419 = arith.constant 0 : i32
        %broadcast_in_dim3A_1420 = vector.broadcast %jit3A_1419 : i32 to vector<16xi32>
        %select_n3A_1421 = arith.select %eq3A_1418, %gather3A_1366, %broadcast_in_dim3A_1420 : vector<16xi1>, vector<16xi32>
        %reduce_sum3A_1422 = arith.constant true
        %reduce_sum3A_1423 = vector.broadcast %reduce_sum3A_1422 : i1 to vector<16xi1>
        %reduce_sum3A_1424 = tpu.scan <sum>, %select_n3A_1421 masked %reduce_sum3A_1423 : vector<16xi32>, vector<16xi1> -> vector<16xi32>
        %reduce_sum3A_1425 = vector.extract %reduce_sum3A_1424[15] : i32 from vector<16xi32>
        %add3A_1426 = arith.constant 16 : i32
        %add3A_1427 = arith.addi %add3A_1426, %while3A_1416 : i32
        %add3A_1428 = arith.addi %while3A_1342, %reduce_sum3A_1382 : i32
        %add3A_1429 = arith.addi %add3A_1428, %while3A_1416 : i32
        %dma_start3A_1430 = arith.constant 0 : i32
        %dma_start3A_1431 = tpu.memref_slice %arg9[%add3A_1429, %dma_start3A_1430] : memref<128x64xf32, #tpu.memory_space<vmem>> -> memref<1x64xf32, #tpu.memory_space<vmem>>
        %dma_start3A_1432 = arith.constant 0 : i32
        %dma_start3A_1433 = tpu.memref_slice %arg2[%add3A_1427, %reduce_sum3A_1425, %dma_start3A_1432] : memref<18x16385x64xf32, #tpu.memory_space<hbm>> -> memref<1x1x64xf32, #tpu.memory_space<hbm>>
        %dma_start3A_1434 = tpu.memref_squeeze %dma_start3A_1433 : memref<1x1x64xf32, #tpu.memory_space<hbm>> -> memref<1x64xf32, #tpu.memory_space<hbm>>
        %dma_start3A_1435 = arith.constant 0 : i32
        %dma_start3A_1436 = tpu.memref_slice %arg9[%add3A_1429, %dma_start3A_1435] : memref<128x64xf32, #tpu.memory_space<vmem>> -> memref<1x64xf32, #tpu.memory_space<vmem>>
        %dma_start3A_1437 = arith.constant 0 : i32
        %dma_start3A_1438 = tpu.memref_slice %arg2[%add3A_1427, %reduce_sum3A_1425, %dma_start3A_1437] : memref<18x16385x64xf32, #tpu.memory_space<hbm>> -> memref<1x1x64xf32, #tpu.memory_space<hbm>>
        %dma_start3A_1439 = tpu.memref_squeeze %dma_start3A_1438 : memref<1x1x64xf32, #tpu.memory_space<hbm>> -> memref<1x64xf32, #tpu.memory_space<hbm>>
        tpu.enqueue_dma source(%dma_start3A_1439 : memref<1x64xf32, #tpu.memory_space<hbm>>) target(%dma_start3A_1436 : memref<1x64xf32, #tpu.memory_space<vmem>>) target_semaphore(%arg16 : memref<!tpu.dma_semaphore, #tpu.memory_space<semaphore_mem>>)
      }
      %add3A_1412 = arith.constant 1 : i32
      %add3A_1413 = arith.addi %while3A_1341, %add3A_1412 : i32
      %add3A_1414 = arith.addi %while3A_1342, %reduce_sum3A_1382 : i32
      %add3A_1415 = arith.addi %add3A_1414, %reduce_sum3A_1391 : i32
      scf.yield %add3A_1413, %add3A_1415 : i32, i32
    }
    %scan3A_1274 = arith.constant 0 : i32
    %scan3A_1275 = arith.constant 0 : i32
    %scan3A_1276 = arith.constant 128 : i32
    %scan3A_1277 = arith.addi %scan3A_1275, %scan3A_1276 : i32
    %scan3A_1278 = arith.constant 1 : i32
    scf.for %scan3A_1341 = %scan3A_1275 to %scan3A_1277 step %scan3A_1278  : i32 {
      %mul3A_1342 = arith.constant 4 : i32
      %mul3A_1343 = arith.muli %scan3A_1341, %mul3A_1342 : i32
      %add3A_1344 = arith.constant 0 : i32
      %add3A_1345 = arith.addi %mul3A_1343, %add3A_1344 : i32
      %swap3A_1346 = arith.index_cast %add3A_1345 : i32 to index
      %swap3A_1347 = arith.constant 0 : index
      %swap3A_1348 = tpu.vector_load %arg6[%swap3A_1346, %swap3A_1347] {strides = array<i32>} : memref<512x64xf32, #tpu.memory_space<vmem>>, vector<16xf32>,
      tpu.vector_store %arg6[%swap3A_1346, %swap3A_1347], %mul3A_1236 {strides = array<i32>} : memref<512x64xf32, #tpu.memory_space<vmem>>, vector<16xf32>,
      %mul3A_1349 = arith.constant 4 : i32
      %mul3A_1350 = arith.muli %scan3A_1341, %mul3A_1349 : i32
      %add3A_1351 = arith.constant 0 : i32
      %add3A_1352 = arith.addi %mul3A_1350, %add3A_1351 : i32
      %swap3A_1353 = arith.index_cast %add3A_1352 : i32 to index
      %swap3A_1354 = arith.constant 16 : index
      %swap3A_1355 = tpu.vector_load %arg6[%swap3A_1353, %swap3A_1354] {strides = array<i32>} : memref<512x64xf32, #tpu.memory_space<vmem>>, vector<16xf32>,
      tpu.vector_store %arg6[%swap3A_1353, %swap3A_1354], %mul3A_1241 {strides = array<i32>} : memref<512x64xf32, #tpu.memory_space<vmem>>, vector<16xf32>,
      %mul3A_1356 = arith.constant 4 : i32
      %mul3A_1357 = arith.muli %scan3A_1341, %mul3A_1356 : i32
      %add3A_1358 = arith.constant 0 : i32
      %add3A_1359 = arith.addi %mul3A_1357, %add3A_1358 : i32
      %swap3A_1360 = arith.index_cast %add3A_1359 : i32 to index
      %swap3A_1361 = arith.constant 32 : index
      %swap3A_1362 = tpu.vector_load %arg6[%swap3A_1360, %swap3A_1361] {strides = array<i32>} : memref<512x64xf32, #tpu.memory_space<vmem>>, vector<16xf32>,
      tpu.vector_store %arg6[%swap3A_1360, %swap3A_1361], %mul3A_1246 {strides = array<i32>} : memref<512x64xf32, #tpu.memory_space<vmem>>, vector<16xf32>,
      %mul3A_1363 = arith.constant 4 : i32
      %mul3A_1364 = arith.muli %scan3A_1341, %mul3A_1363 : i32
      %add3A_1365 = arith.constant 0 : i32
      %add3A_1366 = arith.addi %mul3A_1364, %add3A_1365 : i32
      %swap3A_1367 = arith.index_cast %add3A_1366 : i32 to index
      %swap3A_1368 = arith.constant 48 : index
      %swap3A_1369 = tpu.vector_load %arg6[%swap3A_1367, %swap3A_1368] {strides = array<i32>} : memref<512x64xf32, #tpu.memory_space<vmem>>, vector<16xf32>,
      tpu.vector_store %arg6[%swap3A_1367, %swap3A_1368], %mul3A_1251 {strides = array<i32>} : memref<512x64xf32, #tpu.memory_space<vmem>>, vector<16xf32>,
      %mul3A_1370 = arith.constant 4 : i32
      %mul3A_1371 = arith.muli %scan3A_1341, %mul3A_1370 : i32
      %add3A_1372 = arith.constant 1 : i32
      %add3A_1373 = arith.addi %mul3A_1371, %add3A_1372 : i32
      %swap3A_1374 = arith.index_cast %add3A_1373 : i32 to index
      %swap3A_1375 = arith.constant 0 : index
      %swap3A_1376 = tpu.vector_load %arg6[%swap3A_1374, %swap3A_1375] {strides = array<i32>} : memref<512x64xf32, #tpu.memory_space<vmem>>, vector<16xf32>,
      tpu.vector_store %arg6[%swap3A_1374, %swap3A_1375], %mul3A_1236 {strides = array<i32>} : memref<512x64xf32, #tpu.memory_space<vmem>>, vector<16xf32>,
      %mul3A_1377 = arith.constant 4 : i32
      %mul3A_1378 = arith.muli %scan3A_1341, %mul3A_1377 : i32
      %add3A_1379 = arith.constant 1 : i32
      %add3A_1380 = arith.addi %mul3A_1378, %add3A_1379 : i32
      %swap3A_1381 = arith.index_cast %add3A_1380 : i32 to index
      %swap3A_1382 = arith.constant 16 : index
      %swap3A_1383 = tpu.vector_load %arg6[%swap3A_1381, %swap3A_1382] {strides = array<i32>} : memref<512x64xf32, #tpu.memory_space<vmem>>, vector<16xf32>,
      tpu.vector_store %arg6[%swap3A_1381, %swap3A_1382], %mul3A_1241 {strides = array<i32>} : memref<512x64xf32, #tpu.memory_space<vmem>>, vector<16xf32>,
      %mul3A_1384 = arith.constant 4 : i32
      %mul3A_1385 = arith.muli %scan3A_1341, %mul3A_1384 : i32
      %add3A_1386 = arith.constant 1 : i32
      %add3A_1387 = arith.addi %mul3A_1385, %add3A_1386 : i32
      %swap3A_1388 = arith.index_cast %add3A_1387 : i32 to index
      %swap3A_1389 = arith.constant 32 : index
      %swap3A_1390 = tpu.vector_load %arg6[%swap3A_1388, %swap3A_1389] {strides = array<i32>} : memref<512x64xf32, #tpu.memory_space<vmem>>, vector<16xf32>,
      tpu.vector_store %arg6[%swap3A_1388, %swap3A_1389], %mul3A_1246 {strides = array<i32>} : memref<512x64xf32, #tpu.memory_space<vmem>>, vector<16xf32>,
      %mul3A_1391 = arith.constant 4 : i32
      %mul3A_1392 = arith.muli %scan3A_1341, %mul3A_1391 : i32
      %add3A_1393 = arith.constant 1 : i32
      %add3A_1394 = arith.addi %mul3A_1392, %add3A_1393 : i32
      %swap3A_1395 = arith.index_cast %add3A_1394 : i32 to index
      %swap3A_1396 = arith.constant 48 : index
      %swap3A_1397 = tpu.vector_load %arg6[%swap3A_1395, %swap3A_1396] {strides = array<i32>} : memref<512x64xf32, #tpu.memory_space<vmem>>, vector<16xf32>,
      tpu.vector_store %arg6[%swap3A_1395, %swap3A_1396], %mul3A_1251 {strides = array<i32>} : memref<512x64xf32, #tpu.memory_space<vmem>>, vector<16xf32>,
      %mul3A_1398 = arith.constant 4 : i32
      %mul3A_1399 = arith.muli %scan3A_1341, %mul3A_1398 : i32
      %add3A_1400 = arith.constant 2 : i32
      %add3A_1401 = arith.addi %mul3A_1399, %add3A_1400 : i32
      %swap3A_1402 = arith.index_cast %add3A_1401 : i32 to index
      %swap3A_1403 = arith.constant 0 : index
      %swap3A_1404 = tpu.vector_load %arg6[%swap3A_1402, %swap3A_1403] {strides = array<i32>} : memref<512x64xf32, #tpu.memory_space<vmem>>, vector<16xf32>,
      tpu.vector_store %arg6[%swap3A_1402, %swap3A_1403], %mul3A_1236 {strides = array<i32>} : memref<512x64xf32, #tpu.memory_space<vmem>>, vector<16xf32>,
      %mul3A_1405 = arith.constant 4 : i32
      %mul3A_1406 = arith.muli %scan3A_1341, %mul3A_1405 : i32
      %add3A_1407 = arith.constant 2 : i32
      %add3A_1408 = arith.addi %mul3A_1406, %add3A_1407 : i32
      %swap3A_1409 = arith.index_cast %add3A_1408 : i32 to index
      %swap3A_1410 = arith.constant 16 : index
      %swap3A_1411 = tpu.vector_load %arg6[%swap3A_1409, %swap3A_1410] {strides = array<i32>} : memref<512x64xf32, #tpu.memory_space<vmem>>, vector<16xf32>,
      tpu.vector_store %arg6[%swap3A_1409, %swap3A_1410], %mul3A_1241 {strides = array<i32>} : memref<512x64xf32, #tpu.memory_space<vmem>>, vector<16xf32>,
      %mul3A_1412 = arith.constant 4 : i32
      %mul3A_1413 = arith.muli %scan3A_1341, %mul3A_1412 : i32
      %add3A_1414 = arith.constant 2 : i32
      %add3A_1415 = arith.addi %mul3A_1413, %add3A_1414 : i32
      %swap3A_1416 = arith.index_cast %add3A_1415 : i32 to index
      %swap3A_1417 = arith.constant 32 : index
      %swap3A_1418 = tpu.vector_load %arg6[%swap3A_1416, %swap3A_1417] {strides = array<i32>} : memref<512x64xf32, #tpu.memory_space<vmem>>, vector<16xf32>,
      tpu.vector_store %arg6[%swap3A_1416, %swap3A_1417], %mul3A_1246 {strides = array<i32>} : memref<512x64xf32, #tpu.memory_space<vmem>>, vector<16xf32>,
      %mul3A_1419 = arith.constant 4 : i32
      %mul3A_1420 = arith.muli %scan3A_1341, %mul3A_1419 : i32
      %add3A_1421 = arith.constant 2 : i32
      %add3A_1422 = arith.addi %mul3A_1420, %add3A_1421 : i32
      %swap3A_1423 = arith.index_cast %add3A_1422 : i32 to index
      %swap3A_1424 = arith.constant 48 : index
      %swap3A_1425 = tpu.vector_load %arg6[%swap3A_1423, %swap3A_1424] {strides = array<i32>} : memref<512x64xf32, #tpu.memory_space<vmem>>, vector<16xf32>,
      tpu.vector_store %arg6[%swap3A_1423, %swap3A_1424], %mul3A_1251 {strides = array<i32>} : memref<512x64xf32, #tpu.memory_space<vmem>>, vector<16xf32>,
      %mul3A_1426 = arith.constant 4 : i32
      %mul3A_1427 = arith.muli %scan3A_1341, %mul3A_1426 : i32
      %add3A_1428 = arith.constant 3 : i32
      %add3A_1429 = arith.addi %mul3A_1427, %add3A_1428 : i32
      %swap3A_1430 = arith.index_cast %add3A_1429 : i32 to index
      %swap3A_1431 = arith.constant 0 : index
      %swap3A_1432 = tpu.vector_load %arg6[%swap3A_1430, %swap3A_1431] {strides = array<i32>} : memref<512x64xf32, #tpu.memory_space<vmem>>, vector<16xf32>,
      tpu.vector_store %arg6[%swap3A_1430, %swap3A_1431], %mul3A_1236 {strides = array<i32>} : memref<512x64xf32, #tpu.memory_space<vmem>>, vector<16xf32>,
      %mul3A_1433 = arith.constant 4 : i32
      %mul3A_1434 = arith.muli %scan3A_1341, %mul3A_1433 : i32
      %add3A_1435 = arith.constant 3 : i32
      %add3A_1436 = arith.addi %mul3A_1434, %add3A_1435 : i32
      %swap3A_1437 = arith.index_cast %add3A_1436 : i32 to index
      %swap3A_1438 = arith.constant 16 : index
      %swap3A_1439 = tpu.vector_load %arg6[%swap3A_1437, %swap3A_1438] {strides = array<i32>} : memref<512x64xf32, #tpu.memory_space<vmem>>, vector<16xf32>,
      tpu.vector_store %arg6[%swap3A_1437, %swap3A_1438], %mul3A_1241 {strides = array<i32>} : memref<512x64xf32, #tpu.memory_space<vmem>>, vector<16xf32>,
      %mul3A_1440 = arith.constant 4 : i32
      %mul3A_1441 = arith.muli %scan3A_1341, %mul3A_1440 : i32
      %add3A_1442 = arith.constant 3 : i32
      %add3A_1443 = arith.addi %mul3A_1441, %add3A_1442 : i32
      %swap3A_1444 = arith.index_cast %add3A_1443 : i32 to index
      %swap3A_1445 = arith.constant 32 : index
      %swap3A_1446 = tpu.vector_load %arg6[%swap3A_1444, %swap3A_1445] {strides = array<i32>} : memref<512x64xf32, #tpu.memory_space<vmem>>, vector<16xf32>,
      tpu.vector_store %arg6[%swap3A_1444, %swap3A_1445], %mul3A_1246 {strides = array<i32>} : memref<512x64xf32, #tpu.memory_space<vmem>>, vector<16xf32>,
      %mul3A_1447 = arith.constant 4 : i32
      %mul3A_1448 = arith.muli %scan3A_1341, %mul3A_1447 : i32
      %add3A_1449 = arith.constant 3 : i32
      %add3A_1450 = arith.addi %mul3A_1448, %add3A_1449 : i32
      %swap3A_1451 = arith.index_cast %add3A_1450 : i32 to index
      %swap3A_1452 = arith.constant 48 : index
      %swap3A_1453 = tpu.vector_load %arg6[%swap3A_1451, %swap3A_1452] {strides = array<i32>} : memref<512x64xf32, #tpu.memory_space<vmem>>, vector<16xf32>,
      tpu.vector_store %arg6[%swap3A_1451, %swap3A_1452], %mul3A_1251 {strides = array<i32>} : memref<512x64xf32, #tpu.memory_space<vmem>>, vector<16xf32>,
    }
    %scan3A_1279 = arith.constant 128 : i32
    %while3A_1280 = arith.constant 0 : i32
    %while3A_1281 = arith.constant 0 : i32
    %while3A_1282 = arith.subi %while3A_1271#1, %while3A_1281 : i32
    %while3A_1283 = arith.addi %while3A_1281, %while3A_1282 : i32
    %while3A_1284 = arith.constant 1 : i32
    %while3A_1285 = arith.divsi %while3A_1282, %while3A_1284 : i32
    %while3A_1286 = arith.muli %while3A_1285, %while3A_1284 : i32
    %while3A_1287 = arith.addi %while3A_1281, %while3A_1286 : i32
    %while3A_1288 = arith.constant 1 : i32
    scf.for %while3A_1341 = %while3A_1281 to %while3A_1287 step %while3A_1288  : i32 {
      %dma_wait3A_1342 = arith.constant 0 : i32
      %dma_wait3A_1343 = arith.constant 0 : i32
      %dma_wait3A_1344 = arith.constant 0 : i32
      %dma_wait3A_1345 = tpu.memref_slice %arg2[%dma_wait3A_1342, %dma_wait3A_1343, %dma_wait3A_1344] : memref<18x16385x64xf32, #tpu.memory_space<hbm>> -> memref<1x1x64xf32, #tpu.memory_space<hbm>>
      %dma_wait3A_1346 = tpu.memref_squeeze %dma_wait3A_1345 : memref<1x1x64xf32, #tpu.memory_space<hbm>> -> memref<1x64xf32, #tpu.memory_space<hbm>>
      %dma_wait3A_1347 = arith.constant 0 : i32
      %dma_wait3A_1348 = arith.constant 0 : i32
      %dma_wait3A_1349 = tpu.memref_slice %arg2[%dma_wait3A_1342, %dma_wait3A_1347, %dma_wait3A_1348] : memref<18x16385x64xf32, #tpu.memory_space<hbm>> -> memref<1x1x64xf32, #tpu.memory_space<hbm>>
      %dma_wait3A_1350 = tpu.memref_squeeze %dma_wait3A_1349 : memref<1x1x64xf32, #tpu.memory_space<hbm>> -> memref<1x64xf32, #tpu.memory_space<hbm>>
      tpu.wait_dma2 semaphore(%arg15 : memref<!tpu.dma_semaphore, #tpu.memory_space<semaphore_mem>>) src(%dma_wait3A_1350 : memref<1x64xf32, #tpu.memory_space<hbm>>) dst(%arg12 : memref<1x64xf32, #tpu.memory_space<vmem>>)
    }
    %while3A_1289 = arith.constant 1 : i32
    scf.for %while3A_1341 = %while3A_1287 to %while3A_1283 step %while3A_1289  : i32 {
      %dma_wait3A_1342 = arith.constant 0 : i32
      %dma_wait3A_1343 = arith.constant 0 : i32
      %dma_wait3A_1344 = arith.constant 0 : i32
      %dma_wait3A_1345 = tpu.memref_slice %arg2[%dma_wait3A_1342, %dma_wait3A_1343, %dma_wait3A_1344] : memref<18x16385x64xf32, #tpu.memory_space<hbm>> -> memref<1x1x64xf32, #tpu.memory_space<hbm>>
      %dma_wait3A_1346 = tpu.memref_squeeze %dma_wait3A_1345 : memref<1x1x64xf32, #tpu.memory_space<hbm>> -> memref<1x64xf32, #tpu.memory_space<hbm>>
      %dma_wait3A_1347 = arith.constant 0 : i32
      %dma_wait3A_1348 = arith.constant 0 : i32
      %dma_wait3A_1349 = tpu.memref_slice %arg2[%dma_wait3A_1342, %dma_wait3A_1347, %dma_wait3A_1348] : memref<18x16385x64xf32, #tpu.memory_space<hbm>> -> memref<1x1x64xf32, #tpu.memory_space<hbm>>
      %dma_wait3A_1350 = tpu.memref_squeeze %dma_wait3A_1349 : memref<1x1x64xf32, #tpu.memory_space<hbm>> -> memref<1x64xf32, #tpu.memory_space<hbm>>
      tpu.wait_dma2 semaphore(%arg15 : memref<!tpu.dma_semaphore, #tpu.memory_space<semaphore_mem>>) src(%dma_wait3A_1350 : memref<1x64xf32, #tpu.memory_space<hbm>>) dst(%arg12 : memref<1x64xf32, #tpu.memory_space<vmem>>)
    }
    %while3A_1290 = arith.constant 0 : i32
    %while3A_1291 = arith.constant 0 : i32
    %while3A_1292:2 = scf.while (%while3A_1341 = %while3A_1290, %while3A_1342 = %while3A_1291) : (i32, i32) -> (i32, i32) {
      %lt3A_1343 = arith.cmpi slt, %while3A_1341, %while3A_1271#0 : i32
      scf.condition(%lt3A_1343) %while3A_1341, %while3A_1342 : i32, i32
    } do {
    ^bb0(%while3A_1341: i32, %while3A_1342: i32):
      %and3A_1343 = arith.constant -16 : i32
      %and3A_1344 = arith.andi %while3A_1341, %and3A_1343 : i32
      %and3A_1345 = arith.constant 15 : i32
      %and3A_1346 = arith.andi %while3A_1341, %and3A_1345 : i32
      %get3A_1347 = arith.index_cast %and3A_1344 : i32 to index
      %get3A_1348 = tpu.vector_load %arg7[%get3A_1347] {strides = array<i32>} : memref<1040xi32, #tpu.memory_space<vmem>>, vector<16xi32>,
      %eq3A_1349 = vector.broadcast %and3A_1346 : i32 to vector<16xi32>
      %eq3A_1350 = arith.cmpi eq, %iota3A, %eq3A_1349 : vector<16xi32>
      %jit3A_1351 = arith.constant 0 : i32
      %broadcast_in_dim3A_1352 = vector.broadcast %jit3A_1351 : i32 to vector<16xi32>
      %select_n3A_1353 = arith.select %eq3A_1350, %get3A_1348, %broadcast_in_dim3A_1352 : vector<16xi1>, vector<16xi32>
      %reduce_sum3A = arith.constant true
      %reduce_sum3A_1354 = vector.broadcast %reduce_sum3A : i1 to vector<16xi1>
      %reduce_sum3A_1355 = tpu.scan <sum>, %select_n3A_1353 masked %reduce_sum3A_1354 : vector<16xi32>, vector<16xi1> -> vector<16xi32>
      %reduce_sum3A_1356 = vector.extract %reduce_sum3A_1355[15] : i32 from vector<16xi32>
      %broadcast_in_dim3A_1357 = vector.broadcast %reduce_sum3A_1356 : i32 to vector<16xi32>
      %gather3A = tpu.vector_load_idx %arg5[%iota3A, %broadcast_in_dim3A_1357] : memref<18x1024xi32, #tpu.memory_space<vmem>>[vector<16xi32>, vector<16xi32>], vector<16xi32>,
      %ne3A_1358 = arith.constant 16384 : i32
      %ne3A_1359 = vector.broadcast %ne3A_1358 : i32 to vector<16xi32>
      %ne3A_1360 = arith.cmpi ne, %gather3A, %ne3A_1359 : vector<16xi32>
      %add3A_1361 = arith.constant 16 : i32
      %add3A_1362 = vector.broadcast %add3A_1361 : i32 to vector<16xi32>
      %add3A_1363 = arith.addi %iota3A, %add3A_1362 : vector<16xi32>
      %min3A = arith.constant 17 : i32
      %min3A_1364 = vector.broadcast %min3A : i32 to vector<16xi32>
      %min3A_1365 = arith.minsi %add3A_1363, %min3A_1364 : vector<16xi32>
      %gather3A_1366 = tpu.vector_load_idx %arg5[%min3A_1365, %broadcast_in_dim3A_1357] : memref<18x1024xi32, #tpu.memory_space<vmem>>[vector<16xi32>, vector<16xi32>], vector<16xi32>,
      %ne3A_1367 = arith.constant 16384 : i32
      %ne3A_1368 = vector.broadcast %ne3A_1367 : i32 to vector<16xi32>
      %ne3A_1369 = arith.cmpi ne, %gather3A_1366, %ne3A_1368 : vector<16xi32>
      %lt3A_1370 = arith.constant 2 : i32
      %lt3A_1371 = vector.broadcast %lt3A_1370 : i32 to vector<16xi32>
      %lt3A_1372 = arith.cmpi slt, %iota3A, %lt3A_1371 : vector<16xi32>
      %and3A_1373 = arith.andi %ne3A_1369, %lt3A_1372 : vector<16xi1>
      %jit3A_1374 = arith.constant 1 : i32
      %jit3A_1375 = arith.constant 0 : i32
      %broadcast_in_dim3A_1376 = vector.broadcast %jit3A_1374 : i32 to vector<16xi32>
      %broadcast_in_dim3A_1377 = vector.broadcast %jit3A_1375 : i32 to vector<16xi32>
      %select_n3A_1378 = arith.select %ne3A_1360, %broadcast_in_dim3A_1376, %broadcast_in_dim3A_1377 : vector<16xi1>, vector<16xi32>
      %reduce_sum3A_1379 = arith.constant true
      %reduce_sum3A_1380 = vector.broadcast %reduce_sum3A_1379 : i1 to vector<16xi1>
      %reduce_sum3A_1381 = tpu.scan <sum>, %select_n3A_1378 masked %reduce_sum3A_1380 : vector<16xi32>, vector<16xi1> -> vector<16xi32>
      %reduce_sum3A_1382 = vector.extract %reduce_sum3A_1381[15] : i32 from vector<16xi32>
      %jit3A_1383 = arith.constant 1 : i32
      %jit3A_1384 = arith.constant 0 : i32
      %broadcast_in_dim3A_1385 = vector.broadcast %jit3A_1383 : i32 to vector<16xi32>
      %broadcast_in_dim3A_1386 = vector.broadcast %jit3A_1384 : i32 to vector<16xi32>
      %select_n3A_1387 = arith.select %and3A_1373, %broadcast_in_dim3A_1385, %broadcast_in_dim3A_1386 : vector<16xi1>, vector<16xi32>
      %reduce_sum3A_1388 = arith.constant true
      %reduce_sum3A_1389 = vector.broadcast %reduce_sum3A_1388 : i1 to vector<16xi1>
      %reduce_sum3A_1390 = tpu.scan <sum>, %select_n3A_1387 masked %reduce_sum3A_1389 : vector<16xi32>, vector<16xi1> -> vector<16xi32>
      %reduce_sum3A_1391 = vector.extract %reduce_sum3A_1390[15] : i32 from vector<16xi32>
      %add3A_1392 = arith.addi %reduce_sum3A_1382, %reduce_sum3A_1391 : i32
      %mul3A_1393 = arith.constant 64 : i32
      %mul3A_1394 = arith.muli %add3A_1392, %mul3A_1393 : i32
      %add3A_1395 = arith.constant 0 : i32
      %add3A_1396 = arith.addi %mul3A_1394, %add3A_1395 : i32
      %get3A_1397 = arith.index_cast %add3A_1396 : i32 to index
      %get3A_1398 = tpu.vector_load %arg11[%get3A_1397] {strides = array<i32>} : memref<1216xf32, #tpu.memory_space<vmem>>, vector<16xf32>,
      %mul3A_1399 = arith.constant 64 : i32
      %mul3A_1400 = arith.muli %add3A_1392, %mul3A_1399 : i32
      %add3A_1401 = arith.constant 16 : i32
      %add3A_1402 = arith.addi %mul3A_1400, %add3A_1401 : i32
      %get3A_1403 = arith.index_cast %add3A_1402 : i32 to index
      %get3A_1404 = tpu.vector_load %arg11[%get3A_1403] {strides = array<i32>} : memref<1216xf32, #tpu.memory_space<vmem>>, vector<16xf32>,
      %mul3A_1405 = arith.constant 64 : i32
      %mul3A_1406 = arith.muli %add3A_1392, %mul3A_1405 : i32
      %add3A_1407 = arith.constant 32 : i32
      %add3A_1408 = arith.addi %mul3A_1406, %add3A_1407 : i32
      %get3A_1409 = arith.index_cast %add3A_1408 : i32 to index
      %get3A_1410 = tpu.vector_load %arg11[%get3A_1409] {strides = array<i32>} : memref<1216xf32, #tpu.memory_space<vmem>>, vector<16xf32>,
      %mul3A_1411 = arith.constant 64 : i32
      %mul3A_1412 = arith.muli %add3A_1392, %mul3A_1411 : i32
      %add3A_1413 = arith.constant 48 : i32
      %add3A_1414 = arith.addi %mul3A_1412, %add3A_1413 : i32
      %get3A_1415 = arith.index_cast %add3A_1414 : i32 to index
      %get3A_1416 = tpu.vector_load %arg11[%get3A_1415] {strides = array<i32>} : memref<1216xf32, #tpu.memory_space<vmem>>, vector<16xf32>,
      %while3A_1417 = arith.constant 0 : i32
      %while3A_1418 = arith.subi %add3A_1392, %while3A_1417 : i32
      %while3A_1419 = arith.addi %while3A_1417, %while3A_1418 : i32
      %while3A_1420 = arith.constant 1 : i32
      %while3A_1421 = arith.divsi %while3A_1418, %while3A_1420 : i32
      %while3A_1422 = arith.muli %while3A_1421, %while3A_1420 : i32
      %while3A_1423 = arith.addi %while3A_1417, %while3A_1422 : i32
      %while3A_1424 = arith.constant 1 : i32
      %while3A_1425:4 = scf.for %while3A_1463 = %while3A_1417 to %while3A_1423 step %while3A_1424 iter_args(%while3A_1464 = %get3A_1398, %while3A_1465 = %get3A_1404, %while3A_1466 = %get3A_1410, %while3A_1467 = %get3A_1416) -> (vector<16xf32>, vector<16xf32>, vector<16xf32>, vector<16xf32>)  : i32 {
        %add3A_1468 = arith.addi %while3A_1342, %while3A_1463 : i32
        %get3A_1469 = arith.index_cast %add3A_1468 : i32 to index
        %get3A_1470 = arith.constant 0 : index
        %get3A_1471 = tpu.vector_load %arg8[%get3A_1469, %get3A_1470] {strides = array<i32>} : memref<128x64xf32, #tpu.memory_space<vmem>>, vector<16xf32>,
        %add3A_1472 = arith.addf %while3A_1464, %get3A_1471 : vector<16xf32>
        %add3A_1473 = arith.addi %while3A_1342, %while3A_1463 : i32
        %get3A_1474 = arith.index_cast %add3A_1473 : i32 to index
        %get3A_1475 = arith.constant 16 : index
        %get3A_1476 = tpu.vector_load %arg8[%get3A_1474, %get3A_1475] {strides = array<i32>} : memref<128x64xf32, #tpu.memory_space<vmem>>, vector<16xf32>,
        %add3A_1477 = arith.addf %while3A_1465, %get3A_1476 : vector<16xf32>
        %add3A_1478 = arith.addi %while3A_1342, %while3A_1463 : i32
        %get3A_1479 = arith.index_cast %add3A_1478 : i32 to index
        %get3A_1480 = arith.constant 32 : index
        %get3A_1481 = tpu.vector_load %arg8[%get3A_1479, %get3A_1480] {strides = array<i32>} : memref<128x64xf32, #tpu.memory_space<vmem>>, vector<16xf32>,
        %add3A_1482 = arith.addf %while3A_1466, %get3A_1481 : vector<16xf32>
        %add3A_1483 = arith.addi %while3A_1342, %while3A_1463 : i32
        %get3A_1484 = arith.index_cast %add3A_1483 : i32 to index
        %get3A_1485 = arith.constant 48 : index
        %get3A_1486 = tpu.vector_load %arg8[%get3A_1484, %get3A_1485] {strides = array<i32>} : memref<128x64xf32, #tpu.memory_space<vmem>>, vector<16xf32>,
        %add3A_1487 = arith.addf %while3A_1467, %get3A_1486 : vector<16xf32>
        scf.yield %add3A_1472, %add3A_1477, %add3A_1482, %add3A_1487 : vector<16xf32>, vector<16xf32>, vector<16xf32>, vector<16xf32>
      }
      %while3A_1426 = arith.constant 1 : i32
      %while3A_1427:4 = scf.for %while3A_1463 = %while3A_1423 to %while3A_1419 step %while3A_1426 iter_args(%while3A_1464 = %while3A_1425#0, %while3A_1465 = %while3A_1425#1, %while3A_1466 = %while3A_1425#2, %while3A_1467 = %while3A_1425#3) -> (vector<16xf32>, vector<16xf32>, vector<16xf32>, vector<16xf32>)  : i32 {
        %add3A_1468 = arith.addi %while3A_1342, %while3A_1463 : i32
        %get3A_1469 = arith.index_cast %add3A_1468 : i32 to index
        %get3A_1470 = arith.constant 0 : index
        %get3A_1471 = tpu.vector_load %arg8[%get3A_1469, %get3A_1470] {strides = array<i32>} : memref<128x64xf32, #tpu.memory_space<vmem>>, vector<16xf32>,
        %add3A_1472 = arith.addf %while3A_1464, %get3A_1471 : vector<16xf32>
        %add3A_1473 = arith.addi %while3A_1342, %while3A_1463 : i32
        %get3A_1474 = arith.index_cast %add3A_1473 : i32 to index
        %get3A_1475 = arith.constant 16 : index
        %get3A_1476 = tpu.vector_load %arg8[%get3A_1474, %get3A_1475] {strides = array<i32>} : memref<128x64xf32, #tpu.memory_space<vmem>>, vector<16xf32>,
        %add3A_1477 = arith.addf %while3A_1465, %get3A_1476 : vector<16xf32>
        %add3A_1478 = arith.addi %while3A_1342, %while3A_1463 : i32
        %get3A_1479 = arith.index_cast %add3A_1478 : i32 to index
        %get3A_1480 = arith.constant 32 : index
        %get3A_1481 = tpu.vector_load %arg8[%get3A_1479, %get3A_1480] {strides = array<i32>} : memref<128x64xf32, #tpu.memory_space<vmem>>, vector<16xf32>,
        %add3A_1482 = arith.addf %while3A_1466, %get3A_1481 : vector<16xf32>
        %add3A_1483 = arith.addi %while3A_1342, %while3A_1463 : i32
        %get3A_1484 = arith.index_cast %add3A_1483 : i32 to index
        %get3A_1485 = arith.constant 48 : index
        %get3A_1486 = tpu.vector_load %arg8[%get3A_1484, %get3A_1485] {strides = array<i32>} : memref<128x64xf32, #tpu.memory_space<vmem>>, vector<16xf32>,
        %add3A_1487 = arith.addf %while3A_1467, %get3A_1486 : vector<16xf32>
        scf.yield %add3A_1472, %add3A_1477, %add3A_1482, %add3A_1487 : vector<16xf32>, vector<16xf32>, vector<16xf32>, vector<16xf32>
      }
      %mul3A_1428 = arith.constant 0.0526315793 : f32
      %mul3A_1429 = vector.broadcast %mul3A_1428 : f32 to vector<16xf32>
      %mul3A_1430 = arith.mulf %while3A_1427#0, %mul3A_1429 : vector<16xf32>
      %sub3A_1431 = arith.constant 0 : i32
      %sub3A_1432 = arith.subi %reduce_sum3A_1356, %sub3A_1431 : i32
      %swap3A_1433 = arith.index_cast %sub3A_1432 : i32 to index
      %swap3A_1434 = arith.constant 0 : index
      %swap3A_1435 = tpu.vector_load %arg6[%swap3A_1433, %swap3A_1434] {strides = array<i32>} : memref<512x64xf32, #tpu.memory_space<vmem>>, vector<16xf32>,
      tpu.vector_store %arg6[%swap3A_1433, %swap3A_1434], %mul3A_1430 {strides = array<i32>} : memref<512x64xf32, #tpu.memory_space<vmem>>, vector<16xf32>,
      %mul3A_1436 = arith.constant 0.0526315793 : f32
      %mul3A_1437 = vector.broadcast %mul3A_1436 : f32 to vector<16xf32>
      %mul3A_1438 = arith.mulf %while3A_1427#1, %mul3A_1437 : vector<16xf32>
      %sub3A_1439 = arith.constant 0 : i32
      %sub3A_1440 = arith.subi %reduce_sum3A_1356, %sub3A_1439 : i32
      %swap3A_1441 = arith.index_cast %sub3A_1440 : i32 to index
      %swap3A_1442 = arith.constant 16 : index
      %swap3A_1443 = tpu.vector_load %arg6[%swap3A_1441, %swap3A_1442] {strides = array<i32>} : memref<512x64xf32, #tpu.memory_space<vmem>>, vector<16xf32>,
      tpu.vector_store %arg6[%swap3A_1441, %swap3A_1442], %mul3A_1438 {strides = array<i32>} : memref<512x64xf32, #tpu.memory_space<vmem>>, vector<16xf32>,
      %mul3A_1444 = arith.constant 0.0526315793 : f32
      %mul3A_1445 = vector.broadcast %mul3A_1444 : f32 to vector<16xf32>
      %mul3A_1446 = arith.mulf %while3A_1427#2, %mul3A_1445 : vector<16xf32>
      %sub3A_1447 = arith.constant 0 : i32
      %sub3A_1448 = arith.subi %reduce_sum3A_1356, %sub3A_1447 : i32
      %swap3A_1449 = arith.index_cast %sub3A_1448 : i32 to index
      %swap3A_1450 = arith.constant 32 : index
      %swap3A_1451 = tpu.vector_load %arg6[%swap3A_1449, %swap3A_1450] {strides = array<i32>} : memref<512x64xf32, #tpu.memory_space<vmem>>, vector<16xf32>,
      tpu.vector_store %arg6[%swap3A_1449, %swap3A_1450], %mul3A_1446 {strides = array<i32>} : memref<512x64xf32, #tpu.memory_space<vmem>>, vector<16xf32>,
      %mul3A_1452 = arith.constant 0.0526315793 : f32
      %mul3A_1453 = vector.broadcast %mul3A_1452 : f32 to vector<16xf32>
      %mul3A_1454 = arith.mulf %while3A_1427#3, %mul3A_1453 : vector<16xf32>
      %sub3A_1455 = arith.constant 0 : i32
      %sub3A_1456 = arith.subi %reduce_sum3A_1356, %sub3A_1455 : i32
      %swap3A_1457 = arith.index_cast %sub3A_1456 : i32 to index
      %swap3A_1458 = arith.constant 48 : index
      %swap3A_1459 = tpu.vector_load %arg6[%swap3A_1457, %swap3A_1458] {strides = array<i32>} : memref<512x64xf32, #tpu.memory_space<vmem>>, vector<16xf32>,
      tpu.vector_store %arg6[%swap3A_1457, %swap3A_1458], %mul3A_1454 {strides = array<i32>} : memref<512x64xf32, #tpu.memory_space<vmem>>, vector<16xf32>,
      %add3A_1460 = arith.constant 1 : i32
      %add3A_1461 = arith.addi %while3A_1341, %add3A_1460 : i32
      %add3A_1462 = arith.addi %while3A_1342, %add3A_1392 : i32
      scf.yield %add3A_1461, %add3A_1462 : i32, i32
    }
    %while3A_1293 = scf.while (%while3A_1341 = %while3A_1292#0) : (i32) -> i32 {
      %lt3A_1342 = arith.cmpi slt, %while3A_1341, %scan3A_1262 : i32
      scf.condition(%lt3A_1342) %while3A_1341 : i32
    } do {
    ^bb0(%while3A_1341: i32):
      %while3A_1342 = arith.constant 0 : i32
      %while3A_1343:2 = scf.while (%while3A_1356 = %while3A_1341, %while3A_1357 = %while3A_1342) : (i32, i32) -> (i32, i32) {
        %lt3A_1358 = arith.cmpi slt, %while3A_1356, %scan3A_1262 : i32
        %le3A = arith.constant 110 : i32
        %le3A_1359 = arith.cmpi sle, %while3A_1357, %le3A : i32
        %and3A_1360 = arith.andi %lt3A_1358, %le3A_1359 : i1
        scf.condition(%and3A_1360) %while3A_1356, %while3A_1357 : i32, i32
      } do {
      ^bb0(%while3A_1356: i32, %while3A_1357: i32):
        %and3A_1358 = arith.constant -16 : i32
        %and3A_1359 = arith.andi %while3A_1356, %and3A_1358 : i32
        %and3A_1360 = arith.constant 15 : i32
        %and3A_1361 = arith.andi %while3A_1356, %and3A_1360 : i32
        %get3A_1362 = arith.index_cast %and3A_1359 : i32 to index
        %get3A_1363 = tpu.vector_load %arg7[%get3A_1362] {strides = array<i32>} : memref<1040xi32, #tpu.memory_space<vmem>>, vector<16xi32>,
        %eq3A_1364 = vector.broadcast %and3A_1361 : i32 to vector<16xi32>
        %eq3A_1365 = arith.cmpi eq, %iota3A, %eq3A_1364 : vector<16xi32>
        %jit3A_1366 = arith.constant 0 : i32
        %broadcast_in_dim3A_1367 = vector.broadcast %jit3A_1366 : i32 to vector<16xi32>
        %select_n3A_1368 = arith.select %eq3A_1365, %get3A_1363, %broadcast_in_dim3A_1367 : vector<16xi1>, vector<16xi32>
        %reduce_sum3A = arith.constant true
        %reduce_sum3A_1369 = vector.broadcast %reduce_sum3A : i1 to vector<16xi1>
        %reduce_sum3A_1370 = tpu.scan <sum>, %select_n3A_1368 masked %reduce_sum3A_1369 : vector<16xi32>, vector<16xi1> -> vector<16xi32>
        %reduce_sum3A_1371 = vector.extract %reduce_sum3A_1370[15] : i32 from vector<16xi32>
        %broadcast_in_dim3A_1372 = vector.broadcast %reduce_sum3A_1371 : i32 to vector<16xi32>
        %gather3A = tpu.vector_load_idx %arg5[%iota3A, %broadcast_in_dim3A_1372] : memref<18x1024xi32, #tpu.memory_space<vmem>>[vector<16xi32>, vector<16xi32>], vector<16xi32>,
        %ne3A_1373 = arith.constant 16384 : i32
        %ne3A_1374 = vector.broadcast %ne3A_1373 : i32 to vector<16xi32>
        %ne3A_1375 = arith.cmpi ne, %gather3A, %ne3A_1374 : vector<16xi32>
        %add3A_1376 = arith.constant 16 : i32
        %add3A_1377 = vector.broadcast %add3A_1376 : i32 to vector<16xi32>
        %add3A_1378 = arith.addi %iota3A, %add3A_1377 : vector<16xi32>
        %min3A = arith.constant 17 : i32
        %min3A_1379 = vector.broadcast %min3A : i32 to vector<16xi32>
        %min3A_1380 = arith.minsi %add3A_1378, %min3A_1379 : vector<16xi32>
        %gather3A_1381 = tpu.vector_load_idx %arg5[%min3A_1380, %broadcast_in_dim3A_1372] : memref<18x1024xi32, #tpu.memory_space<vmem>>[vector<16xi32>, vector<16xi32>], vector<16xi32>,
        %ne3A_1382 = arith.constant 16384 : i32
        %ne3A_1383 = vector.broadcast %ne3A_1382 : i32 to vector<16xi32>
        %ne3A_1384 = arith.cmpi ne, %gather3A_1381, %ne3A_1383 : vector<16xi32>
        %lt3A_1385 = arith.constant 2 : i32
        %lt3A_1386 = vector.broadcast %lt3A_1385 : i32 to vector<16xi32>
        %lt3A_1387 = arith.cmpi slt, %iota3A, %lt3A_1386 : vector<16xi32>
        %and3A_1388 = arith.andi %ne3A_1384, %lt3A_1387 : vector<16xi1>
        %jit3A_1389 = arith.constant 1 : i32
        %jit3A_1390 = arith.constant 0 : i32
        %broadcast_in_dim3A_1391 = vector.broadcast %jit3A_1389 : i32 to vector<16xi32>
        %broadcast_in_dim3A_1392 = vector.broadcast %jit3A_1390 : i32 to vector<16xi32>
        %select_n3A_1393 = arith.select %ne3A_1375, %broadcast_in_dim3A_1391, %broadcast_in_dim3A_1392 : vector<16xi1>, vector<16xi32>
        %reduce_sum3A_1394 = arith.constant true
        %reduce_sum3A_1395 = vector.broadcast %reduce_sum3A_1394 : i1 to vector<16xi1>
        %reduce_sum3A_1396 = tpu.scan <sum>, %select_n3A_1393 masked %reduce_sum3A_1395 : vector<16xi32>, vector<16xi1> -> vector<16xi32>
        %reduce_sum3A_1397 = vector.extract %reduce_sum3A_1396[15] : i32 from vector<16xi32>
        %jit3A_1398 = arith.constant 1 : i32
        %jit3A_1399 = arith.constant 0 : i32
        %broadcast_in_dim3A_1400 = vector.broadcast %jit3A_1398 : i32 to vector<16xi32>
        %broadcast_in_dim3A_1401 = vector.broadcast %jit3A_1399 : i32 to vector<16xi32>
        %select_n3A_1402 = arith.select %and3A_1388, %broadcast_in_dim3A_1400, %broadcast_in_dim3A_1401 : vector<16xi1>, vector<16xi32>
        %reduce_sum3A_1403 = arith.constant true
        %reduce_sum3A_1404 = vector.broadcast %reduce_sum3A_1403 : i1 to vector<16xi1>
        %reduce_sum3A_1405 = tpu.scan <sum>, %select_n3A_1402 masked %reduce_sum3A_1404 : vector<16xi32>, vector<16xi1> -> vector<16xi32>
        %reduce_sum3A_1406 = vector.extract %reduce_sum3A_1405[15] : i32 from vector<16xi32>
        %while3A_1407 = arith.constant 0 : i32
        %while3A_1408 = arith.constant 0 : i32
        %while3A_1409 = arith.subi %reduce_sum3A_1397, %while3A_1408 : i32
        %while3A_1410 = arith.addi %while3A_1408, %while3A_1409 : i32
        %while3A_1411 = arith.constant 1 : i32
        %while3A_1412 = arith.divsi %while3A_1409, %while3A_1411 : i32
        %while3A_1413 = arith.muli %while3A_1412, %while3A_1411 : i32
        %while3A_1414 = arith.addi %while3A_1408, %while3A_1413 : i32
        %while3A_1415 = arith.constant 1 : i32
        scf.for %while3A_1431 = %while3A_1408 to %while3A_1414 step %while3A_1415  : i32 {
          %eq3A_1432 = vector.broadcast %while3A_1431 : i32 to vector<16xi32>
          %eq3A_1433 = arith.cmpi eq, %iota3A, %eq3A_1432 : vector<16xi32>
          %jit3A_1434 = arith.constant 0 : i32
          %broadcast_in_dim3A_1435 = vector.broadcast %jit3A_1434 : i32 to vector<16xi32>
          %select_n3A_1436 = arith.select %eq3A_1433, %gather3A, %broadcast_in_dim3A_1435 : vector<16xi1>, vector<16xi32>
          %reduce_sum3A_1437 = arith.constant true
          %reduce_sum3A_1438 = vector.broadcast %reduce_sum3A_1437 : i1 to vector<16xi1>
          %reduce_sum3A_1439 = tpu.scan <sum>, %select_n3A_1436 masked %reduce_sum3A_1438 : vector<16xi32>, vector<16xi1> -> vector<16xi32>
          %reduce_sum3A_1440 = vector.extract %reduce_sum3A_1439[15] : i32 from vector<16xi32>
          %add3A_1441 = arith.addi %while3A_1357, %while3A_1431 : i32
          %dma_start3A_1442 = arith.constant 0 : i32
          %dma_start3A_1443 = tpu.memref_slice %arg8[%add3A_1441, %dma_start3A_1442] : memref<128x64xf32, #tpu.memory_space<vmem>> -> memref<1x64xf32, #tpu.memory_space<vmem>>
          %dma_start3A_1444 = arith.constant 0 : i32
          %dma_start3A_1445 = tpu.memref_slice %arg2[%while3A_1431, %reduce_sum3A_1440, %dma_start3A_1444] : memref<18x16385x64xf32, #tpu.memory_space<hbm>> -> memref<1x1x64xf32, #tpu.memory_space<hbm>>
          %dma_start3A_1446 = tpu.memref_squeeze %dma_start3A_1445 : memref<1x1x64xf32, #tpu.memory_space<hbm>> -> memref<1x64xf32, #tpu.memory_space<hbm>>
          %dma_start3A_1447 = arith.constant 0 : i32
          %dma_start3A_1448 = tpu.memref_slice %arg8[%add3A_1441, %dma_start3A_1447] : memref<128x64xf32, #tpu.memory_space<vmem>> -> memref<1x64xf32, #tpu.memory_space<vmem>>
          %dma_start3A_1449 = arith.constant 0 : i32
          %dma_start3A_1450 = tpu.memref_slice %arg2[%while3A_1431, %reduce_sum3A_1440, %dma_start3A_1449] : memref<18x16385x64xf32, #tpu.memory_space<hbm>> -> memref<1x1x64xf32, #tpu.memory_space<hbm>>
          %dma_start3A_1451 = tpu.memref_squeeze %dma_start3A_1450 : memref<1x1x64xf32, #tpu.memory_space<hbm>> -> memref<1x64xf32, #tpu.memory_space<hbm>>
          tpu.enqueue_dma source(%dma_start3A_1451 : memref<1x64xf32, #tpu.memory_space<hbm>>) target(%dma_start3A_1448 : memref<1x64xf32, #tpu.memory_space<vmem>>) target_semaphore(%arg15 : memref<!tpu.dma_semaphore, #tpu.memory_space<semaphore_mem>>)
        }
        %while3A_1416 = arith.constant 1 : i32
        scf.for %while3A_1431 = %while3A_1414 to %while3A_1410 step %while3A_1416  : i32 {
          %eq3A_1432 = vector.broadcast %while3A_1431 : i32 to vector<16xi32>
          %eq3A_1433 = arith.cmpi eq, %iota3A, %eq3A_1432 : vector<16xi32>
          %jit3A_1434 = arith.constant 0 : i32
          %broadcast_in_dim3A_1435 = vector.broadcast %jit3A_1434 : i32 to vector<16xi32>
          %select_n3A_1436 = arith.select %eq3A_1433, %gather3A, %broadcast_in_dim3A_1435 : vector<16xi1>, vector<16xi32>
          %reduce_sum3A_1437 = arith.constant true
          %reduce_sum3A_1438 = vector.broadcast %reduce_sum3A_1437 : i1 to vector<16xi1>
          %reduce_sum3A_1439 = tpu.scan <sum>, %select_n3A_1436 masked %reduce_sum3A_1438 : vector<16xi32>, vector<16xi1> -> vector<16xi32>
          %reduce_sum3A_1440 = vector.extract %reduce_sum3A_1439[15] : i32 from vector<16xi32>
          %add3A_1441 = arith.addi %while3A_1357, %while3A_1431 : i32
          %dma_start3A_1442 = arith.constant 0 : i32
          %dma_start3A_1443 = tpu.memref_slice %arg8[%add3A_1441, %dma_start3A_1442] : memref<128x64xf32, #tpu.memory_space<vmem>> -> memref<1x64xf32, #tpu.memory_space<vmem>>
          %dma_start3A_1444 = arith.constant 0 : i32
          %dma_start3A_1445 = tpu.memref_slice %arg2[%while3A_1431, %reduce_sum3A_1440, %dma_start3A_1444] : memref<18x16385x64xf32, #tpu.memory_space<hbm>> -> memref<1x1x64xf32, #tpu.memory_space<hbm>>
          %dma_start3A_1446 = tpu.memref_squeeze %dma_start3A_1445 : memref<1x1x64xf32, #tpu.memory_space<hbm>> -> memref<1x64xf32, #tpu.memory_space<hbm>>
          %dma_start3A_1447 = arith.constant 0 : i32
          %dma_start3A_1448 = tpu.memref_slice %arg8[%add3A_1441, %dma_start3A_1447] : memref<128x64xf32, #tpu.memory_space<vmem>> -> memref<1x64xf32, #tpu.memory_space<vmem>>
          %dma_start3A_1449 = arith.constant 0 : i32
          %dma_start3A_1450 = tpu.memref_slice %arg2[%while3A_1431, %reduce_sum3A_1440, %dma_start3A_1449] : memref<18x16385x64xf32, #tpu.memory_space<hbm>> -> memref<1x1x64xf32, #tpu.memory_space<hbm>>
          %dma_start3A_1451 = tpu.memref_squeeze %dma_start3A_1450 : memref<1x1x64xf32, #tpu.memory_space<hbm>> -> memref<1x64xf32, #tpu.memory_space<hbm>>
          tpu.enqueue_dma source(%dma_start3A_1451 : memref<1x64xf32, #tpu.memory_space<hbm>>) target(%dma_start3A_1448 : memref<1x64xf32, #tpu.memory_space<vmem>>) target_semaphore(%arg15 : memref<!tpu.dma_semaphore, #tpu.memory_space<semaphore_mem>>)
        }
        %while3A_1417 = arith.constant 0 : i32
        %while3A_1418 = arith.constant 0 : i32
        %while3A_1419 = arith.subi %reduce_sum3A_1406, %while3A_1418 : i32
        %while3A_1420 = arith.addi %while3A_1418, %while3A_1419 : i32
        %while3A_1421 = arith.constant 1 : i32
        %while3A_1422 = arith.divsi %while3A_1419, %while3A_1421 : i32
        %while3A_1423 = arith.muli %while3A_1422, %while3A_1421 : i32
        %while3A_1424 = arith.addi %while3A_1418, %while3A_1423 : i32
        %while3A_1425 = arith.constant 1 : i32
        scf.for %while3A_1431 = %while3A_1418 to %while3A_1424 step %while3A_1425  : i32 {
          %eq3A_1432 = vector.broadcast %while3A_1431 : i32 to vector<16xi32>
          %eq3A_1433 = arith.cmpi eq, %iota3A, %eq3A_1432 : vector<16xi32>
          %jit3A_1434 = arith.constant 0 : i32
          %broadcast_in_dim3A_1435 = vector.broadcast %jit3A_1434 : i32 to vector<16xi32>
          %select_n3A_1436 = arith.select %eq3A_1433, %gather3A_1381, %broadcast_in_dim3A_1435 : vector<16xi1>, vector<16xi32>
          %reduce_sum3A_1437 = arith.constant true
          %reduce_sum3A_1438 = vector.broadcast %reduce_sum3A_1437 : i1 to vector<16xi1>
          %reduce_sum3A_1439 = tpu.scan <sum>, %select_n3A_1436 masked %reduce_sum3A_1438 : vector<16xi32>, vector<16xi1> -> vector<16xi32>
          %reduce_sum3A_1440 = vector.extract %reduce_sum3A_1439[15] : i32 from vector<16xi32>
          %add3A_1441 = arith.constant 16 : i32
          %add3A_1442 = arith.addi %add3A_1441, %while3A_1431 : i32
          %add3A_1443 = arith.addi %while3A_1357, %reduce_sum3A_1397 : i32
          %add3A_1444 = arith.addi %add3A_1443, %while3A_1431 : i32
          %dma_start3A_1445 = arith.constant 0 : i32
          %dma_start3A_1446 = tpu.memref_slice %arg8[%add3A_1444, %dma_start3A_1445] : memref<128x64xf32, #tpu.memory_space<vmem>> -> memref<1x64xf32, #tpu.memory_space<vmem>>
          %dma_start3A_1447 = arith.constant 0 : i32
          %dma_start3A_1448 = tpu.memref_slice %arg2[%add3A_1442, %reduce_sum3A_1440, %dma_start3A_1447] : memref<18x16385x64xf32, #tpu.memory_space<hbm>> -> memref<1x1x64xf32, #tpu.memory_space<hbm>>
          %dma_start3A_1449 = tpu.memref_squeeze %dma_start3A_1448 : memref<1x1x64xf32, #tpu.memory_space<hbm>> -> memref<1x64xf32, #tpu.memory_space<hbm>>
          %dma_start3A_1450 = arith.constant 0 : i32
          %dma_start3A_1451 = tpu.memref_slice %arg8[%add3A_1444, %dma_start3A_1450] : memref<128x64xf32, #tpu.memory_space<vmem>> -> memref<1x64xf32, #tpu.memory_space<vmem>>
          %dma_start3A_1452 = arith.constant 0 : i32
          %dma_start3A_1453 = tpu.memref_slice %arg2[%add3A_1442, %reduce_sum3A_1440, %dma_start3A_1452] : memref<18x16385x64xf32, #tpu.memory_space<hbm>> -> memref<1x1x64xf32, #tpu.memory_space<hbm>>
          %dma_start3A_1454 = tpu.memref_squeeze %dma_start3A_1453 : memref<1x1x64xf32, #tpu.memory_space<hbm>> -> memref<1x64xf32, #tpu.memory_space<hbm>>
          tpu.enqueue_dma source(%dma_start3A_1454 : memref<1x64xf32, #tpu.memory_space<hbm>>) target(%dma_start3A_1451 : memref<1x64xf32, #tpu.memory_space<vmem>>) target_semaphore(%arg15 : memref<!tpu.dma_semaphore, #tpu.memory_space<semaphore_mem>>)
        }
        %while3A_1426 = arith.constant 1 : i32
        scf.for %while3A_1431 = %while3A_1424 to %while3A_1420 step %while3A_1426  : i32 {
          %eq3A_1432 = vector.broadcast %while3A_1431 : i32 to vector<16xi32>
          %eq3A_1433 = arith.cmpi eq, %iota3A, %eq3A_1432 : vector<16xi32>
          %jit3A_1434 = arith.constant 0 : i32
          %broadcast_in_dim3A_1435 = vector.broadcast %jit3A_1434 : i32 to vector<16xi32>
          %select_n3A_1436 = arith.select %eq3A_1433, %gather3A_1381, %broadcast_in_dim3A_1435 : vector<16xi1>, vector<16xi32>
          %reduce_sum3A_1437 = arith.constant true
          %reduce_sum3A_1438 = vector.broadcast %reduce_sum3A_1437 : i1 to vector<16xi1>
          %reduce_sum3A_1439 = tpu.scan <sum>, %select_n3A_1436 masked %reduce_sum3A_1438 : vector<16xi32>, vector<16xi1> -> vector<16xi32>
          %reduce_sum3A_1440 = vector.extract %reduce_sum3A_1439[15] : i32 from vector<16xi32>
          %add3A_1441 = arith.constant 16 : i32
          %add3A_1442 = arith.addi %add3A_1441, %while3A_1431 : i32
          %add3A_1443 = arith.addi %while3A_1357, %reduce_sum3A_1397 : i32
          %add3A_1444 = arith.addi %add3A_1443, %while3A_1431 : i32
          %dma_start3A_1445 = arith.constant 0 : i32
          %dma_start3A_1446 = tpu.memref_slice %arg8[%add3A_1444, %dma_start3A_1445] : memref<128x64xf32, #tpu.memory_space<vmem>> -> memref<1x64xf32, #tpu.memory_space<vmem>>
          %dma_start3A_1447 = arith.constant 0 : i32
          %dma_start3A_1448 = tpu.memref_slice %arg2[%add3A_1442, %reduce_sum3A_1440, %dma_start3A_1447] : memref<18x16385x64xf32, #tpu.memory_space<hbm>> -> memref<1x1x64xf32, #tpu.memory_space<hbm>>
          %dma_start3A_1449 = tpu.memref_squeeze %dma_start3A_1448 : memref<1x1x64xf32, #tpu.memory_space<hbm>> -> memref<1x64xf32, #tpu.memory_space<hbm>>
          %dma_start3A_1450 = arith.constant 0 : i32
          %dma_start3A_1451 = tpu.memref_slice %arg8[%add3A_1444, %dma_start3A_1450] : memref<128x64xf32, #tpu.memory_space<vmem>> -> memref<1x64xf32, #tpu.memory_space<vmem>>
          %dma_start3A_1452 = arith.constant 0 : i32
          %dma_start3A_1453 = tpu.memref_slice %arg2[%add3A_1442, %reduce_sum3A_1440, %dma_start3A_1452] : memref<18x16385x64xf32, #tpu.memory_space<hbm>> -> memref<1x1x64xf32, #tpu.memory_space<hbm>>
          %dma_start3A_1454 = tpu.memref_squeeze %dma_start3A_1453 : memref<1x1x64xf32, #tpu.memory_space<hbm>> -> memref<1x64xf32, #tpu.memory_space<hbm>>
          tpu.enqueue_dma source(%dma_start3A_1454 : memref<1x64xf32, #tpu.memory_space<hbm>>) target(%dma_start3A_1451 : memref<1x64xf32, #tpu.memory_space<vmem>>) target_semaphore(%arg15 : memref<!tpu.dma_semaphore, #tpu.memory_space<semaphore_mem>>)
        }
        %add3A_1427 = arith.constant 1 : i32
        %add3A_1428 = arith.addi %while3A_1356, %add3A_1427 : i32
        %add3A_1429 = arith.addi %while3A_1357, %reduce_sum3A_1397 : i32
        %add3A_1430 = arith.addi %add3A_1429, %reduce_sum3A_1406 : i32
        scf.yield %add3A_1428, %add3A_1430 : i32, i32
      }
      %while3A_1344 = arith.constant 0 : i32
      %while3A_1345 = arith.constant 0 : i32
      %while3A_1346 = arith.subi %while3A_1343#1, %while3A_1345 : i32
      %while3A_1347 = arith.addi %while3A_1345, %while3A_1346 : i32
      %while3A_1348 = arith.constant 1 : i32
      %while3A_1349 = arith.divsi %while3A_1346, %while3A_1348 : i32
      %while3A_1350 = arith.muli %while3A_1349, %while3A_1348 : i32
      %while3A_1351 = arith.addi %while3A_1345, %while3A_1350 : i32
      %while3A_1352 = arith.constant 1 : i32
      scf.for %while3A_1356 = %while3A_1345 to %while3A_1351 step %while3A_1352  : i32 {
        %dma_wait3A_1357 = arith.constant 0 : i32
        %dma_wait3A_1358 = arith.constant 0 : i32
        %dma_wait3A_1359 = arith.constant 0 : i32
        %dma_wait3A_1360 = tpu.memref_slice %arg2[%dma_wait3A_1357, %dma_wait3A_1358, %dma_wait3A_1359] : memref<18x16385x64xf32, #tpu.memory_space<hbm>> -> memref<1x1x64xf32, #tpu.memory_space<hbm>>
        %dma_wait3A_1361 = tpu.memref_squeeze %dma_wait3A_1360 : memref<1x1x64xf32, #tpu.memory_space<hbm>> -> memref<1x64xf32, #tpu.memory_space<hbm>>
        %dma_wait3A_1362 = arith.constant 0 : i32
        %dma_wait3A_1363 = arith.constant 0 : i32
        %dma_wait3A_1364 = tpu.memref_slice %arg2[%dma_wait3A_1357, %dma_wait3A_1362, %dma_wait3A_1363] : memref<18x16385x64xf32, #tpu.memory_space<hbm>> -> memref<1x1x64xf32, #tpu.memory_space<hbm>>
        %dma_wait3A_1365 = tpu.memref_squeeze %dma_wait3A_1364 : memref<1x1x64xf32, #tpu.memory_space<hbm>> -> memref<1x64xf32, #tpu.memory_space<hbm>>
        tpu.wait_dma2 semaphore(%arg15 : memref<!tpu.dma_semaphore, #tpu.memory_space<semaphore_mem>>) src(%dma_wait3A_1365 : memref<1x64xf32, #tpu.memory_space<hbm>>) dst(%arg12 : memref<1x64xf32, #tpu.memory_space<vmem>>)
      }
      %while3A_1353 = arith.constant 1 : i32
      scf.for %while3A_1356 = %while3A_1351 to %while3A_1347 step %while3A_1353  : i32 {
        %dma_wait3A_1357 = arith.constant 0 : i32
        %dma_wait3A_1358 = arith.constant 0 : i32
        %dma_wait3A_1359 = arith.constant 0 : i32
        %dma_wait3A_1360 = tpu.memref_slice %arg2[%dma_wait3A_1357, %dma_wait3A_1358, %dma_wait3A_1359] : memref<18x16385x64xf32, #tpu.memory_space<hbm>> -> memref<1x1x64xf32, #tpu.memory_space<hbm>>
        %dma_wait3A_1361 = tpu.memref_squeeze %dma_wait3A_1360 : memref<1x1x64xf32, #tpu.memory_space<hbm>> -> memref<1x64xf32, #tpu.memory_space<hbm>>
        %dma_wait3A_1362 = arith.constant 0 : i32
        %dma_wait3A_1363 = arith.constant 0 : i32
        %dma_wait3A_1364 = tpu.memref_slice %arg2[%dma_wait3A_1357, %dma_wait3A_1362, %dma_wait3A_1363] : memref<18x16385x64xf32, #tpu.memory_space<hbm>> -> memref<1x1x64xf32, #tpu.memory_space<hbm>>
        %dma_wait3A_1365 = tpu.memref_squeeze %dma_wait3A_1364 : memref<1x1x64xf32, #tpu.memory_space<hbm>> -> memref<1x64xf32, #tpu.memory_space<hbm>>
        tpu.wait_dma2 semaphore(%arg15 : memref<!tpu.dma_semaphore, #tpu.memory_space<semaphore_mem>>) src(%dma_wait3A_1365 : memref<1x64xf32, #tpu.memory_space<hbm>>) dst(%arg12 : memref<1x64xf32, #tpu.memory_space<vmem>>)
      }
      %while3A_1354 = arith.constant 0 : i32
      %while3A_1355:2 = scf.while (%while3A_1356 = %while3A_1341, %while3A_1357 = %while3A_1354) : (i32, i32) -> (i32, i32) {
        %lt3A_1358 = arith.cmpi slt, %while3A_1356, %while3A_1343#0 : i32
        scf.condition(%lt3A_1358) %while3A_1356, %while3A_1357 : i32, i32
      } do {
      ^bb0(%while3A_1356: i32, %while3A_1357: i32):
        %and3A_1358 = arith.constant -16 : i32
        %and3A_1359 = arith.andi %while3A_1356, %and3A_1358 : i32
        %and3A_1360 = arith.constant 15 : i32
        %and3A_1361 = arith.andi %while3A_1356, %and3A_1360 : i32
        %get3A_1362 = arith.index_cast %and3A_1359 : i32 to index
        %get3A_1363 = tpu.vector_load %arg7[%get3A_1362] {strides = array<i32>} : memref<1040xi32, #tpu.memory_space<vmem>>, vector<16xi32>,
        %eq3A_1364 = vector.broadcast %and3A_1361 : i32 to vector<16xi32>
        %eq3A_1365 = arith.cmpi eq, %iota3A, %eq3A_1364 : vector<16xi32>
        %jit3A_1366 = arith.constant 0 : i32
        %broadcast_in_dim3A_1367 = vector.broadcast %jit3A_1366 : i32 to vector<16xi32>
        %select_n3A_1368 = arith.select %eq3A_1365, %get3A_1363, %broadcast_in_dim3A_1367 : vector<16xi1>, vector<16xi32>
        %reduce_sum3A = arith.constant true
        %reduce_sum3A_1369 = vector.broadcast %reduce_sum3A : i1 to vector<16xi1>
        %reduce_sum3A_1370 = tpu.scan <sum>, %select_n3A_1368 masked %reduce_sum3A_1369 : vector<16xi32>, vector<16xi1> -> vector<16xi32>
        %reduce_sum3A_1371 = vector.extract %reduce_sum3A_1370[15] : i32 from vector<16xi32>
        %broadcast_in_dim3A_1372 = vector.broadcast %reduce_sum3A_1371 : i32 to vector<16xi32>
        %gather3A = tpu.vector_load_idx %arg5[%iota3A, %broadcast_in_dim3A_1372] : memref<18x1024xi32, #tpu.memory_space<vmem>>[vector<16xi32>, vector<16xi32>], vector<16xi32>,
        %ne3A_1373 = arith.constant 16384 : i32
        %ne3A_1374 = vector.broadcast %ne3A_1373 : i32 to vector<16xi32>
        %ne3A_1375 = arith.cmpi ne, %gather3A, %ne3A_1374 : vector<16xi32>
        %add3A_1376 = arith.constant 16 : i32
        %add3A_1377 = vector.broadcast %add3A_1376 : i32 to vector<16xi32>
        %add3A_1378 = arith.addi %iota3A, %add3A_1377 : vector<16xi32>
        %min3A = arith.constant 17 : i32
        %min3A_1379 = vector.broadcast %min3A : i32 to vector<16xi32>
        %min3A_1380 = arith.minsi %add3A_1378, %min3A_1379 : vector<16xi32>
        %gather3A_1381 = tpu.vector_load_idx %arg5[%min3A_1380, %broadcast_in_dim3A_1372] : memref<18x1024xi32, #tpu.memory_space<vmem>>[vector<16xi32>, vector<16xi32>], vector<16xi32>,
        %ne3A_1382 = arith.constant 16384 : i32
        %ne3A_1383 = vector.broadcast %ne3A_1382 : i32 to vector<16xi32>
        %ne3A_1384 = arith.cmpi ne, %gather3A_1381, %ne3A_1383 : vector<16xi32>
        %lt3A_1385 = arith.constant 2 : i32
        %lt3A_1386 = vector.broadcast %lt3A_1385 : i32 to vector<16xi32>
        %lt3A_1387 = arith.cmpi slt, %iota3A, %lt3A_1386 : vector<16xi32>
        %and3A_1388 = arith.andi %ne3A_1384, %lt3A_1387 : vector<16xi1>
        %jit3A_1389 = arith.constant 1 : i32
        %jit3A_1390 = arith.constant 0 : i32
        %broadcast_in_dim3A_1391 = vector.broadcast %jit3A_1389 : i32 to vector<16xi32>
        %broadcast_in_dim3A_1392 = vector.broadcast %jit3A_1390 : i32 to vector<16xi32>
        %select_n3A_1393 = arith.select %ne3A_1375, %broadcast_in_dim3A_1391, %broadcast_in_dim3A_1392 : vector<16xi1>, vector<16xi32>
        %reduce_sum3A_1394 = arith.constant true
        %reduce_sum3A_1395 = vector.broadcast %reduce_sum3A_1394 : i1 to vector<16xi1>
        %reduce_sum3A_1396 = tpu.scan <sum>, %select_n3A_1393 masked %reduce_sum3A_1395 : vector<16xi32>, vector<16xi1> -> vector<16xi32>
        %reduce_sum3A_1397 = vector.extract %reduce_sum3A_1396[15] : i32 from vector<16xi32>
        %jit3A_1398 = arith.constant 1 : i32
        %jit3A_1399 = arith.constant 0 : i32
        %broadcast_in_dim3A_1400 = vector.broadcast %jit3A_1398 : i32 to vector<16xi32>
        %broadcast_in_dim3A_1401 = vector.broadcast %jit3A_1399 : i32 to vector<16xi32>
        %select_n3A_1402 = arith.select %and3A_1388, %broadcast_in_dim3A_1400, %broadcast_in_dim3A_1401 : vector<16xi1>, vector<16xi32>
        %reduce_sum3A_1403 = arith.constant true
        %reduce_sum3A_1404 = vector.broadcast %reduce_sum3A_1403 : i1 to vector<16xi1>
        %reduce_sum3A_1405 = tpu.scan <sum>, %select_n3A_1402 masked %reduce_sum3A_1404 : vector<16xi32>, vector<16xi1> -> vector<16xi32>
        %reduce_sum3A_1406 = vector.extract %reduce_sum3A_1405[15] : i32 from vector<16xi32>
        %add3A_1407 = arith.addi %reduce_sum3A_1397, %reduce_sum3A_1406 : i32
        %mul3A_1408 = arith.constant 64 : i32
        %mul3A_1409 = arith.muli %add3A_1407, %mul3A_1408 : i32
        %add3A_1410 = arith.constant 0 : i32
        %add3A_1411 = arith.addi %mul3A_1409, %add3A_1410 : i32
        %get3A_1412 = arith.index_cast %add3A_1411 : i32 to index
        %get3A_1413 = tpu.vector_load %arg11[%get3A_1412] {strides = array<i32>} : memref<1216xf32, #tpu.memory_space<vmem>>, vector<16xf32>,
        %mul3A_1414 = arith.constant 64 : i32
        %mul3A_1415 = arith.muli %add3A_1407, %mul3A_1414 : i32
        %add3A_1416 = arith.constant 16 : i32
        %add3A_1417 = arith.addi %mul3A_1415, %add3A_1416 : i32
        %get3A_1418 = arith.index_cast %add3A_1417 : i32 to index
        %get3A_1419 = tpu.vector_load %arg11[%get3A_1418] {strides = array<i32>} : memref<1216xf32, #tpu.memory_space<vmem>>, vector<16xf32>,
        %mul3A_1420 = arith.constant 64 : i32
        %mul3A_1421 = arith.muli %add3A_1407, %mul3A_1420 : i32
        %add3A_1422 = arith.constant 32 : i32
        %add3A_1423 = arith.addi %mul3A_1421, %add3A_1422 : i32
        %get3A_1424 = arith.index_cast %add3A_1423 : i32 to index
        %get3A_1425 = tpu.vector_load %arg11[%get3A_1424] {strides = array<i32>} : memref<1216xf32, #tpu.memory_space<vmem>>, vector<16xf32>,
        %mul3A_1426 = arith.constant 64 : i32
        %mul3A_1427 = arith.muli %add3A_1407, %mul3A_1426 : i32
        %add3A_1428 = arith.constant 48 : i32
        %add3A_1429 = arith.addi %mul3A_1427, %add3A_1428 : i32
        %get3A_1430 = arith.index_cast %add3A_1429 : i32 to index
        %get3A_1431 = tpu.vector_load %arg11[%get3A_1430] {strides = array<i32>} : memref<1216xf32, #tpu.memory_space<vmem>>, vector<16xf32>,
        %while3A_1432 = arith.constant 0 : i32
        %while3A_1433 = arith.subi %add3A_1407, %while3A_1432 : i32
        %while3A_1434 = arith.addi %while3A_1432, %while3A_1433 : i32
        %while3A_1435 = arith.constant 1 : i32
        %while3A_1436 = arith.divsi %while3A_1433, %while3A_1435 : i32
        %while3A_1437 = arith.muli %while3A_1436, %while3A_1435 : i32
        %while3A_1438 = arith.addi %while3A_1432, %while3A_1437 : i32
        %while3A_1439 = arith.constant 1 : i32
        %while3A_1440:4 = scf.for %while3A_1478 = %while3A_1432 to %while3A_1438 step %while3A_1439 iter_args(%while3A_1479 = %get3A_1413, %while3A_1480 = %get3A_1419, %while3A_1481 = %get3A_1425, %while3A_1482 = %get3A_1431) -> (vector<16xf32>, vector<16xf32>, vector<16xf32>, vector<16xf32>)  : i32 {
          %add3A_1483 = arith.addi %while3A_1357, %while3A_1478 : i32
          %get3A_1484 = arith.index_cast %add3A_1483 : i32 to index
          %get3A_1485 = arith.constant 0 : index
          %get3A_1486 = tpu.vector_load %arg8[%get3A_1484, %get3A_1485] {strides = array<i32>} : memref<128x64xf32, #tpu.memory_space<vmem>>, vector<16xf32>,
          %add3A_1487 = arith.addf %while3A_1479, %get3A_1486 : vector<16xf32>
          %add3A_1488 = arith.addi %while3A_1357, %while3A_1478 : i32
          %get3A_1489 = arith.index_cast %add3A_1488 : i32 to index
          %get3A_1490 = arith.constant 16 : index
          %get3A_1491 = tpu.vector_load %arg8[%get3A_1489, %get3A_1490] {strides = array<i32>} : memref<128x64xf32, #tpu.memory_space<vmem>>, vector<16xf32>,
          %add3A_1492 = arith.addf %while3A_1480, %get3A_1491 : vector<16xf32>
          %add3A_1493 = arith.addi %while3A_1357, %while3A_1478 : i32
          %get3A_1494 = arith.index_cast %add3A_1493 : i32 to index
          %get3A_1495 = arith.constant 32 : index
          %get3A_1496 = tpu.vector_load %arg8[%get3A_1494, %get3A_1495] {strides = array<i32>} : memref<128x64xf32, #tpu.memory_space<vmem>>, vector<16xf32>,
          %add3A_1497 = arith.addf %while3A_1481, %get3A_1496 : vector<16xf32>
          %add3A_1498 = arith.addi %while3A_1357, %while3A_1478 : i32
          %get3A_1499 = arith.index_cast %add3A_1498 : i32 to index
          %get3A_1500 = arith.constant 48 : index
          %get3A_1501 = tpu.vector_load %arg8[%get3A_1499, %get3A_1500] {strides = array<i32>} : memref<128x64xf32, #tpu.memory_space<vmem>>, vector<16xf32>,
          %add3A_1502 = arith.addf %while3A_1482, %get3A_1501 : vector<16xf32>
          scf.yield %add3A_1487, %add3A_1492, %add3A_1497, %add3A_1502 : vector<16xf32>, vector<16xf32>, vector<16xf32>, vector<16xf32>
        }
        %while3A_1441 = arith.constant 1 : i32
        %while3A_1442:4 = scf.for %while3A_1478 = %while3A_1438 to %while3A_1434 step %while3A_1441 iter_args(%while3A_1479 = %while3A_1440#0, %while3A_1480 = %while3A_1440#1, %while3A_1481 = %while3A_1440#2, %while3A_1482 = %while3A_1440#3) -> (vector<16xf32>, vector<16xf32>, vector<16xf32>, vector<16xf32>)  : i32 {
          %add3A_1483 = arith.addi %while3A_1357, %while3A_1478 : i32
          %get3A_1484 = arith.index_cast %add3A_1483 : i32 to index
          %get3A_1485 = arith.constant 0 : index
          %get3A_1486 = tpu.vector_load %arg8[%get3A_1484, %get3A_1485] {strides = array<i32>} : memref<128x64xf32, #tpu.memory_space<vmem>>, vector<16xf32>,
          %add3A_1487 = arith.addf %while3A_1479, %get3A_1486 : vector<16xf32>
          %add3A_1488 = arith.addi %while3A_1357, %while3A_1478 : i32
          %get3A_1489 = arith.index_cast %add3A_1488 : i32 to index
          %get3A_1490 = arith.constant 16 : index
          %get3A_1491 = tpu.vector_load %arg8[%get3A_1489, %get3A_1490] {strides = array<i32>} : memref<128x64xf32, #tpu.memory_space<vmem>>, vector<16xf32>,
          %add3A_1492 = arith.addf %while3A_1480, %get3A_1491 : vector<16xf32>
          %add3A_1493 = arith.addi %while3A_1357, %while3A_1478 : i32
          %get3A_1494 = arith.index_cast %add3A_1493 : i32 to index
          %get3A_1495 = arith.constant 32 : index
          %get3A_1496 = tpu.vector_load %arg8[%get3A_1494, %get3A_1495] {strides = array<i32>} : memref<128x64xf32, #tpu.memory_space<vmem>>, vector<16xf32>,
          %add3A_1497 = arith.addf %while3A_1481, %get3A_1496 : vector<16xf32>
          %add3A_1498 = arith.addi %while3A_1357, %while3A_1478 : i32
          %get3A_1499 = arith.index_cast %add3A_1498 : i32 to index
          %get3A_1500 = arith.constant 48 : index
          %get3A_1501 = tpu.vector_load %arg8[%get3A_1499, %get3A_1500] {strides = array<i32>} : memref<128x64xf32, #tpu.memory_space<vmem>>, vector<16xf32>,
          %add3A_1502 = arith.addf %while3A_1482, %get3A_1501 : vector<16xf32>
          scf.yield %add3A_1487, %add3A_1492, %add3A_1497, %add3A_1502 : vector<16xf32>, vector<16xf32>, vector<16xf32>, vector<16xf32>
        }
        %mul3A_1443 = arith.constant 0.0526315793 : f32
        %mul3A_1444 = vector.broadcast %mul3A_1443 : f32 to vector<16xf32>
        %mul3A_1445 = arith.mulf %while3A_1442#0, %mul3A_1444 : vector<16xf32>
        %sub3A_1446 = arith.constant 0 : i32
        %sub3A_1447 = arith.subi %reduce_sum3A_1371, %sub3A_1446 : i32
        %swap3A_1448 = arith.index_cast %sub3A_1447 : i32 to index
        %swap3A_1449 = arith.constant 0 : index
        %swap3A_1450 = tpu.vector_load %arg6[%swap3A_1448, %swap3A_1449] {strides = array<i32>} : memref<512x64xf32, #tpu.memory_space<vmem>>, vector<16xf32>,
        tpu.vector_store %arg6[%swap3A_1448, %swap3A_1449], %mul3A_1445 {strides = array<i32>} : memref<512x64xf32, #tpu.memory_space<vmem>>, vector<16xf32>,
        %mul3A_1451 = arith.constant 0.0526315793 : f32
        %mul3A_1452 = vector.broadcast %mul3A_1451 : f32 to vector<16xf32>
        %mul3A_1453 = arith.mulf %while3A_1442#1, %mul3A_1452 : vector<16xf32>
        %sub3A_1454 = arith.constant 0 : i32
        %sub3A_1455 = arith.subi %reduce_sum3A_1371, %sub3A_1454 : i32
        %swap3A_1456 = arith.index_cast %sub3A_1455 : i32 to index
        %swap3A_1457 = arith.constant 16 : index
        %swap3A_1458 = tpu.vector_load %arg6[%swap3A_1456, %swap3A_1457] {strides = array<i32>} : memref<512x64xf32, #tpu.memory_space<vmem>>, vector<16xf32>,
        tpu.vector_store %arg6[%swap3A_1456, %swap3A_1457], %mul3A_1453 {strides = array<i32>} : memref<512x64xf32, #tpu.memory_space<vmem>>, vector<16xf32>,
        %mul3A_1459 = arith.constant 0.0526315793 : f32
        %mul3A_1460 = vector.broadcast %mul3A_1459 : f32 to vector<16xf32>
        %mul3A_1461 = arith.mulf %while3A_1442#2, %mul3A_1460 : vector<16xf32>
        %sub3A_1462 = arith.constant 0 : i32
        %sub3A_1463 = arith.subi %reduce_sum3A_1371, %sub3A_1462 : i32
        %swap3A_1464 = arith.index_cast %sub3A_1463 : i32 to index
        %swap3A_1465 = arith.constant 32 : index
        %swap3A_1466 = tpu.vector_load %arg6[%swap3A_1464, %swap3A_1465] {strides = array<i32>} : memref<512x64xf32, #tpu.memory_space<vmem>>, vector<16xf32>,
        tpu.vector_store %arg6[%swap3A_1464, %swap3A_1465], %mul3A_1461 {strides = array<i32>} : memref<512x64xf32, #tpu.memory_space<vmem>>, vector<16xf32>,
        %mul3A_1467 = arith.constant 0.0526315793 : f32
        %mul3A_1468 = vector.broadcast %mul3A_1467 : f32 to vector<16xf32>
        %mul3A_1469 = arith.mulf %while3A_1442#3, %mul3A_1468 : vector<16xf32>
        %sub3A_1470 = arith.constant 0 : i32
        %sub3A_1471 = arith.subi %reduce_sum3A_1371, %sub3A_1470 : i32
        %swap3A_1472 = arith.index_cast %sub3A_1471 : i32 to index
        %swap3A_1473 = arith.constant 48 : index
        %swap3A_1474 = tpu.vector_load %arg6[%swap3A_1472, %swap3A_1473] {strides = array<i32>} : memref<512x64xf32, #tpu.memory_space<vmem>>, vector<16xf32>,
        tpu.vector_store %arg6[%swap3A_1472, %swap3A_1473], %mul3A_1469 {strides = array<i32>} : memref<512x64xf32, #tpu.memory_space<vmem>>, vector<16xf32>,
        %add3A_1475 = arith.constant 1 : i32
        %add3A_1476 = arith.addi %while3A_1356, %add3A_1475 : i32
        %add3A_1477 = arith.addi %while3A_1357, %add3A_1407 : i32
        scf.yield %add3A_1476, %add3A_1477 : i32, i32
      }
      scf.yield %while3A_1355#0 : i32
    }
    %add3A_1294 = arith.constant 0 : i32
    %add3A_1295 = arith.addi %select_n3A_32, %add3A_1294 : i32
    %dma_start3A_1296 = arith.constant 0 : i32
    %dma_start3A_1297 = tpu.memref_slice %arg4[%select_n3A, %add3A_1295, %dma_start3A_1296] : memref<4x8192x64xf32, #tpu.memory_space<hbm>> -> memref<1x512x64xf32, #tpu.memory_space<hbm>>
    %dma_start3A_1298 = tpu.memref_squeeze %dma_start3A_1297 : memref<1x512x64xf32, #tpu.memory_space<hbm>> -> memref<512x64xf32, #tpu.memory_space<hbm>>
    %dma_start3A_1299 = arith.constant 0 : i32
    %dma_start3A_1300 = tpu.memref_slice %arg4[%select_n3A, %add3A_1295, %dma_start3A_1299] : memref<4x8192x64xf32, #tpu.memory_space<hbm>> -> memref<1x512x64xf32, #tpu.memory_space<hbm>>
    %dma_start3A_1301 = tpu.memref_squeeze %dma_start3A_1300 : memref<1x512x64xf32, #tpu.memory_space<hbm>> -> memref<512x64xf32, #tpu.memory_space<hbm>>
    tpu.enqueue_dma source(%arg6 : memref<512x64xf32, #tpu.memory_space<vmem>>) target(%dma_start3A_1301 : memref<512x64xf32, #tpu.memory_space<hbm>>) target_semaphore(%arg17 : memref<!tpu.dma_semaphore, #tpu.memory_space<semaphore_mem>>)
    %dma_wait3A_1302 = arith.constant 0 : i32
    %dma_wait3A_1303 = tpu.memref_slice %arg4[%select_n3A, %add3A_1295, %dma_wait3A_1302] : memref<4x8192x64xf32, #tpu.memory_space<hbm>> -> memref<1x512x64xf32, #tpu.memory_space<hbm>>
    %dma_wait3A_1304 = tpu.memref_squeeze %dma_wait3A_1303 : memref<1x512x64xf32, #tpu.memory_space<hbm>> -> memref<512x64xf32, #tpu.memory_space<hbm>>
    %dma_wait3A_1305 = arith.constant 0 : i32
    %dma_wait3A_1306 = tpu.memref_slice %arg4[%select_n3A, %add3A_1295, %dma_wait3A_1305] : memref<4x8192x64xf32, #tpu.memory_space<hbm>> -> memref<1x512x64xf32, #tpu.memory_space<hbm>>
    %dma_wait3A_1307 = tpu.memref_squeeze %dma_wait3A_1306 : memref<1x512x64xf32, #tpu.memory_space<hbm>> -> memref<512x64xf32, #tpu.memory_space<hbm>>
    tpu.wait_dma2 semaphore(%arg17 : memref<!tpu.dma_semaphore, #tpu.memory_space<semaphore_mem>>) src(%arg6 : memref<512x64xf32, #tpu.memory_space<vmem>>) dst(%dma_wait3A_1307 : memref<512x64xf32, #tpu.memory_space<hbm>>)
    %scan3A_1308 = arith.constant 0 : i32
    %scan3A_1309 = arith.constant 0 : i32
    %scan3A_1310 = arith.constant 128 : i32
    %scan3A_1311 = arith.addi %scan3A_1309, %scan3A_1310 : i32
    %scan3A_1312 = arith.constant 1 : i32
    scf.for %scan3A_1341 = %scan3A_1309 to %scan3A_1311 step %scan3A_1312  : i32 {
      %mul3A_1342 = arith.constant 4 : i32
      %mul3A_1343 = arith.muli %scan3A_1341, %mul3A_1342 : i32
      %add3A_1344 = arith.constant 0 : i32
      %add3A_1345 = arith.addi %mul3A_1343, %add3A_1344 : i32
      %swap3A_1346 = arith.index_cast %add3A_1345 : i32 to index
      %swap3A_1347 = arith.constant 0 : index
      %swap3A_1348 = tpu.vector_load %arg6[%swap3A_1346, %swap3A_1347] {strides = array<i32>} : memref<512x64xf32, #tpu.memory_space<vmem>>, vector<16xf32>,
      tpu.vector_store %arg6[%swap3A_1346, %swap3A_1347], %mul3A_1236 {strides = array<i32>} : memref<512x64xf32, #tpu.memory_space<vmem>>, vector<16xf32>,
      %mul3A_1349 = arith.constant 4 : i32
      %mul3A_1350 = arith.muli %scan3A_1341, %mul3A_1349 : i32
      %add3A_1351 = arith.constant 0 : i32
      %add3A_1352 = arith.addi %mul3A_1350, %add3A_1351 : i32
      %swap3A_1353 = arith.index_cast %add3A_1352 : i32 to index
      %swap3A_1354 = arith.constant 16 : index
      %swap3A_1355 = tpu.vector_load %arg6[%swap3A_1353, %swap3A_1354] {strides = array<i32>} : memref<512x64xf32, #tpu.memory_space<vmem>>, vector<16xf32>,
      tpu.vector_store %arg6[%swap3A_1353, %swap3A_1354], %mul3A_1241 {strides = array<i32>} : memref<512x64xf32, #tpu.memory_space<vmem>>, vector<16xf32>,
      %mul3A_1356 = arith.constant 4 : i32
      %mul3A_1357 = arith.muli %scan3A_1341, %mul3A_1356 : i32
      %add3A_1358 = arith.constant 0 : i32
      %add3A_1359 = arith.addi %mul3A_1357, %add3A_1358 : i32
      %swap3A_1360 = arith.index_cast %add3A_1359 : i32 to index
      %swap3A_1361 = arith.constant 32 : index
      %swap3A_1362 = tpu.vector_load %arg6[%swap3A_1360, %swap3A_1361] {strides = array<i32>} : memref<512x64xf32, #tpu.memory_space<vmem>>, vector<16xf32>,
      tpu.vector_store %arg6[%swap3A_1360, %swap3A_1361], %mul3A_1246 {strides = array<i32>} : memref<512x64xf32, #tpu.memory_space<vmem>>, vector<16xf32>,
      %mul3A_1363 = arith.constant 4 : i32
      %mul3A_1364 = arith.muli %scan3A_1341, %mul3A_1363 : i32
      %add3A_1365 = arith.constant 0 : i32
      %add3A_1366 = arith.addi %mul3A_1364, %add3A_1365 : i32
      %swap3A_1367 = arith.index_cast %add3A_1366 : i32 to index
      %swap3A_1368 = arith.constant 48 : index
      %swap3A_1369 = tpu.vector_load %arg6[%swap3A_1367, %swap3A_1368] {strides = array<i32>} : memref<512x64xf32, #tpu.memory_space<vmem>>, vector<16xf32>,
      tpu.vector_store %arg6[%swap3A_1367, %swap3A_1368], %mul3A_1251 {strides = array<i32>} : memref<512x64xf32, #tpu.memory_space<vmem>>, vector<16xf32>,
      %mul3A_1370 = arith.constant 4 : i32
      %mul3A_1371 = arith.muli %scan3A_1341, %mul3A_1370 : i32
      %add3A_1372 = arith.constant 1 : i32
      %add3A_1373 = arith.addi %mul3A_1371, %add3A_1372 : i32
      %swap3A_1374 = arith.index_cast %add3A_1373 : i32 to index
      %swap3A_1375 = arith.constant 0 : index
      %swap3A_1376 = tpu.vector_load %arg6[%swap3A_1374, %swap3A_1375] {strides = array<i32>} : memref<512x64xf32, #tpu.memory_space<vmem>>, vector<16xf32>,
      tpu.vector_store %arg6[%swap3A_1374, %swap3A_1375], %mul3A_1236 {strides = array<i32>} : memref<512x64xf32, #tpu.memory_space<vmem>>, vector<16xf32>,
      %mul3A_1377 = arith.constant 4 : i32
      %mul3A_1378 = arith.muli %scan3A_1341, %mul3A_1377 : i32
      %add3A_1379 = arith.constant 1 : i32
      %add3A_1380 = arith.addi %mul3A_1378, %add3A_1379 : i32
      %swap3A_1381 = arith.index_cast %add3A_1380 : i32 to index
      %swap3A_1382 = arith.constant 16 : index
      %swap3A_1383 = tpu.vector_load %arg6[%swap3A_1381, %swap3A_1382] {strides = array<i32>} : memref<512x64xf32, #tpu.memory_space<vmem>>, vector<16xf32>,
      tpu.vector_store %arg6[%swap3A_1381, %swap3A_1382], %mul3A_1241 {strides = array<i32>} : memref<512x64xf32, #tpu.memory_space<vmem>>, vector<16xf32>,
      %mul3A_1384 = arith.constant 4 : i32
      %mul3A_1385 = arith.muli %scan3A_1341, %mul3A_1384 : i32
      %add3A_1386 = arith.constant 1 : i32
      %add3A_1387 = arith.addi %mul3A_1385, %add3A_1386 : i32
      %swap3A_1388 = arith.index_cast %add3A_1387 : i32 to index
      %swap3A_1389 = arith.constant 32 : index
      %swap3A_1390 = tpu.vector_load %arg6[%swap3A_1388, %swap3A_1389] {strides = array<i32>} : memref<512x64xf32, #tpu.memory_space<vmem>>, vector<16xf32>,
      tpu.vector_store %arg6[%swap3A_1388, %swap3A_1389], %mul3A_1246 {strides = array<i32>} : memref<512x64xf32, #tpu.memory_space<vmem>>, vector<16xf32>,
      %mul3A_1391 = arith.constant 4 : i32
      %mul3A_1392 = arith.muli %scan3A_1341, %mul3A_1391 : i32
      %add3A_1393 = arith.constant 1 : i32
      %add3A_1394 = arith.addi %mul3A_1392, %add3A_1393 : i32
      %swap3A_1395 = arith.index_cast %add3A_1394 : i32 to index
      %swap3A_1396 = arith.constant 48 : index
      %swap3A_1397 = tpu.vector_load %arg6[%swap3A_1395, %swap3A_1396] {strides = array<i32>} : memref<512x64xf32, #tpu.memory_space<vmem>>, vector<16xf32>,
      tpu.vector_store %arg6[%swap3A_1395, %swap3A_1396], %mul3A_1251 {strides = array<i32>} : memref<512x64xf32, #tpu.memory_space<vmem>>, vector<16xf32>,
      %mul3A_1398 = arith.constant 4 : i32
      %mul3A_1399 = arith.muli %scan3A_1341, %mul3A_1398 : i32
      %add3A_1400 = arith.constant 2 : i32
      %add3A_1401 = arith.addi %mul3A_1399, %add3A_1400 : i32
      %swap3A_1402 = arith.index_cast %add3A_1401 : i32 to index
      %swap3A_1403 = arith.constant 0 : index
      %swap3A_1404 = tpu.vector_load %arg6[%swap3A_1402, %swap3A_1403] {strides = array<i32>} : memref<512x64xf32, #tpu.memory_space<vmem>>, vector<16xf32>,
      tpu.vector_store %arg6[%swap3A_1402, %swap3A_1403], %mul3A_1236 {strides = array<i32>} : memref<512x64xf32, #tpu.memory_space<vmem>>, vector<16xf32>,
      %mul3A_1405 = arith.constant 4 : i32
      %mul3A_1406 = arith.muli %scan3A_1341, %mul3A_1405 : i32
      %add3A_1407 = arith.constant 2 : i32
      %add3A_1408 = arith.addi %mul3A_1406, %add3A_1407 : i32
      %swap3A_1409 = arith.index_cast %add3A_1408 : i32 to index
      %swap3A_1410 = arith.constant 16 : index
      %swap3A_1411 = tpu.vector_load %arg6[%swap3A_1409, %swap3A_1410] {strides = array<i32>} : memref<512x64xf32, #tpu.memory_space<vmem>>, vector<16xf32>,
      tpu.vector_store %arg6[%swap3A_1409, %swap3A_1410], %mul3A_1241 {strides = array<i32>} : memref<512x64xf32, #tpu.memory_space<vmem>>, vector<16xf32>,
      %mul3A_1412 = arith.constant 4 : i32
      %mul3A_1413 = arith.muli %scan3A_1341, %mul3A_1412 : i32
      %add3A_1414 = arith.constant 2 : i32
      %add3A_1415 = arith.addi %mul3A_1413, %add3A_1414 : i32
      %swap3A_1416 = arith.index_cast %add3A_1415 : i32 to index
      %swap3A_1417 = arith.constant 32 : index
      %swap3A_1418 = tpu.vector_load %arg6[%swap3A_1416, %swap3A_1417] {strides = array<i32>} : memref<512x64xf32, #tpu.memory_space<vmem>>, vector<16xf32>,
      tpu.vector_store %arg6[%swap3A_1416, %swap3A_1417], %mul3A_1246 {strides = array<i32>} : memref<512x64xf32, #tpu.memory_space<vmem>>, vector<16xf32>,
      %mul3A_1419 = arith.constant 4 : i32
      %mul3A_1420 = arith.muli %scan3A_1341, %mul3A_1419 : i32
      %add3A_1421 = arith.constant 2 : i32
      %add3A_1422 = arith.addi %mul3A_1420, %add3A_1421 : i32
      %swap3A_1423 = arith.index_cast %add3A_1422 : i32 to index
      %swap3A_1424 = arith.constant 48 : index
      %swap3A_1425 = tpu.vector_load %arg6[%swap3A_1423, %swap3A_1424] {strides = array<i32>} : memref<512x64xf32, #tpu.memory_space<vmem>>, vector<16xf32>,
      tpu.vector_store %arg6[%swap3A_1423, %swap3A_1424], %mul3A_1251 {strides = array<i32>} : memref<512x64xf32, #tpu.memory_space<vmem>>, vector<16xf32>,
      %mul3A_1426 = arith.constant 4 : i32
      %mul3A_1427 = arith.muli %scan3A_1341, %mul3A_1426 : i32
      %add3A_1428 = arith.constant 3 : i32
      %add3A_1429 = arith.addi %mul3A_1427, %add3A_1428 : i32
      %swap3A_1430 = arith.index_cast %add3A_1429 : i32 to index
      %swap3A_1431 = arith.constant 0 : index
      %swap3A_1432 = tpu.vector_load %arg6[%swap3A_1430, %swap3A_1431] {strides = array<i32>} : memref<512x64xf32, #tpu.memory_space<vmem>>, vector<16xf32>,
      tpu.vector_store %arg6[%swap3A_1430, %swap3A_1431], %mul3A_1236 {strides = array<i32>} : memref<512x64xf32, #tpu.memory_space<vmem>>, vector<16xf32>,
      %mul3A_1433 = arith.constant 4 : i32
      %mul3A_1434 = arith.muli %scan3A_1341, %mul3A_1433 : i32
      %add3A_1435 = arith.constant 3 : i32
      %add3A_1436 = arith.addi %mul3A_1434, %add3A_1435 : i32
      %swap3A_1437 = arith.index_cast %add3A_1436 : i32 to index
      %swap3A_1438 = arith.constant 16 : index
      %swap3A_1439 = tpu.vector_load %arg6[%swap3A_1437, %swap3A_1438] {strides = array<i32>} : memref<512x64xf32, #tpu.memory_space<vmem>>, vector<16xf32>,
      tpu.vector_store %arg6[%swap3A_1437, %swap3A_1438], %mul3A_1241 {strides = array<i32>} : memref<512x64xf32, #tpu.memory_space<vmem>>, vector<16xf32>,
      %mul3A_1440 = arith.constant 4 : i32
      %mul3A_1441 = arith.muli %scan3A_1341, %mul3A_1440 : i32
      %add3A_1442 = arith.constant 3 : i32
      %add3A_1443 = arith.addi %mul3A_1441, %add3A_1442 : i32
      %swap3A_1444 = arith.index_cast %add3A_1443 : i32 to index
      %swap3A_1445 = arith.constant 32 : index
      %swap3A_1446 = tpu.vector_load %arg6[%swap3A_1444, %swap3A_1445] {strides = array<i32>} : memref<512x64xf32, #tpu.memory_space<vmem>>, vector<16xf32>,
      tpu.vector_store %arg6[%swap3A_1444, %swap3A_1445], %mul3A_1246 {strides = array<i32>} : memref<512x64xf32, #tpu.memory_space<vmem>>, vector<16xf32>,
      %mul3A_1447 = arith.constant 4 : i32
      %mul3A_1448 = arith.muli %scan3A_1341, %mul3A_1447 : i32
      %add3A_1449 = arith.constant 3 : i32
      %add3A_1450 = arith.addi %mul3A_1448, %add3A_1449 : i32
      %swap3A_1451 = arith.index_cast %add3A_1450 : i32 to index
      %swap3A_1452 = arith.constant 48 : index
      %swap3A_1453 = tpu.vector_load %arg6[%swap3A_1451, %swap3A_1452] {strides = array<i32>} : memref<512x64xf32, #tpu.memory_space<vmem>>, vector<16xf32>,
      tpu.vector_store %arg6[%swap3A_1451, %swap3A_1452], %mul3A_1251 {strides = array<i32>} : memref<512x64xf32, #tpu.memory_space<vmem>>, vector<16xf32>,
    }
    %scan3A_1313 = arith.constant 128 : i32
    %while3A_1314 = arith.constant 0 : i32
    %while3A_1315 = arith.constant 0 : i32
    %while3A_1316 = arith.subi %while3A_1273#1, %while3A_1315 : i32
    %while3A_1317 = arith.addi %while3A_1315, %while3A_1316 : i32
    %while3A_1318 = arith.constant 1 : i32
    %while3A_1319 = arith.divsi %while3A_1316, %while3A_1318 : i32
    %while3A_1320 = arith.muli %while3A_1319, %while3A_1318 : i32
    %while3A_1321 = arith.addi %while3A_1315, %while3A_1320 : i32
    %while3A_1322 = arith.constant 1 : i32
    scf.for %while3A_1341 = %while3A_1315 to %while3A_1321 step %while3A_1322  : i32 {
      %dma_wait3A_1342 = arith.constant 0 : i32
      %dma_wait3A_1343 = arith.constant 0 : i32
      %dma_wait3A_1344 = arith.constant 0 : i32
      %dma_wait3A_1345 = tpu.memref_slice %arg2[%dma_wait3A_1342, %dma_wait3A_1343, %dma_wait3A_1344] : memref<18x16385x64xf32, #tpu.memory_space<hbm>> -> memref<1x1x64xf32, #tpu.memory_space<hbm>>
      %dma_wait3A_1346 = tpu.memref_squeeze %dma_wait3A_1345 : memref<1x1x64xf32, #tpu.memory_space<hbm>> -> memref<1x64xf32, #tpu.memory_space<hbm>>
      %dma_wait3A_1347 = arith.constant 0 : i32
      %dma_wait3A_1348 = arith.constant 0 : i32
      %dma_wait3A_1349 = tpu.memref_slice %arg2[%dma_wait3A_1342, %dma_wait3A_1347, %dma_wait3A_1348] : memref<18x16385x64xf32, #tpu.memory_space<hbm>> -> memref<1x1x64xf32, #tpu.memory_space<hbm>>
      %dma_wait3A_1350 = tpu.memref_squeeze %dma_wait3A_1349 : memref<1x1x64xf32, #tpu.memory_space<hbm>> -> memref<1x64xf32, #tpu.memory_space<hbm>>
      tpu.wait_dma2 semaphore(%arg16 : memref<!tpu.dma_semaphore, #tpu.memory_space<semaphore_mem>>) src(%dma_wait3A_1350 : memref<1x64xf32, #tpu.memory_space<hbm>>) dst(%arg12 : memref<1x64xf32, #tpu.memory_space<vmem>>)
    }
    %while3A_1323 = arith.constant 1 : i32
    scf.for %while3A_1341 = %while3A_1321 to %while3A_1317 step %while3A_1323  : i32 {
      %dma_wait3A_1342 = arith.constant 0 : i32
      %dma_wait3A_1343 = arith.constant 0 : i32
      %dma_wait3A_1344 = arith.constant 0 : i32
      %dma_wait3A_1345 = tpu.memref_slice %arg2[%dma_wait3A_1342, %dma_wait3A_1343, %dma_wait3A_1344] : memref<18x16385x64xf32, #tpu.memory_space<hbm>> -> memref<1x1x64xf32, #tpu.memory_space<hbm>>
      %dma_wait3A_1346 = tpu.memref_squeeze %dma_wait3A_1345 : memref<1x1x64xf32, #tpu.memory_space<hbm>> -> memref<1x64xf32, #tpu.memory_space<hbm>>
      %dma_wait3A_1347 = arith.constant 0 : i32
      %dma_wait3A_1348 = arith.constant 0 : i32
      %dma_wait3A_1349 = tpu.memref_slice %arg2[%dma_wait3A_1342, %dma_wait3A_1347, %dma_wait3A_1348] : memref<18x16385x64xf32, #tpu.memory_space<hbm>> -> memref<1x1x64xf32, #tpu.memory_space<hbm>>
      %dma_wait3A_1350 = tpu.memref_squeeze %dma_wait3A_1349 : memref<1x1x64xf32, #tpu.memory_space<hbm>> -> memref<1x64xf32, #tpu.memory_space<hbm>>
      tpu.wait_dma2 semaphore(%arg16 : memref<!tpu.dma_semaphore, #tpu.memory_space<semaphore_mem>>) src(%dma_wait3A_1350 : memref<1x64xf32, #tpu.memory_space<hbm>>) dst(%arg12 : memref<1x64xf32, #tpu.memory_space<vmem>>)
    }
    %while3A_1324 = arith.constant 0 : i32
    %while3A_1325:2 = scf.while (%while3A_1341 = %scan3A_1262, %while3A_1342 = %while3A_1324) : (i32, i32) -> (i32, i32) {
      %lt3A_1343 = arith.cmpi slt, %while3A_1341, %while3A_1273#0 : i32
      scf.condition(%lt3A_1343) %while3A_1341, %while3A_1342 : i32, i32
    } do {
    ^bb0(%while3A_1341: i32, %while3A_1342: i32):
      %and3A_1343 = arith.constant -16 : i32
      %and3A_1344 = arith.andi %while3A_1341, %and3A_1343 : i32
      %and3A_1345 = arith.constant 15 : i32
      %and3A_1346 = arith.andi %while3A_1341, %and3A_1345 : i32
      %get3A_1347 = arith.index_cast %and3A_1344 : i32 to index
      %get3A_1348 = tpu.vector_load %arg7[%get3A_1347] {strides = array<i32>} : memref<1040xi32, #tpu.memory_space<vmem>>, vector<16xi32>,
      %eq3A_1349 = vector.broadcast %and3A_1346 : i32 to vector<16xi32>
      %eq3A_1350 = arith.cmpi eq, %iota3A, %eq3A_1349 : vector<16xi32>
      %jit3A_1351 = arith.constant 0 : i32
      %broadcast_in_dim3A_1352 = vector.broadcast %jit3A_1351 : i32 to vector<16xi32>
      %select_n3A_1353 = arith.select %eq3A_1350, %get3A_1348, %broadcast_in_dim3A_1352 : vector<16xi1>, vector<16xi32>
      %reduce_sum3A = arith.constant true
      %reduce_sum3A_1354 = vector.broadcast %reduce_sum3A : i1 to vector<16xi1>
      %reduce_sum3A_1355 = tpu.scan <sum>, %select_n3A_1353 masked %reduce_sum3A_1354 : vector<16xi32>, vector<16xi1> -> vector<16xi32>
      %reduce_sum3A_1356 = vector.extract %reduce_sum3A_1355[15] : i32 from vector<16xi32>
      %broadcast_in_dim3A_1357 = vector.broadcast %reduce_sum3A_1356 : i32 to vector<16xi32>
      %gather3A = tpu.vector_load_idx %arg5[%iota3A, %broadcast_in_dim3A_1357] : memref<18x1024xi32, #tpu.memory_space<vmem>>[vector<16xi32>, vector<16xi32>], vector<16xi32>,
      %ne3A_1358 = arith.constant 16384 : i32
      %ne3A_1359 = vector.broadcast %ne3A_1358 : i32 to vector<16xi32>
      %ne3A_1360 = arith.cmpi ne, %gather3A, %ne3A_1359 : vector<16xi32>
      %add3A_1361 = arith.constant 16 : i32
      %add3A_1362 = vector.broadcast %add3A_1361 : i32 to vector<16xi32>
      %add3A_1363 = arith.addi %iota3A, %add3A_1362 : vector<16xi32>
      %min3A = arith.constant 17 : i32
      %min3A_1364 = vector.broadcast %min3A : i32 to vector<16xi32>
      %min3A_1365 = arith.minsi %add3A_1363, %min3A_1364 : vector<16xi32>
      %gather3A_1366 = tpu.vector_load_idx %arg5[%min3A_1365, %broadcast_in_dim3A_1357] : memref<18x1024xi32, #tpu.memory_space<vmem>>[vector<16xi32>, vector<16xi32>], vector<16xi32>,
      %ne3A_1367 = arith.constant 16384 : i32
      %ne3A_1368 = vector.broadcast %ne3A_1367 : i32 to vector<16xi32>
      %ne3A_1369 = arith.cmpi ne, %gather3A_1366, %ne3A_1368 : vector<16xi32>
      %lt3A_1370 = arith.constant 2 : i32
      %lt3A_1371 = vector.broadcast %lt3A_1370 : i32 to vector<16xi32>
      %lt3A_1372 = arith.cmpi slt, %iota3A, %lt3A_1371 : vector<16xi32>
      %and3A_1373 = arith.andi %ne3A_1369, %lt3A_1372 : vector<16xi1>
      %jit3A_1374 = arith.constant 1 : i32
      %jit3A_1375 = arith.constant 0 : i32
      %broadcast_in_dim3A_1376 = vector.broadcast %jit3A_1374 : i32 to vector<16xi32>
      %broadcast_in_dim3A_1377 = vector.broadcast %jit3A_1375 : i32 to vector<16xi32>
      %select_n3A_1378 = arith.select %ne3A_1360, %broadcast_in_dim3A_1376, %broadcast_in_dim3A_1377 : vector<16xi1>, vector<16xi32>
      %reduce_sum3A_1379 = arith.constant true
      %reduce_sum3A_1380 = vector.broadcast %reduce_sum3A_1379 : i1 to vector<16xi1>
      %reduce_sum3A_1381 = tpu.scan <sum>, %select_n3A_1378 masked %reduce_sum3A_1380 : vector<16xi32>, vector<16xi1> -> vector<16xi32>
      %reduce_sum3A_1382 = vector.extract %reduce_sum3A_1381[15] : i32 from vector<16xi32>
      %jit3A_1383 = arith.constant 1 : i32
      %jit3A_1384 = arith.constant 0 : i32
      %broadcast_in_dim3A_1385 = vector.broadcast %jit3A_1383 : i32 to vector<16xi32>
      %broadcast_in_dim3A_1386 = vector.broadcast %jit3A_1384 : i32 to vector<16xi32>
      %select_n3A_1387 = arith.select %and3A_1373, %broadcast_in_dim3A_1385, %broadcast_in_dim3A_1386 : vector<16xi1>, vector<16xi32>
      %reduce_sum3A_1388 = arith.constant true
      %reduce_sum3A_1389 = vector.broadcast %reduce_sum3A_1388 : i1 to vector<16xi1>
      %reduce_sum3A_1390 = tpu.scan <sum>, %select_n3A_1387 masked %reduce_sum3A_1389 : vector<16xi32>, vector<16xi1> -> vector<16xi32>
      %reduce_sum3A_1391 = vector.extract %reduce_sum3A_1390[15] : i32 from vector<16xi32>
      %add3A_1392 = arith.addi %reduce_sum3A_1382, %reduce_sum3A_1391 : i32
      %mul3A_1393 = arith.constant 64 : i32
      %mul3A_1394 = arith.muli %add3A_1392, %mul3A_1393 : i32
      %add3A_1395 = arith.constant 0 : i32
      %add3A_1396 = arith.addi %mul3A_1394, %add3A_1395 : i32
      %get3A_1397 = arith.index_cast %add3A_1396 : i32 to index
      %get3A_1398 = tpu.vector_load %arg11[%get3A_1397] {strides = array<i32>} : memref<1216xf32, #tpu.memory_space<vmem>>, vector<16xf32>,
      %mul3A_1399 = arith.constant 64 : i32
      %mul3A_1400 = arith.muli %add3A_1392, %mul3A_1399 : i32
      %add3A_1401 = arith.constant 16 : i32
      %add3A_1402 = arith.addi %mul3A_1400, %add3A_1401 : i32
      %get3A_1403 = arith.index_cast %add3A_1402 : i32 to index
      %get3A_1404 = tpu.vector_load %arg11[%get3A_1403] {strides = array<i32>} : memref<1216xf32, #tpu.memory_space<vmem>>, vector<16xf32>,
      %mul3A_1405 = arith.constant 64 : i32
      %mul3A_1406 = arith.muli %add3A_1392, %mul3A_1405 : i32
      %add3A_1407 = arith.constant 32 : i32
      %add3A_1408 = arith.addi %mul3A_1406, %add3A_1407 : i32
      %get3A_1409 = arith.index_cast %add3A_1408 : i32 to index
      %get3A_1410 = tpu.vector_load %arg11[%get3A_1409] {strides = array<i32>} : memref<1216xf32, #tpu.memory_space<vmem>>, vector<16xf32>,
      %mul3A_1411 = arith.constant 64 : i32
      %mul3A_1412 = arith.muli %add3A_1392, %mul3A_1411 : i32
      %add3A_1413 = arith.constant 48 : i32
      %add3A_1414 = arith.addi %mul3A_1412, %add3A_1413 : i32
      %get3A_1415 = arith.index_cast %add3A_1414 : i32 to index
      %get3A_1416 = tpu.vector_load %arg11[%get3A_1415] {strides = array<i32>} : memref<1216xf32, #tpu.memory_space<vmem>>, vector<16xf32>,
      %while3A_1417 = arith.constant 0 : i32
      %while3A_1418 = arith.subi %add3A_1392, %while3A_1417 : i32
      %while3A_1419 = arith.addi %while3A_1417, %while3A_1418 : i32
      %while3A_1420 = arith.constant 1 : i32
      %while3A_1421 = arith.divsi %while3A_1418, %while3A_1420 : i32
      %while3A_1422 = arith.muli %while3A_1421, %while3A_1420 : i32
      %while3A_1423 = arith.addi %while3A_1417, %while3A_1422 : i32
      %while3A_1424 = arith.constant 1 : i32
      %while3A_1425:4 = scf.for %while3A_1463 = %while3A_1417 to %while3A_1423 step %while3A_1424 iter_args(%while3A_1464 = %get3A_1398, %while3A_1465 = %get3A_1404, %while3A_1466 = %get3A_1410, %while3A_1467 = %get3A_1416) -> (vector<16xf32>, vector<16xf32>, vector<16xf32>, vector<16xf32>)  : i32 {
        %add3A_1468 = arith.addi %while3A_1342, %while3A_1463 : i32
        %get3A_1469 = arith.index_cast %add3A_1468 : i32 to index
        %get3A_1470 = arith.constant 0 : index
        %get3A_1471 = tpu.vector_load %arg9[%get3A_1469, %get3A_1470] {strides = array<i32>} : memref<128x64xf32, #tpu.memory_space<vmem>>, vector<16xf32>,
        %add3A_1472 = arith.addf %while3A_1464, %get3A_1471 : vector<16xf32>
        %add3A_1473 = arith.addi %while3A_1342, %while3A_1463 : i32
        %get3A_1474 = arith.index_cast %add3A_1473 : i32 to index
        %get3A_1475 = arith.constant 16 : index
        %get3A_1476 = tpu.vector_load %arg9[%get3A_1474, %get3A_1475] {strides = array<i32>} : memref<128x64xf32, #tpu.memory_space<vmem>>, vector<16xf32>,
        %add3A_1477 = arith.addf %while3A_1465, %get3A_1476 : vector<16xf32>
        %add3A_1478 = arith.addi %while3A_1342, %while3A_1463 : i32
        %get3A_1479 = arith.index_cast %add3A_1478 : i32 to index
        %get3A_1480 = arith.constant 32 : index
        %get3A_1481 = tpu.vector_load %arg9[%get3A_1479, %get3A_1480] {strides = array<i32>} : memref<128x64xf32, #tpu.memory_space<vmem>>, vector<16xf32>,
        %add3A_1482 = arith.addf %while3A_1466, %get3A_1481 : vector<16xf32>
        %add3A_1483 = arith.addi %while3A_1342, %while3A_1463 : i32
        %get3A_1484 = arith.index_cast %add3A_1483 : i32 to index
        %get3A_1485 = arith.constant 48 : index
        %get3A_1486 = tpu.vector_load %arg9[%get3A_1484, %get3A_1485] {strides = array<i32>} : memref<128x64xf32, #tpu.memory_space<vmem>>, vector<16xf32>,
        %add3A_1487 = arith.addf %while3A_1467, %get3A_1486 : vector<16xf32>
        scf.yield %add3A_1472, %add3A_1477, %add3A_1482, %add3A_1487 : vector<16xf32>, vector<16xf32>, vector<16xf32>, vector<16xf32>
      }
      %while3A_1426 = arith.constant 1 : i32
      %while3A_1427:4 = scf.for %while3A_1463 = %while3A_1423 to %while3A_1419 step %while3A_1426 iter_args(%while3A_1464 = %while3A_1425#0, %while3A_1465 = %while3A_1425#1, %while3A_1466 = %while3A_1425#2, %while3A_1467 = %while3A_1425#3) -> (vector<16xf32>, vector<16xf32>, vector<16xf32>, vector<16xf32>)  : i32 {
        %add3A_1468 = arith.addi %while3A_1342, %while3A_1463 : i32
        %get3A_1469 = arith.index_cast %add3A_1468 : i32 to index
        %get3A_1470 = arith.constant 0 : index
        %get3A_1471 = tpu.vector_load %arg9[%get3A_1469, %get3A_1470] {strides = array<i32>} : memref<128x64xf32, #tpu.memory_space<vmem>>, vector<16xf32>,
        %add3A_1472 = arith.addf %while3A_1464, %get3A_1471 : vector<16xf32>
        %add3A_1473 = arith.addi %while3A_1342, %while3A_1463 : i32
        %get3A_1474 = arith.index_cast %add3A_1473 : i32 to index
        %get3A_1475 = arith.constant 16 : index
        %get3A_1476 = tpu.vector_load %arg9[%get3A_1474, %get3A_1475] {strides = array<i32>} : memref<128x64xf32, #tpu.memory_space<vmem>>, vector<16xf32>,
        %add3A_1477 = arith.addf %while3A_1465, %get3A_1476 : vector<16xf32>
        %add3A_1478 = arith.addi %while3A_1342, %while3A_1463 : i32
        %get3A_1479 = arith.index_cast %add3A_1478 : i32 to index
        %get3A_1480 = arith.constant 32 : index
        %get3A_1481 = tpu.vector_load %arg9[%get3A_1479, %get3A_1480] {strides = array<i32>} : memref<128x64xf32, #tpu.memory_space<vmem>>, vector<16xf32>,
        %add3A_1482 = arith.addf %while3A_1466, %get3A_1481 : vector<16xf32>
        %add3A_1483 = arith.addi %while3A_1342, %while3A_1463 : i32
        %get3A_1484 = arith.index_cast %add3A_1483 : i32 to index
        %get3A_1485 = arith.constant 48 : index
        %get3A_1486 = tpu.vector_load %arg9[%get3A_1484, %get3A_1485] {strides = array<i32>} : memref<128x64xf32, #tpu.memory_space<vmem>>, vector<16xf32>,
        %add3A_1487 = arith.addf %while3A_1467, %get3A_1486 : vector<16xf32>
        scf.yield %add3A_1472, %add3A_1477, %add3A_1482, %add3A_1487 : vector<16xf32>, vector<16xf32>, vector<16xf32>, vector<16xf32>
      }
      %mul3A_1428 = arith.constant 0.0526315793 : f32
      %mul3A_1429 = vector.broadcast %mul3A_1428 : f32 to vector<16xf32>
      %mul3A_1430 = arith.mulf %while3A_1427#0, %mul3A_1429 : vector<16xf32>
      %sub3A_1431 = arith.constant 512 : i32
      %sub3A_1432 = arith.subi %reduce_sum3A_1356, %sub3A_1431 : i32
      %swap3A_1433 = arith.index_cast %sub3A_1432 : i32 to index
      %swap3A_1434 = arith.constant 0 : index
      %swap3A_1435 = tpu.vector_load %arg6[%swap3A_1433, %swap3A_1434] {strides = array<i32>} : memref<512x64xf32, #tpu.memory_space<vmem>>, vector<16xf32>,
      tpu.vector_store %arg6[%swap3A_1433, %swap3A_1434], %mul3A_1430 {strides = array<i32>} : memref<512x64xf32, #tpu.memory_space<vmem>>, vector<16xf32>,
      %mul3A_1436 = arith.constant 0.0526315793 : f32
      %mul3A_1437 = vector.broadcast %mul3A_1436 : f32 to vector<16xf32>
      %mul3A_1438 = arith.mulf %while3A_1427#1, %mul3A_1437 : vector<16xf32>
      %sub3A_1439 = arith.constant 512 : i32
      %sub3A_1440 = arith.subi %reduce_sum3A_1356, %sub3A_1439 : i32
      %swap3A_1441 = arith.index_cast %sub3A_1440 : i32 to index
      %swap3A_1442 = arith.constant 16 : index
      %swap3A_1443 = tpu.vector_load %arg6[%swap3A_1441, %swap3A_1442] {strides = array<i32>} : memref<512x64xf32, #tpu.memory_space<vmem>>, vector<16xf32>,
      tpu.vector_store %arg6[%swap3A_1441, %swap3A_1442], %mul3A_1438 {strides = array<i32>} : memref<512x64xf32, #tpu.memory_space<vmem>>, vector<16xf32>,
      %mul3A_1444 = arith.constant 0.0526315793 : f32
      %mul3A_1445 = vector.broadcast %mul3A_1444 : f32 to vector<16xf32>
      %mul3A_1446 = arith.mulf %while3A_1427#2, %mul3A_1445 : vector<16xf32>
      %sub3A_1447 = arith.constant 512 : i32
      %sub3A_1448 = arith.subi %reduce_sum3A_1356, %sub3A_1447 : i32
      %swap3A_1449 = arith.index_cast %sub3A_1448 : i32 to index
      %swap3A_1450 = arith.constant 32 : index
      %swap3A_1451 = tpu.vector_load %arg6[%swap3A_1449, %swap3A_1450] {strides = array<i32>} : memref<512x64xf32, #tpu.memory_space<vmem>>, vector<16xf32>,
      tpu.vector_store %arg6[%swap3A_1449, %swap3A_1450], %mul3A_1446 {strides = array<i32>} : memref<512x64xf32, #tpu.memory_space<vmem>>, vector<16xf32>,
      %mul3A_1452 = arith.constant 0.0526315793 : f32
      %mul3A_1453 = vector.broadcast %mul3A_1452 : f32 to vector<16xf32>
      %mul3A_1454 = arith.mulf %while3A_1427#3, %mul3A_1453 : vector<16xf32>
      %sub3A_1455 = arith.constant 512 : i32
      %sub3A_1456 = arith.subi %reduce_sum3A_1356, %sub3A_1455 : i32
      %swap3A_1457 = arith.index_cast %sub3A_1456 : i32 to index
      %swap3A_1458 = arith.constant 48 : index
      %swap3A_1459 = tpu.vector_load %arg6[%swap3A_1457, %swap3A_1458] {strides = array<i32>} : memref<512x64xf32, #tpu.memory_space<vmem>>, vector<16xf32>,
      tpu.vector_store %arg6[%swap3A_1457, %swap3A_1458], %mul3A_1454 {strides = array<i32>} : memref<512x64xf32, #tpu.memory_space<vmem>>, vector<16xf32>,
      %add3A_1460 = arith.constant 1 : i32
      %add3A_1461 = arith.addi %while3A_1341, %add3A_1460 : i32
      %add3A_1462 = arith.addi %while3A_1342, %add3A_1392 : i32
      scf.yield %add3A_1461, %add3A_1462 : i32, i32
    }
    %while3A_1326 = scf.while (%while3A_1341 = %while3A_1325#0) : (i32) -> i32 {
      %lt3A_1342 = arith.cmpi slt, %while3A_1341, %scan3A_1268 : i32
      scf.condition(%lt3A_1342) %while3A_1341 : i32
    } do {
    ^bb0(%while3A_1341: i32):
      %while3A_1342 = arith.constant 0 : i32
      %while3A_1343:2 = scf.while (%while3A_1356 = %while3A_1341, %while3A_1357 = %while3A_1342) : (i32, i32) -> (i32, i32) {
        %lt3A_1358 = arith.cmpi slt, %while3A_1356, %scan3A_1268 : i32
        %le3A = arith.constant 110 : i32
        %le3A_1359 = arith.cmpi sle, %while3A_1357, %le3A : i32
        %and3A_1360 = arith.andi %lt3A_1358, %le3A_1359 : i1
        scf.condition(%and3A_1360) %while3A_1356, %while3A_1357 : i32, i32
      } do {
      ^bb0(%while3A_1356: i32, %while3A_1357: i32):
        %and3A_1358 = arith.constant -16 : i32
        %and3A_1359 = arith.andi %while3A_1356, %and3A_1358 : i32
        %and3A_1360 = arith.constant 15 : i32
        %and3A_1361 = arith.andi %while3A_1356, %and3A_1360 : i32
        %get3A_1362 = arith.index_cast %and3A_1359 : i32 to index
        %get3A_1363 = tpu.vector_load %arg7[%get3A_1362] {strides = array<i32>} : memref<1040xi32, #tpu.memory_space<vmem>>, vector<16xi32>,
        %eq3A_1364 = vector.broadcast %and3A_1361 : i32 to vector<16xi32>
        %eq3A_1365 = arith.cmpi eq, %iota3A, %eq3A_1364 : vector<16xi32>
        %jit3A_1366 = arith.constant 0 : i32
        %broadcast_in_dim3A_1367 = vector.broadcast %jit3A_1366 : i32 to vector<16xi32>
        %select_n3A_1368 = arith.select %eq3A_1365, %get3A_1363, %broadcast_in_dim3A_1367 : vector<16xi1>, vector<16xi32>
        %reduce_sum3A = arith.constant true
        %reduce_sum3A_1369 = vector.broadcast %reduce_sum3A : i1 to vector<16xi1>
        %reduce_sum3A_1370 = tpu.scan <sum>, %select_n3A_1368 masked %reduce_sum3A_1369 : vector<16xi32>, vector<16xi1> -> vector<16xi32>
        %reduce_sum3A_1371 = vector.extract %reduce_sum3A_1370[15] : i32 from vector<16xi32>
        %broadcast_in_dim3A_1372 = vector.broadcast %reduce_sum3A_1371 : i32 to vector<16xi32>
        %gather3A = tpu.vector_load_idx %arg5[%iota3A, %broadcast_in_dim3A_1372] : memref<18x1024xi32, #tpu.memory_space<vmem>>[vector<16xi32>, vector<16xi32>], vector<16xi32>,
        %ne3A_1373 = arith.constant 16384 : i32
        %ne3A_1374 = vector.broadcast %ne3A_1373 : i32 to vector<16xi32>
        %ne3A_1375 = arith.cmpi ne, %gather3A, %ne3A_1374 : vector<16xi32>
        %add3A_1376 = arith.constant 16 : i32
        %add3A_1377 = vector.broadcast %add3A_1376 : i32 to vector<16xi32>
        %add3A_1378 = arith.addi %iota3A, %add3A_1377 : vector<16xi32>
        %min3A = arith.constant 17 : i32
        %min3A_1379 = vector.broadcast %min3A : i32 to vector<16xi32>
        %min3A_1380 = arith.minsi %add3A_1378, %min3A_1379 : vector<16xi32>
        %gather3A_1381 = tpu.vector_load_idx %arg5[%min3A_1380, %broadcast_in_dim3A_1372] : memref<18x1024xi32, #tpu.memory_space<vmem>>[vector<16xi32>, vector<16xi32>], vector<16xi32>,
        %ne3A_1382 = arith.constant 16384 : i32
        %ne3A_1383 = vector.broadcast %ne3A_1382 : i32 to vector<16xi32>
        %ne3A_1384 = arith.cmpi ne, %gather3A_1381, %ne3A_1383 : vector<16xi32>
        %lt3A_1385 = arith.constant 2 : i32
        %lt3A_1386 = vector.broadcast %lt3A_1385 : i32 to vector<16xi32>
        %lt3A_1387 = arith.cmpi slt, %iota3A, %lt3A_1386 : vector<16xi32>
        %and3A_1388 = arith.andi %ne3A_1384, %lt3A_1387 : vector<16xi1>
        %jit3A_1389 = arith.constant 1 : i32
        %jit3A_1390 = arith.constant 0 : i32
        %broadcast_in_dim3A_1391 = vector.broadcast %jit3A_1389 : i32 to vector<16xi32>
        %broadcast_in_dim3A_1392 = vector.broadcast %jit3A_1390 : i32 to vector<16xi32>
        %select_n3A_1393 = arith.select %ne3A_1375, %broadcast_in_dim3A_1391, %broadcast_in_dim3A_1392 : vector<16xi1>, vector<16xi32>
        %reduce_sum3A_1394 = arith.constant true
        %reduce_sum3A_1395 = vector.broadcast %reduce_sum3A_1394 : i1 to vector<16xi1>
        %reduce_sum3A_1396 = tpu.scan <sum>, %select_n3A_1393 masked %reduce_sum3A_1395 : vector<16xi32>, vector<16xi1> -> vector<16xi32>
        %reduce_sum3A_1397 = vector.extract %reduce_sum3A_1396[15] : i32 from vector<16xi32>
        %jit3A_1398 = arith.constant 1 : i32
        %jit3A_1399 = arith.constant 0 : i32
        %broadcast_in_dim3A_1400 = vector.broadcast %jit3A_1398 : i32 to vector<16xi32>
        %broadcast_in_dim3A_1401 = vector.broadcast %jit3A_1399 : i32 to vector<16xi32>
        %select_n3A_1402 = arith.select %and3A_1388, %broadcast_in_dim3A_1400, %broadcast_in_dim3A_1401 : vector<16xi1>, vector<16xi32>
        %reduce_sum3A_1403 = arith.constant true
        %reduce_sum3A_1404 = vector.broadcast %reduce_sum3A_1403 : i1 to vector<16xi1>
        %reduce_sum3A_1405 = tpu.scan <sum>, %select_n3A_1402 masked %reduce_sum3A_1404 : vector<16xi32>, vector<16xi1> -> vector<16xi32>
        %reduce_sum3A_1406 = vector.extract %reduce_sum3A_1405[15] : i32 from vector<16xi32>
        %while3A_1407 = arith.constant 0 : i32
        %while3A_1408 = arith.constant 0 : i32
        %while3A_1409 = arith.subi %reduce_sum3A_1397, %while3A_1408 : i32
        %while3A_1410 = arith.addi %while3A_1408, %while3A_1409 : i32
        %while3A_1411 = arith.constant 1 : i32
        %while3A_1412 = arith.divsi %while3A_1409, %while3A_1411 : i32
        %while3A_1413 = arith.muli %while3A_1412, %while3A_1411 : i32
        %while3A_1414 = arith.addi %while3A_1408, %while3A_1413 : i32
        %while3A_1415 = arith.constant 1 : i32
        scf.for %while3A_1431 = %while3A_1408 to %while3A_1414 step %while3A_1415  : i32 {
          %eq3A_1432 = vector.broadcast %while3A_1431 : i32 to vector<16xi32>
          %eq3A_1433 = arith.cmpi eq, %iota3A, %eq3A_1432 : vector<16xi32>
          %jit3A_1434 = arith.constant 0 : i32
          %broadcast_in_dim3A_1435 = vector.broadcast %jit3A_1434 : i32 to vector<16xi32>
          %select_n3A_1436 = arith.select %eq3A_1433, %gather3A, %broadcast_in_dim3A_1435 : vector<16xi1>, vector<16xi32>
          %reduce_sum3A_1437 = arith.constant true
          %reduce_sum3A_1438 = vector.broadcast %reduce_sum3A_1437 : i1 to vector<16xi1>
          %reduce_sum3A_1439 = tpu.scan <sum>, %select_n3A_1436 masked %reduce_sum3A_1438 : vector<16xi32>, vector<16xi1> -> vector<16xi32>
          %reduce_sum3A_1440 = vector.extract %reduce_sum3A_1439[15] : i32 from vector<16xi32>
          %add3A_1441 = arith.addi %while3A_1357, %while3A_1431 : i32
          %dma_start3A_1442 = arith.constant 0 : i32
          %dma_start3A_1443 = tpu.memref_slice %arg9[%add3A_1441, %dma_start3A_1442] : memref<128x64xf32, #tpu.memory_space<vmem>> -> memref<1x64xf32, #tpu.memory_space<vmem>>
          %dma_start3A_1444 = arith.constant 0 : i32
          %dma_start3A_1445 = tpu.memref_slice %arg2[%while3A_1431, %reduce_sum3A_1440, %dma_start3A_1444] : memref<18x16385x64xf32, #tpu.memory_space<hbm>> -> memref<1x1x64xf32, #tpu.memory_space<hbm>>
          %dma_start3A_1446 = tpu.memref_squeeze %dma_start3A_1445 : memref<1x1x64xf32, #tpu.memory_space<hbm>> -> memref<1x64xf32, #tpu.memory_space<hbm>>
          %dma_start3A_1447 = arith.constant 0 : i32
          %dma_start3A_1448 = tpu.memref_slice %arg9[%add3A_1441, %dma_start3A_1447] : memref<128x64xf32, #tpu.memory_space<vmem>> -> memref<1x64xf32, #tpu.memory_space<vmem>>
          %dma_start3A_1449 = arith.constant 0 : i32
          %dma_start3A_1450 = tpu.memref_slice %arg2[%while3A_1431, %reduce_sum3A_1440, %dma_start3A_1449] : memref<18x16385x64xf32, #tpu.memory_space<hbm>> -> memref<1x1x64xf32, #tpu.memory_space<hbm>>
          %dma_start3A_1451 = tpu.memref_squeeze %dma_start3A_1450 : memref<1x1x64xf32, #tpu.memory_space<hbm>> -> memref<1x64xf32, #tpu.memory_space<hbm>>
          tpu.enqueue_dma source(%dma_start3A_1451 : memref<1x64xf32, #tpu.memory_space<hbm>>) target(%dma_start3A_1448 : memref<1x64xf32, #tpu.memory_space<vmem>>) target_semaphore(%arg16 : memref<!tpu.dma_semaphore, #tpu.memory_space<semaphore_mem>>)
        }
        %while3A_1416 = arith.constant 1 : i32
        scf.for %while3A_1431 = %while3A_1414 to %while3A_1410 step %while3A_1416  : i32 {
          %eq3A_1432 = vector.broadcast %while3A_1431 : i32 to vector<16xi32>
          %eq3A_1433 = arith.cmpi eq, %iota3A, %eq3A_1432 : vector<16xi32>
          %jit3A_1434 = arith.constant 0 : i32
          %broadcast_in_dim3A_1435 = vector.broadcast %jit3A_1434 : i32 to vector<16xi32>
          %select_n3A_1436 = arith.select %eq3A_1433, %gather3A, %broadcast_in_dim3A_1435 : vector<16xi1>, vector<16xi32>
          %reduce_sum3A_1437 = arith.constant true
          %reduce_sum3A_1438 = vector.broadcast %reduce_sum3A_1437 : i1 to vector<16xi1>
          %reduce_sum3A_1439 = tpu.scan <sum>, %select_n3A_1436 masked %reduce_sum3A_1438 : vector<16xi32>, vector<16xi1> -> vector<16xi32>
          %reduce_sum3A_1440 = vector.extract %reduce_sum3A_1439[15] : i32 from vector<16xi32>
          %add3A_1441 = arith.addi %while3A_1357, %while3A_1431 : i32
          %dma_start3A_1442 = arith.constant 0 : i32
          %dma_start3A_1443 = tpu.memref_slice %arg9[%add3A_1441, %dma_start3A_1442] : memref<128x64xf32, #tpu.memory_space<vmem>> -> memref<1x64xf32, #tpu.memory_space<vmem>>
          %dma_start3A_1444 = arith.constant 0 : i32
          %dma_start3A_1445 = tpu.memref_slice %arg2[%while3A_1431, %reduce_sum3A_1440, %dma_start3A_1444] : memref<18x16385x64xf32, #tpu.memory_space<hbm>> -> memref<1x1x64xf32, #tpu.memory_space<hbm>>
          %dma_start3A_1446 = tpu.memref_squeeze %dma_start3A_1445 : memref<1x1x64xf32, #tpu.memory_space<hbm>> -> memref<1x64xf32, #tpu.memory_space<hbm>>
          %dma_start3A_1447 = arith.constant 0 : i32
          %dma_start3A_1448 = tpu.memref_slice %arg9[%add3A_1441, %dma_start3A_1447] : memref<128x64xf32, #tpu.memory_space<vmem>> -> memref<1x64xf32, #tpu.memory_space<vmem>>
          %dma_start3A_1449 = arith.constant 0 : i32
          %dma_start3A_1450 = tpu.memref_slice %arg2[%while3A_1431, %reduce_sum3A_1440, %dma_start3A_1449] : memref<18x16385x64xf32, #tpu.memory_space<hbm>> -> memref<1x1x64xf32, #tpu.memory_space<hbm>>
          %dma_start3A_1451 = tpu.memref_squeeze %dma_start3A_1450 : memref<1x1x64xf32, #tpu.memory_space<hbm>> -> memref<1x64xf32, #tpu.memory_space<hbm>>
          tpu.enqueue_dma source(%dma_start3A_1451 : memref<1x64xf32, #tpu.memory_space<hbm>>) target(%dma_start3A_1448 : memref<1x64xf32, #tpu.memory_space<vmem>>) target_semaphore(%arg16 : memref<!tpu.dma_semaphore, #tpu.memory_space<semaphore_mem>>)
        }
        %while3A_1417 = arith.constant 0 : i32
        %while3A_1418 = arith.constant 0 : i32
        %while3A_1419 = arith.subi %reduce_sum3A_1406, %while3A_1418 : i32
        %while3A_1420 = arith.addi %while3A_1418, %while3A_1419 : i32
        %while3A_1421 = arith.constant 1 : i32
        %while3A_1422 = arith.divsi %while3A_1419, %while3A_1421 : i32
        %while3A_1423 = arith.muli %while3A_1422, %while3A_1421 : i32
        %while3A_1424 = arith.addi %while3A_1418, %while3A_1423 : i32
        %while3A_1425 = arith.constant 1 : i32
        scf.for %while3A_1431 = %while3A_1418 to %while3A_1424 step %while3A_1425  : i32 {
          %eq3A_1432 = vector.broadcast %while3A_1431 : i32 to vector<16xi32>
          %eq3A_1433 = arith.cmpi eq, %iota3A, %eq3A_1432 : vector<16xi32>
          %jit3A_1434 = arith.constant 0 : i32
          %broadcast_in_dim3A_1435 = vector.broadcast %jit3A_1434 : i32 to vector<16xi32>
          %select_n3A_1436 = arith.select %eq3A_1433, %gather3A_1381, %broadcast_in_dim3A_1435 : vector<16xi1>, vector<16xi32>
          %reduce_sum3A_1437 = arith.constant true
          %reduce_sum3A_1438 = vector.broadcast %reduce_sum3A_1437 : i1 to vector<16xi1>
          %reduce_sum3A_1439 = tpu.scan <sum>, %select_n3A_1436 masked %reduce_sum3A_1438 : vector<16xi32>, vector<16xi1> -> vector<16xi32>
          %reduce_sum3A_1440 = vector.extract %reduce_sum3A_1439[15] : i32 from vector<16xi32>
          %add3A_1441 = arith.constant 16 : i32
          %add3A_1442 = arith.addi %add3A_1441, %while3A_1431 : i32
          %add3A_1443 = arith.addi %while3A_1357, %reduce_sum3A_1397 : i32
          %add3A_1444 = arith.addi %add3A_1443, %while3A_1431 : i32
          %dma_start3A_1445 = arith.constant 0 : i32
          %dma_start3A_1446 = tpu.memref_slice %arg9[%add3A_1444, %dma_start3A_1445] : memref<128x64xf32, #tpu.memory_space<vmem>> -> memref<1x64xf32, #tpu.memory_space<vmem>>
          %dma_start3A_1447 = arith.constant 0 : i32
          %dma_start3A_1448 = tpu.memref_slice %arg2[%add3A_1442, %reduce_sum3A_1440, %dma_start3A_1447] : memref<18x16385x64xf32, #tpu.memory_space<hbm>> -> memref<1x1x64xf32, #tpu.memory_space<hbm>>
          %dma_start3A_1449 = tpu.memref_squeeze %dma_start3A_1448 : memref<1x1x64xf32, #tpu.memory_space<hbm>> -> memref<1x64xf32, #tpu.memory_space<hbm>>
          %dma_start3A_1450 = arith.constant 0 : i32
          %dma_start3A_1451 = tpu.memref_slice %arg9[%add3A_1444, %dma_start3A_1450] : memref<128x64xf32, #tpu.memory_space<vmem>> -> memref<1x64xf32, #tpu.memory_space<vmem>>
          %dma_start3A_1452 = arith.constant 0 : i32
          %dma_start3A_1453 = tpu.memref_slice %arg2[%add3A_1442, %reduce_sum3A_1440, %dma_start3A_1452] : memref<18x16385x64xf32, #tpu.memory_space<hbm>> -> memref<1x1x64xf32, #tpu.memory_space<hbm>>
          %dma_start3A_1454 = tpu.memref_squeeze %dma_start3A_1453 : memref<1x1x64xf32, #tpu.memory_space<hbm>> -> memref<1x64xf32, #tpu.memory_space<hbm>>
          tpu.enqueue_dma source(%dma_start3A_1454 : memref<1x64xf32, #tpu.memory_space<hbm>>) target(%dma_start3A_1451 : memref<1x64xf32, #tpu.memory_space<vmem>>) target_semaphore(%arg16 : memref<!tpu.dma_semaphore, #tpu.memory_space<semaphore_mem>>)
        }
        %while3A_1426 = arith.constant 1 : i32
        scf.for %while3A_1431 = %while3A_1424 to %while3A_1420 step %while3A_1426  : i32 {
          %eq3A_1432 = vector.broadcast %while3A_1431 : i32 to vector<16xi32>
          %eq3A_1433 = arith.cmpi eq, %iota3A, %eq3A_1432 : vector<16xi32>
          %jit3A_1434 = arith.constant 0 : i32
          %broadcast_in_dim3A_1435 = vector.broadcast %jit3A_1434 : i32 to vector<16xi32>
          %select_n3A_1436 = arith.select %eq3A_1433, %gather3A_1381, %broadcast_in_dim3A_1435 : vector<16xi1>, vector<16xi32>
          %reduce_sum3A_1437 = arith.constant true
          %reduce_sum3A_1438 = vector.broadcast %reduce_sum3A_1437 : i1 to vector<16xi1>
          %reduce_sum3A_1439 = tpu.scan <sum>, %select_n3A_1436 masked %reduce_sum3A_1438 : vector<16xi32>, vector<16xi1> -> vector<16xi32>
          %reduce_sum3A_1440 = vector.extract %reduce_sum3A_1439[15] : i32 from vector<16xi32>
          %add3A_1441 = arith.constant 16 : i32
          %add3A_1442 = arith.addi %add3A_1441, %while3A_1431 : i32
          %add3A_1443 = arith.addi %while3A_1357, %reduce_sum3A_1397 : i32
          %add3A_1444 = arith.addi %add3A_1443, %while3A_1431 : i32
          %dma_start3A_1445 = arith.constant 0 : i32
          %dma_start3A_1446 = tpu.memref_slice %arg9[%add3A_1444, %dma_start3A_1445] : memref<128x64xf32, #tpu.memory_space<vmem>> -> memref<1x64xf32, #tpu.memory_space<vmem>>
          %dma_start3A_1447 = arith.constant 0 : i32
          %dma_start3A_1448 = tpu.memref_slice %arg2[%add3A_1442, %reduce_sum3A_1440, %dma_start3A_1447] : memref<18x16385x64xf32, #tpu.memory_space<hbm>> -> memref<1x1x64xf32, #tpu.memory_space<hbm>>
          %dma_start3A_1449 = tpu.memref_squeeze %dma_start3A_1448 : memref<1x1x64xf32, #tpu.memory_space<hbm>> -> memref<1x64xf32, #tpu.memory_space<hbm>>
          %dma_start3A_1450 = arith.constant 0 : i32
          %dma_start3A_1451 = tpu.memref_slice %arg9[%add3A_1444, %dma_start3A_1450] : memref<128x64xf32, #tpu.memory_space<vmem>> -> memref<1x64xf32, #tpu.memory_space<vmem>>
          %dma_start3A_1452 = arith.constant 0 : i32
          %dma_start3A_1453 = tpu.memref_slice %arg2[%add3A_1442, %reduce_sum3A_1440, %dma_start3A_1452] : memref<18x16385x64xf32, #tpu.memory_space<hbm>> -> memref<1x1x64xf32, #tpu.memory_space<hbm>>
          %dma_start3A_1454 = tpu.memref_squeeze %dma_start3A_1453 : memref<1x1x64xf32, #tpu.memory_space<hbm>> -> memref<1x64xf32, #tpu.memory_space<hbm>>
          tpu.enqueue_dma source(%dma_start3A_1454 : memref<1x64xf32, #tpu.memory_space<hbm>>) target(%dma_start3A_1451 : memref<1x64xf32, #tpu.memory_space<vmem>>) target_semaphore(%arg16 : memref<!tpu.dma_semaphore, #tpu.memory_space<semaphore_mem>>)
        }
        %add3A_1427 = arith.constant 1 : i32
        %add3A_1428 = arith.addi %while3A_1356, %add3A_1427 : i32
        %add3A_1429 = arith.addi %while3A_1357, %reduce_sum3A_1397 : i32
        %add3A_1430 = arith.addi %add3A_1429, %reduce_sum3A_1406 : i32
        scf.yield %add3A_1428, %add3A_1430 : i32, i32
      }
      %while3A_1344 = arith.constant 0 : i32
      %while3A_1345 = arith.constant 0 : i32
      %while3A_1346 = arith.subi %while3A_1343#1, %while3A_1345 : i32
      %while3A_1347 = arith.addi %while3A_1345, %while3A_1346 : i32
      %while3A_1348 = arith.constant 1 : i32
      %while3A_1349 = arith.divsi %while3A_1346, %while3A_1348 : i32
      %while3A_1350 = arith.muli %while3A_1349, %while3A_1348 : i32
      %while3A_1351 = arith.addi %while3A_1345, %while3A_1350 : i32
      %while3A_1352 = arith.constant 1 : i32
      scf.for %while3A_1356 = %while3A_1345 to %while3A_1351 step %while3A_1352  : i32 {
        %dma_wait3A_1357 = arith.constant 0 : i32
        %dma_wait3A_1358 = arith.constant 0 : i32
        %dma_wait3A_1359 = arith.constant 0 : i32
        %dma_wait3A_1360 = tpu.memref_slice %arg2[%dma_wait3A_1357, %dma_wait3A_1358, %dma_wait3A_1359] : memref<18x16385x64xf32, #tpu.memory_space<hbm>> -> memref<1x1x64xf32, #tpu.memory_space<hbm>>
        %dma_wait3A_1361 = tpu.memref_squeeze %dma_wait3A_1360 : memref<1x1x64xf32, #tpu.memory_space<hbm>> -> memref<1x64xf32, #tpu.memory_space<hbm>>
        %dma_wait3A_1362 = arith.constant 0 : i32
        %dma_wait3A_1363 = arith.constant 0 : i32
        %dma_wait3A_1364 = tpu.memref_slice %arg2[%dma_wait3A_1357, %dma_wait3A_1362, %dma_wait3A_1363] : memref<18x16385x64xf32, #tpu.memory_space<hbm>> -> memref<1x1x64xf32, #tpu.memory_space<hbm>>
        %dma_wait3A_1365 = tpu.memref_squeeze %dma_wait3A_1364 : memref<1x1x64xf32, #tpu.memory_space<hbm>> -> memref<1x64xf32, #tpu.memory_space<hbm>>
        tpu.wait_dma2 semaphore(%arg16 : memref<!tpu.dma_semaphore, #tpu.memory_space<semaphore_mem>>) src(%dma_wait3A_1365 : memref<1x64xf32, #tpu.memory_space<hbm>>) dst(%arg12 : memref<1x64xf32, #tpu.memory_space<vmem>>)
      }
      %while3A_1353 = arith.constant 1 : i32
      scf.for %while3A_1356 = %while3A_1351 to %while3A_1347 step %while3A_1353  : i32 {
        %dma_wait3A_1357 = arith.constant 0 : i32
        %dma_wait3A_1358 = arith.constant 0 : i32
        %dma_wait3A_1359 = arith.constant 0 : i32
        %dma_wait3A_1360 = tpu.memref_slice %arg2[%dma_wait3A_1357, %dma_wait3A_1358, %dma_wait3A_1359] : memref<18x16385x64xf32, #tpu.memory_space<hbm>> -> memref<1x1x64xf32, #tpu.memory_space<hbm>>
        %dma_wait3A_1361 = tpu.memref_squeeze %dma_wait3A_1360 : memref<1x1x64xf32, #tpu.memory_space<hbm>> -> memref<1x64xf32, #tpu.memory_space<hbm>>
        %dma_wait3A_1362 = arith.constant 0 : i32
        %dma_wait3A_1363 = arith.constant 0 : i32
        %dma_wait3A_1364 = tpu.memref_slice %arg2[%dma_wait3A_1357, %dma_wait3A_1362, %dma_wait3A_1363] : memref<18x16385x64xf32, #tpu.memory_space<hbm>> -> memref<1x1x64xf32, #tpu.memory_space<hbm>>
        %dma_wait3A_1365 = tpu.memref_squeeze %dma_wait3A_1364 : memref<1x1x64xf32, #tpu.memory_space<hbm>> -> memref<1x64xf32, #tpu.memory_space<hbm>>
        tpu.wait_dma2 semaphore(%arg16 : memref<!tpu.dma_semaphore, #tpu.memory_space<semaphore_mem>>) src(%dma_wait3A_1365 : memref<1x64xf32, #tpu.memory_space<hbm>>) dst(%arg12 : memref<1x64xf32, #tpu.memory_space<vmem>>)
      }
      %while3A_1354 = arith.constant 0 : i32
      %while3A_1355:2 = scf.while (%while3A_1356 = %while3A_1341, %while3A_1357 = %while3A_1354) : (i32, i32) -> (i32, i32) {
        %lt3A_1358 = arith.cmpi slt, %while3A_1356, %while3A_1343#0 : i32
        scf.condition(%lt3A_1358) %while3A_1356, %while3A_1357 : i32, i32
      } do {
      ^bb0(%while3A_1356: i32, %while3A_1357: i32):
        %and3A_1358 = arith.constant -16 : i32
        %and3A_1359 = arith.andi %while3A_1356, %and3A_1358 : i32
        %and3A_1360 = arith.constant 15 : i32
        %and3A_1361 = arith.andi %while3A_1356, %and3A_1360 : i32
        %get3A_1362 = arith.index_cast %and3A_1359 : i32 to index
        %get3A_1363 = tpu.vector_load %arg7[%get3A_1362] {strides = array<i32>} : memref<1040xi32, #tpu.memory_space<vmem>>, vector<16xi32>,
        %eq3A_1364 = vector.broadcast %and3A_1361 : i32 to vector<16xi32>
        %eq3A_1365 = arith.cmpi eq, %iota3A, %eq3A_1364 : vector<16xi32>
        %jit3A_1366 = arith.constant 0 : i32
        %broadcast_in_dim3A_1367 = vector.broadcast %jit3A_1366 : i32 to vector<16xi32>
        %select_n3A_1368 = arith.select %eq3A_1365, %get3A_1363, %broadcast_in_dim3A_1367 : vector<16xi1>, vector<16xi32>
        %reduce_sum3A = arith.constant true
        %reduce_sum3A_1369 = vector.broadcast %reduce_sum3A : i1 to vector<16xi1>
        %reduce_sum3A_1370 = tpu.scan <sum>, %select_n3A_1368 masked %reduce_sum3A_1369 : vector<16xi32>, vector<16xi1> -> vector<16xi32>
        %reduce_sum3A_1371 = vector.extract %reduce_sum3A_1370[15] : i32 from vector<16xi32>
        %broadcast_in_dim3A_1372 = vector.broadcast %reduce_sum3A_1371 : i32 to vector<16xi32>
        %gather3A = tpu.vector_load_idx %arg5[%iota3A, %broadcast_in_dim3A_1372] : memref<18x1024xi32, #tpu.memory_space<vmem>>[vector<16xi32>, vector<16xi32>], vector<16xi32>,
        %ne3A_1373 = arith.constant 16384 : i32
        %ne3A_1374 = vector.broadcast %ne3A_1373 : i32 to vector<16xi32>
        %ne3A_1375 = arith.cmpi ne, %gather3A, %ne3A_1374 : vector<16xi32>
        %add3A_1376 = arith.constant 16 : i32
        %add3A_1377 = vector.broadcast %add3A_1376 : i32 to vector<16xi32>
        %add3A_1378 = arith.addi %iota3A, %add3A_1377 : vector<16xi32>
        %min3A = arith.constant 17 : i32
        %min3A_1379 = vector.broadcast %min3A : i32 to vector<16xi32>
        %min3A_1380 = arith.minsi %add3A_1378, %min3A_1379 : vector<16xi32>
        %gather3A_1381 = tpu.vector_load_idx %arg5[%min3A_1380, %broadcast_in_dim3A_1372] : memref<18x1024xi32, #tpu.memory_space<vmem>>[vector<16xi32>, vector<16xi32>], vector<16xi32>,
        %ne3A_1382 = arith.constant 16384 : i32
        %ne3A_1383 = vector.broadcast %ne3A_1382 : i32 to vector<16xi32>
        %ne3A_1384 = arith.cmpi ne, %gather3A_1381, %ne3A_1383 : vector<16xi32>
        %lt3A_1385 = arith.constant 2 : i32
        %lt3A_1386 = vector.broadcast %lt3A_1385 : i32 to vector<16xi32>
        %lt3A_1387 = arith.cmpi slt, %iota3A, %lt3A_1386 : vector<16xi32>
        %and3A_1388 = arith.andi %ne3A_1384, %lt3A_1387 : vector<16xi1>
        %jit3A_1389 = arith.constant 1 : i32
        %jit3A_1390 = arith.constant 0 : i32
        %broadcast_in_dim3A_1391 = vector.broadcast %jit3A_1389 : i32 to vector<16xi32>
        %broadcast_in_dim3A_1392 = vector.broadcast %jit3A_1390 : i32 to vector<16xi32>
        %select_n3A_1393 = arith.select %ne3A_1375, %broadcast_in_dim3A_1391, %broadcast_in_dim3A_1392 : vector<16xi1>, vector<16xi32>
        %reduce_sum3A_1394 = arith.constant true
        %reduce_sum3A_1395 = vector.broadcast %reduce_sum3A_1394 : i1 to vector<16xi1>
        %reduce_sum3A_1396 = tpu.scan <sum>, %select_n3A_1393 masked %reduce_sum3A_1395 : vector<16xi32>, vector<16xi1> -> vector<16xi32>
        %reduce_sum3A_1397 = vector.extract %reduce_sum3A_1396[15] : i32 from vector<16xi32>
        %jit3A_1398 = arith.constant 1 : i32
        %jit3A_1399 = arith.constant 0 : i32
        %broadcast_in_dim3A_1400 = vector.broadcast %jit3A_1398 : i32 to vector<16xi32>
        %broadcast_in_dim3A_1401 = vector.broadcast %jit3A_1399 : i32 to vector<16xi32>
        %select_n3A_1402 = arith.select %and3A_1388, %broadcast_in_dim3A_1400, %broadcast_in_dim3A_1401 : vector<16xi1>, vector<16xi32>
        %reduce_sum3A_1403 = arith.constant true
        %reduce_sum3A_1404 = vector.broadcast %reduce_sum3A_1403 : i1 to vector<16xi1>
        %reduce_sum3A_1405 = tpu.scan <sum>, %select_n3A_1402 masked %reduce_sum3A_1404 : vector<16xi32>, vector<16xi1> -> vector<16xi32>
        %reduce_sum3A_1406 = vector.extract %reduce_sum3A_1405[15] : i32 from vector<16xi32>
        %add3A_1407 = arith.addi %reduce_sum3A_1397, %reduce_sum3A_1406 : i32
        %mul3A_1408 = arith.constant 64 : i32
        %mul3A_1409 = arith.muli %add3A_1407, %mul3A_1408 : i32
        %add3A_1410 = arith.constant 0 : i32
        %add3A_1411 = arith.addi %mul3A_1409, %add3A_1410 : i32
        %get3A_1412 = arith.index_cast %add3A_1411 : i32 to index
        %get3A_1413 = tpu.vector_load %arg11[%get3A_1412] {strides = array<i32>} : memref<1216xf32, #tpu.memory_space<vmem>>, vector<16xf32>,
        %mul3A_1414 = arith.constant 64 : i32
        %mul3A_1415 = arith.muli %add3A_1407, %mul3A_1414 : i32
        %add3A_1416 = arith.constant 16 : i32
        %add3A_1417 = arith.addi %mul3A_1415, %add3A_1416 : i32
        %get3A_1418 = arith.index_cast %add3A_1417 : i32 to index
        %get3A_1419 = tpu.vector_load %arg11[%get3A_1418] {strides = array<i32>} : memref<1216xf32, #tpu.memory_space<vmem>>, vector<16xf32>,
        %mul3A_1420 = arith.constant 64 : i32
        %mul3A_1421 = arith.muli %add3A_1407, %mul3A_1420 : i32
        %add3A_1422 = arith.constant 32 : i32
        %add3A_1423 = arith.addi %mul3A_1421, %add3A_1422 : i32
        %get3A_1424 = arith.index_cast %add3A_1423 : i32 to index
        %get3A_1425 = tpu.vector_load %arg11[%get3A_1424] {strides = array<i32>} : memref<1216xf32, #tpu.memory_space<vmem>>, vector<16xf32>,
        %mul3A_1426 = arith.constant 64 : i32
        %mul3A_1427 = arith.muli %add3A_1407, %mul3A_1426 : i32
        %add3A_1428 = arith.constant 48 : i32
        %add3A_1429 = arith.addi %mul3A_1427, %add3A_1428 : i32
        %get3A_1430 = arith.index_cast %add3A_1429 : i32 to index
        %get3A_1431 = tpu.vector_load %arg11[%get3A_1430] {strides = array<i32>} : memref<1216xf32, #tpu.memory_space<vmem>>, vector<16xf32>,
        %while3A_1432 = arith.constant 0 : i32
        %while3A_1433 = arith.subi %add3A_1407, %while3A_1432 : i32
        %while3A_1434 = arith.addi %while3A_1432, %while3A_1433 : i32
        %while3A_1435 = arith.constant 1 : i32
        %while3A_1436 = arith.divsi %while3A_1433, %while3A_1435 : i32
        %while3A_1437 = arith.muli %while3A_1436, %while3A_1435 : i32
        %while3A_1438 = arith.addi %while3A_1432, %while3A_1437 : i32
        %while3A_1439 = arith.constant 1 : i32
        %while3A_1440:4 = scf.for %while3A_1478 = %while3A_1432 to %while3A_1438 step %while3A_1439 iter_args(%while3A_1479 = %get3A_1413, %while3A_1480 = %get3A_1419, %while3A_1481 = %get3A_1425, %while3A_1482 = %get3A_1431) -> (vector<16xf32>, vector<16xf32>, vector<16xf32>, vector<16xf32>)  : i32 {
          %add3A_1483 = arith.addi %while3A_1357, %while3A_1478 : i32
          %get3A_1484 = arith.index_cast %add3A_1483 : i32 to index
          %get3A_1485 = arith.constant 0 : index
          %get3A_1486 = tpu.vector_load %arg9[%get3A_1484, %get3A_1485] {strides = array<i32>} : memref<128x64xf32, #tpu.memory_space<vmem>>, vector<16xf32>,
          %add3A_1487 = arith.addf %while3A_1479, %get3A_1486 : vector<16xf32>
          %add3A_1488 = arith.addi %while3A_1357, %while3A_1478 : i32
          %get3A_1489 = arith.index_cast %add3A_1488 : i32 to index
          %get3A_1490 = arith.constant 16 : index
          %get3A_1491 = tpu.vector_load %arg9[%get3A_1489, %get3A_1490] {strides = array<i32>} : memref<128x64xf32, #tpu.memory_space<vmem>>, vector<16xf32>,
          %add3A_1492 = arith.addf %while3A_1480, %get3A_1491 : vector<16xf32>
          %add3A_1493 = arith.addi %while3A_1357, %while3A_1478 : i32
          %get3A_1494 = arith.index_cast %add3A_1493 : i32 to index
          %get3A_1495 = arith.constant 32 : index
          %get3A_1496 = tpu.vector_load %arg9[%get3A_1494, %get3A_1495] {strides = array<i32>} : memref<128x64xf32, #tpu.memory_space<vmem>>, vector<16xf32>,
          %add3A_1497 = arith.addf %while3A_1481, %get3A_1496 : vector<16xf32>
          %add3A_1498 = arith.addi %while3A_1357, %while3A_1478 : i32
          %get3A_1499 = arith.index_cast %add3A_1498 : i32 to index
          %get3A_1500 = arith.constant 48 : index
          %get3A_1501 = tpu.vector_load %arg9[%get3A_1499, %get3A_1500] {strides = array<i32>} : memref<128x64xf32, #tpu.memory_space<vmem>>, vector<16xf32>,
          %add3A_1502 = arith.addf %while3A_1482, %get3A_1501 : vector<16xf32>
          scf.yield %add3A_1487, %add3A_1492, %add3A_1497, %add3A_1502 : vector<16xf32>, vector<16xf32>, vector<16xf32>, vector<16xf32>
        }
        %while3A_1441 = arith.constant 1 : i32
        %while3A_1442:4 = scf.for %while3A_1478 = %while3A_1438 to %while3A_1434 step %while3A_1441 iter_args(%while3A_1479 = %while3A_1440#0, %while3A_1480 = %while3A_1440#1, %while3A_1481 = %while3A_1440#2, %while3A_1482 = %while3A_1440#3) -> (vector<16xf32>, vector<16xf32>, vector<16xf32>, vector<16xf32>)  : i32 {
          %add3A_1483 = arith.addi %while3A_1357, %while3A_1478 : i32
          %get3A_1484 = arith.index_cast %add3A_1483 : i32 to index
          %get3A_1485 = arith.constant 0 : index
          %get3A_1486 = tpu.vector_load %arg9[%get3A_1484, %get3A_1485] {strides = array<i32>} : memref<128x64xf32, #tpu.memory_space<vmem>>, vector<16xf32>,
          %add3A_1487 = arith.addf %while3A_1479, %get3A_1486 : vector<16xf32>
          %add3A_1488 = arith.addi %while3A_1357, %while3A_1478 : i32
          %get3A_1489 = arith.index_cast %add3A_1488 : i32 to index
          %get3A_1490 = arith.constant 16 : index
          %get3A_1491 = tpu.vector_load %arg9[%get3A_1489, %get3A_1490] {strides = array<i32>} : memref<128x64xf32, #tpu.memory_space<vmem>>, vector<16xf32>,
          %add3A_1492 = arith.addf %while3A_1480, %get3A_1491 : vector<16xf32>
          %add3A_1493 = arith.addi %while3A_1357, %while3A_1478 : i32
          %get3A_1494 = arith.index_cast %add3A_1493 : i32 to index
          %get3A_1495 = arith.constant 32 : index
          %get3A_1496 = tpu.vector_load %arg9[%get3A_1494, %get3A_1495] {strides = array<i32>} : memref<128x64xf32, #tpu.memory_space<vmem>>, vector<16xf32>,
          %add3A_1497 = arith.addf %while3A_1481, %get3A_1496 : vector<16xf32>
          %add3A_1498 = arith.addi %while3A_1357, %while3A_1478 : i32
          %get3A_1499 = arith.index_cast %add3A_1498 : i32 to index
          %get3A_1500 = arith.constant 48 : index
          %get3A_1501 = tpu.vector_load %arg9[%get3A_1499, %get3A_1500] {strides = array<i32>} : memref<128x64xf32, #tpu.memory_space<vmem>>, vector<16xf32>,
          %add3A_1502 = arith.addf %while3A_1482, %get3A_1501 : vector<16xf32>
          scf.yield %add3A_1487, %add3A_1492, %add3A_1497, %add3A_1502 : vector<16xf32>, vector<16xf32>, vector<16xf32>, vector<16xf32>
        }
        %mul3A_1443 = arith.constant 0.0526315793 : f32
        %mul3A_1444 = vector.broadcast %mul3A_1443 : f32 to vector<16xf32>
        %mul3A_1445 = arith.mulf %while3A_1442#0, %mul3A_1444 : vector<16xf32>
        %sub3A_1446 = arith.constant 512 : i32
        %sub3A_1447 = arith.subi %reduce_sum3A_1371, %sub3A_1446 : i32
        %swap3A_1448 = arith.index_cast %sub3A_1447 : i32 to index
        %swap3A_1449 = arith.constant 0 : index
        %swap3A_1450 = tpu.vector_load %arg6[%swap3A_1448, %swap3A_1449] {strides = array<i32>} : memref<512x64xf32, #tpu.memory_space<vmem>>, vector<16xf32>,
        tpu.vector_store %arg6[%swap3A_1448, %swap3A_1449], %mul3A_1445 {strides = array<i32>} : memref<512x64xf32, #tpu.memory_space<vmem>>, vector<16xf32>,
        %mul3A_1451 = arith.constant 0.0526315793 : f32
        %mul3A_1452 = vector.broadcast %mul3A_1451 : f32 to vector<16xf32>
        %mul3A_1453 = arith.mulf %while3A_1442#1, %mul3A_1452 : vector<16xf32>
        %sub3A_1454 = arith.constant 512 : i32
        %sub3A_1455 = arith.subi %reduce_sum3A_1371, %sub3A_1454 : i32
        %swap3A_1456 = arith.index_cast %sub3A_1455 : i32 to index
        %swap3A_1457 = arith.constant 16 : index
        %swap3A_1458 = tpu.vector_load %arg6[%swap3A_1456, %swap3A_1457] {strides = array<i32>} : memref<512x64xf32, #tpu.memory_space<vmem>>, vector<16xf32>,
        tpu.vector_store %arg6[%swap3A_1456, %swap3A_1457], %mul3A_1453 {strides = array<i32>} : memref<512x64xf32, #tpu.memory_space<vmem>>, vector<16xf32>,
        %mul3A_1459 = arith.constant 0.0526315793 : f32
        %mul3A_1460 = vector.broadcast %mul3A_1459 : f32 to vector<16xf32>
        %mul3A_1461 = arith.mulf %while3A_1442#2, %mul3A_1460 : vector<16xf32>
        %sub3A_1462 = arith.constant 512 : i32
        %sub3A_1463 = arith.subi %reduce_sum3A_1371, %sub3A_1462 : i32
        %swap3A_1464 = arith.index_cast %sub3A_1463 : i32 to index
        %swap3A_1465 = arith.constant 32 : index
        %swap3A_1466 = tpu.vector_load %arg6[%swap3A_1464, %swap3A_1465] {strides = array<i32>} : memref<512x64xf32, #tpu.memory_space<vmem>>, vector<16xf32>,
        tpu.vector_store %arg6[%swap3A_1464, %swap3A_1465], %mul3A_1461 {strides = array<i32>} : memref<512x64xf32, #tpu.memory_space<vmem>>, vector<16xf32>,
        %mul3A_1467 = arith.constant 0.0526315793 : f32
        %mul3A_1468 = vector.broadcast %mul3A_1467 : f32 to vector<16xf32>
        %mul3A_1469 = arith.mulf %while3A_1442#3, %mul3A_1468 : vector<16xf32>
        %sub3A_1470 = arith.constant 512 : i32
        %sub3A_1471 = arith.subi %reduce_sum3A_1371, %sub3A_1470 : i32
        %swap3A_1472 = arith.index_cast %sub3A_1471 : i32 to index
        %swap3A_1473 = arith.constant 48 : index
        %swap3A_1474 = tpu.vector_load %arg6[%swap3A_1472, %swap3A_1473] {strides = array<i32>} : memref<512x64xf32, #tpu.memory_space<vmem>>, vector<16xf32>,
        tpu.vector_store %arg6[%swap3A_1472, %swap3A_1473], %mul3A_1469 {strides = array<i32>} : memref<512x64xf32, #tpu.memory_space<vmem>>, vector<16xf32>,
        %add3A_1475 = arith.constant 1 : i32
        %add3A_1476 = arith.addi %while3A_1356, %add3A_1475 : i32
        %add3A_1477 = arith.addi %while3A_1357, %add3A_1407 : i32
        scf.yield %add3A_1476, %add3A_1477 : i32, i32
      }
      scf.yield %while3A_1355#0 : i32
    }
    %add3A_1327 = arith.constant 512 : i32
    %add3A_1328 = arith.addi %select_n3A_32, %add3A_1327 : i32
    %dma_start3A_1329 = arith.constant 0 : i32
    %dma_start3A_1330 = tpu.memref_slice %arg4[%select_n3A, %add3A_1328, %dma_start3A_1329] : memref<4x8192x64xf32, #tpu.memory_space<hbm>> -> memref<1x512x64xf32, #tpu.memory_space<hbm>>
    %dma_start3A_1331 = tpu.memref_squeeze %dma_start3A_1330 : memref<1x512x64xf32, #tpu.memory_space<hbm>> -> memref<512x64xf32, #tpu.memory_space<hbm>>
    %dma_start3A_1332 = arith.constant 0 : i32
    %dma_start3A_1333 = tpu.memref_slice %arg4[%select_n3A, %add3A_1328, %dma_start3A_1332] : memref<4x8192x64xf32, #tpu.memory_space<hbm>> -> memref<1x512x64xf32, #tpu.memory_space<hbm>>
    %dma_start3A_1334 = tpu.memref_squeeze %dma_start3A_1333 : memref<1x512x64xf32, #tpu.memory_space<hbm>> -> memref<512x64xf32, #tpu.memory_space<hbm>>
    tpu.enqueue_dma source(%arg6 : memref<512x64xf32, #tpu.memory_space<vmem>>) target(%dma_start3A_1334 : memref<512x64xf32, #tpu.memory_space<hbm>>) target_semaphore(%arg18 : memref<!tpu.dma_semaphore, #tpu.memory_space<semaphore_mem>>)
    %dma_wait3A_1335 = arith.constant 0 : i32
    %dma_wait3A_1336 = tpu.memref_slice %arg4[%select_n3A, %add3A_1328, %dma_wait3A_1335] : memref<4x8192x64xf32, #tpu.memory_space<hbm>> -> memref<1x512x64xf32, #tpu.memory_space<hbm>>
    %dma_wait3A_1337 = tpu.memref_squeeze %dma_wait3A_1336 : memref<1x512x64xf32, #tpu.memory_space<hbm>> -> memref<512x64xf32, #tpu.memory_space<hbm>>
    %dma_wait3A_1338 = arith.constant 0 : i32
    %dma_wait3A_1339 = tpu.memref_slice %arg4[%select_n3A, %add3A_1328, %dma_wait3A_1338] : memref<4x8192x64xf32, #tpu.memory_space<hbm>> -> memref<1x512x64xf32, #tpu.memory_space<hbm>>
    %dma_wait3A_1340 = tpu.memref_squeeze %dma_wait3A_1339 : memref<1x512x64xf32, #tpu.memory_space<hbm>> -> memref<512x64xf32, #tpu.memory_space<hbm>>
    tpu.wait_dma2 semaphore(%arg18 : memref<!tpu.dma_semaphore, #tpu.memory_space<semaphore_mem>>) src(%arg6 : memref<512x64xf32, #tpu.memory_space<vmem>>) dst(%dma_wait3A_1340 : memref<512x64xf32, #tpu.memory_space<hbm>>)
    return
  }
}

module attributes {stable_mosaic.version = 14 : i64} {
  func.func @_hash_body(%arg0: memref<4x8192xi32, #tpu.memory_space<vmem>>, %arg1: memref<18x4x8192xi32, #tpu.memory_space<vmem>>) attributes {dimension_semantics = [], scalar_prefetch = 0 : i64, scratch_operands = 0 : i64, tpu.core_type = #tpu.core_type<tc>} {
    %get3A = arith.constant 0 : index
    %get3A_0 = arith.constant 0 : index
    %get3A_1 = vector.load %arg0[%get3A, %get3A_0] : memref<4x8192xi32, #tpu.memory_space<vmem>>, vector<4x8192xi32>
    %ge3A = arith.constant 1 : i32
    %ge3A_2 = vector.broadcast %ge3A : i32 to vector<4x8192xi32>
    %ge3A_3 = arith.cmpi sge, %get3A_1, %ge3A_2 : vector<4x8192xi32>
    %le3A = arith.constant 4 : i32
    %le3A_4 = vector.broadcast %le3A : i32 to vector<4x8192xi32>
    %le3A_5 = arith.cmpi sle, %get3A_1, %le3A_4 : vector<4x8192xi32>
    %and3A = arith.andi %ge3A_3, %le3A_5 : vector<4x8192xi1>
    %sub3A = arith.constant 1 : i32
    %sub3A_6 = vector.broadcast %sub3A : i32 to vector<4x8192xi32>
    %sub3A_7 = arith.subi %get3A_1, %sub3A_6 : vector<4x8192xi32>
    %jit3A = arith.constant 0 : i32
    %broadcast_in_dim3A = vector.broadcast %jit3A : i32 to vector<4x8192xi32>
    %select_n3A = arith.select %and3A, %sub3A_7, %broadcast_in_dim3A : vector<4x8192xi1>, vector<4x8192xi32>
    %jit3A_8 = arith.constant 0 : i32
    %jit3A_9 = arith.constant 1 : i32
    %broadcast_in_dim3A_10 = vector.broadcast %jit3A_8 : i32 to vector<4x8192xi32>
    %broadcast_in_dim3A_11 = vector.broadcast %jit3A_9 : i32 to vector<4x8192xi32>
    %select_n3A_12 = arith.select %and3A, %broadcast_in_dim3A_10, %broadcast_in_dim3A_11 : vector<4x8192xi1>, vector<4x8192xi32>
    %iota3A = tpu.iota {dimensions = array<i32: 1>} : vector<4x8192xi32>
    %eq3A = arith.constant 0 : i32
    %eq3A_13 = vector.broadcast %eq3A : i32 to vector<4x8192xi32>
    %eq3A_14 = arith.cmpi eq, %iota3A, %eq3A_13 : vector<4x8192xi32>
    %jit3A_15 = arith.constant 1 : i32
    %jit3A_16 = arith.constant 0 : i32
    %broadcast_in_dim3A_17 = vector.broadcast %jit3A_15 : i32 to vector<4x8192xi32>
    %broadcast_in_dim3A_18 = vector.broadcast %jit3A_16 : i32 to vector<4x8192xi32>
    %select_n3A_19 = arith.select %eq3A_14, %broadcast_in_dim3A_17, %broadcast_in_dim3A_18 : vector<4x8192xi1>, vector<4x8192xi32>
    %roll3A = arith.constant 1 : i32
    %roll3A_20 = tpu.dynamic_rotate %select_n3A by %roll3A dim 1 : vector<4x8192xi32>, i32 -> vector<4x8192xi32>
    %mul3A = arith.constant 31 : i32
    %mul3A_21 = vector.broadcast %mul3A : i32 to vector<4x8192xi32>
    %mul3A_22 = arith.muli %roll3A_20, %mul3A_21 : vector<4x8192xi32>
    %add3A = arith.addi %mul3A_22, %select_n3A : vector<4x8192xi32>
    %and3A_23 = arith.constant 16383 : i32
    %and3A_24 = vector.broadcast %and3A_23 : i32 to vector<4x8192xi32>
    %and3A_25 = arith.andi %add3A, %and3A_24 : vector<4x8192xi32>
    %roll3A_26 = arith.constant 1 : i32
    %roll3A_27 = tpu.dynamic_rotate %select_n3A_12 by %roll3A_26 dim 1 : vector<4x8192xi32>, i32 -> vector<4x8192xi32>
    %or3A = arith.ori %roll3A_27, %select_n3A_19 : vector<4x8192xi32>
    %or3A_28 = arith.ori %or3A, %select_n3A_12 : vector<4x8192xi32>
    %roll3A_29 = arith.constant 1 : i32
    %roll3A_30 = tpu.dynamic_rotate %and3A_25 by %roll3A_29 dim 1 : vector<4x8192xi32>, i32 -> vector<4x8192xi32>
    %mul3A_31 = arith.constant 31 : i32
    %mul3A_32 = vector.broadcast %mul3A_31 : i32 to vector<4x8192xi32>
    %mul3A_33 = arith.muli %roll3A_30, %mul3A_32 : vector<4x8192xi32>
    %add3A_34 = arith.addi %mul3A_33, %select_n3A : vector<4x8192xi32>
    %and3A_35 = arith.constant 16383 : i32
    %and3A_36 = vector.broadcast %and3A_35 : i32 to vector<4x8192xi32>
    %and3A_37 = arith.andi %add3A_34, %and3A_36 : vector<4x8192xi32>
    %roll3A_38 = arith.constant 1 : i32
    %roll3A_39 = tpu.dynamic_rotate %or3A_28 by %roll3A_38 dim 1 : vector<4x8192xi32>, i32 -> vector<4x8192xi32>
    %or3A_40 = arith.ori %roll3A_39, %select_n3A_19 : vector<4x8192xi32>
    %or3A_41 = arith.ori %or3A_40, %select_n3A_12 : vector<4x8192xi32>
    %eq3A_42 = arith.constant 1 : i32
    %eq3A_43 = vector.broadcast %eq3A_42 : i32 to vector<4x8192xi32>
    %eq3A_44 = arith.cmpi eq, %or3A_41, %eq3A_43 : vector<4x8192xi32>
    %jit3A_45 = arith.constant 16384 : i32
    %broadcast_in_dim3A_46 = vector.broadcast %jit3A_45 : i32 to vector<4x8192xi32>
    %select_n3A_47 = arith.select %eq3A_44, %broadcast_in_dim3A_46, %and3A_37 : vector<4x8192xi1>, vector<4x8192xi32>
    %swap3A = arith.constant 0 : index
    %swap3A_48 = arith.constant 0 : index
    %swap3A_49 = arith.constant 0 : index
    %swap3A_50 = vector.load %arg1[%swap3A, %swap3A_48, %swap3A_49] : memref<18x4x8192xi32, #tpu.memory_space<vmem>>, vector<1x4x8192xi32>
    %swap3A_51 = vector.shape_cast %swap3A_50 : vector<1x4x8192xi32> to vector<4x8192xi32>
    %swap3A_52 = vector.shape_cast %select_n3A_47 : vector<4x8192xi32> to vector<1x4x8192xi32>
    tpu.vector_store %arg1[%swap3A, %swap3A_48, %swap3A_49], %swap3A_52 {strides = array<i32>} : memref<18x4x8192xi32, #tpu.memory_space<vmem>>, vector<1x4x8192xi32>,
    %roll3A_53 = arith.constant 1 : i32
    %roll3A_54 = tpu.dynamic_rotate %and3A_37 by %roll3A_53 dim 1 : vector<4x8192xi32>, i32 -> vector<4x8192xi32>
    %mul3A_55 = arith.constant 31 : i32
    %mul3A_56 = vector.broadcast %mul3A_55 : i32 to vector<4x8192xi32>
    %mul3A_57 = arith.muli %roll3A_54, %mul3A_56 : vector<4x8192xi32>
    %add3A_58 = arith.addi %mul3A_57, %select_n3A : vector<4x8192xi32>
    %and3A_59 = arith.constant 16383 : i32
    %and3A_60 = vector.broadcast %and3A_59 : i32 to vector<4x8192xi32>
    %and3A_61 = arith.andi %add3A_58, %and3A_60 : vector<4x8192xi32>
    %roll3A_62 = arith.constant 1 : i32
    %roll3A_63 = tpu.dynamic_rotate %or3A_41 by %roll3A_62 dim 1 : vector<4x8192xi32>, i32 -> vector<4x8192xi32>
    %or3A_64 = arith.ori %roll3A_63, %select_n3A_19 : vector<4x8192xi32>
    %or3A_65 = arith.ori %or3A_64, %select_n3A_12 : vector<4x8192xi32>
    %eq3A_66 = arith.constant 1 : i32
    %eq3A_67 = vector.broadcast %eq3A_66 : i32 to vector<4x8192xi32>
    %eq3A_68 = arith.cmpi eq, %or3A_65, %eq3A_67 : vector<4x8192xi32>
    %jit3A_69 = arith.constant 16384 : i32
    %broadcast_in_dim3A_70 = vector.broadcast %jit3A_69 : i32 to vector<4x8192xi32>
    %select_n3A_71 = arith.select %eq3A_68, %broadcast_in_dim3A_70, %and3A_61 : vector<4x8192xi1>, vector<4x8192xi32>
    %swap3A_72 = arith.constant 1 : index
    %swap3A_73 = arith.constant 0 : index
    %swap3A_74 = arith.constant 0 : index
    %swap3A_75 = vector.load %arg1[%swap3A_72, %swap3A_73, %swap3A_74] : memref<18x4x8192xi32, #tpu.memory_space<vmem>>, vector<1x4x8192xi32>
    %swap3A_76 = vector.shape_cast %swap3A_75 : vector<1x4x8192xi32> to vector<4x8192xi32>
    %swap3A_77 = vector.shape_cast %select_n3A_71 : vector<4x8192xi32> to vector<1x4x8192xi32>
    tpu.vector_store %arg1[%swap3A_72, %swap3A_73, %swap3A_74], %swap3A_77 {strides = array<i32>} : memref<18x4x8192xi32, #tpu.memory_space<vmem>>, vector<1x4x8192xi32>,
    %roll3A_78 = arith.constant 1 : i32
    %roll3A_79 = tpu.dynamic_rotate %and3A_61 by %roll3A_78 dim 1 : vector<4x8192xi32>, i32 -> vector<4x8192xi32>
    %mul3A_80 = arith.constant 31 : i32
    %mul3A_81 = vector.broadcast %mul3A_80 : i32 to vector<4x8192xi32>
    %mul3A_82 = arith.muli %roll3A_79, %mul3A_81 : vector<4x8192xi32>
    %add3A_83 = arith.addi %mul3A_82, %select_n3A : vector<4x8192xi32>
    %and3A_84 = arith.constant 16383 : i32
    %and3A_85 = vector.broadcast %and3A_84 : i32 to vector<4x8192xi32>
    %and3A_86 = arith.andi %add3A_83, %and3A_85 : vector<4x8192xi32>
    %roll3A_87 = arith.constant 1 : i32
    %roll3A_88 = tpu.dynamic_rotate %or3A_65 by %roll3A_87 dim 1 : vector<4x8192xi32>, i32 -> vector<4x8192xi32>
    %or3A_89 = arith.ori %roll3A_88, %select_n3A_19 : vector<4x8192xi32>
    %or3A_90 = arith.ori %or3A_89, %select_n3A_12 : vector<4x8192xi32>
    %eq3A_91 = arith.constant 1 : i32
    %eq3A_92 = vector.broadcast %eq3A_91 : i32 to vector<4x8192xi32>
    %eq3A_93 = arith.cmpi eq, %or3A_90, %eq3A_92 : vector<4x8192xi32>
    %jit3A_94 = arith.constant 16384 : i32
    %broadcast_in_dim3A_95 = vector.broadcast %jit3A_94 : i32 to vector<4x8192xi32>
    %select_n3A_96 = arith.select %eq3A_93, %broadcast_in_dim3A_95, %and3A_86 : vector<4x8192xi1>, vector<4x8192xi32>
    %swap3A_97 = arith.constant 2 : index
    %swap3A_98 = arith.constant 0 : index
    %swap3A_99 = arith.constant 0 : index
    %swap3A_100 = vector.load %arg1[%swap3A_97, %swap3A_98, %swap3A_99] : memref<18x4x8192xi32, #tpu.memory_space<vmem>>, vector<1x4x8192xi32>
    %swap3A_101 = vector.shape_cast %swap3A_100 : vector<1x4x8192xi32> to vector<4x8192xi32>
    %swap3A_102 = vector.shape_cast %select_n3A_96 : vector<4x8192xi32> to vector<1x4x8192xi32>
    tpu.vector_store %arg1[%swap3A_97, %swap3A_98, %swap3A_99], %swap3A_102 {strides = array<i32>} : memref<18x4x8192xi32, #tpu.memory_space<vmem>>, vector<1x4x8192xi32>,
    %roll3A_103 = arith.constant 1 : i32
    %roll3A_104 = tpu.dynamic_rotate %and3A_86 by %roll3A_103 dim 1 : vector<4x8192xi32>, i32 -> vector<4x8192xi32>
    %mul3A_105 = arith.constant 31 : i32
    %mul3A_106 = vector.broadcast %mul3A_105 : i32 to vector<4x8192xi32>
    %mul3A_107 = arith.muli %roll3A_104, %mul3A_106 : vector<4x8192xi32>
    %add3A_108 = arith.addi %mul3A_107, %select_n3A : vector<4x8192xi32>
    %and3A_109 = arith.constant 16383 : i32
    %and3A_110 = vector.broadcast %and3A_109 : i32 to vector<4x8192xi32>
    %and3A_111 = arith.andi %add3A_108, %and3A_110 : vector<4x8192xi32>
    %roll3A_112 = arith.constant 1 : i32
    %roll3A_113 = tpu.dynamic_rotate %or3A_90 by %roll3A_112 dim 1 : vector<4x8192xi32>, i32 -> vector<4x8192xi32>
    %or3A_114 = arith.ori %roll3A_113, %select_n3A_19 : vector<4x8192xi32>
    %or3A_115 = arith.ori %or3A_114, %select_n3A_12 : vector<4x8192xi32>
    %eq3A_116 = arith.constant 1 : i32
    %eq3A_117 = vector.broadcast %eq3A_116 : i32 to vector<4x8192xi32>
    %eq3A_118 = arith.cmpi eq, %or3A_115, %eq3A_117 : vector<4x8192xi32>
    %jit3A_119 = arith.constant 16384 : i32
    %broadcast_in_dim3A_120 = vector.broadcast %jit3A_119 : i32 to vector<4x8192xi32>
    %select_n3A_121 = arith.select %eq3A_118, %broadcast_in_dim3A_120, %and3A_111 : vector<4x8192xi1>, vector<4x8192xi32>
    %swap3A_122 = arith.constant 3 : index
    %swap3A_123 = arith.constant 0 : index
    %swap3A_124 = arith.constant 0 : index
    %swap3A_125 = vector.load %arg1[%swap3A_122, %swap3A_123, %swap3A_124] : memref<18x4x8192xi32, #tpu.memory_space<vmem>>, vector<1x4x8192xi32>
    %swap3A_126 = vector.shape_cast %swap3A_125 : vector<1x4x8192xi32> to vector<4x8192xi32>
    %swap3A_127 = vector.shape_cast %select_n3A_121 : vector<4x8192xi32> to vector<1x4x8192xi32>
    tpu.vector_store %arg1[%swap3A_122, %swap3A_123, %swap3A_124], %swap3A_127 {strides = array<i32>} : memref<18x4x8192xi32, #tpu.memory_space<vmem>>, vector<1x4x8192xi32>,
    %roll3A_128 = arith.constant 1 : i32
    %roll3A_129 = tpu.dynamic_rotate %and3A_111 by %roll3A_128 dim 1 : vector<4x8192xi32>, i32 -> vector<4x8192xi32>
    %mul3A_130 = arith.constant 31 : i32
    %mul3A_131 = vector.broadcast %mul3A_130 : i32 to vector<4x8192xi32>
    %mul3A_132 = arith.muli %roll3A_129, %mul3A_131 : vector<4x8192xi32>
    %add3A_133 = arith.addi %mul3A_132, %select_n3A : vector<4x8192xi32>
    %and3A_134 = arith.constant 16383 : i32
    %and3A_135 = vector.broadcast %and3A_134 : i32 to vector<4x8192xi32>
    %and3A_136 = arith.andi %add3A_133, %and3A_135 : vector<4x8192xi32>
    %roll3A_137 = arith.constant 1 : i32
    %roll3A_138 = tpu.dynamic_rotate %or3A_115 by %roll3A_137 dim 1 : vector<4x8192xi32>, i32 -> vector<4x8192xi32>
    %or3A_139 = arith.ori %roll3A_138, %select_n3A_19 : vector<4x8192xi32>
    %or3A_140 = arith.ori %or3A_139, %select_n3A_12 : vector<4x8192xi32>
    %eq3A_141 = arith.constant 1 : i32
    %eq3A_142 = vector.broadcast %eq3A_141 : i32 to vector<4x8192xi32>
    %eq3A_143 = arith.cmpi eq, %or3A_140, %eq3A_142 : vector<4x8192xi32>
    %jit3A_144 = arith.constant 16384 : i32
    %broadcast_in_dim3A_145 = vector.broadcast %jit3A_144 : i32 to vector<4x8192xi32>
    %select_n3A_146 = arith.select %eq3A_143, %broadcast_in_dim3A_145, %and3A_136 : vector<4x8192xi1>, vector<4x8192xi32>
    %swap3A_147 = arith.constant 4 : index
    %swap3A_148 = arith.constant 0 : index
    %swap3A_149 = arith.constant 0 : index
    %swap3A_150 = vector.load %arg1[%swap3A_147, %swap3A_148, %swap3A_149] : memref<18x4x8192xi32, #tpu.memory_space<vmem>>, vector<1x4x8192xi32>
    %swap3A_151 = vector.shape_cast %swap3A_150 : vector<1x4x8192xi32> to vector<4x8192xi32>
    %swap3A_152 = vector.shape_cast %select_n3A_146 : vector<4x8192xi32> to vector<1x4x8192xi32>
    tpu.vector_store %arg1[%swap3A_147, %swap3A_148, %swap3A_149], %swap3A_152 {strides = array<i32>} : memref<18x4x8192xi32, #tpu.memory_space<vmem>>, vector<1x4x8192xi32>,
    %roll3A_153 = arith.constant 1 : i32
    %roll3A_154 = tpu.dynamic_rotate %and3A_136 by %roll3A_153 dim 1 : vector<4x8192xi32>, i32 -> vector<4x8192xi32>
    %mul3A_155 = arith.constant 31 : i32
    %mul3A_156 = vector.broadcast %mul3A_155 : i32 to vector<4x8192xi32>
    %mul3A_157 = arith.muli %roll3A_154, %mul3A_156 : vector<4x8192xi32>
    %add3A_158 = arith.addi %mul3A_157, %select_n3A : vector<4x8192xi32>
    %and3A_159 = arith.constant 16383 : i32
    %and3A_160 = vector.broadcast %and3A_159 : i32 to vector<4x8192xi32>
    %and3A_161 = arith.andi %add3A_158, %and3A_160 : vector<4x8192xi32>
    %roll3A_162 = arith.constant 1 : i32
    %roll3A_163 = tpu.dynamic_rotate %or3A_140 by %roll3A_162 dim 1 : vector<4x8192xi32>, i32 -> vector<4x8192xi32>
    %or3A_164 = arith.ori %roll3A_163, %select_n3A_19 : vector<4x8192xi32>
    %or3A_165 = arith.ori %or3A_164, %select_n3A_12 : vector<4x8192xi32>
    %eq3A_166 = arith.constant 1 : i32
    %eq3A_167 = vector.broadcast %eq3A_166 : i32 to vector<4x8192xi32>
    %eq3A_168 = arith.cmpi eq, %or3A_165, %eq3A_167 : vector<4x8192xi32>
    %jit3A_169 = arith.constant 16384 : i32
    %broadcast_in_dim3A_170 = vector.broadcast %jit3A_169 : i32 to vector<4x8192xi32>
    %select_n3A_171 = arith.select %eq3A_168, %broadcast_in_dim3A_170, %and3A_161 : vector<4x8192xi1>, vector<4x8192xi32>
    %swap3A_172 = arith.constant 5 : index
    %swap3A_173 = arith.constant 0 : index
    %swap3A_174 = arith.constant 0 : index
    %swap3A_175 = vector.load %arg1[%swap3A_172, %swap3A_173, %swap3A_174] : memref<18x4x8192xi32, #tpu.memory_space<vmem>>, vector<1x4x8192xi32>
    %swap3A_176 = vector.shape_cast %swap3A_175 : vector<1x4x8192xi32> to vector<4x8192xi32>
    %swap3A_177 = vector.shape_cast %select_n3A_171 : vector<4x8192xi32> to vector<1x4x8192xi32>
    tpu.vector_store %arg1[%swap3A_172, %swap3A_173, %swap3A_174], %swap3A_177 {strides = array<i32>} : memref<18x4x8192xi32, #tpu.memory_space<vmem>>, vector<1x4x8192xi32>,
    %roll3A_178 = arith.constant 1 : i32
    %roll3A_179 = tpu.dynamic_rotate %and3A_161 by %roll3A_178 dim 1 : vector<4x8192xi32>, i32 -> vector<4x8192xi32>
    %mul3A_180 = arith.constant 31 : i32
    %mul3A_181 = vector.broadcast %mul3A_180 : i32 to vector<4x8192xi32>
    %mul3A_182 = arith.muli %roll3A_179, %mul3A_181 : vector<4x8192xi32>
    %add3A_183 = arith.addi %mul3A_182, %select_n3A : vector<4x8192xi32>
    %and3A_184 = arith.constant 16383 : i32
    %and3A_185 = vector.broadcast %and3A_184 : i32 to vector<4x8192xi32>
    %and3A_186 = arith.andi %add3A_183, %and3A_185 : vector<4x8192xi32>
    %roll3A_187 = arith.constant 1 : i32
    %roll3A_188 = tpu.dynamic_rotate %or3A_165 by %roll3A_187 dim 1 : vector<4x8192xi32>, i32 -> vector<4x8192xi32>
    %or3A_189 = arith.ori %roll3A_188, %select_n3A_19 : vector<4x8192xi32>
    %or3A_190 = arith.ori %or3A_189, %select_n3A_12 : vector<4x8192xi32>
    %eq3A_191 = arith.constant 1 : i32
    %eq3A_192 = vector.broadcast %eq3A_191 : i32 to vector<4x8192xi32>
    %eq3A_193 = arith.cmpi eq, %or3A_190, %eq3A_192 : vector<4x8192xi32>
    %jit3A_194 = arith.constant 16384 : i32
    %broadcast_in_dim3A_195 = vector.broadcast %jit3A_194 : i32 to vector<4x8192xi32>
    %select_n3A_196 = arith.select %eq3A_193, %broadcast_in_dim3A_195, %and3A_186 : vector<4x8192xi1>, vector<4x8192xi32>
    %swap3A_197 = arith.constant 6 : index
    %swap3A_198 = arith.constant 0 : index
    %swap3A_199 = arith.constant 0 : index
    %swap3A_200 = vector.load %arg1[%swap3A_197, %swap3A_198, %swap3A_199] : memref<18x4x8192xi32, #tpu.memory_space<vmem>>, vector<1x4x8192xi32>
    %swap3A_201 = vector.shape_cast %swap3A_200 : vector<1x4x8192xi32> to vector<4x8192xi32>
    %swap3A_202 = vector.shape_cast %select_n3A_196 : vector<4x8192xi32> to vector<1x4x8192xi32>
    tpu.vector_store %arg1[%swap3A_197, %swap3A_198, %swap3A_199], %swap3A_202 {strides = array<i32>} : memref<18x4x8192xi32, #tpu.memory_space<vmem>>, vector<1x4x8192xi32>,
    %roll3A_203 = arith.constant 1 : i32
    %roll3A_204 = tpu.dynamic_rotate %and3A_186 by %roll3A_203 dim 1 : vector<4x8192xi32>, i32 -> vector<4x8192xi32>
    %mul3A_205 = arith.constant 31 : i32
    %mul3A_206 = vector.broadcast %mul3A_205 : i32 to vector<4x8192xi32>
    %mul3A_207 = arith.muli %roll3A_204, %mul3A_206 : vector<4x8192xi32>
    %add3A_208 = arith.addi %mul3A_207, %select_n3A : vector<4x8192xi32>
    %and3A_209 = arith.constant 16383 : i32
    %and3A_210 = vector.broadcast %and3A_209 : i32 to vector<4x8192xi32>
    %and3A_211 = arith.andi %add3A_208, %and3A_210 : vector<4x8192xi32>
    %roll3A_212 = arith.constant 1 : i32
    %roll3A_213 = tpu.dynamic_rotate %or3A_190 by %roll3A_212 dim 1 : vector<4x8192xi32>, i32 -> vector<4x8192xi32>
    %or3A_214 = arith.ori %roll3A_213, %select_n3A_19 : vector<4x8192xi32>
    %or3A_215 = arith.ori %or3A_214, %select_n3A_12 : vector<4x8192xi32>
    %eq3A_216 = arith.constant 1 : i32
    %eq3A_217 = vector.broadcast %eq3A_216 : i32 to vector<4x8192xi32>
    %eq3A_218 = arith.cmpi eq, %or3A_215, %eq3A_217 : vector<4x8192xi32>
    %jit3A_219 = arith.constant 16384 : i32
    %broadcast_in_dim3A_220 = vector.broadcast %jit3A_219 : i32 to vector<4x8192xi32>
    %select_n3A_221 = arith.select %eq3A_218, %broadcast_in_dim3A_220, %and3A_211 : vector<4x8192xi1>, vector<4x8192xi32>
    %swap3A_222 = arith.constant 7 : index
    %swap3A_223 = arith.constant 0 : index
    %swap3A_224 = arith.constant 0 : index
    %swap3A_225 = vector.load %arg1[%swap3A_222, %swap3A_223, %swap3A_224] : memref<18x4x8192xi32, #tpu.memory_space<vmem>>, vector<1x4x8192xi32>
    %swap3A_226 = vector.shape_cast %swap3A_225 : vector<1x4x8192xi32> to vector<4x8192xi32>
    %swap3A_227 = vector.shape_cast %select_n3A_221 : vector<4x8192xi32> to vector<1x4x8192xi32>
    tpu.vector_store %arg1[%swap3A_222, %swap3A_223, %swap3A_224], %swap3A_227 {strides = array<i32>} : memref<18x4x8192xi32, #tpu.memory_space<vmem>>, vector<1x4x8192xi32>,
    %roll3A_228 = arith.constant 1 : i32
    %roll3A_229 = tpu.dynamic_rotate %and3A_211 by %roll3A_228 dim 1 : vector<4x8192xi32>, i32 -> vector<4x8192xi32>
    %mul3A_230 = arith.constant 31 : i32
    %mul3A_231 = vector.broadcast %mul3A_230 : i32 to vector<4x8192xi32>
    %mul3A_232 = arith.muli %roll3A_229, %mul3A_231 : vector<4x8192xi32>
    %add3A_233 = arith.addi %mul3A_232, %select_n3A : vector<4x8192xi32>
    %and3A_234 = arith.constant 16383 : i32
    %and3A_235 = vector.broadcast %and3A_234 : i32 to vector<4x8192xi32>
    %and3A_236 = arith.andi %add3A_233, %and3A_235 : vector<4x8192xi32>
    %roll3A_237 = arith.constant 1 : i32
    %roll3A_238 = tpu.dynamic_rotate %or3A_215 by %roll3A_237 dim 1 : vector<4x8192xi32>, i32 -> vector<4x8192xi32>
    %or3A_239 = arith.ori %roll3A_238, %select_n3A_19 : vector<4x8192xi32>
    %or3A_240 = arith.ori %or3A_239, %select_n3A_12 : vector<4x8192xi32>
    %eq3A_241 = arith.constant 1 : i32
    %eq3A_242 = vector.broadcast %eq3A_241 : i32 to vector<4x8192xi32>
    %eq3A_243 = arith.cmpi eq, %or3A_240, %eq3A_242 : vector<4x8192xi32>
    %jit3A_244 = arith.constant 16384 : i32
    %broadcast_in_dim3A_245 = vector.broadcast %jit3A_244 : i32 to vector<4x8192xi32>
    %select_n3A_246 = arith.select %eq3A_243, %broadcast_in_dim3A_245, %and3A_236 : vector<4x8192xi1>, vector<4x8192xi32>
    %swap3A_247 = arith.constant 8 : index
    %swap3A_248 = arith.constant 0 : index
    %swap3A_249 = arith.constant 0 : index
    %swap3A_250 = vector.load %arg1[%swap3A_247, %swap3A_248, %swap3A_249] : memref<18x4x8192xi32, #tpu.memory_space<vmem>>, vector<1x4x8192xi32>
    %swap3A_251 = vector.shape_cast %swap3A_250 : vector<1x4x8192xi32> to vector<4x8192xi32>
    %swap3A_252 = vector.shape_cast %select_n3A_246 : vector<4x8192xi32> to vector<1x4x8192xi32>
    tpu.vector_store %arg1[%swap3A_247, %swap3A_248, %swap3A_249], %swap3A_252 {strides = array<i32>} : memref<18x4x8192xi32, #tpu.memory_space<vmem>>, vector<1x4x8192xi32>,
    %roll3A_253 = arith.constant 1 : i32
    %roll3A_254 = tpu.dynamic_rotate %and3A_236 by %roll3A_253 dim 1 : vector<4x8192xi32>, i32 -> vector<4x8192xi32>
    %mul3A_255 = arith.constant 31 : i32
    %mul3A_256 = vector.broadcast %mul3A_255 : i32 to vector<4x8192xi32>
    %mul3A_257 = arith.muli %roll3A_254, %mul3A_256 : vector<4x8192xi32>
    %add3A_258 = arith.addi %mul3A_257, %select_n3A : vector<4x8192xi32>
    %and3A_259 = arith.constant 16383 : i32
    %and3A_260 = vector.broadcast %and3A_259 : i32 to vector<4x8192xi32>
    %and3A_261 = arith.andi %add3A_258, %and3A_260 : vector<4x8192xi32>
    %roll3A_262 = arith.constant 1 : i32
    %roll3A_263 = tpu.dynamic_rotate %or3A_240 by %roll3A_262 dim 1 : vector<4x8192xi32>, i32 -> vector<4x8192xi32>
    %or3A_264 = arith.ori %roll3A_263, %select_n3A_19 : vector<4x8192xi32>
    %or3A_265 = arith.ori %or3A_264, %select_n3A_12 : vector<4x8192xi32>
    %eq3A_266 = arith.constant 1 : i32
    %eq3A_267 = vector.broadcast %eq3A_266 : i32 to vector<4x8192xi32>
    %eq3A_268 = arith.cmpi eq, %or3A_265, %eq3A_267 : vector<4x8192xi32>
    %jit3A_269 = arith.constant 16384 : i32
    %broadcast_in_dim3A_270 = vector.broadcast %jit3A_269 : i32 to vector<4x8192xi32>
    %select_n3A_271 = arith.select %eq3A_268, %broadcast_in_dim3A_270, %and3A_261 : vector<4x8192xi1>, vector<4x8192xi32>
    %swap3A_272 = arith.constant 9 : index
    %swap3A_273 = arith.constant 0 : index
    %swap3A_274 = arith.constant 0 : index
    %swap3A_275 = vector.load %arg1[%swap3A_272, %swap3A_273, %swap3A_274] : memref<18x4x8192xi32, #tpu.memory_space<vmem>>, vector<1x4x8192xi32>
    %swap3A_276 = vector.shape_cast %swap3A_275 : vector<1x4x8192xi32> to vector<4x8192xi32>
    %swap3A_277 = vector.shape_cast %select_n3A_271 : vector<4x8192xi32> to vector<1x4x8192xi32>
    tpu.vector_store %arg1[%swap3A_272, %swap3A_273, %swap3A_274], %swap3A_277 {strides = array<i32>} : memref<18x4x8192xi32, #tpu.memory_space<vmem>>, vector<1x4x8192xi32>,
    %roll3A_278 = arith.constant 1 : i32
    %roll3A_279 = tpu.dynamic_rotate %and3A_261 by %roll3A_278 dim 1 : vector<4x8192xi32>, i32 -> vector<4x8192xi32>
    %mul3A_280 = arith.constant 31 : i32
    %mul3A_281 = vector.broadcast %mul3A_280 : i32 to vector<4x8192xi32>
    %mul3A_282 = arith.muli %roll3A_279, %mul3A_281 : vector<4x8192xi32>
    %add3A_283 = arith.addi %mul3A_282, %select_n3A : vector<4x8192xi32>
    %and3A_284 = arith.constant 16383 : i32
    %and3A_285 = vector.broadcast %and3A_284 : i32 to vector<4x8192xi32>
    %and3A_286 = arith.andi %add3A_283, %and3A_285 : vector<4x8192xi32>
    %roll3A_287 = arith.constant 1 : i32
    %roll3A_288 = tpu.dynamic_rotate %or3A_265 by %roll3A_287 dim 1 : vector<4x8192xi32>, i32 -> vector<4x8192xi32>
    %or3A_289 = arith.ori %roll3A_288, %select_n3A_19 : vector<4x8192xi32>
    %or3A_290 = arith.ori %or3A_289, %select_n3A_12 : vector<4x8192xi32>
    %eq3A_291 = arith.constant 1 : i32
    %eq3A_292 = vector.broadcast %eq3A_291 : i32 to vector<4x8192xi32>
    %eq3A_293 = arith.cmpi eq, %or3A_290, %eq3A_292 : vector<4x8192xi32>
    %jit3A_294 = arith.constant 16384 : i32
    %broadcast_in_dim3A_295 = vector.broadcast %jit3A_294 : i32 to vector<4x8192xi32>
    %select_n3A_296 = arith.select %eq3A_293, %broadcast_in_dim3A_295, %and3A_286 : vector<4x8192xi1>, vector<4x8192xi32>
    %swap3A_297 = arith.constant 10 : index
    %swap3A_298 = arith.constant 0 : index
    %swap3A_299 = arith.constant 0 : index
    %swap3A_300 = vector.load %arg1[%swap3A_297, %swap3A_298, %swap3A_299] : memref<18x4x8192xi32, #tpu.memory_space<vmem>>, vector<1x4x8192xi32>
    %swap3A_301 = vector.shape_cast %swap3A_300 : vector<1x4x8192xi32> to vector<4x8192xi32>
    %swap3A_302 = vector.shape_cast %select_n3A_296 : vector<4x8192xi32> to vector<1x4x8192xi32>
    tpu.vector_store %arg1[%swap3A_297, %swap3A_298, %swap3A_299], %swap3A_302 {strides = array<i32>} : memref<18x4x8192xi32, #tpu.memory_space<vmem>>, vector<1x4x8192xi32>,
    %roll3A_303 = arith.constant 1 : i32
    %roll3A_304 = tpu.dynamic_rotate %and3A_286 by %roll3A_303 dim 1 : vector<4x8192xi32>, i32 -> vector<4x8192xi32>
    %mul3A_305 = arith.constant 31 : i32
    %mul3A_306 = vector.broadcast %mul3A_305 : i32 to vector<4x8192xi32>
    %mul3A_307 = arith.muli %roll3A_304, %mul3A_306 : vector<4x8192xi32>
    %add3A_308 = arith.addi %mul3A_307, %select_n3A : vector<4x8192xi32>
    %and3A_309 = arith.constant 16383 : i32
    %and3A_310 = vector.broadcast %and3A_309 : i32 to vector<4x8192xi32>
    %and3A_311 = arith.andi %add3A_308, %and3A_310 : vector<4x8192xi32>
    %roll3A_312 = arith.constant 1 : i32
    %roll3A_313 = tpu.dynamic_rotate %or3A_290 by %roll3A_312 dim 1 : vector<4x8192xi32>, i32 -> vector<4x8192xi32>
    %or3A_314 = arith.ori %roll3A_313, %select_n3A_19 : vector<4x8192xi32>
    %or3A_315 = arith.ori %or3A_314, %select_n3A_12 : vector<4x8192xi32>
    %eq3A_316 = arith.constant 1 : i32
    %eq3A_317 = vector.broadcast %eq3A_316 : i32 to vector<4x8192xi32>
    %eq3A_318 = arith.cmpi eq, %or3A_315, %eq3A_317 : vector<4x8192xi32>
    %jit3A_319 = arith.constant 16384 : i32
    %broadcast_in_dim3A_320 = vector.broadcast %jit3A_319 : i32 to vector<4x8192xi32>
    %select_n3A_321 = arith.select %eq3A_318, %broadcast_in_dim3A_320, %and3A_311 : vector<4x8192xi1>, vector<4x8192xi32>
    %swap3A_322 = arith.constant 11 : index
    %swap3A_323 = arith.constant 0 : index
    %swap3A_324 = arith.constant 0 : index
    %swap3A_325 = vector.load %arg1[%swap3A_322, %swap3A_323, %swap3A_324] : memref<18x4x8192xi32, #tpu.memory_space<vmem>>, vector<1x4x8192xi32>
    %swap3A_326 = vector.shape_cast %swap3A_325 : vector<1x4x8192xi32> to vector<4x8192xi32>
    %swap3A_327 = vector.shape_cast %select_n3A_321 : vector<4x8192xi32> to vector<1x4x8192xi32>
    tpu.vector_store %arg1[%swap3A_322, %swap3A_323, %swap3A_324], %swap3A_327 {strides = array<i32>} : memref<18x4x8192xi32, #tpu.memory_space<vmem>>, vector<1x4x8192xi32>,
    %roll3A_328 = arith.constant 1 : i32
    %roll3A_329 = tpu.dynamic_rotate %and3A_311 by %roll3A_328 dim 1 : vector<4x8192xi32>, i32 -> vector<4x8192xi32>
    %mul3A_330 = arith.constant 31 : i32
    %mul3A_331 = vector.broadcast %mul3A_330 : i32 to vector<4x8192xi32>
    %mul3A_332 = arith.muli %roll3A_329, %mul3A_331 : vector<4x8192xi32>
    %add3A_333 = arith.addi %mul3A_332, %select_n3A : vector<4x8192xi32>
    %and3A_334 = arith.constant 16383 : i32
    %and3A_335 = vector.broadcast %and3A_334 : i32 to vector<4x8192xi32>
    %and3A_336 = arith.andi %add3A_333, %and3A_335 : vector<4x8192xi32>
    %roll3A_337 = arith.constant 1 : i32
    %roll3A_338 = tpu.dynamic_rotate %or3A_315 by %roll3A_337 dim 1 : vector<4x8192xi32>, i32 -> vector<4x8192xi32>
    %or3A_339 = arith.ori %roll3A_338, %select_n3A_19 : vector<4x8192xi32>
    %or3A_340 = arith.ori %or3A_339, %select_n3A_12 : vector<4x8192xi32>
    %eq3A_341 = arith.constant 1 : i32
    %eq3A_342 = vector.broadcast %eq3A_341 : i32 to vector<4x8192xi32>
    %eq3A_343 = arith.cmpi eq, %or3A_340, %eq3A_342 : vector<4x8192xi32>
    %jit3A_344 = arith.constant 16384 : i32
    %broadcast_in_dim3A_345 = vector.broadcast %jit3A_344 : i32 to vector<4x8192xi32>
    %select_n3A_346 = arith.select %eq3A_343, %broadcast_in_dim3A_345, %and3A_336 : vector<4x8192xi1>, vector<4x8192xi32>
    %swap3A_347 = arith.constant 12 : index
    %swap3A_348 = arith.constant 0 : index
    %swap3A_349 = arith.constant 0 : index
    %swap3A_350 = vector.load %arg1[%swap3A_347, %swap3A_348, %swap3A_349] : memref<18x4x8192xi32, #tpu.memory_space<vmem>>, vector<1x4x8192xi32>
    %swap3A_351 = vector.shape_cast %swap3A_350 : vector<1x4x8192xi32> to vector<4x8192xi32>
    %swap3A_352 = vector.shape_cast %select_n3A_346 : vector<4x8192xi32> to vector<1x4x8192xi32>
    tpu.vector_store %arg1[%swap3A_347, %swap3A_348, %swap3A_349], %swap3A_352 {strides = array<i32>} : memref<18x4x8192xi32, #tpu.memory_space<vmem>>, vector<1x4x8192xi32>,
    %roll3A_353 = arith.constant 1 : i32
    %roll3A_354 = tpu.dynamic_rotate %and3A_336 by %roll3A_353 dim 1 : vector<4x8192xi32>, i32 -> vector<4x8192xi32>
    %mul3A_355 = arith.constant 31 : i32
    %mul3A_356 = vector.broadcast %mul3A_355 : i32 to vector<4x8192xi32>
    %mul3A_357 = arith.muli %roll3A_354, %mul3A_356 : vector<4x8192xi32>
    %add3A_358 = arith.addi %mul3A_357, %select_n3A : vector<4x8192xi32>
    %and3A_359 = arith.constant 16383 : i32
    %and3A_360 = vector.broadcast %and3A_359 : i32 to vector<4x8192xi32>
    %and3A_361 = arith.andi %add3A_358, %and3A_360 : vector<4x8192xi32>
    %roll3A_362 = arith.constant 1 : i32
    %roll3A_363 = tpu.dynamic_rotate %or3A_340 by %roll3A_362 dim 1 : vector<4x8192xi32>, i32 -> vector<4x8192xi32>
    %or3A_364 = arith.ori %roll3A_363, %select_n3A_19 : vector<4x8192xi32>
    %or3A_365 = arith.ori %or3A_364, %select_n3A_12 : vector<4x8192xi32>
    %eq3A_366 = arith.constant 1 : i32
    %eq3A_367 = vector.broadcast %eq3A_366 : i32 to vector<4x8192xi32>
    %eq3A_368 = arith.cmpi eq, %or3A_365, %eq3A_367 : vector<4x8192xi32>
    %jit3A_369 = arith.constant 16384 : i32
    %broadcast_in_dim3A_370 = vector.broadcast %jit3A_369 : i32 to vector<4x8192xi32>
    %select_n3A_371 = arith.select %eq3A_368, %broadcast_in_dim3A_370, %and3A_361 : vector<4x8192xi1>, vector<4x8192xi32>
    %swap3A_372 = arith.constant 13 : index
    %swap3A_373 = arith.constant 0 : index
    %swap3A_374 = arith.constant 0 : index
    %swap3A_375 = vector.load %arg1[%swap3A_372, %swap3A_373, %swap3A_374] : memref<18x4x8192xi32, #tpu.memory_space<vmem>>, vector<1x4x8192xi32>
    %swap3A_376 = vector.shape_cast %swap3A_375 : vector<1x4x8192xi32> to vector<4x8192xi32>
    %swap3A_377 = vector.shape_cast %select_n3A_371 : vector<4x8192xi32> to vector<1x4x8192xi32>
    tpu.vector_store %arg1[%swap3A_372, %swap3A_373, %swap3A_374], %swap3A_377 {strides = array<i32>} : memref<18x4x8192xi32, #tpu.memory_space<vmem>>, vector<1x4x8192xi32>,
    %roll3A_378 = arith.constant 1 : i32
    %roll3A_379 = tpu.dynamic_rotate %and3A_361 by %roll3A_378 dim 1 : vector<4x8192xi32>, i32 -> vector<4x8192xi32>
    %mul3A_380 = arith.constant 31 : i32
    %mul3A_381 = vector.broadcast %mul3A_380 : i32 to vector<4x8192xi32>
    %mul3A_382 = arith.muli %roll3A_379, %mul3A_381 : vector<4x8192xi32>
    %add3A_383 = arith.addi %mul3A_382, %select_n3A : vector<4x8192xi32>
    %and3A_384 = arith.constant 16383 : i32
    %and3A_385 = vector.broadcast %and3A_384 : i32 to vector<4x8192xi32>
    %and3A_386 = arith.andi %add3A_383, %and3A_385 : vector<4x8192xi32>
    %roll3A_387 = arith.constant 1 : i32
    %roll3A_388 = tpu.dynamic_rotate %or3A_365 by %roll3A_387 dim 1 : vector<4x8192xi32>, i32 -> vector<4x8192xi32>
    %or3A_389 = arith.ori %roll3A_388, %select_n3A_19 : vector<4x8192xi32>
    %or3A_390 = arith.ori %or3A_389, %select_n3A_12 : vector<4x8192xi32>
    %eq3A_391 = arith.constant 1 : i32
    %eq3A_392 = vector.broadcast %eq3A_391 : i32 to vector<4x8192xi32>
    %eq3A_393 = arith.cmpi eq, %or3A_390, %eq3A_392 : vector<4x8192xi32>
    %jit3A_394 = arith.constant 16384 : i32
    %broadcast_in_dim3A_395 = vector.broadcast %jit3A_394 : i32 to vector<4x8192xi32>
    %select_n3A_396 = arith.select %eq3A_393, %broadcast_in_dim3A_395, %and3A_386 : vector<4x8192xi1>, vector<4x8192xi32>
    %swap3A_397 = arith.constant 14 : index
    %swap3A_398 = arith.constant 0 : index
    %swap3A_399 = arith.constant 0 : index
    %swap3A_400 = vector.load %arg1[%swap3A_397, %swap3A_398, %swap3A_399] : memref<18x4x8192xi32, #tpu.memory_space<vmem>>, vector<1x4x8192xi32>
    %swap3A_401 = vector.shape_cast %swap3A_400 : vector<1x4x8192xi32> to vector<4x8192xi32>
    %swap3A_402 = vector.shape_cast %select_n3A_396 : vector<4x8192xi32> to vector<1x4x8192xi32>
    tpu.vector_store %arg1[%swap3A_397, %swap3A_398, %swap3A_399], %swap3A_402 {strides = array<i32>} : memref<18x4x8192xi32, #tpu.memory_space<vmem>>, vector<1x4x8192xi32>,
    %roll3A_403 = arith.constant 1 : i32
    %roll3A_404 = tpu.dynamic_rotate %and3A_386 by %roll3A_403 dim 1 : vector<4x8192xi32>, i32 -> vector<4x8192xi32>
    %mul3A_405 = arith.constant 31 : i32
    %mul3A_406 = vector.broadcast %mul3A_405 : i32 to vector<4x8192xi32>
    %mul3A_407 = arith.muli %roll3A_404, %mul3A_406 : vector<4x8192xi32>
    %add3A_408 = arith.addi %mul3A_407, %select_n3A : vector<4x8192xi32>
    %and3A_409 = arith.constant 16383 : i32
    %and3A_410 = vector.broadcast %and3A_409 : i32 to vector<4x8192xi32>
    %and3A_411 = arith.andi %add3A_408, %and3A_410 : vector<4x8192xi32>
    %roll3A_412 = arith.constant 1 : i32
    %roll3A_413 = tpu.dynamic_rotate %or3A_390 by %roll3A_412 dim 1 : vector<4x8192xi32>, i32 -> vector<4x8192xi32>
    %or3A_414 = arith.ori %roll3A_413, %select_n3A_19 : vector<4x8192xi32>
    %or3A_415 = arith.ori %or3A_414, %select_n3A_12 : vector<4x8192xi32>
    %eq3A_416 = arith.constant 1 : i32
    %eq3A_417 = vector.broadcast %eq3A_416 : i32 to vector<4x8192xi32>
    %eq3A_418 = arith.cmpi eq, %or3A_415, %eq3A_417 : vector<4x8192xi32>
    %jit3A_419 = arith.constant 16384 : i32
    %broadcast_in_dim3A_420 = vector.broadcast %jit3A_419 : i32 to vector<4x8192xi32>
    %select_n3A_421 = arith.select %eq3A_418, %broadcast_in_dim3A_420, %and3A_411 : vector<4x8192xi1>, vector<4x8192xi32>
    %swap3A_422 = arith.constant 15 : index
    %swap3A_423 = arith.constant 0 : index
    %swap3A_424 = arith.constant 0 : index
    %swap3A_425 = vector.load %arg1[%swap3A_422, %swap3A_423, %swap3A_424] : memref<18x4x8192xi32, #tpu.memory_space<vmem>>, vector<1x4x8192xi32>
    %swap3A_426 = vector.shape_cast %swap3A_425 : vector<1x4x8192xi32> to vector<4x8192xi32>
    %swap3A_427 = vector.shape_cast %select_n3A_421 : vector<4x8192xi32> to vector<1x4x8192xi32>
    tpu.vector_store %arg1[%swap3A_422, %swap3A_423, %swap3A_424], %swap3A_427 {strides = array<i32>} : memref<18x4x8192xi32, #tpu.memory_space<vmem>>, vector<1x4x8192xi32>,
    %roll3A_428 = arith.constant 1 : i32
    %roll3A_429 = tpu.dynamic_rotate %and3A_411 by %roll3A_428 dim 1 : vector<4x8192xi32>, i32 -> vector<4x8192xi32>
    %mul3A_430 = arith.constant 31 : i32
    %mul3A_431 = vector.broadcast %mul3A_430 : i32 to vector<4x8192xi32>
    %mul3A_432 = arith.muli %roll3A_429, %mul3A_431 : vector<4x8192xi32>
    %add3A_433 = arith.addi %mul3A_432, %select_n3A : vector<4x8192xi32>
    %and3A_434 = arith.constant 16383 : i32
    %and3A_435 = vector.broadcast %and3A_434 : i32 to vector<4x8192xi32>
    %and3A_436 = arith.andi %add3A_433, %and3A_435 : vector<4x8192xi32>
    %roll3A_437 = arith.constant 1 : i32
    %roll3A_438 = tpu.dynamic_rotate %or3A_415 by %roll3A_437 dim 1 : vector<4x8192xi32>, i32 -> vector<4x8192xi32>
    %or3A_439 = arith.ori %roll3A_438, %select_n3A_19 : vector<4x8192xi32>
    %or3A_440 = arith.ori %or3A_439, %select_n3A_12 : vector<4x8192xi32>
    %eq3A_441 = arith.constant 1 : i32
    %eq3A_442 = vector.broadcast %eq3A_441 : i32 to vector<4x8192xi32>
    %eq3A_443 = arith.cmpi eq, %or3A_440, %eq3A_442 : vector<4x8192xi32>
    %jit3A_444 = arith.constant 16384 : i32
    %broadcast_in_dim3A_445 = vector.broadcast %jit3A_444 : i32 to vector<4x8192xi32>
    %select_n3A_446 = arith.select %eq3A_443, %broadcast_in_dim3A_445, %and3A_436 : vector<4x8192xi1>, vector<4x8192xi32>
    %swap3A_447 = arith.constant 16 : index
    %swap3A_448 = arith.constant 0 : index
    %swap3A_449 = arith.constant 0 : index
    %swap3A_450 = vector.load %arg1[%swap3A_447, %swap3A_448, %swap3A_449] : memref<18x4x8192xi32, #tpu.memory_space<vmem>>, vector<1x4x8192xi32>
    %swap3A_451 = vector.shape_cast %swap3A_450 : vector<1x4x8192xi32> to vector<4x8192xi32>
    %swap3A_452 = vector.shape_cast %select_n3A_446 : vector<4x8192xi32> to vector<1x4x8192xi32>
    tpu.vector_store %arg1[%swap3A_447, %swap3A_448, %swap3A_449], %swap3A_452 {strides = array<i32>} : memref<18x4x8192xi32, #tpu.memory_space<vmem>>, vector<1x4x8192xi32>,
    %roll3A_453 = arith.constant 1 : i32
    %roll3A_454 = tpu.dynamic_rotate %and3A_436 by %roll3A_453 dim 1 : vector<4x8192xi32>, i32 -> vector<4x8192xi32>
    %mul3A_455 = arith.constant 31 : i32
    %mul3A_456 = vector.broadcast %mul3A_455 : i32 to vector<4x8192xi32>
    %mul3A_457 = arith.muli %roll3A_454, %mul3A_456 : vector<4x8192xi32>
    %add3A_458 = arith.addi %mul3A_457, %select_n3A : vector<4x8192xi32>
    %and3A_459 = arith.constant 16383 : i32
    %and3A_460 = vector.broadcast %and3A_459 : i32 to vector<4x8192xi32>
    %and3A_461 = arith.andi %add3A_458, %and3A_460 : vector<4x8192xi32>
    %roll3A_462 = arith.constant 1 : i32
    %roll3A_463 = tpu.dynamic_rotate %or3A_440 by %roll3A_462 dim 1 : vector<4x8192xi32>, i32 -> vector<4x8192xi32>
    %or3A_464 = arith.ori %roll3A_463, %select_n3A_19 : vector<4x8192xi32>
    %or3A_465 = arith.ori %or3A_464, %select_n3A_12 : vector<4x8192xi32>
    %eq3A_466 = arith.constant 1 : i32
    %eq3A_467 = vector.broadcast %eq3A_466 : i32 to vector<4x8192xi32>
    %eq3A_468 = arith.cmpi eq, %or3A_465, %eq3A_467 : vector<4x8192xi32>
    %jit3A_469 = arith.constant 16384 : i32
    %broadcast_in_dim3A_470 = vector.broadcast %jit3A_469 : i32 to vector<4x8192xi32>
    %select_n3A_471 = arith.select %eq3A_468, %broadcast_in_dim3A_470, %and3A_461 : vector<4x8192xi1>, vector<4x8192xi32>
    %swap3A_472 = arith.constant 17 : index
    %swap3A_473 = arith.constant 0 : index
    %swap3A_474 = arith.constant 0 : index
    %swap3A_475 = vector.load %arg1[%swap3A_472, %swap3A_473, %swap3A_474] : memref<18x4x8192xi32, #tpu.memory_space<vmem>>, vector<1x4x8192xi32>
    %swap3A_476 = vector.shape_cast %swap3A_475 : vector<1x4x8192xi32> to vector<4x8192xi32>
    %swap3A_477 = vector.shape_cast %select_n3A_471 : vector<4x8192xi32> to vector<1x4x8192xi32>
    tpu.vector_store %arg1[%swap3A_472, %swap3A_473, %swap3A_474], %swap3A_477 {strides = array<i32>} : memref<18x4x8192xi32, #tpu.memory_space<vmem>>, vector<1x4x8192xi32>,
    return
  }
}

</mosaic_0001>

<sc_bundles>
// kernel: kernel.4.cloned.1.call-start
scs
__scs_entry_jumppad:
0x0: {  	(pc) =	sbr.rel $0x88, $3  }
0x1: {  	(tag) =	ssettag $0x0;
	lr =	simm.s32 $0x1  }
0x2: {  	[smem:$0x3F9F] =	sst lr;
	_ =	strace $0xD0000000  }
0x3: {  	_ = 	snop  }
0x4: {  	_ = 	snop  }
0x5: {  	_ = 	snop  }
0x6: {  	_ = 	snop  }
0x7: {  	_ = 	snop  }
__scs_overlays_trampoline_lowered:
0x8: {  	[smem:$0x3FAE] =	sst s0  }
0x9: {  	[smem:$0x3FAF] =	sst s1  }
0xa: {  	[smem:$0x3FB0] =	sst s2  }
0xb: {  	[smem:$0x3FB1] =	sst s3  }
0xc: {  	[smem:$0x3FB2] =	sst s4  }
0xd: {  	[smem:$0x3FB3] =	sst s5  }
0xe: {  	[smem:$0x3FB4] =	sst s6  }
0xf: {  	[smem:$0x3FB5] =	sst s7  }
0x10: {  	[smem:$0x3FB6] =	sst s8  }
0x11: {  	[smem:$0x3FB7] =	sst s9;
	s0 =	simm.s32 @!p0 $0x0  }
0x12: {  	s1 =	sld [smem:$0x3F9D];
	s0 =	simm.s32 @p0 $0x1  }
0x13: {  	[smem:$0x3FB8] =	sst s0;
	s0 =	simm.s32 @!p1 $0x0  }
0x14: {  	s2 =	sld [smem:$0x3F9C];
	s0 =	simm.s32 @p1 $0x1  }
0x15: {  	[smem:$0x3FB9] =	sst s0;
	s0 =	simm.s32 @!p2 $0x0  }
0x16: {  	s3 =	sld [smem:$0x3FDB];
	s0 =	simm.s32 @p2 $0x1  }
0x17: {  	s4 =	simm.s32 $0x1BF5;
	[smem:$0x3FBB] =	sst s0  }
0x18: {  	s0 =	sld [smem:$0x3F9E];
	_ =	swait.ge [sflag:s4], $0x0  }
0x19: {  	s7 =	sld [smem:$0x3F9F]  }
0x1a: {  	s8 =	sadd.s32 $0xFFFFE003, lr  }
0x1b: {  	s9 =	sadd.s32 $0xFFFFFEF7, lr;
	s5 =	simm.s32 $0xFFFFFFFF;
	p2 =	slt.u32 s8, $0xFFFFF086  }
0x1c: {  	p1 =	slt.u32 s9, $0xF7A;
	s5 =	simm.s32 @!p2 $0x0  }
0x1d: {  	s5 =	simm.s32 @p1 $0x1;
	p0 =	seq.s32 s7, s2  }
0x1e: {  	s7 =	smul.u32 @!p0 $0xF7A, s2;
	p2 =	seq.s32 @!p0 s5, $0x0  }
0x1f: {  	s9 =	smul.u32 $0xF7A, s1;
	s8 =	simm.s32 @!p0 $0x1BF5;
	p2 =	por !p2, p0  }
0x20: {  	[sflag:s8] =	ssyncset.s32 @!p0 $0xFFFFF086;
	s6 =	sadd.s32 @!p0 s3, s7;
	s7 =	simm.s32 @!p0 $0x108  }
0x21: {  	s3 =	sadd.s32 s3, s9;
	s6 =	sadd.s32 @!p0 $0x88, s6;
	s7 =	simm.s32 @p2 $0x1082  }
0x22: {  	[simem:s7], [sflag:s8] =	dma.local @!p0 [hbm:s6], $0xF7A  }
0x23: {  	s9 =	sor.u32 $0xD0000000, s2;
	s6 =	simm.s32 $0x108;
	_ =	swait.ge @!p0 [sflag:s8], $0x0  }
0x24: {  	s3 =	sadd.s32 $0x88, s3;
	s6 =	simm.s32 @!p1 $0x1082;
	[sflag:s4] =	ssyncset.s32 $0xFFFFF086  }
0x25: {  	[simem:s6], [sflag:s4] =	dma.local [hbm:s3], $0xF7A  }
0x26: {  	[smem:$0x3F9F] =	sst s1;
	(tag) =	ssettag s2;
	_ =	strace s9  }
0x27: {  	s1 =	sld [smem:$0x3FAF]  }
0x28: {  	s2 =	sld [smem:$0x3FB0]  }
0x29: {  	s4 =	sld [smem:$0x3FB2]  }
0x2a: {  	p0 =	seq.s32 s5, $0x0;
	s5 =	sld [smem:$0x3FB3]  }
0x2b: {  	s6 =	sld [smem:$0x3FB4]  }
0x2c: {  	s7 =	sld [smem:$0x3FB5]  }
0x2d: {  	s3 =	simm.s32 $0x108;
	s8 =	sld [smem:$0x3FB6]  }
0x2e: {  	s3 =	simm.s32 @!p0 $0x1082;
	s9 =	sld [smem:$0x3FB7]  }
0x2f: {  	lr =	sadd.s32 s0, s3;
	s0 =	sld [smem:$0x3FAE]  }
0x30: {  	s3 =	sld [smem:$0x3FB1]  }
0x31: {  	[smem:$0x3FBA] =	sst s10  }
0x32: {  	s10 =	sld [smem:$0x3FB8];
	_ =	sdelay $0x3  }
0x33: {  	p0 =	seq.s32 s10, $0x1;
	s10 =	sld [smem:$0x3FBA];
	_ =	sdelay $0x3  }
0x34: {  	[smem:$0x3FBA] =	sst s10  }
0x35: {  	s10 =	sld [smem:$0x3FB9];
	_ =	sdelay $0x3  }
0x36: {  	p1 =	seq.s32 s10, $0x1;
	s10 =	sld [smem:$0x3FBA];
	_ =	sdelay $0x3  }
0x37: {  	[smem:$0x3FBA] =	sst s10  }
0x38: {  	s10 =	sld [smem:$0x3FBB]  }
0x39: {  	_ = 	snop;
	(pc) =	sbr.ind lr, $3  }
0x3a: {  	_ = 	snop  }
0x3b: {  	_ = 	snop  }
0x3c: {  	p2 =	seq.s32 s10, $0x1;
	s10 =	sld [smem:$0x3FBA]  }
0x3d: {  	_ =	shalt  }
0x3e: {  	_ =	shalt  }
0x3f: {  	_ =	shalt  }
0x40: {  	_ =	shalt  }
0x41: {  	_ =	shalt  }
0x42: {  	_ =	shalt  }
0x43: {  	_ =	shalt  }
0x44: {  	_ =	shalt  }
0x45: {  	_ =	shalt  }
0x46: {  	_ =	shalt  }
0x47: {  	_ =	shalt  }
0x48: {  	_ =	shalt  }
0x49: {  	_ =	shalt  }
0x4a: {  	_ =	shalt  }
0x4b: {  	_ =	shalt  }
0x4c: {  	_ =	shalt  }
0x4d: {  	_ =	shalt  }
0x4e: {  	_ =	shalt  }
0x4f: {  	_ =	shalt  }
0x50: {  	_ =	shalt  }
0x51: {  	_ =	shalt  }
0x52: {  	_ =	shalt  }
0x53: {  	_ =	shalt  }
0x54: {  	_ =	shalt  }
0x55: {  	_ =	shalt  }
0x56: {  	_ =	shalt  }
0x57: {  	_ =	shalt  }
0x58: {  	_ =	shalt  }
0x59: {  	_ =	shalt  }
0x5a: {  	_ =	shalt  }
0x5b: {  	_ =	shalt  }
0x5c: {  	_ =	shalt  }
0x5d: {  	_ =	shalt  }
0x5e: {  	_ =	shalt  }
0x5f: {  	_ =	shalt  }
0x60: {  	_ =	shalt  }
0x61: {  	_ =	shalt  }
0x62: {  	_ =	shalt  }
0x63: {  	_ =	shalt  }
0x64: {  	_ =	shalt  }
0x65: {  	_ =	shalt  }
0x66: {  	_ =	shalt  }
0x67: {  	_ =	shalt  }
0x68: {  	_ =	shalt  }
0x69: {  	_ =	shalt  }
0x6a: {  	_ =	shalt  }
0x6b: {  	_ =	shalt  }
0x6c: {  	_ =	shalt  }
0x6d: {  	_ =	shalt  }
0x6e: {  	_ =	shalt  }
0x6f: {  	_ =	shalt  }
0x70: {  	_ =	shalt  }
0x71: {  	_ =	shalt  }
0x72: {  	_ =	shalt  }
0x73: {  	_ =	shalt  }
0x74: {  	_ =	shalt  }
0x75: {  	_ =	shalt  }
0x76: {  	_ =	shalt  }
0x77: {  	_ =	shalt  }
0x78: {  	_ =	shalt  }
0x79: {  	_ =	shalt  }
0x7a: {  	_ =	shalt  }
0x7b: {  	_ =	shalt  }
0x7c: {  	_ =	shalt  }
0x7d: {  	_ =	shalt  }
0x7e: {  	_ =	shalt  }
0x7f: {  	_ =	shalt  }
0x80: {  	_ =	shalt  }
0x81: {  	_ =	shalt  }
0x82: {  	_ =	shalt  }
0x83: {  	_ =	shalt  }
0x84: {  	_ =	shalt  }
0x85: {  	_ =	shalt  }
0x86: {  	_ =	shalt  }
0x87: {  	_ =	shalt  }
.Lfunc_end0:
.L_simem_size_0:
called_computation_lowered:
.L_overlay_start_0:
0x88: {  	s2 =	sld [smem:$0x3FD9]  }
0x89: {  	s3 =	sld [smem:$0x3FFE];
	_ =	sdelay $0x1  }
0x8a: {  	s1 =	srdreg.scid  }
0x8b: {  	s0 =	sand.u32 $0x1, s1  }
0x8c: {  	s17 =	sshll.u32 s0, $0xA;
	s2 =	sadd.s32 s3, s2  }
0x8d: {  	s2 =	sadd.s32 s2, s17  }
0x8e: {  	[smem:$0x3FC6] =	sst s2  }
0x8f: {  	_ = 	snop  }
0x90: {  	s2 =	sld [smem:$0x3FD0];
	(tm) =	ssettm $0x1  }
0x91: {  	s18 =	sld [smem:$0x3FFB];
	_ =	sdelay $0x3  }
0x92: {  	_ =	strace s18  }
0x93: {  	s3 =	sld [smem:$0x3FFC];
	_ =	sdelay $0x3  }
0x94: {  	_ =	strace s3  }
0x95: {  	s3 =	sld [smem:$0x3FFD];
	_ =	sdelay $0x3  }
0x96: {  	_ =	strace s3  }
0x97: {  	_ =	strace $0x8FFFFFFF  }
0x98: {  	s19 =	sld [smem:$0x3FDB];
	_ =	sdelay $0x1  }
0x99: {  	s4 =	simm.s32 $_scs_section_size  }
0x9a: {  	s5 =	simm.s32 $_size__tile_overlayer_lowered;
	s6 =	simm.s32 $_tile_overlayer_lowered  }
0x9b: {  	s22 =	simm.s32 $0x1BFF;
	s21 =	sshll.u32 s6, $0x1;
	s3 =	sadd.s32 s4, s19  }
0x9c: {  	s7 =	simm.s32 $0x0;
	s20 =	sshll.u32 s5, $0x1;
	s5 =	sadd.s32 s21, s3  }
0x9d: {  	[timem:s7], [sflag:s22] =	dma.local [hbm:s5], s20  }
0x9e: {  	_ =	swait.ge [sflag:s22], s20  }
0x9f: {  	s4 =	ssub.s32 $0x0, s20;
	[sflag:s22] =	ssyncset.done $0x0  }
0xa0: {  	[sflag:s22] =	ssyncadd.s32 s4;
	_ =	sdelay $0x1  }
0xa1: {  	s23 =	simm.s32 $0x1B8B  }
0xa2: {  	_ =	swait.ge [sflag:s23], $0x1  }
0xa3: {  	[sflag:s23] =	ssyncset.done $0x0  }
0xa4: {  	s25 =	simm.s32 $0x1B8E;
	s24 =	sld [smem:$0x3FFE];
	[sflag:s23] =	ssyncadd.s32 $0xFFFFFFFF  }
0xa5: {  	s26 =	simm.s32 $execute0_lowered;
	[smem:$0x3FD2] =	sst s25  }
0xa6: {  	s5 =	sshll.u32 s26, $0x1;
	_ =	strace $0x80000046;
	[dreg:$0x1] =	wrdreg $0xFFFFFFFF  }
0xa7: {  	s28 =	simm.s32 $_size_execute0_lowered;
	s3 =	sadd.s32 s3, s5;
	[dreg:$0x0] =	wrdreg $0x0  }
0xa8: {  	s5 =	sshll.u32 s28, $0x1;
	[dreg:$0x2] =	wrdreg s3  }
0xa9: {  	[dreg:$0x3] =	wrdreg s5  }
0xaa: {  	[dreg:$0x4] =	wrdreg $0xC0  }
0xab: {  	_ =	task [dreg:s7], $0x5FFFF  }
0xac: {  	[dreg:$0x1] =	wrdreg $0xFFFFFFFF  }
0xad: {  	[dreg:$0x0] =	wrdreg $0x60  }
0xae: {  	[dreg:$0x2] =	wrdreg s24  }
0xaf: {  	[dreg:$0x3] =	wrdreg s2  }
0xb0: {  	[dreg:$0x4] =	wrdreg $0x9  }
0xb1: {  	_ =	task.clear_ibuf [dreg:s7], $0x5FFFF;
	_ =	strace $0x90000046  }
0xb2: {  	s29 =	simm.s32 $0x9;
	_ =	strace $0x80000048  }
0xb3: {  	_ =	swait.ge [sflag:s29], $0x1  }
0xb4: {  	[sflag:s29] =	ssyncadd.s32 $0xFFFFFFFF  }
0xb5: {  	_ =	strace $0x90000048  }
0xb6: {  	_ =	sfence  }
0xb7: {  	s30 =	sld [smem:$0x0];
	_ =	sdelay $0x2  }
0xb8: {  	s31 =	sshll.u32 s1, $0xD;
	s1 =	sshrl.u32 s1, $0x2  }
0xb9: {  	s3 =	sand.u32 $0x4000, s31;
	s1 =	sadd.s32 s1, s30  }
0xba: {  	s0 =	sor.u32 s3, s0;
	s1 =	sshll.u32 s1, $0x11  }
0xbb: {  	s0 =	sor.u32 s1, s0  }
0xbc: {  	s0 =	sadd.s32 $0x8F2B, s0  }
0xbd: {  	[sflag:s0] =	ssyncadd.remote.s32 $0x1  }
0xbe: {  	_ =	sfence.sel $0xFFFF  }
0xbf: {  	[dreg:$0x0] =	wrdreg $0xFFFFFFFF;
	(pc) =	sbr.abs _section_cstart, $3  }
0xc0: {  	[dreg:$0x1] =	wrdreg $0xFFFFFFFF  }
0xc1: {  	_ =	task.clear_ibuf [dreg:s7], $0x2FFFF;
	_ =	strace $0x9FFFFFFF  }
0xc2: {  	(tm) =	ssettm $0x7FFFFFFF  }
0xc3: {  	_ =	shalt  }
tec
execute0_lowered:
.L_overlay_start_1:
0x0: {  	(tag) =	ssettag $0x1  }
0x1: {  	s6 =	stileid.u32  }
0x2: {  	s0 =	rddreg [dreg:$0x0];
	s2 =	sshll.u32 s6, $0xB  }
0x3: {  	s4 =	rddreg [dreg:$0x1];
	s5 =	sand.u32 $0x1800, s2;
	s2 =	simm.s32 $0x0  }
0x4: {  	s8 =	sadd.s32 $0x40800, s0;
	[smem:$0x7FF] =	sst s2  }
0x5: {  	s26 =	sadd.s32 $0x80880, s0;
	_ =	strace $0x80000047;
	[dreg:$0x3] =	wrdreg s8  }
0x6: {  	s9 =	sadd.s32 $0x100980, s0;
	[dreg:$0x4] =	wrdreg s26  }
0x7: {  	s1 =	srdreg.scid;
	s11 =	sadd.s32 $0x180A80, s0;
	[dreg:$0x5] =	wrdreg s9  }
0x8: {  	s1 =	sand.u32 $0x1, s1;
	s12 =	sadd.s32 $0x1C0B00, s0;
	[dreg:$0x7] =	wrdreg s11  }
0x9: {  	s6 =	sshrl.u32 s6, $0x2;
	s13 =	sadd.s32 $0x200B80, s0;
	[dreg:$0x8] =	wrdreg s12  }
0xa: {  	s14 =	sadd.s32 $0x240C00, s0;
	s15 =	sadd.s32 $0x280C80, s0;
	[dreg:$0x9] =	wrdreg s13  }
0xb: {  	s16 =	sadd.s32 $0x2C0D00, s0;
	s17 =	sadd.s32 $0x300D80, s0;
	[dreg:$0xa] =	wrdreg s14  }
0xc: {  	s18 =	sadd.s32 $0x340E00, s0;
	s19 =	sadd.s32 $0x380E80, s0;
	[dreg:$0xb] =	wrdreg s15  }
0xd: {  	s20 =	sadd.s32 $0x3C0F00, s0;
	s21 =	sadd.s32 $0x400F80, s0;
	[dreg:$0xc] =	wrdreg s16  }
0xe: {  	s22 =	sadd.s32 $0xC0900, s0;
	s23 =	sadd.s32 $0x441000, s0;
	[dreg:$0xd] =	wrdreg s17  }
0xf: {  	s3 =	sshll.u32 s1, $0xA;
	s25 =	sshll.u32 s6, $0x11;
	[dreg:$0xe] =	wrdreg s18  }
0x10: {  	s1 =	ssub.s32 $0x2, s1;
	s6 =	sshll.u32 s6, $0x7;
	[dreg:$0xf] =	wrdreg s19  }
0x11: {  	s5 =	sor.u32 s3, s5;
	s3 =	sadd.s32 $0x800, s0;
	[dreg:$0x10] =	wrdreg s20  }
0x12: {  	s10 =	sshrl.u32 s1, $0x1;
	s7 =	sshll.u32 s5, $0x4;
	[dreg:$0x11] =	wrdreg s21  }
0x13: {  	s9 =	sadd.s32 $0x140A00, s0;
	s1 =	ssub.s32 s1, s10;
	[dreg:$0x12] =	wrdreg s22  }
0x14: {  	s5 =	sshll.u32 s5, $0x2;
	[dreg:$0x13] =	wrdreg s23;
	s7 =	sor.u32 s25, s7  }
0x15: {  	[dreg:$0x6] =	wrdreg s9;
	s5 =	sor.u32 s6, s5;
	s26 =	smax.u32 s1, $0x1  }
0x16: {  	s7 =	sadd.s32 s7, s0;
	s0 =	sadd.s32 $0x481080, s0;
	[dreg:$0x17] =	wrdreg s26  }
0x17: {  	s5 =	sshrl.u32 s5, $0x3;
	[dreg:$0x14] =	wrdreg s0;
	s24 =	sadd.s32 $0x481200, s7  }
0x18: {  	s22 =	sadd.s32 s4, s5;
	s25 =	sadd.s32 $0x483200, s7;
	[dreg:$0x15] =	wrdreg s24  }
0x19: {  	[dreg:$0x16] =	wrdreg s25;
	s1 =	sadd.s32 $0x40, s22  }
0x1a: {  	s4 =	sadd.s32 $0x80, s22;
	[dreg:$0x18] =	wrdreg s1  }
0x1b: {  	s5 =	sadd.s32 $0xC0, s22;
	[dreg:$0x19] =	wrdreg s4  }
0x1c: {  	s6 =	sadd.s32 $0x100, s22;
	[dreg:$0x1a] =	wrdreg s5  }
0x1d: {  	s7 =	sadd.s32 $0x140, s22;
	[dreg:$0x1b] =	wrdreg s6  }
0x1e: {  	s8 =	sadd.s32 $0x180, s22;
	[dreg:$0x1c] =	wrdreg s7  }
0x1f: {  	s9 =	sadd.s32 $0x1C0, s22;
	[dreg:$0x1d] =	wrdreg s8  }
0x20: {  	s10 =	sadd.s32 $0x8000, s22;
	[dreg:$0x1e] =	wrdreg s9  }
0x21: {  	s11 =	sadd.s32 $0x8040, s22;
	[dreg:$0x1f] =	wrdreg s10  }
0x22: {  	s12 =	sadd.s32 $0x8080, s22;
	[smem:$0x7EF] =	sst s11  }
0x23: {  	v0 =	vimm.s32 $0x2380;
	vm0 =	vcmask $0x300;
	s13 =	sadd.s32 $0x80C0, s22;
	[smem:$0x7F0] =	sst s12  }
0x24: {  	vm1 =	vcmask $0x704;
	v0 =	vsel vm0, $0x0, v0;
	s14 =	sadd.s32 $0x8100, s22;
	[smem:$0x7F1] =	sst s13  }
0x25: {  	v0 =	vsel vm1, $0x80, v0;
	vm1 =	vcmask $0xB08;
	s15 =	sadd.s32 $0x8140, s22;
	[smem:$0x7F2] =	sst s14  }
0x26: {  	v0 =	vsel vm1, $0x100, v0;
	vm1 =	vcmask $0xF0C;
	s16 =	sadd.s32 $0x8180, s22;
	[smem:$0x7F3] =	sst s15  }
0x27: {  	v0 =	vsel vm1, $0x180, v0;
	vm1 =	vcmask $0x1310;
	s17 =	sadd.s32 $0x81C0, s22;
	[smem:$0x7F4] =	sst s16  }
0x28: {  	v0 =	vsel vm1, $0x200, v0;
	vm1 =	vcmask $0x1714;
	s18 =	sadd.s32 $0x10000, s22;
	[smem:$0x7F5] =	sst s17  }
0x29: {  	v0 =	vsel vm1, $0x280, v0;
	vm1 =	vcmask $0x1B18;
	s19 =	sadd.s32 $0x10040, s22;
	[smem:$0x7F6] =	sst s18  }
0x2a: {  	v0 =	vsel vm1, $0x300, v0;
	vm1 =	vcmask $0x1F1C;
	s20 =	sadd.s32 $0x10080, s22;
	[smem:$0x7F7] =	sst s19  }
0x2b: {  	s21 =	sadd.s32 $0x100C0, s22;
	v0 =	vsel vm1, $0x380, v0;
	vm1 =	vcmask $0x2320;
	[smem:$0x7F8] =	sst s20  }
0x2c: {  	s23 =	sadd.s32 $0x10100, s22;
	[smem:$0x7F9] =	sst s21;
	v0 =	vsel vm1, $0x2000, v0;
	vm1 =	vcmask $0x2724  }
0x2d: {  	s28 =	simm.s32 $0x5;
	s24 =	sadd.s32 $0x10140, s22;
	[smem:$0x7FA] =	sst s23;
	v0 =	vsel vm1, $0x2080, v0;
	vm1 =	vcmask $0x2B28  }
.Ltmp0:
0x2e: {  	v4 =	vimm.s32 $0x4080;
	s25 =	sadd.s32 $0x10180, s22;
	[smem:$0x7FB] =	sst s24;
	v0 =	vsel vm1, $0x2100, v0;
	vm1 =	vcmask $0x2F2C;
	(pc) =	sbr.rel .LBB2_1-.Ltmp0, $4  }
0x2f: {  	v3 =	vimm.s32 $0x0;
	s29 =	simm.s32 $0x4;
	s26 =	sadd.s32 $0x101C0, s22;
	[smem:$0x7FC] =	sst s25;
	v0 =	vsel vm1, $0x2180, v0;
	vm1 =	vcmask $0x3330  }
0x30: {  	s30 =	simm.s32 $0x6;
	s31 =	simm.s32 $0x0;
	v4 =	vsel vm0, $0x4000, v4;
	[smem:$0x7FD] =	sst s26;
	v1 =	vsel vm1, $0x2200, v0;
	vm1 =	vcmask $0x3734  }
0x31: {  	vm0 =	vmmov $0x3;
	s20 =	simm.s32 $0x80;
	s21 =	simm.s32 $0x8000;
	s23 =	simm.s32 $0x2;
	v2 =	vsel vm1, $0x2280, v1;
	vm1 =	vcmask $0x3B38  }
0x32: {  	s24 =	simm.s32 $0x1;
	s25 =	simm.s32 $0x3;
	s26 =	simm.s32 $0x6000;
	v0 =	vimm.f32 $0.0e+00;
	v1 =	vlaneseq.u32;
	v2 =	vsel vm1, $0x2300, v2  }
.LBB2_26:
0x33: {  	s0 =	rddreg [dreg:$0x16]  }
0x34: {  	[hbm4b:s0+s2] =	stream.linear.scatter [tilespmem:s26], [sflag:$0x6], $0x10000, $0x38;
	[tilespmem:$0x1F580] =	vst v63  }
0x35: {  	_ =	swait.ge [sflag:s30], $0x10000  }
0x36: {  	s31 =	sadd.s32 $0x1, s31;
	s19 =	rddreg [dreg:$0x17]  }
0x37: {  	p0 =	sne.s32 s31, s19  }
.Ltmp1:
0x38: {  	_ = 	snop;
	(pc) =	sbr.rel @!p0 .LBB2_27-.Ltmp1, $3  }
0x39: {  	_ =	sdelay $0x1  }
0x3a: {  	[sflag:s30] =	ssyncset.done $0x0  }
0x3b: {  	[sflag:s30] =	ssyncadd.s32 $0xFFFF0000  }
.LBB2_1:
0x3c: {  	[tilespmem:s2], [sflag:$0x1] =	stream.strided.gather [hbm4b:s22+s20], $0x400, s21, s20, $0x38;
	[tilespmem:$0x1F580] =	vst v63  }
0x3d: {  	s0 =	rddreg [dreg:$0x18]  }
0x3e: {  	s1 =	simm.s32 $0x400;
	s4 =	rddreg [dreg:$0x19]  }
0x3f: {  	[tilespmem:s1], [sflag:$0x1] =	stream.strided.gather [hbm4b:s0+s20], $0x400, s21, s20, $0x38;
	[tilespmem:$0x1F580] =	vst v63  }
0x40: {  	s5 =	simm.s32 $0x800;
	s6 =	rddreg [dreg:$0x1a]  }
0x41: {  	[tilespmem:s5], [sflag:$0x1] =	stream.strided.gather [hbm4b:s4+s20], $0x400, s21, s20, $0x38;
	[tilespmem:$0x1F580] =	vst v63  }
0x42: {  	s7 =	simm.s32 $0xC00;
	s8 =	rddreg [dreg:$0x1b]  }
0x43: {  	[tilespmem:s7], [sflag:$0x1] =	stream.strided.gather [hbm4b:s6+s20], $0x400, s21, s20, $0x38;
	[tilespmem:$0x1F580] =	vst v63  }
0x44: {  	s9 =	simm.s32 $0x1000;
	s10 =	rddreg [dreg:$0x1c]  }
0x45: {  	[tilespmem:s9], [sflag:$0x1] =	stream.strided.gather [hbm4b:s8+s20], $0x400, s21, s20, $0x38;
	[tilespmem:$0x1F580] =	vst v63  }
0x46: {  	s11 =	simm.s32 $0x1400;
	s12 =	rddreg [dreg:$0x1d]  }
0x47: {  	[tilespmem:s11], [sflag:$0x1] =	stream.strided.gather [hbm4b:s10+s20], $0x400, s21, s20, $0x38;
	[tilespmem:$0x1F580] =	vst v63  }
0x48: {  	s13 =	simm.s32 $0x1800;
	s14 =	rddreg [dreg:$0x1e]  }
0x49: {  	[tilespmem:s13], [sflag:$0x1] =	stream.strided.gather [hbm4b:s12+s20], $0x400, s21, s20, $0x38;
	[tilespmem:$0x1F580] =	vst v63  }
0x4a: {  	s15 =	simm.s32 $0x1C00;
	s16 =	rddreg [dreg:$0x1f]  }
0x4b: {  	[tilespmem:s15], [sflag:$0x1] =	stream.strided.gather [hbm4b:s14+s20], $0x400, s21, s20, $0x38;
	[tilespmem:$0x1F580] =	vst v63  }
0x4c: {  	s17 =	simm.s32 $0x2000;
	s18 =	sld [smem:$0x7EF]  }
0x4d: {  	[tilespmem:s17], [sflag:$0x1] =	stream.strided.gather [hbm4b:s16+s20], $0x400, s21, s20, $0x38;
	[tilespmem:$0x1F580] =	vst v63  }
0x4e: {  	s19 =	simm.s32 $0x2400;
	s4 =	sld [smem:$0x7F0]  }
0x4f: {  	[tilespmem:s19], [sflag:$0x1] =	stream.strided.gather [hbm4b:s18+s20], $0x400, s21, s20, $0x38;
	[tilespmem:$0x1F580] =	vst v63  }
0x50: {  	s5 =	simm.s32 $0x2800;
	s6 =	sld [smem:$0x7F1]  }
0x51: {  	[tilespmem:s5], [sflag:$0x1] =	stream.strided.gather [hbm4b:s4+s20], $0x400, s21, s20, $0x38;
	[tilespmem:$0x1F580] =	vst v63  }
0x52: {  	s7 =	simm.s32 $0x2C00;
	s8 =	sld [smem:$0x7F2]  }
0x53: {  	[tilespmem:s7], [sflag:$0x1] =	stream.strided.gather [hbm4b:s6+s20], $0x400, s21, s20, $0x38;
	[tilespmem:$0x1F580] =	vst v63  }
0x54: {  	s9 =	simm.s32 $0x3000;
	s10 =	sld [smem:$0x7F3]  }
0x55: {  	[tilespmem:s9], [sflag:$0x1] =	stream.strided.gather [hbm4b:s8+s20], $0x400, s21, s20, $0x38;
	[tilespmem:$0x1F580] =	vst v63  }
0x56: {  	s11 =	simm.s32 $0x3400;
	s12 =	sld [smem:$0x7F4]  }
0x57: {  	[tilespmem:s11], [sflag:$0x1] =	stream.strided.gather [hbm4b:s10+s20], $0x400, s21, s20, $0x38;
	[tilespmem:$0x1F580] =	vst v63  }
0x58: {  	s13 =	simm.s32 $0x3800;
	s14 =	sld [smem:$0x7F5]  }
0x59: {  	[tilespmem:s13], [sflag:$0x1] =	stream.strided.gather [hbm4b:s12+s20], $0x400, s21, s20, $0x38;
	[tilespmem:$0x1F580] =	vst v63  }
0x5a: {  	s15 =	simm.s32 $0x3C00;
	s16 =	sld [smem:$0x7F6]  }
0x5b: {  	[tilespmem:s15], [sflag:$0x1] =	stream.strided.gather [hbm4b:s14+s20], $0x400, s21, s20, $0x38;
	[tilespmem:$0x1F580] =	vst v63  }
0x5c: {  	s17 =	simm.s32 $0x4000;
	s18 =	sld [smem:$0x7F7]  }
0x5d: {  	[tilespmem:s17], [sflag:$0x1] =	stream.strided.gather [hbm4b:s16+s20], $0x100, s21, s20, $0x38;
	[tilespmem:$0x1F580] =	vst v63  }
0x5e: {  	s19 =	simm.s32 $0x4400;
	s4 =	sld [smem:$0x7F8]  }
0x5f: {  	[tilespmem:s19], [sflag:$0x1] =	stream.strided.gather [hbm4b:s18+s20], $0x100, s21, s20, $0x38;
	[tilespmem:$0x1F580] =	vst v63  }
0x60: {  	s5 =	simm.s32 $0x4800;
	s6 =	sld [smem:$0x7F9]  }
0x61: {  	[tilespmem:s5], [sflag:$0x1] =	stream.strided.gather [hbm4b:s4+s20], $0x100, s21, s20, $0x38;
	[tilespmem:$0x1F580] =	vst v63  }
0x62: {  	s7 =	simm.s32 $0x4C00;
	s8 =	sld [smem:$0x7FA]  }
0x63: {  	[tilespmem:s7], [sflag:$0x1] =	stream.strided.gather [hbm4b:s6+s20], $0x100, s21, s20, $0x38;
	[tilespmem:$0x1F580] =	vst v63  }
0x64: {  	s9 =	simm.s32 $0x5000;
	s10 =	sld [smem:$0x7FB]  }
0x65: {  	[tilespmem:s9], [sflag:$0x1] =	stream.strided.gather [hbm4b:s8+s20], $0x100, s21, s20, $0x38;
	[tilespmem:$0x1F580] =	vst v63  }
0x66: {  	s11 =	simm.s32 $0x5400;
	s12 =	sld [smem:$0x7FC]  }
0x67: {  	[tilespmem:s11], [sflag:$0x1] =	stream.strided.gather [hbm4b:s10+s20], $0x100, s21, s20, $0x38;
	[tilespmem:$0x1F580] =	vst v63  }
0x68: {  	s13 =	simm.s32 $0x5800;
	s14 =	sld [smem:$0x7FD]  }
0x69: {  	[tilespmem:s13], [sflag:$0x1] =	stream.strided.gather [hbm4b:s12+s20], $0x100, s21, s20, $0x38;
	[tilespmem:$0x1F580] =	vst v63  }
0x6a: {  	s15 =	simm.s32 $0x5C00  }
0x6b: {  	[tilespmem:s15], [sflag:$0x1] =	stream.strided.gather [hbm4b:s14+s20], $0x100, s21, s20, $0x38;
	[tilespmem:$0x1F580] =	vst v63  }
0x6c: {  	s16 =	rddreg [dreg:$0x3];
	s17 =	simm.s32 $0x1E480  }
0x6d: {  	[tilespmem:s17], [sflag:$0x2] =	stream.linear.gather [hbm4b:s16+s2], $0x80, $0x38;
	[tilespmem:$0x1F580] =	vst v63  }
0x6e: {  	s18 =	rddreg [dreg:$0x4];
	s19 =	simm.s32 $0x1E500  }
0x6f: {  	[tilespmem:s19], [sflag:$0x2] =	stream.linear.gather [hbm4b:s18+s2], $0x80, $0x38;
	[tilespmem:$0x1F580] =	vst v63  }
0x70: {  	s4 =	rddreg [dreg:$0x12];
	s5 =	simm.s32 $0x1E580  }
0x71: {  	[tilespmem:s5], [sflag:$0x2] =	stream.linear.gather [hbm4b:s4+s2], $0x80, $0x38;
	[tilespmem:$0x1F580] =	vst v63  }
0x72: {  	s6 =	rddreg [dreg:$0x5];
	s7 =	simm.s32 $0x1E600  }
0x73: {  	[tilespmem:s7], [sflag:$0x2] =	stream.linear.gather [hbm4b:s6+s2], $0x80, $0x38;
	[tilespmem:$0x1F580] =	vst v63  }
0x74: {  	s8 =	rddreg [dreg:$0x6];
	s9 =	simm.s32 $0x1E680  }
0x75: {  	[tilespmem:s9], [sflag:$0x2] =	stream.linear.gather [hbm4b:s8+s2], $0x80, $0x38;
	[tilespmem:$0x1F580] =	vst v63  }
0x76: {  	s10 =	rddreg [dreg:$0x7];
	s11 =	simm.s32 $0x1E700  }
0x77: {  	[tilespmem:s11], [sflag:$0x2] =	stream.linear.gather [hbm4b:s10+s2], $0x80, $0x38;
	[tilespmem:$0x1F580] =	vst v63  }
0x78: {  	s12 =	rddreg [dreg:$0x8];
	s13 =	simm.s32 $0x1E780  }
0x79: {  	[tilespmem:s13], [sflag:$0x2] =	stream.linear.gather [hbm4b:s12+s2], $0x80, $0x38;
	[tilespmem:$0x1F580] =	vst v63  }
0x7a: {  	s14 =	rddreg [dreg:$0x9];
	s15 =	simm.s32 $0x1E800  }
0x7b: {  	[tilespmem:s15], [sflag:$0x2] =	stream.linear.gather [hbm4b:s14+s2], $0x80, $0x38;
	[tilespmem:$0x1F580] =	vst v63  }
0x7c: {  	s16 =	rddreg [dreg:$0xa];
	s17 =	simm.s32 $0x1E880  }
0x7d: {  	[tilespmem:s17], [sflag:$0x2] =	stream.linear.gather [hbm4b:s16+s2], $0x80, $0x38;
	[tilespmem:$0x1F580] =	vst v63  }
0x7e: {  	s18 =	rddreg [dreg:$0xb];
	s19 =	simm.s32 $0x1E900  }
0x7f: {  	[tilespmem:s19], [sflag:$0x2] =	stream.linear.gather [hbm4b:s18+s2], $0x80, $0x38;
	[tilespmem:$0x1F580] =	vst v63  }
0x80: {  	s4 =	rddreg [dreg:$0xc];
	s5 =	simm.s32 $0x1E980  }
0x81: {  	[tilespmem:s5], [sflag:$0x2] =	stream.linear.gather [hbm4b:s4+s2], $0x80, $0x38;
	[tilespmem:$0x1F580] =	vst v63  }
0x82: {  	s6 =	rddreg [dreg:$0xd];
	s7 =	simm.s32 $0x1EA00  }
0x83: {  	[tilespmem:s7], [sflag:$0x2] =	stream.linear.gather [hbm4b:s6+s2], $0x80, $0x38;
	[tilespmem:$0x1F580] =	vst v63  }
0x84: {  	s8 =	rddreg [dreg:$0xe];
	s9 =	simm.s32 $0x1EA80  }
0x85: {  	[tilespmem:s9], [sflag:$0x2] =	stream.linear.gather [hbm4b:s8+s2], $0x80, $0x38;
	[tilespmem:$0x1F580] =	vst v63  }
0x86: {  	s10 =	rddreg [dreg:$0xf];
	s11 =	simm.s32 $0x1EB00  }
0x87: {  	[tilespmem:s11], [sflag:$0x2] =	stream.linear.gather [hbm4b:s10+s2], $0x80, $0x38;
	[tilespmem:$0x1F580] =	vst v63  }
0x88: {  	s12 =	rddreg [dreg:$0x10];
	s13 =	simm.s32 $0x1EB80  }
0x89: {  	[tilespmem:s13], [sflag:$0x2] =	stream.linear.gather [hbm4b:s12+s2], $0x80, $0x38;
	[tilespmem:$0x1F580] =	vst v63  }
0x8a: {  	s14 =	rddreg [dreg:$0x11];
	s15 =	simm.s32 $0x1EC00  }
0x8b: {  	[tilespmem:s15], [sflag:$0x2] =	stream.linear.gather [hbm4b:s14+s2], $0x80, $0x38;
	[tilespmem:$0x1F580] =	vst v63  }
0x8c: {  	s16 =	rddreg [dreg:$0x13];
	s17 =	simm.s32 $0x1EC80  }
0x8d: {  	[tilespmem:s17], [sflag:$0x2] =	stream.linear.gather [hbm4b:s16+s2], $0x80, $0x38;
	[tilespmem:$0x1F580] =	vst v63  }
0x8e: {  	s18 =	rddreg [dreg:$0x14];
	s19 =	simm.s32 $0x1ED00  }
0x8f: {  	[tilespmem:s19], [sflag:$0x2] =	stream.linear.gather [hbm4b:s18+s2], $0x80, $0x38;
	[tilespmem:$0x1F580] =	vst v63  }
0x90: {  	_ =	swait.ge [sflag:s23], $0x80  }
0x91: {  	[sflag:s23] =	ssyncset.done $0x0  }
0x92: {  	[sflag:s23] =	ssyncadd.s32 $0xFFFFFF80  }
0x93: {  	_ =	swait.ge [sflag:s23], $0x80  }
0x94: {  	[sflag:s23] =	ssyncset.done $0x0  }
0x95: {  	[sflag:s23] =	ssyncadd.s32 $0xFFFFFF80  }
0x96: {  	_ =	swait.ge [sflag:s23], $0x80  }
0x97: {  	[sflag:s23] =	ssyncset.done $0x0  }
0x98: {  	[sflag:s23] =	ssyncadd.s32 $0xFFFFFF80  }
0x99: {  	_ =	swait.ge [sflag:s23], $0x80  }
0x9a: {  	[sflag:s23] =	ssyncset.done $0x0  }
0x9b: {  	[sflag:s23] =	ssyncadd.s32 $0xFFFFFF80  }
0x9c: {  	_ =	swait.ge [sflag:s23], $0x80  }
0x9d: {  	[sflag:s23] =	ssyncset.done $0x0  }
0x9e: {  	[sflag:s23] =	ssyncadd.s32 $0xFFFFFF80  }
0x9f: {  	_ =	swait.ge [sflag:s23], $0x80  }
0xa0: {  	[sflag:s23] =	ssyncset.done $0x0  }
0xa1: {  	[sflag:s23] =	ssyncadd.s32 $0xFFFFFF80  }
0xa2: {  	_ =	swait.ge [sflag:s23], $0x80  }
0xa3: {  	[sflag:s23] =	ssyncset.done $0x0  }
0xa4: {  	[sflag:s23] =	ssyncadd.s32 $0xFFFFFF80  }
0xa5: {  	_ =	swait.ge [sflag:s23], $0x80  }
0xa6: {  	[sflag:s23] =	ssyncset.done $0x0  }
0xa7: {  	[sflag:s23] =	ssyncadd.s32 $0xFFFFFF80  }
0xa8: {  	_ =	swait.ge [sflag:s23], $0x80  }
0xa9: {  	[sflag:s23] =	ssyncset.done $0x0  }
0xaa: {  	[sflag:s23] =	ssyncadd.s32 $0xFFFFFF80  }
0xab: {  	_ =	swait.ge [sflag:s23], $0x80  }
0xac: {  	[sflag:s23] =	ssyncset.done $0x0  }
0xad: {  	[sflag:s23] =	ssyncadd.s32 $0xFFFFFF80  }
0xae: {  	_ =	swait.ge [sflag:s23], $0x80  }
0xaf: {  	[sflag:s23] =	ssyncset.done $0x0  }
0xb0: {  	[sflag:s23] =	ssyncadd.s32 $0xFFFFFF80  }
0xb1: {  	_ =	swait.ge [sflag:s23], $0x80  }
0xb2: {  	[sflag:s23] =	ssyncset.done $0x0  }
0xb3: {  	[sflag:s23] =	ssyncadd.s32 $0xFFFFFF80  }
0xb4: {  	_ =	swait.ge [sflag:s23], $0x80  }
0xb5: {  	[sflag:s23] =	ssyncset.done $0x0  }
0xb6: {  	[sflag:s23] =	ssyncadd.s32 $0xFFFFFF80  }
0xb7: {  	_ =	swait.ge [sflag:s23], $0x80  }
0xb8: {  	[sflag:s23] =	ssyncset.done $0x0  }
0xb9: {  	[sflag:s23] =	ssyncadd.s32 $0xFFFFFF80  }
0xba: {  	_ =	swait.ge [sflag:s23], $0x80  }
0xbb: {  	[sflag:s23] =	ssyncset.done $0x0  }
0xbc: {  	[sflag:s23] =	ssyncadd.s32 $0xFFFFFF80  }
0xbd: {  	_ =	swait.ge [sflag:s23], $0x80  }
0xbe: {  	[sflag:s23] =	ssyncset.done $0x0  }
0xbf: {  	[sflag:s23] =	ssyncadd.s32 $0xFFFFFF80  }
0xc0: {  	_ =	swait.ge [sflag:s23], $0x80  }
0xc1: {  	[sflag:s23] =	ssyncset.done $0x0  }
0xc2: {  	[sflag:s23] =	ssyncadd.s32 $0xFFFFFF80  }
0xc3: {  	_ =	swait.ge [sflag:s23], $0x80  }
0xc4: {  	[sflag:s23] =	ssyncset.done $0x0  }
0xc5: {  	[sflag:s23] =	ssyncadd.s32 $0xFFFFFF80  }
0xc6: {  	v5 =	vld [tilespmem:$0x1ED00]  }
0xc7: {  	v6 =	vld [tilespmem:$0x1ED10]  }
0xc8: {  	v7 =	vld [tilespmem:$0x1ED20]  }
0xc9: {  	v8 =	vld [tilespmem:$0x1ED30]  }
0xca: {  	[tilespmem:$0x1F500] =	vst v0;
	v9 =	vld [tilespmem:$0x1EC80]  }
0xcb: {  	[tilespmem:$0x1F510] =	vst v0;
	v10 =	vld [tilespmem:$0x1EC90]  }
0xcc: {  	[tilespmem:$0x1F520] =	vst v0;
	v11 =	vld [tilespmem:$0x1ECA0];
	v5 =	vadd.f32 $0.0e+00, v5  }
0xcd: {  	[tilespmem:$0x1F530] =	vst v0;
	v12 =	vld [tilespmem:$0x1ECB0];
	v6 =	vadd.f32 $0.0e+00, v6  }
0xce: {  	v13 =	vld [tilespmem:$0x1EC00];
	v7 =	vadd.f32 $0.0e+00, v7;
	[tilespmem:$0x1F4C0] =	vst v5  }
0xcf: {  	v40 =	vld [tilespmem:$0x1EB80];
	v8 =	vadd.f32 $0.0e+00, v8;
	[tilespmem:$0x1F4D0] =	vst v6  }
0xd0: {  	[tilespmem:$0x1F4E0] =	vst v7;
	v5 =	vadd.f32 v9, v5;
	v9 =	vld [tilespmem:$0x1EC10]  }
0xd1: {  	[tilespmem:$0x1F4F0] =	vst v8;
	v6 =	vadd.f32 v10, v6;
	v10 =	vld [tilespmem:$0x1EC20]  }
0xd2: {  	v7 =	vadd.f32 v11, v7;
	v11 =	vld [tilespmem:$0x1EC30];
	[tilespmem:$0x1F480] =	vst v5  }
0xd3: {  	v41 =	vld [tilespmem:$0x1EB90];
	[tilespmem:$0x1F490] =	vst v6;
	v5 =	vadd.f32 v13, v5  }
0xd4: {  	v42 =	vld [tilespmem:$0x1EB10];
	v8 =	vadd.f32 v12, v8;
	[tilespmem:$0x1F4A0] =	vst v7  }
0xd5: {  	[tilespmem:$0x1F440] =	vst v5;
	v5 =	vadd.f32 v40, v5;
	v6 =	vadd.f32 v9, v6;
	v9 =	vld [tilespmem:$0x1EBA0]  }
0xd6: {  	[tilespmem:$0x1F4B0] =	vst v8;
	v7 =	vadd.f32 v10, v7;
	v10 =	vld [tilespmem:$0x1EBB0]  }
0xd7: {  	v8 =	vadd.f32 v11, v8;
	v11 =	vld [tilespmem:$0x1EB00];
	[tilespmem:$0x1F400] =	vst v5  }
0xd8: {  	v43 =	vld [tilespmem:$0x1EB20];
	[tilespmem:$0x1F450] =	vst v6;
	v6 =	vadd.f32 v41, v6  }
0xd9: {  	v44 =	vld [tilespmem:$0x1EAA0];
	[tilespmem:$0x1F460] =	vst v7  }
0xda: {  	[tilespmem:$0x1F410] =	vst v6;
	v6 =	vadd.f32 v42, v6;
	v7 =	vadd.f32 v9, v7;
	v9 =	vld [tilespmem:$0x1EB30]  }
0xdb: {  	[tilespmem:$0x1F470] =	vst v8;
	v8 =	vadd.f32 v10, v8;
	v10 =	vld [tilespmem:$0x1EA80]  }
0xdc: {  	v5 =	vadd.f32 v11, v5;
	v11 =	vld [tilespmem:$0x1EA90];
	[tilespmem:$0x1F3D0] =	vst v6  }
0xdd: {  	v45 =	vld [tilespmem:$0x1EAB0];
	[tilespmem:$0x1F420] =	vst v7;
	v7 =	vadd.f32 v43, v7  }
0xde: {  	v46 =	vld [tilespmem:$0x1EA30];
	[tilespmem:$0x1F430] =	vst v8  }
0xdf: {  	[tilespmem:$0x1F3E0] =	vst v7;
	v7 =	vadd.f32 v44, v7;
	v8 =	vadd.f32 v9, v8;
	v9 =	vld [tilespmem:$0x1EA00]  }
0xe0: {  	[tilespmem:$0x1F3C0] =	vst v5;
	v5 =	vadd.f32 v10, v5;
	v10 =	vld [tilespmem:$0x1EA10]  }
0xe1: {  	v6 =	vadd.f32 v11, v6;
	v11 =	vld [tilespmem:$0x1EA20];
	[tilespmem:$0x1F3A0] =	vst v7  }
0xe2: {  	v47 =	vld [tilespmem:$0x1E980];
	[tilespmem:$0x1F3F0] =	vst v8;
	v8 =	vadd.f32 v45, v8  }
0xe3: {  	v48 =	vld [tilespmem:$0x1E900];
	[tilespmem:$0x1F380] =	vst v5  }
0xe4: {  	[tilespmem:$0x1F3B0] =	vst v8;
	v8 =	vadd.f32 v46, v8;
	v5 =	vadd.f32 v9, v5;
	v9 =	vld [tilespmem:$0x1E990]  }
0xe5: {  	[tilespmem:$0x1F390] =	vst v6;
	v6 =	vadd.f32 v10, v6;
	v10 =	vld [tilespmem:$0x1E9A0]  }
0xe6: {  	v7 =	vadd.f32 v11, v7;
	v11 =	vld [tilespmem:$0x1E9B0];
	[tilespmem:$0x1F370] =	vst v8  }
0xe7: {  	v49 =	vld [tilespmem:$0x1E910];
	[tilespmem:$0x1F340] =	vst v5;
	v5 =	vadd.f32 v47, v5  }
0xe8: {  	v50 =	vld [tilespmem:$0x1E890];
	[tilespmem:$0x1F350] =	vst v6  }
0xe9: {  	[tilespmem:$0x1F300] =	vst v5;
	v5 =	vadd.f32 v48, v5;
	v6 =	vadd.f32 v9, v6;
	v9 =	vld [tilespmem:$0x1E920]  }
0xea: {  	[tilespmem:$0x1F360] =	vst v7;
	v7 =	vadd.f32 v10, v7;
	v10 =	vld [tilespmem:$0x1E930]  }
0xeb: {  	v8 =	vadd.f32 v11, v8;
	v11 =	vld [tilespmem:$0x1E880];
	[tilespmem:$0x1F2C0] =	vst v5  }
0xec: {  	v51 =	vld [tilespmem:$0x1E8A0];
	[tilespmem:$0x1F310] =	vst v6;
	v6 =	vadd.f32 v49, v6  }
0xed: {  	v52 =	vld [tilespmem:$0x1E820];
	[tilespmem:$0x1F320] =	vst v7  }
0xee: {  	[tilespmem:$0x1F2D0] =	vst v6;
	v6 =	vadd.f32 v50, v6;
	v7 =	vadd.f32 v9, v7;
	v9 =	vld [tilespmem:$0x1E8B0]  }
0xef: {  	[tilespmem:$0x1F330] =	vst v8;
	v8 =	vadd.f32 v10, v8;
	v10 =	vld [tilespmem:$0x1E800]  }
0xf0: {  	v5 =	vadd.f32 v11, v5;
	v11 =	vld [tilespmem:$0x1E810];
	[tilespmem:$0x1F290] =	vst v6  }
0xf1: {  	v53 =	vld [tilespmem:$0x1E830];
	[tilespmem:$0x1F2E0] =	vst v7;
	v7 =	vadd.f32 v51, v7  }
0xf2: {  	v54 =	vld [tilespmem:$0x1E7B0];
	[tilespmem:$0x1F2F0] =	vst v8  }
0xf3: {  	[tilespmem:$0x1F2A0] =	vst v7;
	v7 =	vadd.f32 v52, v7;
	v8 =	vadd.f32 v9, v8;
	v9 =	vld [tilespmem:$0x1E780]  }
0xf4: {  	[tilespmem:$0x1F280] =	vst v5;
	v5 =	vadd.f32 v10, v5;
	v10 =	vld [tilespmem:$0x1E790]  }
0xf5: {  	v6 =	vadd.f32 v11, v6;
	v11 =	vld [tilespmem:$0x1E7A0];
	[tilespmem:$0x1F260] =	vst v7  }
0xf6: {  	v55 =	vld [tilespmem:$0x1E700];
	[tilespmem:$0x1F2B0] =	vst v8;
	v8 =	vadd.f32 v53, v8  }
0xf7: {  	v56 =	vld [tilespmem:$0x1E680];
	[tilespmem:$0x1F240] =	vst v5  }
0xf8: {  	[tilespmem:$0x1F270] =	vst v8;
	v8 =	vadd.f32 v54, v8;
	v5 =	vadd.f32 v9, v5;
	v9 =	vld [tilespmem:$0x1E710]  }
0xf9: {  	[tilespmem:$0x1F250] =	vst v6;
	v6 =	vadd.f32 v10, v6;
	v10 =	vld [tilespmem:$0x1E720]  }
0xfa: {  	v7 =	vadd.f32 v11, v7;
	v11 =	vld [tilespmem:$0x1E730];
	[tilespmem:$0x1F230] =	vst v8  }
0xfb: {  	v57 =	vld [tilespmem:$0x1E690];
	[tilespmem:$0x1F200] =	vst v5;
	v5 =	vadd.f32 v55, v5  }
0xfc: {  	v58 =	vld [tilespmem:$0x1E610];
	[tilespmem:$0x1F210] =	vst v6  }
0xfd: {  	[tilespmem:$0x1F1C0] =	vst v5;
	v5 =	vadd.f32 v56, v5;
	v6 =	vadd.f32 v9, v6;
	v9 =	vld [tilespmem:$0x1E6A0]  }
0xfe: {  	[tilespmem:$0x1F220] =	vst v7;
	v7 =	vadd.f32 v10, v7;
	v10 =	vld [tilespmem:$0x1E6B0]  }
0xff: {  	v8 =	vadd.f32 v11, v8;
	v11 =	vld [tilespmem:$0x1E600];
	[tilespmem:$0x1F180] =	vst v5  }
0x100: {  	v59 =	vld [tilespmem:$0x1E620];
	[tilespmem:$0x1F1D0] =	vst v6;
	v6 =	vadd.f32 v57, v6  }
0x101: {  	v60 =	vld [tilespmem:$0x1E5A0];
	[tilespmem:$0x1F1E0] =	vst v7  }
0x102: {  	[tilespmem:$0x1F190] =	vst v6;
	v6 =	vadd.f32 v58, v6;
	v7 =	vadd.f32 v9, v7;
	v9 =	vld [tilespmem:$0x1E630]  }
0x103: {  	[tilespmem:$0x1F1F0] =	vst v8;
	v8 =	vadd.f32 v10, v8;
	v10 =	vld [tilespmem:$0x1E580]  }
0x104: {  	v5 =	vadd.f32 v11, v5;
	v11 =	vld [tilespmem:$0x1E590];
	[tilespmem:$0x1F150] =	vst v6  }
0x105: {  	v61 =	vld [tilespmem:$0x1E5B0];
	[tilespmem:$0x1F1A0] =	vst v7;
	v7 =	vadd.f32 v59, v7  }
0x106: {  	v62 =	vld [tilespmem:$0x1E530];
	[tilespmem:$0x1F1B0] =	vst v8  }
0x107: {  	[tilespmem:$0x1F160] =	vst v7;
	v7 =	vadd.f32 v60, v7;
	v8 =	vadd.f32 v9, v8;
	v9 =	vld [tilespmem:$0x1E500]  }
0x108: {  	[tilespmem:$0x1F140] =	vst v5;
	v5 =	vadd.f32 v10, v5;
	v10 =	vld [tilespmem:$0x1E510]  }
0x109: {  	v6 =	vadd.f32 v11, v6;
	v11 =	vld [tilespmem:$0x1E520];
	[tilespmem:$0x1F120] =	vst v7  }
0x10a: {  	[tilespmem:$0x1F170] =	vst v8;
	v8 =	vadd.f32 v61, v8  }
0x10b: {  	v63 =	vld [tilespmem:$0x1E480];
	[tilespmem:$0x1F100] =	vst v5  }
0x10c: {  	[tilespmem:$0x1F130] =	vst v8;
	v8 =	vadd.f32 v62, v8;
	v5 =	vadd.f32 v9, v5;
	v9 =	vld [tilespmem:$0x1E490]  }
0x10d: {  	[tilespmem:$0x1F110] =	vst v6;
	v6 =	vadd.f32 v10, v6;
	v10 =	vld [tilespmem:$0x1E4A0]  }
0x10e: {  	v7 =	vadd.f32 v11, v7;
	v11 =	vld [tilespmem:$0x1E4B0];
	[tilespmem:$0x1F0F0] =	vst v8  }
0x10f: {  	[tilespmem:$0x1F0C0] =	vst v5  }
0x110: {  	[tilespmem:$0x1F0D0] =	vst v6;
	v5 =	vadd.f32 v63, v5  }
0x111: {  	[tilespmem:$0x1F0E0] =	vst v7;
	v6 =	vadd.f32 v9, v6  }
0x112: {  	[tilespmem:$0x1F080] =	vst v5;
	v7 =	vadd.f32 v10, v7  }
0x113: {  	p1 =	por $0x0, $0x0;
	v8 =	vadd.f32 v11, v8;
	[tilespmem:$0x1F090] =	vst v6  }
.Ltmp2:
0x114: {  	[tilespmem:$0x1F0A0] =	vst v7;
	(pc) =	sbr.rel @p1 .LBB2_2-.Ltmp2, $4  }
0x115: {  	[tilespmem:$0x1F0B0] =	vst v8  }
0x116: {  	_ =	swait.ge [sflag:s24], $0x4800  }
0x117: {  	p0 =	por $0x0, $0x0;
	s0 =	simm.s32 $0x10;
	[sflag:s24] =	ssyncset.done $0x0  }
0x118: {  	s6 =	sand.u32 $0x70, s2;
	s7 =	sand.u32 $0xC00, s2;
	[sflag:s24] =	ssyncadd.s32 $0xFFFFB800  }
0x119: {  	s1 =	sor.u32 s6, s7  }
0x11a: {  	v9 =	vld [tilespmem:s1+$0x0];
	_ =	sdelay $0x4  }
0x11b: {  	vm1 =	vne.s32 v9, $0x4000  }
0x11c: {  	v9 =	vsel vm1, $0x1, v3  }
0x11d: {  	(xrf0) =	vadd.scan.msk.s32 $0xffff, v9;
	_ =	sdelay $0x1  }
0x11e: {  	p1 =	por $0x0, $0x0  }
.Ltmp3:
0x11f: {  	_ = 	snop;
	(pc) =	sbr.rel @p1 .LBB2_4-.Ltmp3, $3  }
0x120: {  	_ =	sdelay $0x1  }
0x121: {  	s4 =	simm.s32 $0x80;
	s6 =	sand.u32 $0x70, s0;
	s5 =	simm.s32 $0x20;
	v10, _, _ =	vpop (xrf0)  }
0x122: {  	p0 =	por $0x1, $0x1;
	s7 =	sand.u32 $0xC00, s4;
	s1 =	simm.s32 $0x0;
	v9 =	vor.u32 s2, v1;
	(v2sf) =	vpush v10, $0xF  }
.LBB2_5:
0x123: {  	p1 =	seq.s32 s5, $0x1F0;
	s6 =	sor.u32 s6, s7;
	[tilespmem:s1+$0x16000] =	vst.msk vm1, v9;
	s8 =	smov.u32 s0  }
0x124: {  	s0 =	smov.u32 s5;
	v9 =	vld [tilespmem:s6+$0x0];
	_ =	sdelay $0x4  }
0x125: {  	vm1 =	vne.s32 v9, $0x4000  }
0x126: {  	v9 =	vsel vm1, $0x1, v3  }
0x127: {  	(xrf0) =	vadd.scan.msk.s32 $0xffff, v9;
	_ =	sdelay $0x2  }
.Ltmp4:
0x128: {  	(pc) =	sbr.rel @!p1 .LBB2_5-.Ltmp4, $3  }
0x129: {  	_ =	sdelay $0x1  }
0x12a: {  	s4 =	sadd.s32 $0x80, s4;
	s6 =	sand.u32 $0x70, s5;
	v10, _, _ =	vpop (xrf0);
	s9 =	spop (v2sf)  }
0x12b: {  	s7 =	sand.u32 $0xC00, s4;
	s5 =	sadd.s32 $0x10, s5;
	v9 =	vor.u32 s8, v1;
	(v2sf) =	vpush v10, $0xF;
	s1 =	sadd.s32 s1, s9  }
.LBB2_6:
0x12c: {  	s4 =	sor.u32 s6, s7;
	[tilespmem:s1+$0x16000] =	vst.msk @p0 vm1, v9  }
0x12d: {  	v9 =	vld [tilespmem:s4+$0x0];
	_ =	sdelay $0x4  }
0x12e: {  	vm1 =	vne.s32 v9, $0x4000  }
0x12f: {  	v9 =	vsel vm1, $0x1, v3  }
0x130: {  	(xrf0) =	vadd.scan.msk.s32 $0xffff, v9;
	_ =	sdelay $0x5  }
0x131: {  	s18 =	simm.s32 $0x200;
	v9, _, _ =	vpop (xrf0);
	s4 =	spop @p0 (v2sf)  }
0x132: {  	s19 =	simm.s32 $0x1000;
	(v2sf) =	vpush v9, $0xF;
	s1 =	sadd.s32 @p0 s1, s4;
	s4 =	simm.s32 $0x0  }
0x133: {  	s5 =	sand.u32 $0x70, s18;
	v9 =	vor.u32 s0, v1;
	s0 =	sand.u32 $0x1C00, s19;
	s4 =	smov.u32 @p0 s1  }
0x134: {  	s0 =	sor.u32 s5, s0;
	[tilespmem:s4+$0x16000] =	vst.msk vm1, v9  }
0x135: {  	v9 =	vld [tilespmem:s0+$0x0];
	_ =	sdelay $0x4  }
0x136: {  	vm1 =	vne.s32 v9, $0x4000  }
0x137: {  	v9 =	vsel vm1, $0x1, v3  }
0x138: {  	(xrf0) =	vadd.scan.msk.s32 $0xffff, v9;
	_ =	sdelay $0x4  }
0x139: {  	s6 =	simm.s32 $0x220;
	s17 =	spop (v2sf)  }
0x13a: {  	s5 =	simm.s32 $0x1080;
	s0 =	simm.s32 $0x210;
	s1 =	sadd.s32 s4, s17;
	v10, _, _ =	vpop (xrf0)  }
0x13b: {  	s8 =	sand.u32 $0x1C00, s5;
	s7 =	sand.u32 $0x70, s0;
	v9 =	vor.u32 s18, v1;
	(v2sf) =	vpush v10, $0xF;
	s4 =	smov.u32 s1  }
.LBB2_7:
0x13c: {  	p0 =	seq.s32 s6, $0x3F0;
	s7 =	sor.u32 s7, s8;
	[tilespmem:s4+$0x16000] =	vst.msk vm1, v9;
	s9 =	smov.u32 s0  }
0x13d: {  	s0 =	smov.u32 s6;
	v9 =	vld [tilespmem:s7+$0x0];
	_ =	sdelay $0x4  }
0x13e: {  	vm1 =	vne.s32 v9, $0x4000  }
0x13f: {  	v9 =	vsel vm1, $0x1, v3  }
0x140: {  	(xrf0) =	vadd.scan.msk.s32 $0xffff, v9;
	_ =	sdelay $0x2  }
.Ltmp5:
0x141: {  	(pc) =	sbr.rel @!p0 .LBB2_7-.Ltmp5, $3  }
0x142: {  	_ =	sdelay $0x1  }
0x143: {  	s5 =	sadd.s32 $0x80, s5;
	s7 =	sand.u32 $0x70, s6;
	v10, _, _ =	vpop (xrf0);
	s10 =	spop (v2sf)  }
0x144: {  	s8 =	sand.u32 $0x1C00, s5;
	s6 =	sadd.s32 $0x10, s6;
	v9 =	vor.u32 s9, v1;
	(v2sf) =	vpush v10, $0xF;
	s4 =	sadd.s32 s4, s10  }
0x145: {  	s5 =	sor.u32 s7, s8;
	[tilespmem:s4+$0x16000] =	vst.msk vm1, v9  }
0x146: {  	v9 =	vld [tilespmem:s5+$0x0];
	_ =	sdelay $0x4  }
0x147: {  	vm1 =	vne.s32 v9, $0x4000  }
0x148: {  	v9 =	vsel vm1, $0x1, v3  }
0x149: {  	(xrf0) =	vadd.scan.msk.s32 $0xffff, v9;
	_ =	sdelay $0x5  }
0x14a: {  	v9, _, _ =	vpop (xrf0)  }
0x14b: {  	(v2sf) =	vpush v9, $0xF;
	_ =	sdelay $0xa  }
0x14c: {  	p0 =	sgt.s32 s1, $0x0  }
.Ltmp6:
0x14d: {  	_ = 	snop;
	(pc) =	sbr.rel @p0 .LBB2_28-.Ltmp6, $4  }
.Ltmp7:
0x14e: {  	_ = 	snop;
	(pc) =	sbr.rel @!p0 .LBB2_9-.Ltmp7, $4  }
0x14f: {  	s7 =	simm.s32 $0x0;
	s6 =	simm.s32 $0x0;
	s17 =	spop (v2sf)  }
0x150: {  	s8 =	simm.s32 $0x0;
	v9 =	vor.u32 s0, v1;
	s18 =	sadd.s32 s4, s17;
	s19 =	spop (v2sf)  }
0x151: {  	s5 =	simm.s32 $0x0;
	s4 =	simm.s32 $0x0;
	[tilespmem:s18+$0x16000] =	vst.msk vm1, v9;
	s0 =	sadd.s32 s18, s19  }
0x152: {  	_ = 	snop  }
.LBB2_33:
0x153: {  	s11 =	smov.u32 s8;
	s13 =	simm.s32 $0x2004000  }
.LBB2_59:
0x154: {  	[tilespmem:s12], [sflag:$0x3] =	stream.linear.gather @p4 [hbm4b:s14+s2], $0x80, $0x38;
	[tilespmem:$0x1F580] =	vst v63  }
0x155: {  	s12 =	spop @p3 (v2sf);
	v10 =	vmov s10  }
0x156: {  	s12 =	sshll.u32 @p3 s12, $0x7;
	vm1 =	veq.s32 v10, v1  }
0x157: {  	s10 =	sadd.s32 @p3 s12, s13;
	v9 =	vnsel vm1, $0x0, v9  }
0x158: {  	s10 =	sshrl.u32 @p3 s10, $0x3  }
0x159: {  	s12 =	smov.u32 @p3 s11;
	s10 =	sadd.s32 @p3 s3, s10  }
0x15a: {  	(xrf0) =	vadd.scan.msk.s32 $0xffff, v9;
	s12 =	smov.u32 @p3 s12;
	v9, _, _ =	vpop @p0 (xrf0);
	s10 =	smov.u32 @p3 s10  }
0x15b: {  	(v2sf) =	vpush @p0 v9, $0xF;
	[tilespmem:s12], [sflag:$0x3] =	stream.linear.gather @p3 [hbm4b:s10+s2], $0x80, $0x38;
	[tilespmem:$0x1F580] =	vst v63  }
0x15c: {  	s10 =	sadd.s32 @p3 $0x200400, s13;
	s12 =	simm.s32 $0x2004000;
	s13 =	spop @p2 (v2sf)  }
0x15d: {  	s12 =	smov.u32 @p3 s10;
	s10 =	sshll.u32 @p2 s13, $0x7  }
0x15e: {  	s11 =	sadd.s32 @p3 $0x80, s11;
	s13 =	smov.u32 s8;
	s10 =	sadd.s32 @p2 s10, s12  }
0x15f: {  	s13 =	smov.u32 @p3 s11;
	s10 =	sshrl.u32 @p2 s10, $0x3  }
0x160: {  	s11 =	smov.u32 @p2 s13;
	s10 =	sadd.s32 @p2 s3, s10  }
0x161: {  	v9, _, _ =	vpop (xrf0);
	s11 =	smov.u32 @p2 s11;
	s10 =	smov.u32 @p2 s10  }
0x162: {  	(v2sf) =	vpush v9, $0xF;
	[tilespmem:s11], [sflag:$0x3] =	stream.linear.gather @p2 [hbm4b:s10+s2], $0x80, $0x38;
	[tilespmem:$0x1F580] =	vst v63  }
0x163: {  	s10 =	sadd.s32 @p2 $0x200400, s12;
	s11 =	simm.s32 $0x2004000;
	s12 =	spop @p1 (v2sf)  }
0x164: {  	s11 =	smov.u32 @p2 s10;
	s10 =	sshll.u32 @p1 s12, $0x7  }
0x165: {  	s12 =	sadd.s32 @p2 $0x80, s13;
	s13 =	smov.u32 s8;
	s10 =	sadd.s32 @p1 s10, s11  }
0x166: {  	s13 =	smov.u32 @p2 s12;
	s10 =	sshrl.u32 @p1 s10, $0x3  }
0x167: {  	s12 =	smov.u32 @p1 s13;
	s10 =	sadd.s32 @p1 s3, s10  }
0x168: {  	s12 =	smov.u32 @p1 s12;
	s10 =	smov.u32 @p1 s10  }
0x169: {  	[tilespmem:s12], [sflag:$0x3] =	stream.linear.gather @p1 [hbm4b:s10+s2], $0x80, $0x38;
	[tilespmem:$0x1F580] =	vst v63  }
0x16a: {  	s10 =	sadd.s32 @p1 $0x200400, s11;
	s11 =	simm.s32 $0x2004000;
	s12 =	spop @p0 (v2sf)  }
0x16b: {  	s11 =	smov.u32 @p1 s10;
	s10 =	sshll.u32 @p0 s12, $0x7  }
0x16c: {  	s12 =	sadd.s32 @p1 $0x80, s13;
	s13 =	smov.u32 s8;
	s10 =	sadd.s32 @p0 s10, s11  }
0x16d: {  	s13 =	smov.u32 @p1 s12;
	s10 =	sshrl.u32 @p0 s10, $0x3  }
0x16e: {  	s12 =	smov.u32 @p0 s13;
	s10 =	sadd.s32 @p0 s3, s10  }
0x16f: {  	s12 =	smov.u32 @p0 s12;
	s10 =	smov.u32 @p0 s10  }
0x170: {  	[tilespmem:s12], [sflag:$0x3] =	stream.linear.gather @p0 [hbm4b:s10+s2], $0x80, $0x38;
	[tilespmem:$0x1F580] =	vst v63  }
0x171: {  	s18 =	spop (v2sf);
	s10 =	sadd.s32 @p0 $0x200400, s11  }
0x172: {  	s19 =	sshll.u32 s18, $0x7;
	s9 =	smov.u32 @p0 s10  }
0x173: {  	s9 =	sadd.s32 s19, s9  }
0x174: {  	s10 =	sadd.s32 @p0 $0x80, s13;
	s9 =	sshrl.u32 s9, $0x3  }
0x175: {  	s8 =	smov.u32 @p0 s10;
	s9 =	sadd.s32 s3, s9  }
0x176: {  	[tilespmem:s8], [sflag:$0x3] =	stream.linear.gather [hbm4b:s9+s2], $0x80, $0x38;
	[tilespmem:$0x1F580] =	vst v63  }
.LBB2_60:
0x177: {  	s5 =	sadd.s32 $0x1, s5  }
0x178: {  	s8 =	sadd.s32 s6, s7;
	p0 =	sge.s32 s5, s1  }
0x179: {  	p1 =	slt.s32 @!p0 s8, $0x6F  }
0x17a: {  	p1 =	por p0, !p1  }
.Ltmp8:
0x17b: {  	_ = 	snop;
	(pc) =	sbr.rel @p1 .LBB2_61-.Ltmp8, $1  }
0x17c: {  	_ =	sdelay $0x3  }
.LBB2_28:
0x17d: {  	s6 =	sand.u32 $0x7FFFFFF0, s5  }
0x17e: {  	v9 =	vld [tilespmem:s6+$0x16000];
	_ =	sdelay $0x1  }
0x17f: {  	s19 =	sand.u32 $0xF, s5  }
0x180: {  	v10 =	vmov s19  }
0x181: {  	vm1 =	veq.s32 v10, v1  }
0x182: {  	v9 =	vnsel vm1, $0x0, v9  }
0x183: {  	(xrf0) =	vadd.scan.msk.s32 $0xffff, v9;
	_ =	sdelay $0x5  }
0x184: {  	v9, _, _ =	vpop (xrf0)  }
0x185: {  	v9 =	vbroadcast v9, $0xF;
	_ =	sdelay $0x1  }
0x186: {  	v10 =	vshll.u32 v9, $0x3  }
0x187: {  	v9 =	vand.u32 $0x7F, v9;
	v10 =	vand.u32 $0xFFFFFC00, v10  }
0x188: {  	v9 =	vor.u32 v9, v10  }
0x189: {  	v10 =	vadd.s32 v2, v9;
	_ =	sdelay $0x2  }
0x18a: {  	v9 =	vadd.s32 v4, v9;
	_ =	sdelay $0x1  }
0x18b: {  	v10 =	vld.idx.msk [tilespmem:v10+s2+$0x0], $0xffff;
	_ =	sdelay $0x2  }
0x18c: {  	v9 =	vld.idx.msk [tilespmem:v9+s2+$0x0], $0xffff;
	_ =	sdelay $0x1  }
0x18d: {  	vm1 =	vne.s32 v10, $0x4000  }
0x18e: {  	v11 =	vsel vm1, $0x1, v3  }
0x18f: {  	(xrf0) =	vadd.scan.msk.s32 $0xffff, v11  }
0x190: {  	vm2 =	vne.s32 v9, $0x4000  }
0x191: {  	vm1 =	vmand vm2, vm0  }
0x192: {  	v11 =	vsel vm1, $0x1, v3;
	_ =	sdelay $0x2  }
0x193: {  	(xrf0) =	vadd.scan.msk.s32 $0xffff, v11;
	v11, _, _ =	vpop (xrf0)  }
0x194: {  	(v2sf) =	vpush v11, $0xF;
	_ =	sdelay $0x4  }
0x195: {  	v11, _, _ =	vpop (xrf0)  }
0x196: {  	(v2sf) =	vpush v11, $0xF;
	_ =	sdelay $0x8  }
0x197: {  	s7 =	spop (v2sf)  }
0x198: {  	p0 =	slt.s32 s7, $0x1  }
.Ltmp9:
0x199: {  	_ = 	snop;
	(pc) =	sbr.rel @p0 .LBB2_31-.Ltmp9, $2  }
0x19a: {  	_ =	sdelay $0x2  }
0x19b: {  	s6 =	spop (v2sf)  }
0x19c: {  	p5 =	seq.s32 s7, $0x1  }
.Ltmp10:
0x19d: {  	_ = 	snop;
	(pc) =	sbr.rel @p5 .LBB2_30-.Ltmp10, $4  }
0x19e: {  	s9 =	sshll.u32 s8, $0x9  }
0x19f: {  	s10 =	simm.s32 $0x0;
	s11 =	simm.s32 $0x1;
	p0 =	por $0x0, $0x0  }
0x1a0: {  	p1 =	por $0x0, $0x0;
	p2 =	por $0x0, $0x0;
	s9 =	sshra.s32 s9, $0x2  }
0x1a1: {  	p3 =	por $0x0, $0x0;
	p4 =	por $0x0, $0x0;
	s9 =	sadd.s32 $0x16480, s9  }
0x1a2: {  	p5 =	seq.s32 s7, $0x2  }
.Ltmp11:
0x1a3: {  	_ = 	snop;
	(pc) =	sbr.rel @p5 .LBB2_35-.Ltmp11, $4  }
0x1a4: {  	v11 =	vmov s10  }
0x1a5: {  	vm1 =	veq.s32 v11, v1  }
0x1a6: {  	v11 =	vnsel vm1, $0x0, v10  }
0x1a7: {  	s12 =	simm.s32 $0x2;
	p0 =	por $0x1, $0x1;
	(xrf0) =	vadd.scan.msk.s32 $0xffff, v11  }
0x1a8: {  	_ = 	snop  }
0x1a9: {  	p5 =	seq.s32 s7, $0x3  }
.Ltmp12:
0x1aa: {  	_ = 	snop;
	(pc) =	sbr.rel @p5 .LBB2_37-.Ltmp12, $4  }
0x1ab: {  	v11 =	vmov s11  }
0x1ac: {  	vm1 =	veq.s32 v11, v1  }
0x1ad: {  	v11 =	vnsel vm1, $0x0, v10;
	v12, _, _ =	vpop (xrf0)  }
0x1ae: {  	s11 =	simm.s32 $0x3;
	p1 =	por $0x1, $0x1;
	(xrf0) =	vadd.scan.msk.s32 $0xffff, v11;
	(v2sf) =	vpush v12, $0xF  }
0x1af: {  	_ =	sdelay $0x4  }
0x1b0: {  	v12, _, _ =	vpop (xrf0)  }
0x1b1: {  	(v2sf) =	vpush v12, $0xF;
	_ =	sdelay $0x5  }
0x1b2: {  	p5 =	seq.s32 s7, $0x4  }
.Ltmp13:
0x1b3: {  	_ = 	snop;
	(pc) =	sbr.rel @p5 .LBB2_39-.Ltmp13, $4  }
0x1b4: {  	v11 =	vmov s12  }
0x1b5: {  	vm1 =	veq.s32 v11, v1  }
0x1b6: {  	v11 =	vnsel vm1, $0x0, v10  }
0x1b7: {  	s12 =	simm.s32 $0x4;
	p2 =	por $0x1, $0x1;
	(xrf0) =	vadd.scan.msk.s32 $0xffff, v11  }
0x1b8: {  	_ =	sdelay $0x4  }
0x1b9: {  	v12, _, _ =	vpop (xrf0)  }
0x1ba: {  	(v2sf) =	vpush v12, $0xF;
	_ =	sdelay $0x1  }
0x1bb: {  	p5 =	seq.s32 s7, $0x5  }
.Ltmp14:
0x1bc: {  	_ = 	snop;
	(pc) =	sbr.rel @p5 .LBB2_41-.Ltmp14, $4  }
0x1bd: {  	v11 =	vmov s11  }
0x1be: {  	vm1 =	veq.s32 v11, v1  }
0x1bf: {  	v11 =	vnsel vm1, $0x0, v10  }
0x1c0: {  	s11 =	simm.s32 $0x5;
	p3 =	por $0x1, $0x1;
	(xrf0) =	vadd.scan.msk.s32 $0xffff, v11  }
0x1c1: {  	_ =	sdelay $0x4  }
0x1c2: {  	v12, _, _ =	vpop (xrf0)  }
0x1c3: {  	(v2sf) =	vpush v12, $0xF;
	_ =	sdelay $0x1  }
0x1c4: {  	p5 =	seq.s32 s7, $0x6  }
.Ltmp15:
0x1c5: {  	s13 =	spop (v2sf);
	(pc) =	sbr.rel @p5 .LBB2_43-.Ltmp15, $4  }
0x1c6: {  	v11 =	vmov s12;
	s13 =	sshll.u32 s13, $0x7  }
0x1c7: {  	s16 =	simm.s32 $0x6;
	vm1 =	veq.s32 v11, v1;
	s19 =	sadd.s32 $0x0, s13  }
0x1c8: {  	s14 =	simm.s32 $0x200400;
	p4 =	por $0x1, $0x1;
	v11 =	vnsel vm1, $0x0, v10;
	s12 =	sshrl.u32 s19, $0x3  }
0x1c9: {  	s13 =	smov.u32 s9;
	s15 =	sadd.s32 s3, s12;
	s12 =	sadd.s32 $0x80, s9;
	(xrf0) =	vadd.scan.msk.s32 $0xffff, v11  }
.LBB2_44:
0x1ca: {  	[tilespmem:s13], [sflag:$0x3] =	stream.linear.gather [hbm4b:s15+s2], $0x80, $0x38;
	[tilespmem:$0x1F580] =	vst v63  }
0x1cb: {  	v11 =	vmov s11;
	s11 =	smov.u32 s16;
	s16 =	sadd.s32 $0x1, s16  }
0x1cc: {  	s13 =	smov.u32 s12;
	p5 =	seq.s32 s7, s16  }
.Ltmp16:
0x1cd: {  	vm1 =	veq.s32 v11, v1;
	s15 =	spop (v2sf);
	(pc) =	sbr.rel @!p5 .LBB2_44-.Ltmp16, $4  }
0x1ce: {  	v12 =	vnsel vm1, $0x0, v10;
	s15 =	sshll.u32 s15, $0x7  }
0x1cf: {  	(xrf0) =	vadd.scan.msk.s32 $0xffff, v12;
	v11, _, _ =	vpop (xrf0);
	s15 =	sadd.s32 s15, s14  }
0x1d0: {  	(v2sf) =	vpush v11, $0xF;
	s15 =	sshrl.u32 s15, $0x3  }
0x1d1: {  	s12 =	sadd.s32 $0x80, s12;
	s14 =	sadd.s32 $0x200400, s14;
	s15 =	sadd.s32 s3, s15  }
0x1d2: {  	_ = 	snop  }
.LBB2_46:
0x1d3: {  	[tilespmem:s13], [sflag:$0x3] =	stream.linear.gather @p4 [hbm4b:s15+s2], $0x80, $0x38;
	[tilespmem:$0x1F580] =	vst v63  }
0x1d4: {  	s13 =	spop @p3 (v2sf);
	v11 =	vmov s11  }
0x1d5: {  	s13 =	sshll.u32 @p3 s13, $0x7;
	vm1 =	veq.s32 v11, v1  }
0x1d6: {  	s11 =	sadd.s32 @p3 s13, s14;
	v10 =	vnsel vm1, $0x0, v10  }
0x1d7: {  	s11 =	sshrl.u32 @p3 s11, $0x3  }
0x1d8: {  	s13 =	smov.u32 @p3 s12;
	s11 =	sadd.s32 @p3 s3, s11  }
0x1d9: {  	(xrf0) =	vadd.scan.msk.s32 $0xffff, v10;
	s13 =	smov.u32 @p3 s13;
	v10, _, _ =	vpop @p0 (xrf0);
	s11 =	smov.u32 @p3 s11  }
0x1da: {  	(v2sf) =	vpush @p0 v10, $0xF;
	[tilespmem:s13], [sflag:$0x3] =	stream.linear.gather @p3 [hbm4b:s11+s2], $0x80, $0x38;
	[tilespmem:$0x1F580] =	vst v63  }
0x1db: {  	s11 =	sadd.s32 @p3 $0x200400, s14;
	s13 =	simm.s32 $0x0;
	s14 =	spop @p2 (v2sf)  }
0x1dc: {  	s13 =	smov.u32 @p3 s11;
	s11 =	sshll.u32 @p2 s14, $0x7  }
0x1dd: {  	s12 =	sadd.s32 @p3 $0x80, s12;
	s14 =	smov.u32 s9;
	s11 =	sadd.s32 @p2 s11, s13  }
0x1de: {  	s14 =	smov.u32 @p3 s12;
	s11 =	sshrl.u32 @p2 s11, $0x3  }
0x1df: {  	s12 =	smov.u32 @p2 s14;
	s11 =	sadd.s32 @p2 s3, s11  }
0x1e0: {  	v10, _, _ =	vpop (xrf0);
	s12 =	smov.u32 @p2 s12;
	s11 =	smov.u32 @p2 s11  }
0x1e1: {  	(v2sf) =	vpush v10, $0xF;
	[tilespmem:s12], [sflag:$0x3] =	stream.linear.gather @p2 [hbm4b:s11+s2], $0x80, $0x38;
	[tilespmem:$0x1F580] =	vst v63  }
0x1e2: {  	s11 =	sadd.s32 @p2 $0x200400, s13;
	s12 =	simm.s32 $0x0;
	s13 =	spop @p1 (v2sf)  }
0x1e3: {  	s12 =	smov.u32 @p2 s11;
	s11 =	sshll.u32 @p1 s13, $0x7  }
0x1e4: {  	s13 =	sadd.s32 @p2 $0x80, s14;
	s14 =	smov.u32 s9;
	s11 =	sadd.s32 @p1 s11, s12  }
0x1e5: {  	s14 =	smov.u32 @p2 s13;
	s11 =	sshrl.u32 @p1 s11, $0x3  }
0x1e6: {  	s13 =	smov.u32 @p1 s14;
	s11 =	sadd.s32 @p1 s3, s11  }
0x1e7: {  	s13 =	smov.u32 @p1 s13;
	s11 =	smov.u32 @p1 s11  }
0x1e8: {  	[tilespmem:s13], [sflag:$0x3] =	stream.linear.gather @p1 [hbm4b:s11+s2], $0x80, $0x38;
	[tilespmem:$0x1F580] =	vst v63  }
0x1e9: {  	s11 =	sadd.s32 @p1 $0x200400, s12;
	s12 =	simm.s32 $0x0;
	s13 =	spop @p0 (v2sf)  }
0x1ea: {  	s12 =	smov.u32 @p1 s11;
	s11 =	sshll.u32 @p0 s13, $0x7  }
0x1eb: {  	s13 =	sadd.s32 @p1 $0x80, s14;
	s14 =	smov.u32 s9;
	s11 =	sadd.s32 @p0 s11, s12  }
0x1ec: {  	s14 =	smov.u32 @p1 s13;
	s11 =	sshrl.u32 @p0 s11, $0x3  }
0x1ed: {  	s13 =	smov.u32 @p0 s14;
	s11 =	sadd.s32 @p0 s3, s11  }
0x1ee: {  	s13 =	smov.u32 @p0 s13;
	s11 =	smov.u32 @p0 s11  }
0x1ef: {  	[tilespmem:s13], [sflag:$0x3] =	stream.linear.gather @p0 [hbm4b:s11+s2], $0x80, $0x38;
	[tilespmem:$0x1F580] =	vst v63  }
0x1f0: {  	s18 =	spop (v2sf);
	s11 =	sadd.s32 @p0 $0x200400, s12  }
0x1f1: {  	s19 =	sshll.u32 s18, $0x7;
	s10 =	smov.u32 @p0 s11  }
0x1f2: {  	s10 =	sadd.s32 s19, s10  }
0x1f3: {  	s11 =	sadd.s32 @p0 $0x80, s14;
	s10 =	sshrl.u32 s10, $0x3  }
0x1f4: {  	s9 =	smov.u32 @p0 s11;
	s10 =	sadd.s32 s3, s10  }
0x1f5: {  	[tilespmem:s9], [sflag:$0x3] =	stream.linear.gather [hbm4b:s10+s2], $0x80, $0x38;
	[tilespmem:$0x1F580] =	vst v63  }
.LBB2_31:
0x1f6: {  	p0 =	slt.s32 s6, $0x1  }
.Ltmp17:
0x1f7: {  	_ = 	snop;
	(pc) =	sbr.rel @p0 .LBB2_60-.Ltmp17, $2  }
0x1f8: {  	_ =	sdelay $0x2  }
0x1f9: {  	s7 =	sadd.s32 s8, s7  }
0x1fa: {  	p5 =	sne.s32 s6, $0x1  }
.Ltmp18:
0x1fb: {  	_ = 	snop;
	(pc) =	sbr.rel @!p5 .LBB2_33-.Ltmp18, $4  }
0x1fc: {  	s8 =	sshll.u32 s7, $0x9;
	s10 =	simm.s32 $0x0  }
0x1fd: {  	s9 =	simm.s32 $0x2004000;
	s11 =	simm.s32 $0x1;
	p0 =	por $0x0, $0x0  }
0x1fe: {  	p1 =	por $0x0, $0x0;
	p2 =	por $0x0, $0x0;
	s8 =	sshra.s32 s8, $0x2  }
0x1ff: {  	p3 =	por $0x0, $0x0;
	p4 =	por $0x0, $0x0;
	s8 =	sadd.s32 $0x16480, s8  }
0x200: {  	p5 =	sne.s32 s6, $0x2  }
.Ltmp19:
0x201: {  	_ = 	snop;
	(pc) =	sbr.rel @!p5 .LBB2_48-.Ltmp19, $4  }
0x202: {  	v10 =	vmov s10  }
0x203: {  	vm1 =	veq.s32 v10, v1  }
0x204: {  	v10 =	vnsel vm1, $0x0, v9  }
0x205: {  	s10 =	simm.s32 $0x2;
	p0 =	por $0x1, $0x1;
	(xrf0) =	vadd.scan.msk.s32 $0xffff, v10  }
0x206: {  	_ =	sdelay $0x4  }
0x207: {  	v11, _, _ =	vpop (xrf0)  }
0x208: {  	(v2sf) =	vpush v11, $0xF;
	_ =	sdelay $0x7  }
0x209: {  	p5 =	sne.s32 s6, $0x3  }
.Ltmp20:
0x20a: {  	_ = 	snop;
	(pc) =	sbr.rel @!p5 .LBB2_50-.Ltmp20, $4  }
0x20b: {  	v10 =	vmov s11  }
0x20c: {  	vm1 =	veq.s32 v10, v1  }
0x20d: {  	v10 =	vnsel vm1, $0x0, v9  }
0x20e: {  	s11 =	simm.s32 $0x3;
	p1 =	por $0x1, $0x1;
	(xrf0) =	vadd.scan.msk.s32 $0xffff, v10  }
0x20f: {  	_ =	sdelay $0x4  }
0x210: {  	v11, _, _ =	vpop (xrf0)  }
0x211: {  	(v2sf) =	vpush v11, $0xF;
	_ =	sdelay $0x5  }
0x212: {  	p5 =	sne.s32 s6, $0x4  }
.Ltmp21:
0x213: {  	_ = 	snop;
	(pc) =	sbr.rel @!p5 .LBB2_52-.Ltmp21, $4  }
0x214: {  	v10 =	vmov s10  }
0x215: {  	vm1 =	veq.s32 v10, v1  }
0x216: {  	v10 =	vnsel vm1, $0x0, v9  }
0x217: {  	s10 =	simm.s32 $0x4;
	p2 =	por $0x1, $0x1;
	(xrf0) =	vadd.scan.msk.s32 $0xffff, v10  }
0x218: {  	_ =	sdelay $0x4  }
0x219: {  	v11, _, _ =	vpop (xrf0)  }
0x21a: {  	(v2sf) =	vpush v11, $0xF;
	_ =	sdelay $0x1  }
0x21b: {  	p5 =	sne.s32 s6, $0x5  }
.Ltmp22:
0x21c: {  	_ = 	snop;
	(pc) =	sbr.rel @!p5 .LBB2_54-.Ltmp22, $4  }
0x21d: {  	v10 =	vmov s11  }
0x21e: {  	vm1 =	veq.s32 v10, v1  }
0x21f: {  	v10 =	vnsel vm1, $0x0, v9  }
0x220: {  	s15 =	simm.s32 $0x5;
	p3 =	por $0x1, $0x1;
	(xrf0) =	vadd.scan.msk.s32 $0xffff, v10  }
0x221: {  	_ =	sdelay $0x4  }
0x222: {  	v11, _, _ =	vpop (xrf0)  }
0x223: {  	(v2sf) =	vpush v11, $0xF;
	_ =	sdelay $0x1  }
0x224: {  	p5 =	sne.s32 s6, $0x6  }
.Ltmp23:
0x225: {  	s11 =	spop (v2sf);
	(pc) =	sbr.rel @!p5 .LBB2_56-.Ltmp23, $4  }
0x226: {  	v10 =	vmov s10;
	s11 =	sshll.u32 s11, $0x7  }
0x227: {  	s10 =	simm.s32 $0x6;
	vm1 =	veq.s32 v10, v1;
	s19 =	sadd.s32 $0x2004000, s11  }
0x228: {  	s13 =	simm.s32 $0x2204400;
	p4 =	por $0x1, $0x1;
	v10 =	vnsel vm1, $0x0, v9;
	s11 =	sshrl.u32 s19, $0x3  }
0x229: {  	s12 =	smov.u32 s8;
	s14 =	sadd.s32 s3, s11;
	s11 =	sadd.s32 $0x80, s8;
	(xrf0) =	vadd.scan.msk.s32 $0xffff, v10  }
.LBB2_57:
0x22a: {  	[tilespmem:s12], [sflag:$0x3] =	stream.linear.gather [hbm4b:s14+s2], $0x80, $0x38;
	[tilespmem:$0x1F580] =	vst v63  }
0x22b: {  	v10 =	vmov s15;
	s15 =	smov.u32 s10;
	s10 =	sadd.s32 $0x1, s10  }
0x22c: {  	s12 =	smov.u32 s11;
	p5 =	sne.s32 s6, s10  }
.Ltmp24:
0x22d: {  	vm1 =	veq.s32 v10, v1;
	s14 =	spop (v2sf);
	(pc) =	sbr.rel @p5 .LBB2_57-.Ltmp24, $4  }
0x22e: {  	v11 =	vnsel vm1, $0x0, v9;
	s14 =	sshll.u32 s14, $0x7  }
0x22f: {  	(xrf0) =	vadd.scan.msk.s32 $0xffff, v11;
	v10, _, _ =	vpop (xrf0);
	s14 =	sadd.s32 s14, s13  }
0x230: {  	(v2sf) =	vpush v10, $0xF;
	s14 =	sshrl.u32 s14, $0x3  }
0x231: {  	s11 =	sadd.s32 $0x80, s11;
	s13 =	sadd.s32 $0x200400, s13;
	s14 =	sadd.s32 s3, s14  }
.Ltmp25:
0x232: {  	(pc) =	sbr.rel .LBB2_59-.Ltmp25, $2  }
0x233: {  	_ =	sdelay $0x2  }
0x234: {  	s10 =	smov.u32 s15  }
.LBB2_30:
.Ltmp26:
0x235: {  	(pc) =	sbr.rel .LBB2_46-.Ltmp26, $2  }
0x236: {  	_ =	sdelay $0x2  }
0x237: {  	s11 =	simm.s32 $0x0;
	s12 =	smov.u32 s9;
	s14 =	simm.s32 $0x0  }
.LBB2_35:
.Ltmp27:
0x238: {  	(pc) =	sbr.rel .LBB2_46-.Ltmp27, $2  }
0x239: {  	_ =	sdelay $0x2  }
0x23a: {  	s12 =	smov.u32 s9;
	s14 =	simm.s32 $0x0  }
.LBB2_48:
.Ltmp28:
0x23b: {  	(pc) =	sbr.rel .LBB2_59-.Ltmp28, $2  }
0x23c: {  	_ =	sdelay $0x2  }
0x23d: {  	s10 =	simm.s32 $0x1;
	s11 =	smov.u32 s8;
	s13 =	simm.s32 $0x2004000  }
.LBB2_37:
.Ltmp29:
0x23e: {  	(pc) =	sbr.rel .LBB2_46-.Ltmp29, $2  }
0x23f: {  	_ =	sdelay $0x2  }
0x240: {  	s11 =	simm.s32 $0x2;
	s12 =	smov.u32 s9;
	s14 =	simm.s32 $0x0  }
.LBB2_50:
.Ltmp30:
0x241: {  	(pc) =	sbr.rel .LBB2_59-.Ltmp30, $2  }
0x242: {  	_ =	sdelay $0x2  }
0x243: {  	s11 =	smov.u32 s8;
	s13 =	simm.s32 $0x2004000  }
.LBB2_39:
.Ltmp31:
0x244: {  	(pc) =	sbr.rel .LBB2_46-.Ltmp31, $2  }
0x245: {  	_ =	sdelay $0x2  }
0x246: {  	s12 =	smov.u32 s9;
	s14 =	simm.s32 $0x0  }
.LBB2_52:
.Ltmp32:
0x247: {  	(pc) =	sbr.rel .LBB2_59-.Ltmp32, $2  }
0x248: {  	_ =	sdelay $0x2  }
0x249: {  	s10 =	simm.s32 $0x3;
	s11 =	smov.u32 s8;
	s13 =	simm.s32 $0x2004000  }
.LBB2_41:
.Ltmp33:
0x24a: {  	(pc) =	sbr.rel .LBB2_46-.Ltmp33, $2  }
0x24b: {  	_ =	sdelay $0x3  }
0x24c: {  	s11 =	simm.s32 $0x4;
	s12 =	smov.u32 s9;
	s14 =	simm.s32 $0x0  }
.LBB2_54:
.Ltmp34:
0x24d: {  	(pc) =	sbr.rel .LBB2_59-.Ltmp34, $2  }
0x24e: {  	_ =	sdelay $0x3  }
0x24f: {  	s11 =	smov.u32 s8;
	s13 =	simm.s32 $0x2004000  }
.LBB2_43:
.Ltmp35:
0x250: {  	(pc) =	sbr.rel .LBB2_46-.Ltmp35, $2  }
0x251: {  	_ =	sdelay $0x2  }
0x252: {  	s13 =	smov.u32 s9  }
.LBB2_56:
.Ltmp36:
0x253: {  	(pc) =	sbr.rel .LBB2_59-.Ltmp36, $2  }
0x254: {  	_ =	sdelay $0x2  }
0x255: {  	s10 =	simm.s32 $0x5;
	s12 =	smov.u32 s8  }
.LBB2_61:
0x256: {  	s5 =	smov.u32 @p0 s5;
	s8 =	smov.u32 @p0 s8  }
0x257: {  	s7 =	smov.u32 s5;
	s6 =	smov.u32 s8  }
.LBB2_9:
0x258: {  	p0 =	slt.s32 s1, s0  }
.Ltmp37:
0x259: {  	_ = 	snop;
	(pc) =	sbr.rel @p0 .LBB2_62-.Ltmp37, $4  }
.Ltmp38:
0x25a: {  	_ = 	snop;
	(pc) =	sbr.rel @!p0 .LBB2_10-.Ltmp38, $4  }
0x25b: {  	_ = 	snop  }
0x25c: {  	_ = 	snop  }
0x25d: {  	s5 =	smov.u32 s1  }
0x25e: {  	_ = 	snop  }
.LBB2_67:
0x25f: {  	s12 =	smov.u32 s9;
	s14 =	simm.s32 $0x2004000  }
.LBB2_93:
0x260: {  	[tilespmem:s13], [sflag:$0x4] =	stream.linear.gather @p4 [hbm4b:s15+s2], $0x80, $0x38;
	[tilespmem:$0x1F580] =	vst v63  }
0x261: {  	s13 =	spop @p3 (v2sf);
	v10 =	vmov s11  }
0x262: {  	s13 =	sshll.u32 @p3 s13, $0x7;
	vm1 =	veq.s32 v10, v1  }
0x263: {  	s11 =	sadd.s32 @p3 s13, s14;
	v9 =	vnsel vm1, $0x0, v9  }
0x264: {  	s11 =	sshrl.u32 @p3 s11, $0x3  }
0x265: {  	s13 =	smov.u32 @p3 s12;
	s11 =	sadd.s32 @p3 s3, s11  }
0x266: {  	(xrf0) =	vadd.scan.msk.s32 $0xffff, v9;
	s13 =	smov.u32 @p3 s13;
	v9, _, _ =	vpop @p0 (xrf0);
	s11 =	smov.u32 @p3 s11  }
0x267: {  	(v2sf) =	vpush @p0 v9, $0xF;
	[tilespmem:s13], [sflag:$0x4] =	stream.linear.gather @p3 [hbm4b:s11+s2], $0x80, $0x38;
	[tilespmem:$0x1F580] =	vst v63  }
0x268: {  	s11 =	sadd.s32 @p3 $0x200400, s14;
	s13 =	simm.s32 $0x2004000;
	s14 =	spop @p2 (v2sf)  }
0x269: {  	s13 =	smov.u32 @p3 s11;
	s11 =	sshll.u32 @p2 s14, $0x7  }
0x26a: {  	s12 =	sadd.s32 @p3 $0x80, s12;
	s14 =	smov.u32 s9;
	s11 =	sadd.s32 @p2 s11, s13  }
0x26b: {  	s14 =	smov.u32 @p3 s12;
	s11 =	sshrl.u32 @p2 s11, $0x3  }
0x26c: {  	s12 =	smov.u32 @p2 s14;
	s11 =	sadd.s32 @p2 s3, s11  }
0x26d: {  	v9, _, _ =	vpop (xrf0);
	s12 =	smov.u32 @p2 s12;
	s11 =	smov.u32 @p2 s11  }
0x26e: {  	(v2sf) =	vpush v9, $0xF;
	[tilespmem:s12], [sflag:$0x4] =	stream.linear.gather @p2 [hbm4b:s11+s2], $0x80, $0x38;
	[tilespmem:$0x1F580] =	vst v63  }
0x26f: {  	s11 =	sadd.s32 @p2 $0x200400, s13;
	s12 =	simm.s32 $0x2004000;
	s13 =	spop @p1 (v2sf)  }
0x270: {  	s12 =	smov.u32 @p2 s11;
	s11 =	sshll.u32 @p1 s13, $0x7  }
0x271: {  	s13 =	sadd.s32 @p2 $0x80, s14;
	s14 =	smov.u32 s9;
	s11 =	sadd.s32 @p1 s11, s12  }
0x272: {  	s14 =	smov.u32 @p2 s13;
	s11 =	sshrl.u32 @p1 s11, $0x3  }
0x273: {  	s13 =	smov.u32 @p1 s14;
	s11 =	sadd.s32 @p1 s3, s11  }
0x274: {  	s13 =	smov.u32 @p1 s13;
	s11 =	smov.u32 @p1 s11  }
0x275: {  	[tilespmem:s13], [sflag:$0x4] =	stream.linear.gather @p1 [hbm4b:s11+s2], $0x80, $0x38;
	[tilespmem:$0x1F580] =	vst v63  }
0x276: {  	s11 =	sadd.s32 @p1 $0x200400, s12;
	s12 =	simm.s32 $0x2004000;
	s13 =	spop @p0 (v2sf)  }
0x277: {  	s12 =	smov.u32 @p1 s11;
	s11 =	sshll.u32 @p0 s13, $0x7  }
0x278: {  	s13 =	sadd.s32 @p1 $0x80, s14;
	s14 =	smov.u32 s9;
	s11 =	sadd.s32 @p0 s11, s12  }
0x279: {  	s14 =	smov.u32 @p1 s13;
	s11 =	sshrl.u32 @p0 s11, $0x3  }
0x27a: {  	s13 =	smov.u32 @p0 s14;
	s11 =	sadd.s32 @p0 s3, s11  }
0x27b: {  	s13 =	smov.u32 @p0 s13;
	s11 =	smov.u32 @p0 s11  }
0x27c: {  	[tilespmem:s13], [sflag:$0x4] =	stream.linear.gather @p0 [hbm4b:s11+s2], $0x80, $0x38;
	[tilespmem:$0x1F580] =	vst v63  }
0x27d: {  	s18 =	spop (v2sf);
	s11 =	sadd.s32 @p0 $0x200400, s12  }
0x27e: {  	s19 =	sshll.u32 s18, $0x7;
	s10 =	smov.u32 @p0 s11  }
0x27f: {  	s10 =	sadd.s32 s19, s10  }
0x280: {  	s11 =	sadd.s32 @p0 $0x80, s14;
	s10 =	sshrl.u32 s10, $0x3  }
0x281: {  	s9 =	smov.u32 @p0 s11;
	s10 =	sadd.s32 s3, s10  }
0x282: {  	[tilespmem:s9], [sflag:$0x4] =	stream.linear.gather [hbm4b:s10+s2], $0x80, $0x38;
	[tilespmem:$0x1F580] =	vst v63  }
.LBB2_94:
0x283: {  	s5 =	sadd.s32 $0x1, s5  }
0x284: {  	s4 =	sadd.s32 s8, s4;
	p0 =	sge.s32 s5, s0  }
0x285: {  	p1 =	slt.s32 @!p0 s4, $0x6F  }
0x286: {  	p1 =	por p0, !p1  }
.Ltmp39:
0x287: {  	_ = 	snop;
	(pc) =	sbr.rel @p1 .LBB2_95-.Ltmp39, $1  }
0x288: {  	_ =	sdelay $0x3  }
.LBB2_62:
0x289: {  	s8 =	sand.u32 $0xFFFFFFF0, s5  }
0x28a: {  	v9 =	vld [tilespmem:s8+$0x16000];
	_ =	sdelay $0x1  }
0x28b: {  	s19 =	sand.u32 $0xF, s5  }
0x28c: {  	v10 =	vmov s19  }
0x28d: {  	vm1 =	veq.s32 v10, v1  }
0x28e: {  	v9 =	vnsel vm1, $0x0, v9  }
0x28f: {  	(xrf0) =	vadd.scan.msk.s32 $0xffff, v9;
	_ =	sdelay $0x5  }
0x290: {  	v9, _, _ =	vpop (xrf0)  }
0x291: {  	v9 =	vbroadcast v9, $0xF;
	_ =	sdelay $0x1  }
0x292: {  	v10 =	vshll.u32 v9, $0x3  }
0x293: {  	v9 =	vand.u32 $0x7F, v9;
	v10 =	vand.u32 $0xFFFFFC00, v10  }
0x294: {  	v9 =	vor.u32 v9, v10  }
0x295: {  	v10 =	vadd.s32 v2, v9;
	_ =	sdelay $0x2  }
0x296: {  	v9 =	vadd.s32 v4, v9;
	_ =	sdelay $0x1  }
0x297: {  	v10 =	vld.idx.msk [tilespmem:v10+s2+$0x0], $0xffff;
	_ =	sdelay $0x2  }
0x298: {  	v9 =	vld.idx.msk [tilespmem:v9+s2+$0x0], $0xffff;
	_ =	sdelay $0x1  }
0x299: {  	vm1 =	vne.s32 v10, $0x4000  }
0x29a: {  	v11 =	vsel vm1, $0x1, v3  }
0x29b: {  	(xrf0) =	vadd.scan.msk.s32 $0xffff, v11  }
0x29c: {  	vm2 =	vne.s32 v9, $0x4000  }
0x29d: {  	vm1 =	vmand vm2, vm0  }
0x29e: {  	v11 =	vsel vm1, $0x1, v3;
	_ =	sdelay $0x2  }
0x29f: {  	(xrf0) =	vadd.scan.msk.s32 $0xffff, v11;
	v11, _, _ =	vpop (xrf0)  }
0x2a0: {  	(v2sf) =	vpush v11, $0xF;
	_ =	sdelay $0x4  }
0x2a1: {  	v11, _, _ =	vpop (xrf0)  }
0x2a2: {  	(v2sf) =	vpush v11, $0xF;
	_ =	sdelay $0x8  }
0x2a3: {  	s9 =	spop (v2sf)  }
0x2a4: {  	p0 =	slt.s32 s9, $0x1  }
.Ltmp40:
0x2a5: {  	_ = 	snop;
	(pc) =	sbr.rel @p0 .LBB2_65-.Ltmp40, $2  }
0x2a6: {  	_ =	sdelay $0x2  }
0x2a7: {  	s8 =	spop (v2sf)  }
0x2a8: {  	p5 =	seq.s32 s9, $0x1  }
.Ltmp41:
0x2a9: {  	_ = 	snop;
	(pc) =	sbr.rel @p5 .LBB2_64-.Ltmp41, $4  }
0x2aa: {  	s10 =	sshll.u32 s4, $0x9  }
0x2ab: {  	s11 =	simm.s32 $0x0;
	s12 =	simm.s32 $0x1;
	p0 =	por $0x0, $0x0  }
0x2ac: {  	p1 =	por $0x0, $0x0;
	p2 =	por $0x0, $0x0;
	s10 =	sshra.s32 s10, $0x2  }
0x2ad: {  	p3 =	por $0x0, $0x0;
	p4 =	por $0x0, $0x0;
	s10 =	sadd.s32 $0x1A480, s10  }
0x2ae: {  	p5 =	seq.s32 s9, $0x2  }
.Ltmp42:
0x2af: {  	_ = 	snop;
	(pc) =	sbr.rel @p5 .LBB2_69-.Ltmp42, $4  }
0x2b0: {  	v11 =	vmov s11  }
0x2b1: {  	vm1 =	veq.s32 v11, v1  }
0x2b2: {  	v11 =	vnsel vm1, $0x0, v10  }
0x2b3: {  	s13 =	simm.s32 $0x2;
	p0 =	por $0x1, $0x1;
	(xrf0) =	vadd.scan.msk.s32 $0xffff, v11  }
0x2b4: {  	_ = 	snop  }
0x2b5: {  	p5 =	seq.s32 s9, $0x3  }
.Ltmp43:
0x2b6: {  	_ = 	snop;
	(pc) =	sbr.rel @p5 .LBB2_71-.Ltmp43, $4  }
0x2b7: {  	v11 =	vmov s12  }
0x2b8: {  	vm1 =	veq.s32 v11, v1  }
0x2b9: {  	v11 =	vnsel vm1, $0x0, v10;
	v12, _, _ =	vpop (xrf0)  }
0x2ba: {  	s12 =	simm.s32 $0x3;
	p1 =	por $0x1, $0x1;
	(xrf0) =	vadd.scan.msk.s32 $0xffff, v11;
	(v2sf) =	vpush v12, $0xF  }
0x2bb: {  	_ =	sdelay $0x4  }
0x2bc: {  	v12, _, _ =	vpop (xrf0)  }
0x2bd: {  	(v2sf) =	vpush v12, $0xF;
	_ =	sdelay $0x5  }
0x2be: {  	p5 =	seq.s32 s9, $0x4  }
.Ltmp44:
0x2bf: {  	_ = 	snop;
	(pc) =	sbr.rel @p5 .LBB2_73-.Ltmp44, $4  }
0x2c0: {  	v11 =	vmov s13  }
0x2c1: {  	vm1 =	veq.s32 v11, v1  }
0x2c2: {  	v11 =	vnsel vm1, $0x0, v10  }
0x2c3: {  	s13 =	simm.s32 $0x4;
	p2 =	por $0x1, $0x1;
	(xrf0) =	vadd.scan.msk.s32 $0xffff, v11  }
0x2c4: {  	_ =	sdelay $0x4  }
0x2c5: {  	v12, _, _ =	vpop (xrf0)  }
0x2c6: {  	(v2sf) =	vpush v12, $0xF;
	_ =	sdelay $0x1  }
0x2c7: {  	p5 =	seq.s32 s9, $0x5  }
.Ltmp45:
0x2c8: {  	_ = 	snop;
	(pc) =	sbr.rel @p5 .LBB2_75-.Ltmp45, $4  }
0x2c9: {  	v11 =	vmov s12  }
0x2ca: {  	vm1 =	veq.s32 v11, v1  }
0x2cb: {  	v11 =	vnsel vm1, $0x0, v10  }
0x2cc: {  	s12 =	simm.s32 $0x5;
	p3 =	por $0x1, $0x1;
	(xrf0) =	vadd.scan.msk.s32 $0xffff, v11  }
0x2cd: {  	_ =	sdelay $0x4  }
0x2ce: {  	v12, _, _ =	vpop (xrf0)  }
0x2cf: {  	(v2sf) =	vpush v12, $0xF;
	_ =	sdelay $0x1  }
0x2d0: {  	p5 =	seq.s32 s9, $0x6  }
.Ltmp46:
0x2d1: {  	s14 =	spop (v2sf);
	(pc) =	sbr.rel @p5 .LBB2_77-.Ltmp46, $4  }
0x2d2: {  	v11 =	vmov s13;
	s14 =	sshll.u32 s14, $0x7  }
0x2d3: {  	s17 =	simm.s32 $0x6;
	vm1 =	veq.s32 v11, v1;
	s19 =	sadd.s32 $0x0, s14  }
0x2d4: {  	s15 =	simm.s32 $0x200400;
	p4 =	por $0x1, $0x1;
	v11 =	vnsel vm1, $0x0, v10;
	s13 =	sshrl.u32 s19, $0x3  }
0x2d5: {  	s14 =	smov.u32 s10;
	s16 =	sadd.s32 s3, s13;
	s13 =	sadd.s32 $0x80, s10;
	(xrf0) =	vadd.scan.msk.s32 $0xffff, v11  }
.LBB2_78:
0x2d6: {  	[tilespmem:s14], [sflag:$0x4] =	stream.linear.gather [hbm4b:s16+s2], $0x80, $0x38;
	[tilespmem:$0x1F580] =	vst v63  }
0x2d7: {  	v11 =	vmov s12;
	s12 =	smov.u32 s17;
	s17 =	sadd.s32 $0x1, s17  }
0x2d8: {  	s14 =	smov.u32 s13;
	p5 =	seq.s32 s9, s17  }
.Ltmp47:
0x2d9: {  	vm1 =	veq.s32 v11, v1;
	s16 =	spop (v2sf);
	(pc) =	sbr.rel @!p5 .LBB2_78-.Ltmp47, $4  }
0x2da: {  	v12 =	vnsel vm1, $0x0, v10;
	s16 =	sshll.u32 s16, $0x7  }
0x2db: {  	(xrf0) =	vadd.scan.msk.s32 $0xffff, v12;
	v11, _, _ =	vpop (xrf0);
	s16 =	sadd.s32 s16, s15  }
0x2dc: {  	(v2sf) =	vpush v11, $0xF;
	s16 =	sshrl.u32 s16, $0x3  }
0x2dd: {  	s13 =	sadd.s32 $0x80, s13;
	s15 =	sadd.s32 $0x200400, s15;
	s16 =	sadd.s32 s3, s16  }
0x2de: {  	_ = 	snop  }
.LBB2_80:
0x2df: {  	[tilespmem:s14], [sflag:$0x4] =	stream.linear.gather @p4 [hbm4b:s16+s2], $0x80, $0x38;
	[tilespmem:$0x1F580] =	vst v63  }
0x2e0: {  	s14 =	spop @p3 (v2sf);
	v11 =	vmov s12  }
0x2e1: {  	s14 =	sshll.u32 @p3 s14, $0x7;
	vm1 =	veq.s32 v11, v1  }
0x2e2: {  	s12 =	sadd.s32 @p3 s14, s15;
	v10 =	vnsel vm1, $0x0, v10  }
0x2e3: {  	s12 =	sshrl.u32 @p3 s12, $0x3  }
0x2e4: {  	s14 =	smov.u32 @p3 s13;
	s12 =	sadd.s32 @p3 s3, s12  }
0x2e5: {  	(xrf0) =	vadd.scan.msk.s32 $0xffff, v10;
	s14 =	smov.u32 @p3 s14;
	v10, _, _ =	vpop @p0 (xrf0);
	s12 =	smov.u32 @p3 s12  }
0x2e6: {  	(v2sf) =	vpush @p0 v10, $0xF;
	[tilespmem:s14], [sflag:$0x4] =	stream.linear.gather @p3 [hbm4b:s12+s2], $0x80, $0x38;
	[tilespmem:$0x1F580] =	vst v63  }
0x2e7: {  	s12 =	sadd.s32 @p3 $0x200400, s15;
	s14 =	simm.s32 $0x0;
	s15 =	spop @p2 (v2sf)  }
0x2e8: {  	s14 =	smov.u32 @p3 s12;
	s12 =	sshll.u32 @p2 s15, $0x7  }
0x2e9: {  	s13 =	sadd.s32 @p3 $0x80, s13;
	s15 =	smov.u32 s10;
	s12 =	sadd.s32 @p2 s12, s14  }
0x2ea: {  	s15 =	smov.u32 @p3 s13;
	s12 =	sshrl.u32 @p2 s12, $0x3  }
0x2eb: {  	s13 =	smov.u32 @p2 s15;
	s12 =	sadd.s32 @p2 s3, s12  }
0x2ec: {  	v10, _, _ =	vpop (xrf0);
	s13 =	smov.u32 @p2 s13;
	s12 =	smov.u32 @p2 s12  }
0x2ed: {  	(v2sf) =	vpush v10, $0xF;
	[tilespmem:s13], [sflag:$0x4] =	stream.linear.gather @p2 [hbm4b:s12+s2], $0x80, $0x38;
	[tilespmem:$0x1F580] =	vst v63  }
0x2ee: {  	s12 =	sadd.s32 @p2 $0x200400, s14;
	s13 =	simm.s32 $0x0;
	s14 =	spop @p1 (v2sf)  }
0x2ef: {  	s13 =	smov.u32 @p2 s12;
	s12 =	sshll.u32 @p1 s14, $0x7  }
0x2f0: {  	s14 =	sadd.s32 @p2 $0x80, s15;
	s15 =	smov.u32 s10;
	s12 =	sadd.s32 @p1 s12, s13  }
0x2f1: {  	s15 =	smov.u32 @p2 s14;
	s12 =	sshrl.u32 @p1 s12, $0x3  }
0x2f2: {  	s14 =	smov.u32 @p1 s15;
	s12 =	sadd.s32 @p1 s3, s12  }
0x2f3: {  	s14 =	smov.u32 @p1 s14;
	s12 =	smov.u32 @p1 s12  }
0x2f4: {  	[tilespmem:s14], [sflag:$0x4] =	stream.linear.gather @p1 [hbm4b:s12+s2], $0x80, $0x38;
	[tilespmem:$0x1F580] =	vst v63  }
0x2f5: {  	s12 =	sadd.s32 @p1 $0x200400, s13;
	s13 =	simm.s32 $0x0;
	s14 =	spop @p0 (v2sf)  }
0x2f6: {  	s13 =	smov.u32 @p1 s12;
	s12 =	sshll.u32 @p0 s14, $0x7  }
0x2f7: {  	s14 =	sadd.s32 @p1 $0x80, s15;
	s15 =	smov.u32 s10;
	s12 =	sadd.s32 @p0 s12, s13  }
0x2f8: {  	s15 =	smov.u32 @p1 s14;
	s12 =	sshrl.u32 @p0 s12, $0x3  }
0x2f9: {  	s14 =	smov.u32 @p0 s15;
	s12 =	sadd.s32 @p0 s3, s12  }
0x2fa: {  	s14 =	smov.u32 @p0 s14;
	s12 =	smov.u32 @p0 s12  }
0x2fb: {  	[tilespmem:s14], [sflag:$0x4] =	stream.linear.gather @p0 [hbm4b:s12+s2], $0x80, $0x38;
	[tilespmem:$0x1F580] =	vst v63  }
0x2fc: {  	s18 =	spop (v2sf);
	s12 =	sadd.s32 @p0 $0x200400, s13  }
0x2fd: {  	s19 =	sshll.u32 s18, $0x7;
	s11 =	smov.u32 @p0 s12  }
0x2fe: {  	s11 =	sadd.s32 s19, s11  }
0x2ff: {  	s12 =	sadd.s32 @p0 $0x80, s15;
	s11 =	sshrl.u32 s11, $0x3  }
0x300: {  	s10 =	smov.u32 @p0 s12;
	s11 =	sadd.s32 s3, s11  }
0x301: {  	[tilespmem:s10], [sflag:$0x4] =	stream.linear.gather [hbm4b:s11+s2], $0x80, $0x38;
	[tilespmem:$0x1F580] =	vst v63  }
.LBB2_65:
0x302: {  	p0 =	slt.s32 s8, $0x1  }
.Ltmp48:
0x303: {  	_ = 	snop;
	(pc) =	sbr.rel @p0 .LBB2_94-.Ltmp48, $2  }
0x304: {  	_ =	sdelay $0x2  }
0x305: {  	s4 =	sadd.s32 s4, s9  }
0x306: {  	p5 =	sne.s32 s8, $0x1  }
.Ltmp49:
0x307: {  	_ = 	snop;
	(pc) =	sbr.rel @!p5 .LBB2_67-.Ltmp49, $4  }
0x308: {  	s9 =	sshll.u32 s4, $0x9;
	s11 =	simm.s32 $0x0  }
0x309: {  	s10 =	simm.s32 $0x2004000;
	s12 =	simm.s32 $0x1;
	p0 =	por $0x0, $0x0  }
0x30a: {  	p1 =	por $0x0, $0x0;
	p2 =	por $0x0, $0x0;
	s9 =	sshra.s32 s9, $0x2  }
0x30b: {  	p3 =	por $0x0, $0x0;
	p4 =	por $0x0, $0x0;
	s9 =	sadd.s32 $0x1A480, s9  }
0x30c: {  	p5 =	sne.s32 s8, $0x2  }
.Ltmp50:
0x30d: {  	_ = 	snop;
	(pc) =	sbr.rel @!p5 .LBB2_82-.Ltmp50, $4  }
0x30e: {  	v10 =	vmov s11  }
0x30f: {  	vm1 =	veq.s32 v10, v1  }
0x310: {  	v10 =	vnsel vm1, $0x0, v9  }
0x311: {  	s11 =	simm.s32 $0x2;
	p0 =	por $0x1, $0x1;
	(xrf0) =	vadd.scan.msk.s32 $0xffff, v10  }
0x312: {  	_ =	sdelay $0x4  }
0x313: {  	v11, _, _ =	vpop (xrf0)  }
0x314: {  	(v2sf) =	vpush v11, $0xF;
	_ =	sdelay $0x7  }
0x315: {  	p5 =	sne.s32 s8, $0x3  }
.Ltmp51:
0x316: {  	_ = 	snop;
	(pc) =	sbr.rel @!p5 .LBB2_84-.Ltmp51, $4  }
0x317: {  	v10 =	vmov s12  }
0x318: {  	vm1 =	veq.s32 v10, v1  }
0x319: {  	v10 =	vnsel vm1, $0x0, v9  }
0x31a: {  	s12 =	simm.s32 $0x3;
	p1 =	por $0x1, $0x1;
	(xrf0) =	vadd.scan.msk.s32 $0xffff, v10  }
0x31b: {  	_ =	sdelay $0x4  }
0x31c: {  	v11, _, _ =	vpop (xrf0)  }
0x31d: {  	(v2sf) =	vpush v11, $0xF;
	_ =	sdelay $0x5  }
0x31e: {  	p5 =	sne.s32 s8, $0x4  }
.Ltmp52:
0x31f: {  	_ = 	snop;
	(pc) =	sbr.rel @!p5 .LBB2_86-.Ltmp52, $4  }
0x320: {  	v10 =	vmov s11  }
0x321: {  	vm1 =	veq.s32 v10, v1  }
0x322: {  	v10 =	vnsel vm1, $0x0, v9  }
0x323: {  	s11 =	simm.s32 $0x4;
	p2 =	por $0x1, $0x1;
	(xrf0) =	vadd.scan.msk.s32 $0xffff, v10  }
0x324: {  	_ =	sdelay $0x4  }
0x325: {  	v11, _, _ =	vpop (xrf0)  }
0x326: {  	(v2sf) =	vpush v11, $0xF;
	_ =	sdelay $0x1  }
0x327: {  	p5 =	sne.s32 s8, $0x5  }
.Ltmp53:
0x328: {  	_ = 	snop;
	(pc) =	sbr.rel @!p5 .LBB2_88-.Ltmp53, $4  }
0x329: {  	v10 =	vmov s12  }
0x32a: {  	vm1 =	veq.s32 v10, v1  }
0x32b: {  	v10 =	vnsel vm1, $0x0, v9  }
0x32c: {  	s16 =	simm.s32 $0x5;
	p3 =	por $0x1, $0x1;
	(xrf0) =	vadd.scan.msk.s32 $0xffff, v10  }
0x32d: {  	_ =	sdelay $0x4  }
0x32e: {  	v11, _, _ =	vpop (xrf0)  }
0x32f: {  	(v2sf) =	vpush v11, $0xF;
	_ =	sdelay $0x1  }
0x330: {  	p5 =	sne.s32 s8, $0x6  }
.Ltmp54:
0x331: {  	s12 =	spop (v2sf);
	(pc) =	sbr.rel @!p5 .LBB2_90-.Ltmp54, $4  }
0x332: {  	v10 =	vmov s11;
	s12 =	sshll.u32 s12, $0x7  }
0x333: {  	s11 =	simm.s32 $0x6;
	vm1 =	veq.s32 v10, v1;
	s19 =	sadd.s32 $0x2004000, s12  }
0x334: {  	s14 =	simm.s32 $0x2204400;
	p4 =	por $0x1, $0x1;
	v10 =	vnsel vm1, $0x0, v9;
	s12 =	sshrl.u32 s19, $0x3  }
0x335: {  	s13 =	smov.u32 s9;
	s15 =	sadd.s32 s3, s12;
	s12 =	sadd.s32 $0x80, s9;
	(xrf0) =	vadd.scan.msk.s32 $0xffff, v10  }
.LBB2_91:
0x336: {  	[tilespmem:s13], [sflag:$0x4] =	stream.linear.gather [hbm4b:s15+s2], $0x80, $0x38;
	[tilespmem:$0x1F580] =	vst v63  }
0x337: {  	v10 =	vmov s16;
	s16 =	smov.u32 s11;
	s11 =	sadd.s32 $0x1, s11  }
0x338: {  	s13 =	smov.u32 s12;
	p5 =	sne.s32 s8, s11  }
.Ltmp55:
0x339: {  	vm1 =	veq.s32 v10, v1;
	s15 =	spop (v2sf);
	(pc) =	sbr.rel @p5 .LBB2_91-.Ltmp55, $4  }
0x33a: {  	v11 =	vnsel vm1, $0x0, v9;
	s15 =	sshll.u32 s15, $0x7  }
0x33b: {  	(xrf0) =	vadd.scan.msk.s32 $0xffff, v11;
	v10, _, _ =	vpop (xrf0);
	s15 =	sadd.s32 s15, s14  }
0x33c: {  	(v2sf) =	vpush v10, $0xF;
	s15 =	sshrl.u32 s15, $0x3  }
0x33d: {  	s12 =	sadd.s32 $0x80, s12;
	s14 =	sadd.s32 $0x200400, s14;
	s15 =	sadd.s32 s3, s15  }
.Ltmp56:
0x33e: {  	(pc) =	sbr.rel .LBB2_93-.Ltmp56, $2  }
0x33f: {  	_ =	sdelay $0x2  }
0x340: {  	s11 =	smov.u32 s16  }
.LBB2_64:
.Ltmp57:
0x341: {  	(pc) =	sbr.rel .LBB2_80-.Ltmp57, $2  }
0x342: {  	_ =	sdelay $0x2  }
0x343: {  	s12 =	simm.s32 $0x0;
	s13 =	smov.u32 s10;
	s15 =	simm.s32 $0x0  }
.LBB2_69:
.Ltmp58:
0x344: {  	(pc) =	sbr.rel .LBB2_80-.Ltmp58, $2  }
0x345: {  	_ =	sdelay $0x2  }
0x346: {  	s13 =	smov.u32 s10;
	s15 =	simm.s32 $0x0  }
.LBB2_82:
.Ltmp59:
0x347: {  	(pc) =	sbr.rel .LBB2_93-.Ltmp59, $2  }
0x348: {  	_ =	sdelay $0x2  }
0x349: {  	s11 =	simm.s32 $0x1;
	s12 =	smov.u32 s9;
	s14 =	simm.s32 $0x2004000  }
.LBB2_71:
.Ltmp60:
0x34a: {  	(pc) =	sbr.rel .LBB2_80-.Ltmp60, $2  }
0x34b: {  	_ =	sdelay $0x2  }
0x34c: {  	s12 =	simm.s32 $0x2;
	s13 =	smov.u32 s10;
	s15 =	simm.s32 $0x0  }
.LBB2_84:
.Ltmp61:
0x34d: {  	(pc) =	sbr.rel .LBB2_93-.Ltmp61, $2  }
0x34e: {  	_ =	sdelay $0x2  }
0x34f: {  	s12 =	smov.u32 s9;
	s14 =	simm.s32 $0x2004000  }
.LBB2_73:
.Ltmp62:
0x350: {  	(pc) =	sbr.rel .LBB2_80-.Ltmp62, $2  }
0x351: {  	_ =	sdelay $0x2  }
0x352: {  	s13 =	smov.u32 s10;
	s15 =	simm.s32 $0x0  }
.LBB2_86:
.Ltmp63:
0x353: {  	(pc) =	sbr.rel .LBB2_93-.Ltmp63, $2  }
0x354: {  	_ =	sdelay $0x2  }
0x355: {  	s11 =	simm.s32 $0x3;
	s12 =	smov.u32 s9;
	s14 =	simm.s32 $0x2004000  }
.LBB2_75:
.Ltmp64:
0x356: {  	(pc) =	sbr.rel .LBB2_80-.Ltmp64, $2  }
0x357: {  	_ =	sdelay $0x3  }
0x358: {  	s12 =	simm.s32 $0x4;
	s13 =	smov.u32 s10;
	s15 =	simm.s32 $0x0  }
.LBB2_88:
.Ltmp65:
0x359: {  	(pc) =	sbr.rel .LBB2_93-.Ltmp65, $2  }
0x35a: {  	_ =	sdelay $0x3  }
0x35b: {  	s12 =	smov.u32 s9;
	s14 =	simm.s32 $0x2004000  }
.LBB2_77:
.Ltmp66:
0x35c: {  	(pc) =	sbr.rel .LBB2_80-.Ltmp66, $2  }
0x35d: {  	_ =	sdelay $0x2  }
0x35e: {  	s14 =	smov.u32 s10  }
.LBB2_90:
.Ltmp67:
0x35f: {  	(pc) =	sbr.rel .LBB2_93-.Ltmp67, $2  }
0x360: {  	_ =	sdelay $0x2  }
0x361: {  	s11 =	simm.s32 $0x5;
	s13 =	smov.u32 s9  }
.LBB2_95:
0x362: {  	s5 =	smov.u32 @p0 s5;
	s4 =	smov.u32 @p0 s4  }
.LBB2_10:
0x363: {  	v5 =	vmul.f32 $5.263157930e-02, v5;
	v8 =	vmul.f32 $5.263157930e-02, v8  }
0x364: {  	v6 =	vmul.f32 $5.263157930e-02, v6;
	v7 =	vmul.f32 $5.263157930e-02, v7;
	s8 =	simm.s32 $0x0;
	s9 =	simm.s32 $0x800  }
.LBB2_11:
0x365: {  	p0 =	seq.s32 s9, $0x3F800;
	[tilespmem:s8+$0x61B0] =	vst v8  }
0x366: {  	[tilespmem:s8+$0x6000] =	vst v5  }
0x367: {  	[tilespmem:s8+$0x6010] =	vst v6  }
0x368: {  	[tilespmem:s8+$0x6020] =	vst v7  }
0x369: {  	[tilespmem:s8+$0x6030] =	vst v8  }
0x36a: {  	[tilespmem:s8+$0x6080] =	vst v5  }
0x36b: {  	[tilespmem:s8+$0x6090] =	vst v6  }
0x36c: {  	[tilespmem:s8+$0x60A0] =	vst v7  }
0x36d: {  	[tilespmem:s8+$0x60B0] =	vst v8  }
0x36e: {  	[tilespmem:s8+$0x6100] =	vst v5  }
0x36f: {  	[tilespmem:s8+$0x6110] =	vst v6  }
.Ltmp68:
0x370: {  	[tilespmem:s8+$0x6120] =	vst v7;
	(pc) =	sbr.rel @!p0 .LBB2_11-.Ltmp68, $4  }
0x371: {  	[tilespmem:s8+$0x6130] =	vst v8  }
0x372: {  	[tilespmem:s8+$0x6180] =	vst v5  }
0x373: {  	[tilespmem:s8+$0x6190] =	vst v6  }
0x374: {  	[tilespmem:s8+$0x61A0] =	vst v7;
	s8 =	sshra.s32 s9, $0x2;
	s9 =	sadd.s32 $0x800, s9  }
0x375: {  	[tilespmem:s8+$0x61B0] =	vst v8  }
0x376: {  	[tilespmem:s8+$0x6000] =	vst v5  }
0x377: {  	[tilespmem:s8+$0x6010] =	vst v6  }
0x378: {  	[tilespmem:s8+$0x6020] =	vst v7  }
0x379: {  	[tilespmem:s8+$0x6030] =	vst v8  }
0x37a: {  	[tilespmem:s8+$0x6080] =	vst v5  }
0x37b: {  	[tilespmem:s8+$0x6090] =	vst v6  }
0x37c: {  	[tilespmem:s8+$0x60A0] =	vst v7  }
0x37d: {  	[tilespmem:s8+$0x60B0] =	vst v8  }
0x37e: {  	[tilespmem:s8+$0x6100] =	vst v5  }
0x37f: {  	[tilespmem:s8+$0x6110] =	vst v6;
	p0 =	sgt.s32 s6, $0x0  }
.Ltmp69:
0x380: {  	[tilespmem:s8+$0x6120] =	vst v7;
	(pc) =	sbr.rel @!p0 .LBB2_16-.Ltmp69, $4  }
0x381: {  	[tilespmem:s8+$0x6130] =	vst v8  }
0x382: {  	[tilespmem:s8+$0x6180] =	vst v5  }
0x383: {  	[tilespmem:s8+$0x6190] =	vst v6  }
0x384: {  	[tilespmem:s8+$0x61A0] =	vst v7  }
0x385: {  	p0 =	seq.s32 s6, $0x1  }
.Ltmp70:
0x386: {  	_ = 	snop;
	(pc) =	sbr.rel @p0 .LBB2_15-.Ltmp70, $3  }
0x387: {  	_ =	sdelay $0x1  }
0x388: {  	_ =	swait.ge [sflag:s25], $0x80  }
0x389: {  	s6 =	sadd.s32 $0xFFFFFFFF, s6;
	[sflag:s25] =	ssyncset.done $0x0  }
.LBB2_14:
0x38a: {  	p0 =	seq.s32 s6, $0x1;
	s6 =	sadd.s32 $0xFFFFFFFF, s6;
	[sflag:s25] =	ssyncadd.s32 $0xFFFFFF80  }
.Ltmp71:
0x38b: {  	(pc) =	sbr.rel @!p0 .LBB2_14-.Ltmp71, $3  }
0x38c: {  	_ =	sdelay $0x1  }
0x38d: {  	_ =	swait.ge [sflag:s25], $0x80  }
0x38e: {  	[sflag:s25] =	ssyncset.done $0x0  }
.LBB2_15:
0x38f: {  	[sflag:s25] =	ssyncadd.s32 $0xFFFFFF80  }
.LBB2_16:
0x390: {  	p0 =	sgt.s32 s7, $0x0  }
.Ltmp72:
0x391: {  	_ = 	snop;
	(pc) =	sbr.rel @p0 .LBB2_96-.Ltmp72, $4  }
.Ltmp73:
0x392: {  	_ = 	snop;
	(pc) =	sbr.rel @!p0 .LBB2_17-.Ltmp73, $4  }
0x393: {  	_ = 	snop  }
0x394: {  	_ = 	snop  }
0x395: {  	s6 =	simm.s32 $0x0;
	s8 =	simm.s32 $0x0  }
0x396: {  	_ = 	snop  }
.LBB2_99:
0x397: {  	v11 =	vadd.f32 v13, v11  }
0x398: {  	v9 =	vadd.f32 v14, v9;
	v12 =	vadd.f32 v15, v12  }
.LBB2_100:
0x399: {  	s8 =	sadd.s32 $0x1, s8  }
0x39a: {  	s10 =	sshll.u32 s10, $0x9;
	v11 =	vmul.f32 $5.263157930e-02, v11;
	p0 =	seq.s32 s8, s7  }
.Ltmp74:
0x39b: {  	v10 =	vmul.f32 $5.263157930e-02, v10;
	s10 =	sshra.s32 s10, $0x2;
	(pc) =	sbr.rel @p0 .LBB2_101-.Ltmp74, $4  }
0x39c: {  	v12 =	vmul.f32 $5.263157930e-02, v12;
	[tilespmem:s10+$0x6010] =	vst v11  }
0x39d: {  	v9 =	vmul.f32 $5.263157930e-02, v9;
	[tilespmem:s10+$0x6030] =	vst v10  }
0x39e: {  	[tilespmem:s10+$0x6000] =	vst v12  }
0x39f: {  	s6 =	sadd.s32 s6, s9;
	[tilespmem:s10+$0x6020] =	vst v9  }
.LBB2_96:
0x3a0: {  	s9 =	sand.u32 $0x7FFFFFF0, s8  }
0x3a1: {  	v9 =	vld [tilespmem:s9+$0x16000];
	_ =	sdelay $0x1  }
0x3a2: {  	s18 =	sand.u32 $0xF, s8  }
0x3a3: {  	v10 =	vmov s18  }
0x3a4: {  	vm1 =	veq.s32 v10, v1  }
0x3a5: {  	v9 =	vnsel vm1, $0x0, v9  }
0x3a6: {  	(xrf0) =	vadd.scan.msk.s32 $0xffff, v9;
	_ =	sdelay $0x5  }
0x3a7: {  	v9, _, _ =	vpop (xrf0)  }
0x3a8: {  	v10 =	vbroadcast v9, $0xF;
	_ =	sdelay $0x1  }
0x3a9: {  	v11 =	vshll.u32 v10, $0x3  }
0x3aa: {  	v10 =	vand.u32 $0x7F, v10;
	v11 =	vand.u32 $0xFFFFFC00, v11  }
0x3ab: {  	v10 =	vor.u32 v10, v11  }
0x3ac: {  	v11 =	vadd.s32 v2, v10  }
0x3ad: {  	v10 =	vadd.s32 v4, v10;
	_ =	sdelay $0x3  }
0x3ae: {  	v11 =	vld.idx.msk [tilespmem:v11+s2+$0x0], $0xffff  }
0x3af: {  	v10 =	vld.idx.msk [tilespmem:v10+s2+$0x0], $0xffff;
	_ =	sdelay $0x4  }
0x3b0: {  	vm1 =	vne.s32 v11, $0x4000;
	vm2 =	vne.s32 v10, $0x4000  }
0x3b1: {  	vm2 =	vmand vm2, vm0;
	v10 =	vsel vm1, $0x1, v3  }
0x3b2: {  	(xrf0) =	vadd.scan.msk.s32 $0xffff, v10;
	v10 =	vsel vm2, $0x1, v3  }
0x3b3: {  	(xrf0) =	vadd.scan.msk.s32 $0xffff, v10;
	_ =	sdelay $0x4  }
0x3b4: {  	(v2sf) =	vpush v9, $0xF;
	v10, _, _ =	vpop (xrf0)  }
0x3b5: {  	(v2sf) =	vpush v10, $0xF;
	v9, _, _ =	vpop (xrf0)  }
0x3b6: {  	(v2sf) =	vpush v9, $0xF;
	_ =	sdelay $0xc  }
0x3b7: {  	s10 =	spop (v2sf)  }
0x3b8: {  	s19 =	spop (v2sf)  }
0x3b9: {  	s11 =	spop (v2sf)  }
0x3ba: {  	s9 =	sadd.s32 s19, s11  }
0x3bb: {  	s11 =	sshll.u32 s9, $0x8  }
0x3bc: {  	s11 =	sshra.s32 s11, $0x2  }
0x3bd: {  	p0 =	slt.s32 s9, $0x1;
	v12 =	vld [tilespmem:s11+$0x1F080]  }
.Ltmp75:
0x3be: {  	v11 =	vld [tilespmem:s11+$0x1F090];
	(pc) =	sbr.rel @p0 .LBB2_100-.Ltmp75, $2  }
0x3bf: {  	v9 =	vld [tilespmem:s11+$0x1F0A0]  }
0x3c0: {  	v10 =	vld [tilespmem:s11+$0x1F0B0];
	_ =	sdelay $0x2  }
0x3c1: {  	s11 =	sshll.u32 s6, $0x9  }
0x3c2: {  	s11 =	sshra.s32 s11, $0x2  }
0x3c3: {  	s12 =	sadd.s32 $0x164A0, s11  }
0x3c4: {  	v16 =	vld [tilespmem:s12+$0x10]  }
0x3c5: {  	p0 =	sne.s32 s9, $0x1;
	v13 =	vld [tilespmem:s12+$0xFFFFFFF0]  }
.Ltmp76:
0x3c6: {  	v14 =	vld [tilespmem:s12+$0x0];
	(pc) =	sbr.rel @!p0 .LBB2_99-.Ltmp76, $2  }
0x3c7: {  	v15 =	vld [tilespmem:s12+$0xFFFFFFE0];
	_ =	sdelay $0x2  }
0x3c8: {  	s11 =	sadd.s32 $0xFFFFFFFF, s9;
	s12 =	sadd.s32 $0x80, s12;
	v10 =	vadd.f32 v16, v10  }
.LBB2_98:
0x3c9: {  	v16 =	vld [tilespmem:s12+$0x10];
	p0 =	sne.s32 s11, $0x1;
	s11 =	sadd.s32 $0xFFFFFFFF, s11;
	v11 =	vadd.f32 v13, v11  }
.Ltmp77:
0x3ca: {  	v9 =	vadd.f32 v14, v9;
	v13 =	vld [tilespmem:s12+$0xFFFFFFF0];
	(pc) =	sbr.rel @p0 .LBB2_98-.Ltmp77, $3  }
0x3cb: {  	v12 =	vadd.f32 v15, v12;
	v14 =	vld [tilespmem:s12+$0x0]  }
0x3cc: {  	v15 =	vld [tilespmem:s12+$0xFFFFFFE0];
	_ =	sdelay $0x1  }
0x3cd: {  	s12 =	sadd.s32 $0x80, s12;
	v10 =	vadd.f32 v16, v10  }
.Ltmp78:
0x3ce: {  	_ = 	snop;
	(pc) =	sbr.rel .LBB2_99-.Ltmp78, $1  }
0x3cf: {  	_ =	sdelay $0x3  }
.LBB2_101:
0x3d0: {  	s6 =	smov.u32 s7  }
.LBB2_17:
0x3d1: {  	p0 =	slt.s32 s6, s1  }
.Ltmp79:
0x3d2: {  	_ = 	snop;
	(pc) =	sbr.rel @p0 .LBB2_103-.Ltmp79, $1  }
0x3d3: {  	_ =	sdelay $0x3  }
.LBB2_18:
0x3d4: {  	s6 =	simm.s32 $0x0;
	s7 =	rddreg [dreg:$0x15]  }
0x3d5: {  	[hbm4b:s7+s6] =	stream.linear.scatter [tilespmem:s26], [sflag:$0x5], $0x10000, $0x38;
	[tilespmem:$0x1F580] =	vst v63  }
0x3d6: {  	_ =	swait.ge [sflag:s28], $0x10000  }
0x3d7: {  	[sflag:s28] =	ssyncset.done $0x0  }
0x3d8: {  	s6 =	simm.s32 $0x0;
	s7 =	simm.s32 $0x800;
	[sflag:s28] =	ssyncadd.s32 $0xFFFF0000  }
.LBB2_19:
0x3d9: {  	p0 =	seq.s32 s7, $0x3F800;
	[tilespmem:s6+$0x61B0] =	vst v8  }
0x3da: {  	[tilespmem:s6+$0x6000] =	vst v5  }
0x3db: {  	[tilespmem:s6+$0x6010] =	vst v6  }
0x3dc: {  	[tilespmem:s6+$0x6020] =	vst v7  }
0x3dd: {  	[tilespmem:s6+$0x6030] =	vst v8  }
0x3de: {  	[tilespmem:s6+$0x6080] =	vst v5  }
0x3df: {  	[tilespmem:s6+$0x6090] =	vst v6  }
0x3e0: {  	[tilespmem:s6+$0x60A0] =	vst v7  }
0x3e1: {  	[tilespmem:s6+$0x60B0] =	vst v8  }
0x3e2: {  	[tilespmem:s6+$0x6100] =	vst v5  }
0x3e3: {  	[tilespmem:s6+$0x6110] =	vst v6  }
.Ltmp80:
0x3e4: {  	[tilespmem:s6+$0x6120] =	vst v7;
	(pc) =	sbr.rel @!p0 .LBB2_19-.Ltmp80, $4  }
0x3e5: {  	[tilespmem:s6+$0x6130] =	vst v8  }
0x3e6: {  	[tilespmem:s6+$0x6180] =	vst v5  }
0x3e7: {  	[tilespmem:s6+$0x6190] =	vst v6  }
0x3e8: {  	[tilespmem:s6+$0x61A0] =	vst v7;
	s6 =	sshra.s32 s7, $0x2;
	s7 =	sadd.s32 $0x800, s7  }
0x3e9: {  	[tilespmem:s6+$0x61B0] =	vst v8  }
0x3ea: {  	[tilespmem:s6+$0x6000] =	vst v5  }
0x3eb: {  	[tilespmem:s6+$0x6010] =	vst v6  }
0x3ec: {  	[tilespmem:s6+$0x6020] =	vst v7  }
0x3ed: {  	[tilespmem:s6+$0x6030] =	vst v8  }
0x3ee: {  	[tilespmem:s6+$0x6080] =	vst v5  }
0x3ef: {  	[tilespmem:s6+$0x6090] =	vst v6  }
0x3f0: {  	[tilespmem:s6+$0x60A0] =	vst v7  }
0x3f1: {  	[tilespmem:s6+$0x60B0] =	vst v8  }
0x3f2: {  	[tilespmem:s6+$0x6100] =	vst v5  }
0x3f3: {  	[tilespmem:s6+$0x6110] =	vst v6;
	p0 =	sgt.s32 s4, $0x0  }
.Ltmp81:
0x3f4: {  	[tilespmem:s6+$0x6120] =	vst v7;
	(pc) =	sbr.rel @!p0 .LBB2_24-.Ltmp81, $4  }
0x3f5: {  	[tilespmem:s6+$0x6130] =	vst v8  }
0x3f6: {  	[tilespmem:s6+$0x6180] =	vst v5  }
0x3f7: {  	[tilespmem:s6+$0x6190] =	vst v6  }
0x3f8: {  	[tilespmem:s6+$0x61A0] =	vst v7  }
0x3f9: {  	p0 =	seq.s32 s4, $0x1  }
.Ltmp82:
0x3fa: {  	_ = 	snop;
	(pc) =	sbr.rel @p0 .LBB2_23-.Ltmp82, $3  }
0x3fb: {  	_ =	sdelay $0x1  }
0x3fc: {  	_ =	swait.ge [sflag:s29], $0x80  }
0x3fd: {  	s4 =	sadd.s32 $0xFFFFFFFF, s4;
	[sflag:s29] =	ssyncset.done $0x0  }
.LBB2_22:
0x3fe: {  	p0 =	seq.s32 s4, $0x1;
	s4 =	sadd.s32 $0xFFFFFFFF, s4;
	[sflag:s29] =	ssyncadd.s32 $0xFFFFFF80  }
.Ltmp83:
0x3ff: {  	(pc) =	sbr.rel @!p0 .LBB2_22-.Ltmp83, $3  }
0x400: {  	_ =	sdelay $0x1  }
0x401: {  	_ =	swait.ge [sflag:s29], $0x80  }
0x402: {  	[sflag:s29] =	ssyncset.done $0x0  }
.LBB2_23:
0x403: {  	[sflag:s29] =	ssyncadd.s32 $0xFFFFFF80  }
.LBB2_24:
0x404: {  	p0 =	slt.s32 s1, s5  }
.Ltmp84:
0x405: {  	_ = 	snop;
	(pc) =	sbr.rel @p0 .LBB2_148-.Ltmp84, $4  }
.Ltmp85:
0x406: {  	_ = 	snop;
	(pc) =	sbr.rel @!p0 .LBB2_25-.Ltmp85, $4  }
0x407: {  	_ = 	snop  }
0x408: {  	_ = 	snop  }
0x409: {  	s4 =	simm.s32 $0x0  }
0x40a: {  	_ = 	snop  }
.LBB2_151:
0x40b: {  	v7 =	vadd.f32 v9, v7  }
0x40c: {  	v5 =	vadd.f32 v10, v5;
	v8 =	vadd.f32 v11, v8  }
.LBB2_152:
0x40d: {  	s1 =	sadd.s32 $0x1, s1  }
0x40e: {  	s7 =	sshll.u32 s7, $0x9;
	v7 =	vmul.f32 $5.263157930e-02, v7;
	p0 =	slt.s32 s1, s5  }
.Ltmp86:
0x40f: {  	v6 =	vmul.f32 $5.263157930e-02, v6;
	s7 =	sshra.s32 s7, $0x2;
	(pc) =	sbr.rel @!p0 .LBB2_153-.Ltmp86, $4  }
0x410: {  	v8 =	vmul.f32 $5.263157930e-02, v8;
	[tilespmem:s7+$0xFFFF6010] =	vst v7  }
0x411: {  	v5 =	vmul.f32 $5.263157930e-02, v5;
	[tilespmem:s7+$0xFFFF6030] =	vst v6  }
0x412: {  	[tilespmem:s7+$0xFFFF6000] =	vst v8  }
0x413: {  	s4 =	sadd.s32 s4, s6;
	[tilespmem:s7+$0xFFFF6020] =	vst v5  }
.LBB2_148:
0x414: {  	s6 =	sand.u32 $0xFFFFFFF0, s1  }
0x415: {  	v5 =	vld [tilespmem:s6+$0x16000];
	_ =	sdelay $0x1  }
0x416: {  	s18 =	sand.u32 $0xF, s1  }
0x417: {  	v6 =	vmov s18  }
0x418: {  	vm1 =	veq.s32 v6, v1  }
0x419: {  	v5 =	vnsel vm1, $0x0, v5  }
0x41a: {  	(xrf0) =	vadd.scan.msk.s32 $0xffff, v5;
	_ =	sdelay $0x5  }
0x41b: {  	v5, _, _ =	vpop (xrf0)  }
0x41c: {  	v6 =	vbroadcast v5, $0xF;
	_ =	sdelay $0x1  }
0x41d: {  	v7 =	vshll.u32 v6, $0x3  }
0x41e: {  	v6 =	vand.u32 $0x7F, v6;
	v7 =	vand.u32 $0xFFFFFC00, v7  }
0x41f: {  	v6 =	vor.u32 v6, v7  }
0x420: {  	v7 =	vadd.s32 v2, v6  }
0x421: {  	v6 =	vadd.s32 v4, v6;
	_ =	sdelay $0x3  }
0x422: {  	v7 =	vld.idx.msk [tilespmem:v7+s2+$0x0], $0xffff  }
0x423: {  	v6 =	vld.idx.msk [tilespmem:v6+s2+$0x0], $0xffff;
	_ =	sdelay $0x4  }
0x424: {  	vm1 =	vne.s32 v7, $0x4000;
	vm2 =	vne.s32 v6, $0x4000  }
0x425: {  	vm2 =	vmand vm2, vm0;
	v6 =	vsel vm1, $0x1, v3  }
0x426: {  	(xrf0) =	vadd.scan.msk.s32 $0xffff, v6;
	v6 =	vsel vm2, $0x1, v3  }
0x427: {  	(xrf0) =	vadd.scan.msk.s32 $0xffff, v6;
	_ =	sdelay $0x4  }
0x428: {  	(v2sf) =	vpush v5, $0xF;
	v6, _, _ =	vpop (xrf0)  }
0x429: {  	(v2sf) =	vpush v6, $0xF;
	v5, _, _ =	vpop (xrf0)  }
0x42a: {  	(v2sf) =	vpush v5, $0xF;
	_ =	sdelay $0xc  }
0x42b: {  	s7 =	spop (v2sf)  }
0x42c: {  	s19 =	spop (v2sf)  }
0x42d: {  	s8 =	spop (v2sf)  }
0x42e: {  	s6 =	sadd.s32 s19, s8  }
0x42f: {  	s8 =	sshll.u32 s6, $0x8  }
0x430: {  	s8 =	sshra.s32 s8, $0x2  }
0x431: {  	p0 =	slt.s32 s6, $0x1;
	v8 =	vld [tilespmem:s8+$0x1F080]  }
.Ltmp87:
0x432: {  	v7 =	vld [tilespmem:s8+$0x1F090];
	(pc) =	sbr.rel @p0 .LBB2_152-.Ltmp87, $2  }
0x433: {  	v5 =	vld [tilespmem:s8+$0x1F0A0]  }
0x434: {  	v6 =	vld [tilespmem:s8+$0x1F0B0];
	_ =	sdelay $0x2  }
0x435: {  	s8 =	sshll.u32 s4, $0x9  }
0x436: {  	s8 =	sshra.s32 s8, $0x2  }
0x437: {  	s9 =	sadd.s32 $0x1A4A0, s8  }
0x438: {  	v12 =	vld [tilespmem:s9+$0x10]  }
0x439: {  	p0 =	sne.s32 s6, $0x1;
	v9 =	vld [tilespmem:s9+$0xFFFFFFF0]  }
.Ltmp88:
0x43a: {  	v10 =	vld [tilespmem:s9+$0x0];
	(pc) =	sbr.rel @!p0 .LBB2_151-.Ltmp88, $2  }
0x43b: {  	v11 =	vld [tilespmem:s9+$0xFFFFFFE0];
	_ =	sdelay $0x2  }
0x43c: {  	s8 =	sadd.s32 $0xFFFFFFFF, s6;
	s9 =	sadd.s32 $0x80, s9;
	v6 =	vadd.f32 v12, v6  }
.LBB2_150:
0x43d: {  	v12 =	vld [tilespmem:s9+$0x10];
	p0 =	sne.s32 s8, $0x1;
	s8 =	sadd.s32 $0xFFFFFFFF, s8;
	v7 =	vadd.f32 v9, v7  }
.Ltmp89:
0x43e: {  	v5 =	vadd.f32 v10, v5;
	v9 =	vld [tilespmem:s9+$0xFFFFFFF0];
	(pc) =	sbr.rel @p0 .LBB2_150-.Ltmp89, $3  }
0x43f: {  	v8 =	vadd.f32 v11, v8;
	v10 =	vld [tilespmem:s9+$0x0]  }
0x440: {  	v11 =	vld [tilespmem:s9+$0xFFFFFFE0];
	_ =	sdelay $0x1  }
0x441: {  	s9 =	sadd.s32 $0x80, s9;
	v6 =	vadd.f32 v12, v6  }
.Ltmp90:
0x442: {  	_ = 	snop;
	(pc) =	sbr.rel .LBB2_151-.Ltmp90, $1  }
0x443: {  	_ =	sdelay $0x3  }
.LBB2_117:
0x444: {  	s6 =	smov.u32 s12  }
.LBB2_102:
0x445: {  	p0 =	sge.s32 s6, s1  }
.Ltmp91:
0x446: {  	_ = 	snop;
	(pc) =	sbr.rel @p0 .LBB2_18-.Ltmp91, $1  }
0x447: {  	_ =	sdelay $0x3  }
.LBB2_103:
.Ltmp92:
0x448: {  	(pc) =	sbr.rel .LBB2_104-.Ltmp92, $2  }
0x449: {  	_ =	sdelay $0x2  }
0x44a: {  	s11 =	simm.s32 $0x0;
	s12 =	smov.u32 s6  }
.LBB2_120:
0x44b: {  	s12 =	smov.u32 s16;
	s17 =	simm.s32 $0x2004000  }
.LBB2_146:
0x44c: {  	[tilespmem:s15], [sflag:$0x3] =	stream.linear.gather @p4 [hbm4b:s18+s2], $0x80, $0x38;
	[tilespmem:$0x1F580] =	vst v63  }
0x44d: {  	s14 =	spop @p3 (v2sf);
	v10 =	vmov s19  }
0x44e: {  	s14 =	sshll.u32 @p3 s14, $0x7;
	vm1 =	veq.s32 v10, v1  }
0x44f: {  	s14 =	sadd.s32 @p3 s14, s17;
	v9 =	vnsel vm1, $0x0, v9  }
0x450: {  	s14 =	sshrl.u32 @p3 s14, $0x3  }
0x451: {  	s15 =	smov.u32 @p3 s12;
	s14 =	sadd.s32 @p3 s3, s14  }
0x452: {  	s15 =	smov.u32 @p3 s15;
	(xrf0) =	vadd.scan.msk.s32 $0xffff, v9;
	v9, _, _ =	vpop @p0 (xrf0);
	s14 =	smov.u32 @p3 s14  }
0x453: {  	(v2sf) =	vpush @p0 v9, $0xF;
	[tilespmem:s15], [sflag:$0x3] =	stream.linear.gather @p3 [hbm4b:s14+s2], $0x80, $0x38;
	[tilespmem:$0x1F580] =	vst v63  }
0x454: {  	s14 =	sadd.s32 @p3 $0x200400, s17;
	s15 =	simm.s32 $0x2004000;
	s17 =	spop @p2 (v2sf)  }
0x455: {  	s15 =	smov.u32 @p3 s14;
	s14 =	sshll.u32 @p2 s17, $0x7  }
0x456: {  	s12 =	sadd.s32 @p3 $0x80, s12;
	s17 =	smov.u32 s16;
	s14 =	sadd.s32 @p2 s14, s15  }
0x457: {  	s17 =	smov.u32 @p3 s12;
	s12 =	sshrl.u32 @p2 s14, $0x3  }
0x458: {  	s14 =	smov.u32 @p2 s17;
	s12 =	sadd.s32 @p2 s3, s12  }
0x459: {  	v9, _, _ =	vpop (xrf0);
	s14 =	smov.u32 @p2 s14;
	s12 =	smov.u32 @p2 s12  }
0x45a: {  	(v2sf) =	vpush v9, $0xF;
	[tilespmem:s14], [sflag:$0x3] =	stream.linear.gather @p2 [hbm4b:s12+s2], $0x80, $0x38;
	[tilespmem:$0x1F580] =	vst v63  }
0x45b: {  	s12 =	sadd.s32 @p2 $0x200400, s15;
	s14 =	simm.s32 $0x2004000;
	s15 =	spop @p1 (v2sf)  }
0x45c: {  	s14 =	smov.u32 @p2 s12;
	s12 =	sshll.u32 @p1 s15, $0x7  }
0x45d: {  	s15 =	sadd.s32 @p2 $0x80, s17;
	s17 =	smov.u32 s16;
	s12 =	sadd.s32 @p1 s12, s14  }
0x45e: {  	s17 =	smov.u32 @p2 s15;
	s12 =	sshrl.u32 @p1 s12, $0x3  }
0x45f: {  	s15 =	smov.u32 @p1 s17;
	s12 =	sadd.s32 @p1 s3, s12  }
0x460: {  	s15 =	smov.u32 @p1 s15;
	s12 =	smov.u32 @p1 s12  }
0x461: {  	[tilespmem:s15], [sflag:$0x3] =	stream.linear.gather @p1 [hbm4b:s12+s2], $0x80, $0x38;
	[tilespmem:$0x1F580] =	vst v63  }
0x462: {  	s12 =	sadd.s32 @p1 $0x200400, s14;
	s14 =	simm.s32 $0x2004000;
	s15 =	spop @p0 (v2sf)  }
0x463: {  	s14 =	smov.u32 @p1 s12;
	s12 =	sshll.u32 @p0 s15, $0x7  }
0x464: {  	s15 =	sadd.s32 @p1 $0x80, s17;
	s17 =	smov.u32 s16;
	s12 =	sadd.s32 @p0 s12, s14  }
0x465: {  	s17 =	smov.u32 @p1 s15;
	s12 =	sshrl.u32 @p0 s12, $0x3  }
0x466: {  	s15 =	smov.u32 @p0 s17;
	s12 =	sadd.s32 @p0 s3, s12  }
0x467: {  	s15 =	smov.u32 @p0 s15;
	s12 =	smov.u32 @p0 s12  }
0x468: {  	[tilespmem:s15], [sflag:$0x3] =	stream.linear.gather @p0 [hbm4b:s12+s2], $0x80, $0x38;
	[tilespmem:$0x1F580] =	vst v63  }
0x469: {  	s18 =	spop (v2sf);
	s12 =	sadd.s32 @p0 $0x200400, s14  }
0x46a: {  	s19 =	sshll.u32 s18, $0x7;
	s13 =	smov.u32 @p0 s12  }
0x46b: {  	s12 =	sadd.s32 s19, s13  }
0x46c: {  	s13 =	sadd.s32 @p0 $0x80, s17;
	s12 =	sshrl.u32 s12, $0x3  }
0x46d: {  	s16 =	smov.u32 @p0 s13;
	s12 =	sadd.s32 s3, s12  }
0x46e: {  	[tilespmem:s16], [sflag:$0x3] =	stream.linear.gather [hbm4b:s12+s2], $0x80, $0x38;
	[tilespmem:$0x1F580] =	vst v63  }
.LBB2_147:
0x46f: {  	s12 =	sadd.s32 $0x1, s7  }
0x470: {  	s11 =	sadd.s32 s10, s11;
	p0 =	sge.s32 s12, s1  }
0x471: {  	p1 =	slt.s32 @!p0 s11, $0x6F  }
0x472: {  	p0 =	por p0, !p1  }
.Ltmp93:
0x473: {  	_ = 	snop;
	(pc) =	sbr.rel @p0 .LBB2_107-.Ltmp93, $1  }
0x474: {  	_ =	sdelay $0x3  }
.LBB2_104:
0x475: {  	s8 =	sand.u32 $0xFFFFFFF0, s12  }
0x476: {  	v9 =	vld [tilespmem:s8+$0x16000];
	_ =	sdelay $0x1  }
0x477: {  	s19 =	sand.u32 $0xF, s12  }
0x478: {  	v10 =	vmov s19  }
0x479: {  	vm1 =	veq.s32 v10, v1  }
0x47a: {  	v9 =	vnsel vm1, $0x0, v9  }
0x47b: {  	(xrf0) =	vadd.scan.msk.s32 $0xffff, v9;
	_ =	sdelay $0x5  }
0x47c: {  	v9, _, _ =	vpop (xrf0)  }
0x47d: {  	v9 =	vbroadcast v9, $0xF;
	_ =	sdelay $0x1  }
0x47e: {  	v10 =	vshll.u32 v9, $0x3  }
0x47f: {  	v9 =	vand.u32 $0x7F, v9;
	v10 =	vand.u32 $0xFFFFFC00, v10  }
0x480: {  	v9 =	vor.u32 v9, v10  }
0x481: {  	v10 =	vadd.s32 v2, v9;
	_ =	sdelay $0x2  }
0x482: {  	v9 =	vadd.s32 v4, v9;
	_ =	sdelay $0x1  }
0x483: {  	v10 =	vld.idx.msk [tilespmem:v10+s2+$0x0], $0xffff;
	_ =	sdelay $0x2  }
0x484: {  	v9 =	vld.idx.msk [tilespmem:v9+s2+$0x0], $0xffff;
	_ =	sdelay $0x1  }
0x485: {  	vm1 =	vne.s32 v10, $0x4000  }
0x486: {  	v11 =	vsel vm1, $0x1, v3  }
0x487: {  	(xrf0) =	vadd.scan.msk.s32 $0xffff, v11  }
0x488: {  	vm2 =	vne.s32 v9, $0x4000  }
0x489: {  	vm1 =	vmand vm2, vm0  }
0x48a: {  	v11 =	vsel vm1, $0x1, v3;
	_ =	sdelay $0x2  }
0x48b: {  	(xrf0) =	vadd.scan.msk.s32 $0xffff, v11;
	v11, _, _ =	vpop (xrf0)  }
0x48c: {  	(v2sf) =	vpush v11, $0xF;
	_ =	sdelay $0x4  }
0x48d: {  	v11, _, _ =	vpop (xrf0)  }
0x48e: {  	(v2sf) =	vpush v11, $0xF;
	_ =	sdelay $0x8  }
0x48f: {  	s8 =	spop (v2sf)  }
0x490: {  	p0 =	slt.s32 s8, $0x1  }
.Ltmp94:
0x491: {  	_ = 	snop;
	(pc) =	sbr.rel @p0 .LBB2_118-.Ltmp94, $2  }
0x492: {  	_ =	sdelay $0x2  }
0x493: {  	s7 =	smov.u32 s12;
	s9 =	smov.u32 s11;
	s10 =	spop (v2sf)  }
0x494: {  	p5 =	seq.s32 s8, $0x1  }
.Ltmp95:
0x495: {  	_ = 	snop;
	(pc) =	sbr.rel @p5 .LBB2_106-.Ltmp95, $4  }
0x496: {  	s11 =	sshll.u32 s9, $0x9  }
0x497: {  	s12 =	simm.s32 $0x0;
	s13 =	simm.s32 $0x1;
	p0 =	por $0x0, $0x0  }
0x498: {  	p1 =	por $0x0, $0x0;
	p2 =	por $0x0, $0x0;
	s11 =	sshra.s32 s11, $0x2  }
0x499: {  	p3 =	por $0x0, $0x0;
	p4 =	por $0x0, $0x0;
	s11 =	sadd.s32 $0x16480, s11  }
0x49a: {  	p5 =	seq.s32 s8, $0x2  }
.Ltmp96:
0x49b: {  	_ = 	snop;
	(pc) =	sbr.rel @p5 .LBB2_122-.Ltmp96, $4  }
0x49c: {  	v11 =	vmov s12  }
0x49d: {  	vm1 =	veq.s32 v11, v1  }
0x49e: {  	v11 =	vnsel vm1, $0x0, v10  }
0x49f: {  	s14 =	simm.s32 $0x2;
	p0 =	por $0x1, $0x1;
	(xrf0) =	vadd.scan.msk.s32 $0xffff, v11  }
0x4a0: {  	_ = 	snop  }
0x4a1: {  	p5 =	seq.s32 s8, $0x3  }
.Ltmp97:
0x4a2: {  	_ = 	snop;
	(pc) =	sbr.rel @p5 .LBB2_124-.Ltmp97, $4  }
0x4a3: {  	v11 =	vmov s13  }
0x4a4: {  	vm1 =	veq.s32 v11, v1  }
0x4a5: {  	v11 =	vnsel vm1, $0x0, v10;
	v12, _, _ =	vpop (xrf0)  }
0x4a6: {  	s13 =	simm.s32 $0x3;
	p1 =	por $0x1, $0x1;
	(xrf0) =	vadd.scan.msk.s32 $0xffff, v11;
	(v2sf) =	vpush v12, $0xF  }
0x4a7: {  	_ =	sdelay $0x4  }
0x4a8: {  	v12, _, _ =	vpop (xrf0)  }
0x4a9: {  	(v2sf) =	vpush v12, $0xF;
	_ =	sdelay $0x5  }
0x4aa: {  	p5 =	seq.s32 s8, $0x4  }
.Ltmp98:
0x4ab: {  	_ = 	snop;
	(pc) =	sbr.rel @p5 .LBB2_126-.Ltmp98, $4  }
0x4ac: {  	v11 =	vmov s14  }
0x4ad: {  	vm1 =	veq.s32 v11, v1  }
0x4ae: {  	v11 =	vnsel vm1, $0x0, v10  }
0x4af: {  	s14 =	simm.s32 $0x4;
	p2 =	por $0x1, $0x1;
	(xrf0) =	vadd.scan.msk.s32 $0xffff, v11  }
0x4b0: {  	_ =	sdelay $0x4  }
0x4b1: {  	v12, _, _ =	vpop (xrf0)  }
0x4b2: {  	(v2sf) =	vpush v12, $0xF;
	_ =	sdelay $0x1  }
0x4b3: {  	p5 =	seq.s32 s8, $0x5  }
.Ltmp99:
0x4b4: {  	_ = 	snop;
	(pc) =	sbr.rel @p5 .LBB2_128-.Ltmp99, $4  }
0x4b5: {  	v11 =	vmov s13  }
0x4b6: {  	vm1 =	veq.s32 v11, v1  }
0x4b7: {  	v11 =	vnsel vm1, $0x0, v10  }
0x4b8: {  	s13 =	simm.s32 $0x5;
	p3 =	por $0x1, $0x1;
	(xrf0) =	vadd.scan.msk.s32 $0xffff, v11  }
0x4b9: {  	_ =	sdelay $0x4  }
0x4ba: {  	v12, _, _ =	vpop (xrf0)  }
0x4bb: {  	(v2sf) =	vpush v12, $0xF;
	_ =	sdelay $0x1  }
0x4bc: {  	p5 =	seq.s32 s8, $0x6  }
.Ltmp100:
0x4bd: {  	s15 =	spop (v2sf);
	(pc) =	sbr.rel @p5 .LBB2_130-.Ltmp100, $4  }
0x4be: {  	v11 =	vmov s14;
	s15 =	sshll.u32 s15, $0x7  }
0x4bf: {  	s18 =	simm.s32 $0x6;
	vm1 =	veq.s32 v11, v1;
	s19 =	sadd.s32 $0x0, s15  }
0x4c0: {  	s16 =	simm.s32 $0x200400;
	p4 =	por $0x1, $0x1;
	v11 =	vnsel vm1, $0x0, v10;
	s14 =	sshrl.u32 s19, $0x3  }
0x4c1: {  	s15 =	smov.u32 s11;
	s17 =	sadd.s32 s3, s14;
	s14 =	sadd.s32 $0x80, s11;
	(xrf0) =	vadd.scan.msk.s32 $0xffff, v11  }
.LBB2_131:
0x4c2: {  	[tilespmem:s15], [sflag:$0x3] =	stream.linear.gather [hbm4b:s17+s2], $0x80, $0x38;
	[tilespmem:$0x1F580] =	vst v63  }
0x4c3: {  	v11 =	vmov s13;
	s13 =	smov.u32 s18;
	s18 =	sadd.s32 $0x1, s18  }
0x4c4: {  	s15 =	smov.u32 s14;
	p5 =	seq.s32 s8, s18  }
.Ltmp101:
0x4c5: {  	vm1 =	veq.s32 v11, v1;
	s17 =	spop (v2sf);
	(pc) =	sbr.rel @!p5 .LBB2_131-.Ltmp101, $4  }
0x4c6: {  	v12 =	vnsel vm1, $0x0, v10;
	s17 =	sshll.u32 s17, $0x7  }
0x4c7: {  	(xrf0) =	vadd.scan.msk.s32 $0xffff, v12;
	v11, _, _ =	vpop (xrf0);
	s17 =	sadd.s32 s17, s16  }
0x4c8: {  	(v2sf) =	vpush v11, $0xF;
	s17 =	sshrl.u32 s17, $0x3  }
0x4c9: {  	s14 =	sadd.s32 $0x80, s14;
	s16 =	sadd.s32 $0x200400, s16;
	s17 =	sadd.s32 s3, s17  }
0x4ca: {  	_ = 	snop  }
.LBB2_133:
0x4cb: {  	[tilespmem:s15], [sflag:$0x3] =	stream.linear.gather @p4 [hbm4b:s17+s2], $0x80, $0x38;
	[tilespmem:$0x1F580] =	vst v63  }
0x4cc: {  	s15 =	spop @p3 (v2sf);
	v11 =	vmov s13  }
0x4cd: {  	s15 =	sshll.u32 @p3 s15, $0x7;
	vm1 =	veq.s32 v11, v1  }
0x4ce: {  	s13 =	sadd.s32 @p3 s15, s16;
	v10 =	vnsel vm1, $0x0, v10  }
0x4cf: {  	s13 =	sshrl.u32 @p3 s13, $0x3  }
0x4d0: {  	s15 =	smov.u32 @p3 s14;
	s13 =	sadd.s32 @p3 s3, s13  }
0x4d1: {  	(xrf0) =	vadd.scan.msk.s32 $0xffff, v10;
	s15 =	smov.u32 @p3 s15;
	v10, _, _ =	vpop @p0 (xrf0);
	s13 =	smov.u32 @p3 s13  }
0x4d2: {  	(v2sf) =	vpush @p0 v10, $0xF;
	[tilespmem:s15], [sflag:$0x3] =	stream.linear.gather @p3 [hbm4b:s13+s2], $0x80, $0x38;
	[tilespmem:$0x1F580] =	vst v63  }
0x4d3: {  	s13 =	sadd.s32 @p3 $0x200400, s16;
	s15 =	simm.s32 $0x0;
	s16 =	spop @p2 (v2sf)  }
0x4d4: {  	s15 =	smov.u32 @p3 s13;
	s13 =	sshll.u32 @p2 s16, $0x7  }
0x4d5: {  	s14 =	sadd.s32 @p3 $0x80, s14;
	s16 =	smov.u32 s11;
	s13 =	sadd.s32 @p2 s13, s15  }
0x4d6: {  	s16 =	smov.u32 @p3 s14;
	s13 =	sshrl.u32 @p2 s13, $0x3  }
0x4d7: {  	s14 =	smov.u32 @p2 s16;
	s13 =	sadd.s32 @p2 s3, s13  }
0x4d8: {  	v10, _, _ =	vpop (xrf0);
	s14 =	smov.u32 @p2 s14;
	s13 =	smov.u32 @p2 s13  }
0x4d9: {  	(v2sf) =	vpush v10, $0xF;
	[tilespmem:s14], [sflag:$0x3] =	stream.linear.gather @p2 [hbm4b:s13+s2], $0x80, $0x38;
	[tilespmem:$0x1F580] =	vst v63  }
0x4da: {  	s13 =	sadd.s32 @p2 $0x200400, s15;
	s14 =	simm.s32 $0x0;
	s15 =	spop @p1 (v2sf)  }
0x4db: {  	s14 =	smov.u32 @p2 s13;
	s13 =	sshll.u32 @p1 s15, $0x7  }
0x4dc: {  	s15 =	sadd.s32 @p2 $0x80, s16;
	s16 =	smov.u32 s11;
	s13 =	sadd.s32 @p1 s13, s14  }
0x4dd: {  	s16 =	smov.u32 @p2 s15;
	s13 =	sshrl.u32 @p1 s13, $0x3  }
0x4de: {  	s15 =	smov.u32 @p1 s16;
	s13 =	sadd.s32 @p1 s3, s13  }
0x4df: {  	s15 =	smov.u32 @p1 s15;
	s13 =	smov.u32 @p1 s13  }
0x4e0: {  	[tilespmem:s15], [sflag:$0x3] =	stream.linear.gather @p1 [hbm4b:s13+s2], $0x80, $0x38;
	[tilespmem:$0x1F580] =	vst v63  }
0x4e1: {  	s13 =	sadd.s32 @p1 $0x200400, s14;
	s14 =	simm.s32 $0x0;
	s15 =	spop @p0 (v2sf)  }
0x4e2: {  	s14 =	smov.u32 @p1 s13;
	s13 =	sshll.u32 @p0 s15, $0x7  }
0x4e3: {  	s15 =	sadd.s32 @p1 $0x80, s16;
	s16 =	smov.u32 s11;
	s13 =	sadd.s32 @p0 s13, s14  }
0x4e4: {  	s16 =	smov.u32 @p1 s15;
	s13 =	sshrl.u32 @p0 s13, $0x3  }
0x4e5: {  	s15 =	smov.u32 @p0 s16;
	s13 =	sadd.s32 @p0 s3, s13  }
0x4e6: {  	s15 =	smov.u32 @p0 s15;
	s13 =	smov.u32 @p0 s13  }
0x4e7: {  	[tilespmem:s15], [sflag:$0x3] =	stream.linear.gather @p0 [hbm4b:s13+s2], $0x80, $0x38;
	[tilespmem:$0x1F580] =	vst v63  }
0x4e8: {  	s18 =	spop (v2sf);
	s13 =	sadd.s32 @p0 $0x200400, s14  }
0x4e9: {  	s19 =	sshll.u32 s18, $0x7;
	s12 =	smov.u32 @p0 s13  }
0x4ea: {  	s12 =	sadd.s32 s19, s12  }
0x4eb: {  	s13 =	sadd.s32 @p0 $0x80, s16;
	s12 =	sshrl.u32 s12, $0x3  }
0x4ec: {  	s11 =	smov.u32 @p0 s13;
	s12 =	sadd.s32 s3, s12  }
0x4ed: {  	[tilespmem:s11], [sflag:$0x3] =	stream.linear.gather [hbm4b:s12+s2], $0x80, $0x38;
	[tilespmem:$0x1F580] =	vst v63  }
.LBB2_118:
0x4ee: {  	p0 =	slt.s32 s10, $0x1  }
.Ltmp102:
0x4ef: {  	_ = 	snop;
	(pc) =	sbr.rel @p0 .LBB2_147-.Ltmp102, $2  }
0x4f0: {  	_ =	sdelay $0x2  }
0x4f1: {  	s11 =	sadd.s32 s9, s8  }
0x4f2: {  	p5 =	sne.s32 s10, $0x1  }
.Ltmp103:
0x4f3: {  	_ = 	snop;
	(pc) =	sbr.rel @!p5 .LBB2_120-.Ltmp103, $4  }
0x4f4: {  	s12 =	sshll.u32 s11, $0x9;
	s19 =	simm.s32 $0x0  }
0x4f5: {  	s13 =	simm.s32 $0x2004000;
	p0 =	por $0x0, $0x0;
	p1 =	por $0x0, $0x0  }
0x4f6: {  	p2 =	por $0x0, $0x0;
	p3 =	por $0x0, $0x0;
	s12 =	sshra.s32 s12, $0x2  }
0x4f7: {  	p4 =	por $0x0, $0x0;
	s16 =	sadd.s32 $0x16480, s12;
	s12 =	simm.s32 $0x1  }
0x4f8: {  	p5 =	sne.s32 s10, $0x2  }
.Ltmp104:
0x4f9: {  	_ = 	snop;
	(pc) =	sbr.rel @!p5 .LBB2_135-.Ltmp104, $4  }
0x4fa: {  	v10 =	vmov s19  }
0x4fb: {  	vm1 =	veq.s32 v10, v1  }
0x4fc: {  	v10 =	vnsel vm1, $0x0, v9  }
0x4fd: {  	s19 =	simm.s32 $0x2;
	p0 =	por $0x1, $0x1;
	(xrf0) =	vadd.scan.msk.s32 $0xffff, v10  }
0x4fe: {  	_ =	sdelay $0x4  }
0x4ff: {  	v11, _, _ =	vpop (xrf0)  }
0x500: {  	(v2sf) =	vpush v11, $0xF;
	_ =	sdelay $0x7  }
0x501: {  	p5 =	sne.s32 s10, $0x3  }
.Ltmp105:
0x502: {  	_ = 	snop;
	(pc) =	sbr.rel @!p5 .LBB2_137-.Ltmp105, $4  }
0x503: {  	v10 =	vmov s12  }
0x504: {  	vm1 =	veq.s32 v10, v1  }
0x505: {  	v10 =	vnsel vm1, $0x0, v9  }
0x506: {  	s12 =	simm.s32 $0x3;
	p1 =	por $0x1, $0x1;
	(xrf0) =	vadd.scan.msk.s32 $0xffff, v10  }
0x507: {  	_ =	sdelay $0x4  }
0x508: {  	v11, _, _ =	vpop (xrf0)  }
0x509: {  	(v2sf) =	vpush v11, $0xF;
	_ =	sdelay $0x5  }
0x50a: {  	p5 =	sne.s32 s10, $0x4  }
.Ltmp106:
0x50b: {  	_ = 	snop;
	(pc) =	sbr.rel @!p5 .LBB2_139-.Ltmp106, $4  }
0x50c: {  	v10 =	vmov s19  }
0x50d: {  	vm1 =	veq.s32 v10, v1  }
0x50e: {  	v10 =	vnsel vm1, $0x0, v9  }
0x50f: {  	s19 =	simm.s32 $0x4;
	p2 =	por $0x1, $0x1;
	(xrf0) =	vadd.scan.msk.s32 $0xffff, v10  }
0x510: {  	_ =	sdelay $0x4  }
0x511: {  	v11, _, _ =	vpop (xrf0)  }
0x512: {  	(v2sf) =	vpush v11, $0xF;
	_ =	sdelay $0x1  }
0x513: {  	p5 =	sne.s32 s10, $0x5  }
.Ltmp107:
0x514: {  	_ = 	snop;
	(pc) =	sbr.rel @!p5 .LBB2_141-.Ltmp107, $4  }
0x515: {  	v10 =	vmov s12  }
0x516: {  	vm1 =	veq.s32 v10, v1  }
0x517: {  	v10 =	vnsel vm1, $0x0, v9  }
0x518: {  	s14 =	simm.s32 $0x5;
	p3 =	por $0x1, $0x1;
	(xrf0) =	vadd.scan.msk.s32 $0xffff, v10  }
0x519: {  	_ =	sdelay $0x4  }
0x51a: {  	v11, _, _ =	vpop (xrf0)  }
0x51b: {  	(v2sf) =	vpush v11, $0xF;
	_ =	sdelay $0x1  }
0x51c: {  	p5 =	sne.s32 s10, $0x6  }
.Ltmp108:
0x51d: {  	s12 =	spop (v2sf);
	(pc) =	sbr.rel @!p5 .LBB2_143-.Ltmp108, $4  }
0x51e: {  	v10 =	vmov s19;
	s12 =	sshll.u32 s12, $0x7  }
0x51f: {  	s19 =	simm.s32 $0x6;
	vm1 =	veq.s32 v10, v1;
	s12 =	sadd.s32 $0x2004000, s12  }
0x520: {  	s17 =	simm.s32 $0x2204400;
	p4 =	por $0x1, $0x1;
	v10 =	vnsel vm1, $0x0, v9;
	s12 =	sshrl.u32 s12, $0x3  }
0x521: {  	s15 =	smov.u32 s16;
	s18 =	sadd.s32 s3, s12;
	s12 =	sadd.s32 $0x80, s16;
	(xrf0) =	vadd.scan.msk.s32 $0xffff, v10  }
.LBB2_144:
0x522: {  	[tilespmem:s15], [sflag:$0x3] =	stream.linear.gather [hbm4b:s18+s2], $0x80, $0x38;
	[tilespmem:$0x1F580] =	vst v63  }
0x523: {  	v10 =	vmov s14;
	s14 =	smov.u32 s19;
	s19 =	sadd.s32 $0x1, s19  }
0x524: {  	s15 =	smov.u32 s12;
	p5 =	sne.s32 s10, s19  }
.Ltmp109:
0x525: {  	vm1 =	veq.s32 v10, v1;
	s18 =	spop (v2sf);
	(pc) =	sbr.rel @p5 .LBB2_144-.Ltmp109, $4  }
0x526: {  	v11 =	vnsel vm1, $0x0, v9;
	s18 =	sshll.u32 s18, $0x7  }
0x527: {  	(xrf0) =	vadd.scan.msk.s32 $0xffff, v11;
	v10, _, _ =	vpop (xrf0);
	s18 =	sadd.s32 s18, s17  }
0x528: {  	(v2sf) =	vpush v10, $0xF;
	s18 =	sshrl.u32 s18, $0x3  }
0x529: {  	s12 =	sadd.s32 $0x80, s12;
	s17 =	sadd.s32 $0x200400, s17;
	s18 =	sadd.s32 s3, s18  }
.Ltmp110:
0x52a: {  	(pc) =	sbr.rel .LBB2_146-.Ltmp110, $2  }
0x52b: {  	_ =	sdelay $0x2  }
0x52c: {  	s19 =	smov.u32 s14  }
.LBB2_106:
.Ltmp111:
0x52d: {  	(pc) =	sbr.rel .LBB2_133-.Ltmp111, $2  }
0x52e: {  	_ =	sdelay $0x2  }
0x52f: {  	s13 =	simm.s32 $0x0;
	s14 =	smov.u32 s11;
	s16 =	simm.s32 $0x0  }
.LBB2_122:
.Ltmp112:
0x530: {  	(pc) =	sbr.rel .LBB2_133-.Ltmp112, $2  }
0x531: {  	_ =	sdelay $0x2  }
0x532: {  	s14 =	smov.u32 s11;
	s16 =	simm.s32 $0x0  }
.LBB2_135:
.Ltmp113:
0x533: {  	(pc) =	sbr.rel .LBB2_146-.Ltmp113, $2  }
0x534: {  	_ =	sdelay $0x2  }
0x535: {  	s19 =	simm.s32 $0x1;
	s12 =	smov.u32 s16;
	s17 =	simm.s32 $0x2004000  }
.LBB2_124:
.Ltmp114:
0x536: {  	(pc) =	sbr.rel .LBB2_133-.Ltmp114, $2  }
0x537: {  	_ =	sdelay $0x2  }
0x538: {  	s13 =	simm.s32 $0x2;
	s14 =	smov.u32 s11;
	s16 =	simm.s32 $0x0  }
.LBB2_137:
.Ltmp115:
0x539: {  	(pc) =	sbr.rel .LBB2_146-.Ltmp115, $2  }
0x53a: {  	_ =	sdelay $0x2  }
0x53b: {  	s12 =	smov.u32 s16;
	s17 =	simm.s32 $0x2004000  }
.LBB2_126:
.Ltmp116:
0x53c: {  	(pc) =	sbr.rel .LBB2_133-.Ltmp116, $2  }
0x53d: {  	_ =	sdelay $0x2  }
0x53e: {  	s14 =	smov.u32 s11;
	s16 =	simm.s32 $0x0  }
.LBB2_139:
.Ltmp117:
0x53f: {  	(pc) =	sbr.rel .LBB2_146-.Ltmp117, $2  }
0x540: {  	_ =	sdelay $0x2  }
0x541: {  	s19 =	simm.s32 $0x3;
	s12 =	smov.u32 s16;
	s17 =	simm.s32 $0x2004000  }
.LBB2_128:
.Ltmp118:
0x542: {  	(pc) =	sbr.rel .LBB2_133-.Ltmp118, $2  }
0x543: {  	_ =	sdelay $0x3  }
0x544: {  	s13 =	simm.s32 $0x4;
	s14 =	smov.u32 s11;
	s16 =	simm.s32 $0x0  }
.LBB2_141:
.Ltmp119:
0x545: {  	(pc) =	sbr.rel .LBB2_146-.Ltmp119, $2  }
0x546: {  	_ =	sdelay $0x3  }
0x547: {  	s12 =	smov.u32 s16;
	s17 =	simm.s32 $0x2004000  }
.LBB2_130:
.Ltmp120:
0x548: {  	(pc) =	sbr.rel .LBB2_133-.Ltmp120, $2  }
0x549: {  	_ =	sdelay $0x2  }
0x54a: {  	s15 =	smov.u32 s11  }
.LBB2_143:
.Ltmp121:
0x54b: {  	(pc) =	sbr.rel .LBB2_146-.Ltmp121, $2  }
0x54c: {  	_ =	sdelay $0x2  }
0x54d: {  	s19 =	simm.s32 $0x5;
	s15 =	smov.u32 s16  }
.LBB2_107:
0x54e: {  	p0 =	slt.s32 s11, $0x1  }
.Ltmp122:
0x54f: {  	_ = 	snop;
	(pc) =	sbr.rel @p0 .LBB2_111-.Ltmp122, $1  }
0x550: {  	_ =	sdelay $0x3  }
0x551: {  	s8 =	sadd.s32 s10, s8  }
0x552: {  	s8 =	sadd.s32 s9, s8  }
0x553: {  	p0 =	seq.s32 s8, $0x1  }
.Ltmp123:
0x554: {  	_ = 	snop;
	(pc) =	sbr.rel @p0 .LBB2_110-.Ltmp123, $3  }
0x555: {  	_ =	sdelay $0x1  }
0x556: {  	_ =	swait.ge [sflag:s25], $0x80  }
0x557: {  	[sflag:s25] =	ssyncset.done $0x0;
	s8 =	sadd.s32 $0xFFFFFFFF, s8  }
.LBB2_109:
0x558: {  	p0 =	seq.s32 s8, $0x1;
	s8 =	sadd.s32 $0xFFFFFFFF, s8;
	[sflag:s25] =	ssyncadd.s32 $0xFFFFFF80  }
.Ltmp124:
0x559: {  	(pc) =	sbr.rel @!p0 .LBB2_109-.Ltmp124, $3  }
0x55a: {  	_ =	sdelay $0x1  }
0x55b: {  	_ =	swait.ge [sflag:s25], $0x80  }
0x55c: {  	[sflag:s25] =	ssyncset.done $0x0  }
.LBB2_110:
0x55d: {  	[sflag:s25] =	ssyncadd.s32 $0xFFFFFF80  }
.LBB2_111:
0x55e: {  	p0 =	sgt.s32 s6, s7  }
.Ltmp125:
0x55f: {  	_ = 	snop;
	(pc) =	sbr.rel @p0 .LBB2_102-.Ltmp125, $4  }
.Ltmp126:
0x560: {  	_ = 	snop;
	(pc) =	sbr.rel @!p0 .LBB2_112-.Ltmp126, $4  }
0x561: {  	_ = 	snop  }
0x562: {  	_ = 	snop  }
0x563: {  	s8 =	simm.s32 $0x0  }
0x564: {  	_ = 	snop  }
.LBB2_115:
0x565: {  	v11 =	vadd.f32 v13, v11  }
0x566: {  	v9 =	vadd.f32 v14, v9;
	v12 =	vadd.f32 v15, v12  }
.LBB2_116:
0x567: {  	s10 =	sshll.u32 s10, $0x9;
	v11 =	vmul.f32 $5.263157930e-02, v11;
	p0 =	seq.s32 s6, s7  }
.Ltmp127:
0x568: {  	v10 =	vmul.f32 $5.263157930e-02, v10;
	s10 =	sshra.s32 s10, $0x2;
	(pc) =	sbr.rel @p0 .LBB2_117-.Ltmp127, $4  }
0x569: {  	v12 =	vmul.f32 $5.263157930e-02, v12;
	[tilespmem:s10+$0x6010] =	vst v11  }
0x56a: {  	v9 =	vmul.f32 $5.263157930e-02, v9;
	[tilespmem:s10+$0x6030] =	vst v10  }
0x56b: {  	s11 =	sadd.s32 $0x1, s6;
	[tilespmem:s10+$0x6000] =	vst v12  }
0x56c: {  	s8 =	sadd.s32 s8, s9;
	s6 =	smov.u32 s11;
	[tilespmem:s10+$0x6020] =	vst v9  }
.LBB2_112:
0x56d: {  	s9 =	sand.u32 $0xFFFFFFF0, s6  }
0x56e: {  	v9 =	vld [tilespmem:s9+$0x16000];
	_ =	sdelay $0x1  }
0x56f: {  	s18 =	sand.u32 $0xF, s6  }
0x570: {  	v10 =	vmov s18  }
0x571: {  	vm1 =	veq.s32 v10, v1  }
0x572: {  	v9 =	vnsel vm1, $0x0, v9  }
0x573: {  	(xrf0) =	vadd.scan.msk.s32 $0xffff, v9;
	_ =	sdelay $0x5  }
0x574: {  	v9, _, _ =	vpop (xrf0)  }
0x575: {  	v10 =	vbroadcast v9, $0xF;
	_ =	sdelay $0x1  }
0x576: {  	v11 =	vshll.u32 v10, $0x3  }
0x577: {  	v10 =	vand.u32 $0x7F, v10;
	v11 =	vand.u32 $0xFFFFFC00, v11  }
0x578: {  	v10 =	vor.u32 v10, v11  }
0x579: {  	v11 =	vadd.s32 v2, v10  }
0x57a: {  	v10 =	vadd.s32 v4, v10;
	_ =	sdelay $0x3  }
0x57b: {  	v11 =	vld.idx.msk [tilespmem:v11+s2+$0x0], $0xffff  }
0x57c: {  	v10 =	vld.idx.msk [tilespmem:v10+s2+$0x0], $0xffff;
	_ =	sdelay $0x4  }
0x57d: {  	vm1 =	vne.s32 v11, $0x4000;
	vm2 =	vne.s32 v10, $0x4000  }
0x57e: {  	vm2 =	vmand vm2, vm0;
	v10 =	vsel vm1, $0x1, v3  }
0x57f: {  	(xrf0) =	vadd.scan.msk.s32 $0xffff, v10;
	v10 =	vsel vm2, $0x1, v3  }
0x580: {  	(xrf0) =	vadd.scan.msk.s32 $0xffff, v10;
	_ =	sdelay $0x4  }
0x581: {  	(v2sf) =	vpush v9, $0xF;
	v10, _, _ =	vpop (xrf0)  }
0x582: {  	(v2sf) =	vpush v10, $0xF;
	v9, _, _ =	vpop (xrf0)  }
0x583: {  	(v2sf) =	vpush v9, $0xF;
	_ =	sdelay $0xc  }
0x584: {  	s10 =	spop (v2sf)  }
0x585: {  	s19 =	spop (v2sf)  }
0x586: {  	s11 =	spop (v2sf)  }
0x587: {  	s9 =	sadd.s32 s19, s11  }
0x588: {  	s11 =	sshll.u32 s9, $0x8  }
0x589: {  	s11 =	sshra.s32 s11, $0x2  }
0x58a: {  	p0 =	slt.s32 s9, $0x1;
	v11 =	vld [tilespmem:s11+$0x1F090]  }
.Ltmp128:
0x58b: {  	v9 =	vld [tilespmem:s11+$0x1F0A0];
	(pc) =	sbr.rel @p0 .LBB2_116-.Ltmp128, $2  }
0x58c: {  	v10 =	vld [tilespmem:s11+$0x1F0B0]  }
0x58d: {  	v12 =	vld [tilespmem:s11+$0x1F080];
	_ =	sdelay $0x2  }
0x58e: {  	s11 =	sshll.u32 s8, $0x9  }
0x58f: {  	s11 =	sshra.s32 s11, $0x2  }
0x590: {  	s13 =	sadd.s32 $0x164A0, s11  }
0x591: {  	v16 =	vld [tilespmem:s13+$0x10]  }
0x592: {  	p0 =	sne.s32 s9, $0x1;
	v13 =	vld [tilespmem:s13+$0xFFFFFFF0]  }
.Ltmp129:
0x593: {  	v14 =	vld [tilespmem:s13+$0x0];
	(pc) =	sbr.rel @!p0 .LBB2_115-.Ltmp129, $2  }
0x594: {  	v15 =	vld [tilespmem:s13+$0xFFFFFFE0];
	_ =	sdelay $0x2  }
0x595: {  	s11 =	sadd.s32 $0xFFFFFFFF, s9;
	s13 =	sadd.s32 $0x80, s13;
	v10 =	vadd.f32 v16, v10  }
.LBB2_114:
0x596: {  	v16 =	vld [tilespmem:s13+$0x10];
	p0 =	sne.s32 s11, $0x1;
	s11 =	sadd.s32 $0xFFFFFFFF, s11;
	v11 =	vadd.f32 v13, v11  }
.Ltmp130:
0x597: {  	v9 =	vadd.f32 v14, v9;
	v13 =	vld [tilespmem:s13+$0xFFFFFFF0];
	(pc) =	sbr.rel @p0 .LBB2_114-.Ltmp130, $3  }
0x598: {  	v12 =	vadd.f32 v15, v12;
	v14 =	vld [tilespmem:s13+$0x0]  }
0x599: {  	v15 =	vld [tilespmem:s13+$0xFFFFFFE0];
	_ =	sdelay $0x1  }
0x59a: {  	s13 =	sadd.s32 $0x80, s13;
	v10 =	vadd.f32 v16, v10  }
.Ltmp131:
0x59b: {  	_ = 	snop;
	(pc) =	sbr.rel .LBB2_115-.Ltmp131, $1  }
0x59c: {  	_ =	sdelay $0x3  }
.LBB2_153:
0x59d: {  	s1 =	smov.u32 s5  }
.LBB2_25:
0x59e: {  	p0 =	slt.s32 s1, s0  }
.Ltmp132:
0x59f: {  	_ = 	snop;
	(pc) =	sbr.rel @p0 .LBB2_155-.Ltmp132, $4  }
.Ltmp133:
0x5a0: {  	_ = 	snop;
	(pc) =	sbr.rel @!p0 .LBB2_26-.Ltmp133, $4  }
0x5a1: {  	_ = 	snop  }
0x5a2: {  	_ = 	snop  }
0x5a3: {  	_ = 	snop  }
0x5a4: {  	_ = 	snop  }
.LBB2_169:
0x5a5: {  	s1 =	smov.u32 s9  }
.LBB2_154:
0x5a6: {  	p0 =	sge.s32 s1, s0  }
.Ltmp134:
0x5a7: {  	_ = 	snop;
	(pc) =	sbr.rel @p0 .LBB2_26-.Ltmp134, $1  }
0x5a8: {  	_ =	sdelay $0x3  }
.LBB2_155:
.Ltmp135:
0x5a9: {  	(pc) =	sbr.rel .LBB2_156-.Ltmp135, $2  }
0x5aa: {  	_ =	sdelay $0x2  }
0x5ab: {  	s8 =	simm.s32 $0x0;
	s9 =	smov.u32 s1  }
.LBB2_172:
0x5ac: {  	s12 =	smov.u32 s9;
	s14 =	simm.s32 $0x2004000  }
.LBB2_198:
0x5ad: {  	[tilespmem:s13], [sflag:$0x4] =	stream.linear.gather @p4 [hbm4b:s15+s2], $0x80, $0x38;
	[tilespmem:$0x1F580] =	vst v63  }
0x5ae: {  	s13 =	spop @p3 (v2sf);
	v6 =	vmov s11  }
0x5af: {  	s13 =	sshll.u32 @p3 s13, $0x7;
	vm1 =	veq.s32 v6, v1  }
0x5b0: {  	s11 =	sadd.s32 @p3 s13, s14;
	v5 =	vnsel vm1, $0x0, v5  }
0x5b1: {  	s11 =	sshrl.u32 @p3 s11, $0x3  }
0x5b2: {  	s13 =	smov.u32 @p3 s12;
	s11 =	sadd.s32 @p3 s3, s11  }
0x5b3: {  	(xrf0) =	vadd.scan.msk.s32 $0xffff, v5;
	s13 =	smov.u32 @p3 s13;
	v5, _, _ =	vpop @p0 (xrf0);
	s11 =	smov.u32 @p3 s11  }
0x5b4: {  	(v2sf) =	vpush @p0 v5, $0xF;
	[tilespmem:s13], [sflag:$0x4] =	stream.linear.gather @p3 [hbm4b:s11+s2], $0x80, $0x38;
	[tilespmem:$0x1F580] =	vst v63  }
0x5b5: {  	s11 =	sadd.s32 @p3 $0x200400, s14;
	s13 =	simm.s32 $0x2004000;
	s14 =	spop @p2 (v2sf)  }
0x5b6: {  	s13 =	smov.u32 @p3 s11;
	s11 =	sshll.u32 @p2 s14, $0x7  }
0x5b7: {  	s12 =	sadd.s32 @p3 $0x80, s12;
	s14 =	smov.u32 s9;
	s11 =	sadd.s32 @p2 s11, s13  }
0x5b8: {  	s14 =	smov.u32 @p3 s12;
	s11 =	sshrl.u32 @p2 s11, $0x3  }
0x5b9: {  	s12 =	smov.u32 @p2 s14;
	s11 =	sadd.s32 @p2 s3, s11  }
0x5ba: {  	v5, _, _ =	vpop (xrf0);
	s12 =	smov.u32 @p2 s12;
	s11 =	smov.u32 @p2 s11  }
0x5bb: {  	(v2sf) =	vpush v5, $0xF;
	[tilespmem:s12], [sflag:$0x4] =	stream.linear.gather @p2 [hbm4b:s11+s2], $0x80, $0x38;
	[tilespmem:$0x1F580] =	vst v63  }
0x5bc: {  	s11 =	sadd.s32 @p2 $0x200400, s13;
	s12 =	simm.s32 $0x2004000;
	s13 =	spop @p1 (v2sf)  }
0x5bd: {  	s12 =	smov.u32 @p2 s11;
	s11 =	sshll.u32 @p1 s13, $0x7  }
0x5be: {  	s13 =	sadd.s32 @p2 $0x80, s14;
	s14 =	smov.u32 s9;
	s11 =	sadd.s32 @p1 s11, s12  }
0x5bf: {  	s14 =	smov.u32 @p2 s13;
	s11 =	sshrl.u32 @p1 s11, $0x3  }
0x5c0: {  	s13 =	smov.u32 @p1 s14;
	s11 =	sadd.s32 @p1 s3, s11  }
0x5c1: {  	s13 =	smov.u32 @p1 s13;
	s11 =	smov.u32 @p1 s11  }
0x5c2: {  	[tilespmem:s13], [sflag:$0x4] =	stream.linear.gather @p1 [hbm4b:s11+s2], $0x80, $0x38;
	[tilespmem:$0x1F580] =	vst v63  }
0x5c3: {  	s11 =	sadd.s32 @p1 $0x200400, s12;
	s12 =	simm.s32 $0x2004000;
	s13 =	spop @p0 (v2sf)  }
0x5c4: {  	s12 =	smov.u32 @p1 s11;
	s11 =	sshll.u32 @p0 s13, $0x7  }
0x5c5: {  	s13 =	sadd.s32 @p1 $0x80, s14;
	s14 =	smov.u32 s9;
	s11 =	sadd.s32 @p0 s11, s12  }
0x5c6: {  	s14 =	smov.u32 @p1 s13;
	s11 =	sshrl.u32 @p0 s11, $0x3  }
0x5c7: {  	s13 =	smov.u32 @p0 s14;
	s11 =	sadd.s32 @p0 s3, s11  }
0x5c8: {  	s13 =	smov.u32 @p0 s13;
	s11 =	smov.u32 @p0 s11  }
0x5c9: {  	[tilespmem:s13], [sflag:$0x4] =	stream.linear.gather @p0 [hbm4b:s11+s2], $0x80, $0x38;
	[tilespmem:$0x1F580] =	vst v63  }
0x5ca: {  	s18 =	spop (v2sf);
	s11 =	sadd.s32 @p0 $0x200400, s12  }
0x5cb: {  	s19 =	sshll.u32 s18, $0x7;
	s10 =	smov.u32 @p0 s11  }
0x5cc: {  	s10 =	sadd.s32 s19, s10  }
0x5cd: {  	s11 =	sadd.s32 @p0 $0x80, s14;
	s10 =	sshrl.u32 s10, $0x3  }
0x5ce: {  	s9 =	smov.u32 @p0 s11;
	s10 =	sadd.s32 s3, s10  }
0x5cf: {  	[tilespmem:s9], [sflag:$0x4] =	stream.linear.gather [hbm4b:s10+s2], $0x80, $0x38;
	[tilespmem:$0x1F580] =	vst v63  }
.LBB2_199:
0x5d0: {  	s9 =	sadd.s32 $0x1, s4  }
0x5d1: {  	s8 =	sadd.s32 s7, s8;
	p0 =	sge.s32 s9, s0  }
0x5d2: {  	p1 =	slt.s32 @!p0 s8, $0x6F  }
0x5d3: {  	p0 =	por p0, !p1  }
.Ltmp136:
0x5d4: {  	_ = 	snop;
	(pc) =	sbr.rel @p0 .LBB2_159-.Ltmp136, $1  }
0x5d5: {  	_ =	sdelay $0x3  }
.LBB2_156:
0x5d6: {  	s5 =	sand.u32 $0xFFFFFFF0, s9  }
0x5d7: {  	v5 =	vld [tilespmem:s5+$0x16000];
	_ =	sdelay $0x1  }
0x5d8: {  	s19 =	sand.u32 $0xF, s9  }
0x5d9: {  	v6 =	vmov s19  }
0x5da: {  	vm1 =	veq.s32 v6, v1  }
0x5db: {  	v5 =	vnsel vm1, $0x0, v5  }
0x5dc: {  	(xrf0) =	vadd.scan.msk.s32 $0xffff, v5;
	_ =	sdelay $0x5  }
0x5dd: {  	v5, _, _ =	vpop (xrf0)  }
0x5de: {  	v5 =	vbroadcast v5, $0xF;
	_ =	sdelay $0x1  }
0x5df: {  	v6 =	vshll.u32 v5, $0x3  }
0x5e0: {  	v5 =	vand.u32 $0x7F, v5;
	v6 =	vand.u32 $0xFFFFFC00, v6  }
0x5e1: {  	v5 =	vor.u32 v5, v6  }
0x5e2: {  	v6 =	vadd.s32 v2, v5;
	_ =	sdelay $0x2  }
0x5e3: {  	v5 =	vadd.s32 v4, v5;
	_ =	sdelay $0x1  }
0x5e4: {  	v6 =	vld.idx.msk [tilespmem:v6+s2+$0x0], $0xffff;
	_ =	sdelay $0x2  }
0x5e5: {  	v5 =	vld.idx.msk [tilespmem:v5+s2+$0x0], $0xffff;
	_ =	sdelay $0x1  }
0x5e6: {  	vm1 =	vne.s32 v6, $0x4000  }
0x5e7: {  	v7 =	vsel vm1, $0x1, v3  }
0x5e8: {  	(xrf0) =	vadd.scan.msk.s32 $0xffff, v7  }
0x5e9: {  	vm2 =	vne.s32 v5, $0x4000  }
0x5ea: {  	vm1 =	vmand vm2, vm0  }
0x5eb: {  	v7 =	vsel vm1, $0x1, v3;
	_ =	sdelay $0x2  }
0x5ec: {  	(xrf0) =	vadd.scan.msk.s32 $0xffff, v7;
	v7, _, _ =	vpop (xrf0)  }
0x5ed: {  	(v2sf) =	vpush v7, $0xF;
	_ =	sdelay $0x4  }
0x5ee: {  	v7, _, _ =	vpop (xrf0)  }
0x5ef: {  	(v2sf) =	vpush v7, $0xF;
	_ =	sdelay $0x8  }
0x5f0: {  	s5 =	spop (v2sf)  }
0x5f1: {  	p0 =	slt.s32 s5, $0x1  }
.Ltmp137:
0x5f2: {  	_ = 	snop;
	(pc) =	sbr.rel @p0 .LBB2_170-.Ltmp137, $2  }
0x5f3: {  	_ =	sdelay $0x2  }
0x5f4: {  	s4 =	smov.u32 s9;
	s6 =	smov.u32 s8;
	s7 =	spop (v2sf)  }
0x5f5: {  	p5 =	seq.s32 s5, $0x1  }
.Ltmp138:
0x5f6: {  	_ = 	snop;
	(pc) =	sbr.rel @p5 .LBB2_158-.Ltmp138, $4  }
0x5f7: {  	s8 =	sshll.u32 s6, $0x9  }
0x5f8: {  	s9 =	simm.s32 $0x0;
	s10 =	simm.s32 $0x1;
	p0 =	por $0x0, $0x0  }
0x5f9: {  	p1 =	por $0x0, $0x0;
	p2 =	por $0x0, $0x0;
	s8 =	sshra.s32 s8, $0x2  }
0x5fa: {  	p3 =	por $0x0, $0x0;
	p4 =	por $0x0, $0x0;
	s8 =	sadd.s32 $0x1A480, s8  }
0x5fb: {  	p5 =	seq.s32 s5, $0x2  }
.Ltmp139:
0x5fc: {  	_ = 	snop;
	(pc) =	sbr.rel @p5 .LBB2_174-.Ltmp139, $4  }
0x5fd: {  	v7 =	vmov s9  }
0x5fe: {  	vm1 =	veq.s32 v7, v1  }
0x5ff: {  	v7 =	vnsel vm1, $0x0, v6  }
0x600: {  	s11 =	simm.s32 $0x2;
	p0 =	por $0x1, $0x1;
	(xrf0) =	vadd.scan.msk.s32 $0xffff, v7  }
0x601: {  	_ = 	snop  }
0x602: {  	p5 =	seq.s32 s5, $0x3  }
.Ltmp140:
0x603: {  	_ = 	snop;
	(pc) =	sbr.rel @p5 .LBB2_176-.Ltmp140, $4  }
0x604: {  	v7 =	vmov s10  }
0x605: {  	vm1 =	veq.s32 v7, v1  }
0x606: {  	v7 =	vnsel vm1, $0x0, v6;
	v8, _, _ =	vpop (xrf0)  }
0x607: {  	s10 =	simm.s32 $0x3;
	p1 =	por $0x1, $0x1;
	(xrf0) =	vadd.scan.msk.s32 $0xffff, v7;
	(v2sf) =	vpush v8, $0xF  }
0x608: {  	_ =	sdelay $0x4  }
0x609: {  	v8, _, _ =	vpop (xrf0)  }
0x60a: {  	(v2sf) =	vpush v8, $0xF;
	_ =	sdelay $0x5  }
0x60b: {  	p5 =	seq.s32 s5, $0x4  }
.Ltmp141:
0x60c: {  	_ = 	snop;
	(pc) =	sbr.rel @p5 .LBB2_178-.Ltmp141, $4  }
0x60d: {  	v7 =	vmov s11  }
0x60e: {  	vm1 =	veq.s32 v7, v1  }
0x60f: {  	v7 =	vnsel vm1, $0x0, v6  }
0x610: {  	s11 =	simm.s32 $0x4;
	p2 =	por $0x1, $0x1;
	(xrf0) =	vadd.scan.msk.s32 $0xffff, v7  }
0x611: {  	_ =	sdelay $0x4  }
0x612: {  	v8, _, _ =	vpop (xrf0)  }
0x613: {  	(v2sf) =	vpush v8, $0xF;
	_ =	sdelay $0x1  }
0x614: {  	p5 =	seq.s32 s5, $0x5  }
.Ltmp142:
0x615: {  	_ = 	snop;
	(pc) =	sbr.rel @p5 .LBB2_180-.Ltmp142, $4  }
0x616: {  	v7 =	vmov s10  }
0x617: {  	vm1 =	veq.s32 v7, v1  }
0x618: {  	v7 =	vnsel vm1, $0x0, v6  }
0x619: {  	s10 =	simm.s32 $0x5;
	p3 =	por $0x1, $0x1;
	(xrf0) =	vadd.scan.msk.s32 $0xffff, v7  }
0x61a: {  	_ =	sdelay $0x4  }
0x61b: {  	v8, _, _ =	vpop (xrf0)  }
0x61c: {  	(v2sf) =	vpush v8, $0xF;
	_ =	sdelay $0x1  }
0x61d: {  	p5 =	seq.s32 s5, $0x6  }
.Ltmp143:
0x61e: {  	s12 =	spop (v2sf);
	(pc) =	sbr.rel @p5 .LBB2_182-.Ltmp143, $4  }
0x61f: {  	v7 =	vmov s11;
	s12 =	sshll.u32 s12, $0x7  }
0x620: {  	s15 =	simm.s32 $0x6;
	vm1 =	veq.s32 v7, v1;
	s19 =	sadd.s32 $0x0, s12  }
0x621: {  	s13 =	simm.s32 $0x200400;
	p4 =	por $0x1, $0x1;
	v7 =	vnsel vm1, $0x0, v6;
	s11 =	sshrl.u32 s19, $0x3  }
0x622: {  	s12 =	smov.u32 s8;
	s14 =	sadd.s32 s3, s11;
	s11 =	sadd.s32 $0x80, s8;
	(xrf0) =	vadd.scan.msk.s32 $0xffff, v7  }
.LBB2_183:
0x623: {  	[tilespmem:s12], [sflag:$0x4] =	stream.linear.gather [hbm4b:s14+s2], $0x80, $0x38;
	[tilespmem:$0x1F580] =	vst v63  }
0x624: {  	v7 =	vmov s10;
	s10 =	smov.u32 s15;
	s15 =	sadd.s32 $0x1, s15  }
0x625: {  	s12 =	smov.u32 s11;
	p5 =	seq.s32 s5, s15  }
.Ltmp144:
0x626: {  	vm1 =	veq.s32 v7, v1;
	s14 =	spop (v2sf);
	(pc) =	sbr.rel @!p5 .LBB2_183-.Ltmp144, $4  }
0x627: {  	v8 =	vnsel vm1, $0x0, v6;
	s14 =	sshll.u32 s14, $0x7  }
0x628: {  	(xrf0) =	vadd.scan.msk.s32 $0xffff, v8;
	v7, _, _ =	vpop (xrf0);
	s14 =	sadd.s32 s14, s13  }
0x629: {  	(v2sf) =	vpush v7, $0xF;
	s14 =	sshrl.u32 s14, $0x3  }
0x62a: {  	s11 =	sadd.s32 $0x80, s11;
	s13 =	sadd.s32 $0x200400, s13;
	s14 =	sadd.s32 s3, s14  }
0x62b: {  	_ = 	snop  }
.LBB2_185:
0x62c: {  	[tilespmem:s12], [sflag:$0x4] =	stream.linear.gather @p4 [hbm4b:s14+s2], $0x80, $0x38;
	[tilespmem:$0x1F580] =	vst v63  }
0x62d: {  	s12 =	spop @p3 (v2sf);
	v7 =	vmov s10  }
0x62e: {  	s12 =	sshll.u32 @p3 s12, $0x7;
	vm1 =	veq.s32 v7, v1  }
0x62f: {  	s10 =	sadd.s32 @p3 s12, s13;
	v6 =	vnsel vm1, $0x0, v6  }
0x630: {  	s10 =	sshrl.u32 @p3 s10, $0x3  }
0x631: {  	s12 =	smov.u32 @p3 s11;
	s10 =	sadd.s32 @p3 s3, s10  }
0x632: {  	(xrf0) =	vadd.scan.msk.s32 $0xffff, v6;
	s12 =	smov.u32 @p3 s12;
	v6, _, _ =	vpop @p0 (xrf0);
	s10 =	smov.u32 @p3 s10  }
0x633: {  	(v2sf) =	vpush @p0 v6, $0xF;
	[tilespmem:s12], [sflag:$0x4] =	stream.linear.gather @p3 [hbm4b:s10+s2], $0x80, $0x38;
	[tilespmem:$0x1F580] =	vst v63  }
0x634: {  	s10 =	sadd.s32 @p3 $0x200400, s13;
	s12 =	simm.s32 $0x0;
	s13 =	spop @p2 (v2sf)  }
0x635: {  	s12 =	smov.u32 @p3 s10;
	s10 =	sshll.u32 @p2 s13, $0x7  }
0x636: {  	s11 =	sadd.s32 @p3 $0x80, s11;
	s13 =	smov.u32 s8;
	s10 =	sadd.s32 @p2 s10, s12  }
0x637: {  	s13 =	smov.u32 @p3 s11;
	s10 =	sshrl.u32 @p2 s10, $0x3  }
0x638: {  	s11 =	smov.u32 @p2 s13;
	s10 =	sadd.s32 @p2 s3, s10  }
0x639: {  	v6, _, _ =	vpop (xrf0);
	s11 =	smov.u32 @p2 s11;
	s10 =	smov.u32 @p2 s10  }
0x63a: {  	(v2sf) =	vpush v6, $0xF;
	[tilespmem:s11], [sflag:$0x4] =	stream.linear.gather @p2 [hbm4b:s10+s2], $0x80, $0x38;
	[tilespmem:$0x1F580] =	vst v63  }
0x63b: {  	s10 =	sadd.s32 @p2 $0x200400, s12;
	s11 =	simm.s32 $0x0;
	s12 =	spop @p1 (v2sf)  }
0x63c: {  	s11 =	smov.u32 @p2 s10;
	s10 =	sshll.u32 @p1 s12, $0x7  }
0x63d: {  	s12 =	sadd.s32 @p2 $0x80, s13;
	s13 =	smov.u32 s8;
	s10 =	sadd.s32 @p1 s10, s11  }
0x63e: {  	s13 =	smov.u32 @p2 s12;
	s10 =	sshrl.u32 @p1 s10, $0x3  }
0x63f: {  	s12 =	smov.u32 @p1 s13;
	s10 =	sadd.s32 @p1 s3, s10  }
0x640: {  	s12 =	smov.u32 @p1 s12;
	s10 =	smov.u32 @p1 s10  }
0x641: {  	[tilespmem:s12], [sflag:$0x4] =	stream.linear.gather @p1 [hbm4b:s10+s2], $0x80, $0x38;
	[tilespmem:$0x1F580] =	vst v63  }
0x642: {  	s10 =	sadd.s32 @p1 $0x200400, s11;
	s11 =	simm.s32 $0x0;
	s12 =	spop @p0 (v2sf)  }
0x643: {  	s11 =	smov.u32 @p1 s10;
	s10 =	sshll.u32 @p0 s12, $0x7  }
0x644: {  	s12 =	sadd.s32 @p1 $0x80, s13;
	s13 =	smov.u32 s8;
	s10 =	sadd.s32 @p0 s10, s11  }
0x645: {  	s13 =	smov.u32 @p1 s12;
	s10 =	sshrl.u32 @p0 s10, $0x3  }
0x646: {  	s12 =	smov.u32 @p0 s13;
	s10 =	sadd.s32 @p0 s3, s10  }
0x647: {  	s12 =	smov.u32 @p0 s12;
	s10 =	smov.u32 @p0 s10  }
0x648: {  	[tilespmem:s12], [sflag:$0x4] =	stream.linear.gather @p0 [hbm4b:s10+s2], $0x80, $0x38;
	[tilespmem:$0x1F580] =	vst v63  }
0x649: {  	s18 =	spop (v2sf);
	s10 =	sadd.s32 @p0 $0x200400, s11  }
0x64a: {  	s19 =	sshll.u32 s18, $0x7;
	s9 =	smov.u32 @p0 s10  }
0x64b: {  	s9 =	sadd.s32 s19, s9  }
0x64c: {  	s10 =	sadd.s32 @p0 $0x80, s13;
	s9 =	sshrl.u32 s9, $0x3  }
0x64d: {  	s8 =	smov.u32 @p0 s10;
	s9 =	sadd.s32 s3, s9  }
0x64e: {  	[tilespmem:s8], [sflag:$0x4] =	stream.linear.gather [hbm4b:s9+s2], $0x80, $0x38;
	[tilespmem:$0x1F580] =	vst v63  }
.LBB2_170:
0x64f: {  	p0 =	slt.s32 s7, $0x1  }
.Ltmp145:
0x650: {  	_ = 	snop;
	(pc) =	sbr.rel @p0 .LBB2_199-.Ltmp145, $2  }
0x651: {  	_ =	sdelay $0x2  }
0x652: {  	s8 =	sadd.s32 s6, s5  }
0x653: {  	p5 =	sne.s32 s7, $0x1  }
.Ltmp146:
0x654: {  	_ = 	snop;
	(pc) =	sbr.rel @!p5 .LBB2_172-.Ltmp146, $4  }
0x655: {  	s9 =	sshll.u32 s8, $0x9;
	s11 =	simm.s32 $0x0  }
0x656: {  	s10 =	simm.s32 $0x2004000;
	s12 =	simm.s32 $0x1;
	p0 =	por $0x0, $0x0  }
0x657: {  	p1 =	por $0x0, $0x0;
	p2 =	por $0x0, $0x0;
	s9 =	sshra.s32 s9, $0x2  }
0x658: {  	p3 =	por $0x0, $0x0;
	p4 =	por $0x0, $0x0;
	s9 =	sadd.s32 $0x1A480, s9  }
0x659: {  	p5 =	sne.s32 s7, $0x2  }
.Ltmp147:
0x65a: {  	_ = 	snop;
	(pc) =	sbr.rel @!p5 .LBB2_187-.Ltmp147, $4  }
0x65b: {  	v6 =	vmov s11  }
0x65c: {  	vm1 =	veq.s32 v6, v1  }
0x65d: {  	v6 =	vnsel vm1, $0x0, v5  }
0x65e: {  	s11 =	simm.s32 $0x2;
	p0 =	por $0x1, $0x1;
	(xrf0) =	vadd.scan.msk.s32 $0xffff, v6  }
0x65f: {  	_ =	sdelay $0x4  }
0x660: {  	v7, _, _ =	vpop (xrf0)  }
0x661: {  	(v2sf) =	vpush v7, $0xF;
	_ =	sdelay $0x7  }
0x662: {  	p5 =	sne.s32 s7, $0x3  }
.Ltmp148:
0x663: {  	_ = 	snop;
	(pc) =	sbr.rel @!p5 .LBB2_189-.Ltmp148, $4  }
0x664: {  	v6 =	vmov s12  }
0x665: {  	vm1 =	veq.s32 v6, v1  }
0x666: {  	v6 =	vnsel vm1, $0x0, v5  }
0x667: {  	s12 =	simm.s32 $0x3;
	p1 =	por $0x1, $0x1;
	(xrf0) =	vadd.scan.msk.s32 $0xffff, v6  }
0x668: {  	_ =	sdelay $0x4  }
0x669: {  	v7, _, _ =	vpop (xrf0)  }
0x66a: {  	(v2sf) =	vpush v7, $0xF;
	_ =	sdelay $0x5  }
0x66b: {  	p5 =	sne.s32 s7, $0x4  }
.Ltmp149:
0x66c: {  	_ = 	snop;
	(pc) =	sbr.rel @!p5 .LBB2_191-.Ltmp149, $4  }
0x66d: {  	v6 =	vmov s11  }
0x66e: {  	vm1 =	veq.s32 v6, v1  }
0x66f: {  	v6 =	vnsel vm1, $0x0, v5  }
0x670: {  	s11 =	simm.s32 $0x4;
	p2 =	por $0x1, $0x1;
	(xrf0) =	vadd.scan.msk.s32 $0xffff, v6  }
0x671: {  	_ =	sdelay $0x4  }
0x672: {  	v7, _, _ =	vpop (xrf0)  }
0x673: {  	(v2sf) =	vpush v7, $0xF;
	_ =	sdelay $0x1  }
0x674: {  	p5 =	sne.s32 s7, $0x5  }
.Ltmp150:
0x675: {  	_ = 	snop;
	(pc) =	sbr.rel @!p5 .LBB2_193-.Ltmp150, $4  }
0x676: {  	v6 =	vmov s12  }
0x677: {  	vm1 =	veq.s32 v6, v1  }
0x678: {  	v6 =	vnsel vm1, $0x0, v5  }
0x679: {  	s16 =	simm.s32 $0x5;
	p3 =	por $0x1, $0x1;
	(xrf0) =	vadd.scan.msk.s32 $0xffff, v6  }
0x67a: {  	_ =	sdelay $0x4  }
0x67b: {  	v7, _, _ =	vpop (xrf0)  }
0x67c: {  	(v2sf) =	vpush v7, $0xF;
	_ =	sdelay $0x1  }
0x67d: {  	p5 =	sne.s32 s7, $0x6  }
.Ltmp151:
0x67e: {  	s12 =	spop (v2sf);
	(pc) =	sbr.rel @!p5 .LBB2_195-.Ltmp151, $4  }
0x67f: {  	v6 =	vmov s11;
	s12 =	sshll.u32 s12, $0x7  }
0x680: {  	s11 =	simm.s32 $0x6;
	vm1 =	veq.s32 v6, v1;
	s19 =	sadd.s32 $0x2004000, s12  }
0x681: {  	s14 =	simm.s32 $0x2204400;
	p4 =	por $0x1, $0x1;
	v6 =	vnsel vm1, $0x0, v5;
	s12 =	sshrl.u32 s19, $0x3  }
0x682: {  	s13 =	smov.u32 s9;
	s15 =	sadd.s32 s3, s12;
	s12 =	sadd.s32 $0x80, s9;
	(xrf0) =	vadd.scan.msk.s32 $0xffff, v6  }
.LBB2_196:
0x683: {  	[tilespmem:s13], [sflag:$0x4] =	stream.linear.gather [hbm4b:s15+s2], $0x80, $0x38;
	[tilespmem:$0x1F580] =	vst v63  }
0x684: {  	v6 =	vmov s16;
	s16 =	smov.u32 s11;
	s11 =	sadd.s32 $0x1, s11  }
0x685: {  	s13 =	smov.u32 s12;
	p5 =	sne.s32 s7, s11  }
.Ltmp152:
0x686: {  	vm1 =	veq.s32 v6, v1;
	s15 =	spop (v2sf);
	(pc) =	sbr.rel @p5 .LBB2_196-.Ltmp152, $4  }
0x687: {  	v7 =	vnsel vm1, $0x0, v5;
	s15 =	sshll.u32 s15, $0x7  }
0x688: {  	(xrf0) =	vadd.scan.msk.s32 $0xffff, v7;
	v6, _, _ =	vpop (xrf0);
	s15 =	sadd.s32 s15, s14  }
0x689: {  	(v2sf) =	vpush v6, $0xF;
	s15 =	sshrl.u32 s15, $0x3  }
0x68a: {  	s12 =	sadd.s32 $0x80, s12;
	s14 =	sadd.s32 $0x200400, s14;
	s15 =	sadd.s32 s3, s15  }
.Ltmp153:
0x68b: {  	(pc) =	sbr.rel .LBB2_198-.Ltmp153, $2  }
0x68c: {  	_ =	sdelay $0x2  }
0x68d: {  	s11 =	smov.u32 s16  }
.LBB2_158:
.Ltmp154:
0x68e: {  	(pc) =	sbr.rel .LBB2_185-.Ltmp154, $2  }
0x68f: {  	_ =	sdelay $0x2  }
0x690: {  	s10 =	simm.s32 $0x0;
	s11 =	smov.u32 s8;
	s13 =	simm.s32 $0x0  }
.LBB2_174:
.Ltmp155:
0x691: {  	(pc) =	sbr.rel .LBB2_185-.Ltmp155, $2  }
0x692: {  	_ =	sdelay $0x2  }
0x693: {  	s11 =	smov.u32 s8;
	s13 =	simm.s32 $0x0  }
.LBB2_187:
.Ltmp156:
0x694: {  	(pc) =	sbr.rel .LBB2_198-.Ltmp156, $2  }
0x695: {  	_ =	sdelay $0x2  }
0x696: {  	s11 =	simm.s32 $0x1;
	s12 =	smov.u32 s9;
	s14 =	simm.s32 $0x2004000  }
.LBB2_176:
.Ltmp157:
0x697: {  	(pc) =	sbr.rel .LBB2_185-.Ltmp157, $2  }
0x698: {  	_ =	sdelay $0x2  }
0x699: {  	s10 =	simm.s32 $0x2;
	s11 =	smov.u32 s8;
	s13 =	simm.s32 $0x0  }
.LBB2_189:
.Ltmp158:
0x69a: {  	(pc) =	sbr.rel .LBB2_198-.Ltmp158, $2  }
0x69b: {  	_ =	sdelay $0x2  }
0x69c: {  	s12 =	smov.u32 s9;
	s14 =	simm.s32 $0x2004000  }
.LBB2_178:
.Ltmp159:
0x69d: {  	(pc) =	sbr.rel .LBB2_185-.Ltmp159, $2  }
0x69e: {  	_ =	sdelay $0x2  }
0x69f: {  	s11 =	smov.u32 s8;
	s13 =	simm.s32 $0x0  }
.LBB2_191:
.Ltmp160:
0x6a0: {  	(pc) =	sbr.rel .LBB2_198-.Ltmp160, $2  }
0x6a1: {  	_ =	sdelay $0x2  }
0x6a2: {  	s11 =	simm.s32 $0x3;
	s12 =	smov.u32 s9;
	s14 =	simm.s32 $0x2004000  }
.LBB2_180:
.Ltmp161:
0x6a3: {  	(pc) =	sbr.rel .LBB2_185-.Ltmp161, $2  }
0x6a4: {  	_ =	sdelay $0x3  }
0x6a5: {  	s10 =	simm.s32 $0x4;
	s11 =	smov.u32 s8;
	s13 =	simm.s32 $0x0  }
.LBB2_193:
.Ltmp162:
0x6a6: {  	(pc) =	sbr.rel .LBB2_198-.Ltmp162, $2  }
0x6a7: {  	_ =	sdelay $0x3  }
0x6a8: {  	s12 =	smov.u32 s9;
	s14 =	simm.s32 $0x2004000  }
.LBB2_182:
.Ltmp163:
0x6a9: {  	(pc) =	sbr.rel .LBB2_185-.Ltmp163, $2  }
0x6aa: {  	_ =	sdelay $0x2  }
0x6ab: {  	s12 =	smov.u32 s8  }
.LBB2_195:
.Ltmp164:
0x6ac: {  	(pc) =	sbr.rel .LBB2_198-.Ltmp164, $2  }
0x6ad: {  	_ =	sdelay $0x2  }
0x6ae: {  	s11 =	simm.s32 $0x5;
	s13 =	smov.u32 s9  }
.LBB2_159:
0x6af: {  	p0 =	slt.s32 s8, $0x1  }
.Ltmp165:
0x6b0: {  	_ = 	snop;
	(pc) =	sbr.rel @p0 .LBB2_163-.Ltmp165, $1  }
0x6b1: {  	_ =	sdelay $0x3  }
0x6b2: {  	s5 =	sadd.s32 s7, s5  }
0x6b3: {  	s5 =	sadd.s32 s6, s5  }
0x6b4: {  	p0 =	seq.s32 s5, $0x1  }
.Ltmp166:
0x6b5: {  	_ = 	snop;
	(pc) =	sbr.rel @p0 .LBB2_162-.Ltmp166, $3  }
0x6b6: {  	_ =	sdelay $0x1  }
0x6b7: {  	_ =	swait.ge [sflag:s29], $0x80  }
0x6b8: {  	[sflag:s29] =	ssyncset.done $0x0;
	s5 =	sadd.s32 $0xFFFFFFFF, s5  }
.LBB2_161:
0x6b9: {  	p0 =	seq.s32 s5, $0x1;
	s5 =	sadd.s32 $0xFFFFFFFF, s5;
	[sflag:s29] =	ssyncadd.s32 $0xFFFFFF80  }
.Ltmp167:
0x6ba: {  	(pc) =	sbr.rel @!p0 .LBB2_161-.Ltmp167, $3  }
0x6bb: {  	_ =	sdelay $0x1  }
0x6bc: {  	_ =	swait.ge [sflag:s29], $0x80  }
0x6bd: {  	[sflag:s29] =	ssyncset.done $0x0  }
.LBB2_162:
0x6be: {  	[sflag:s29] =	ssyncadd.s32 $0xFFFFFF80  }
.LBB2_163:
0x6bf: {  	p0 =	sgt.s32 s1, s4  }
.Ltmp168:
0x6c0: {  	_ = 	snop;
	(pc) =	sbr.rel @p0 .LBB2_154-.Ltmp168, $4  }
.Ltmp169:
0x6c1: {  	_ = 	snop;
	(pc) =	sbr.rel @!p0 .LBB2_164-.Ltmp169, $4  }
0x6c2: {  	_ = 	snop  }
0x6c3: {  	_ = 	snop  }
0x6c4: {  	s5 =	simm.s32 $0x0  }
0x6c5: {  	_ = 	snop  }
.LBB2_167:
0x6c6: {  	v7 =	vadd.f32 v9, v7  }
0x6c7: {  	v5 =	vadd.f32 v10, v5;
	v8 =	vadd.f32 v11, v8  }
.LBB2_168:
0x6c8: {  	s7 =	sshll.u32 s7, $0x9;
	v7 =	vmul.f32 $5.263157930e-02, v7;
	p0 =	seq.s32 s1, s4  }
.Ltmp170:
0x6c9: {  	v6 =	vmul.f32 $5.263157930e-02, v6;
	s7 =	sshra.s32 s7, $0x2;
	(pc) =	sbr.rel @p0 .LBB2_169-.Ltmp170, $4  }
0x6ca: {  	v8 =	vmul.f32 $5.263157930e-02, v8;
	[tilespmem:s7+$0xFFFF6010] =	vst v7  }
0x6cb: {  	v5 =	vmul.f32 $5.263157930e-02, v5;
	[tilespmem:s7+$0xFFFF6030] =	vst v6  }
0x6cc: {  	s8 =	sadd.s32 $0x1, s1;
	[tilespmem:s7+$0xFFFF6000] =	vst v8  }
0x6cd: {  	s5 =	sadd.s32 s5, s6;
	s1 =	smov.u32 s8;
	[tilespmem:s7+$0xFFFF6020] =	vst v5  }
.LBB2_164:
0x6ce: {  	s6 =	sand.u32 $0xFFFFFFF0, s1  }
0x6cf: {  	v5 =	vld [tilespmem:s6+$0x16000];
	_ =	sdelay $0x1  }
0x6d0: {  	s18 =	sand.u32 $0xF, s1  }
0x6d1: {  	v6 =	vmov s18  }
0x6d2: {  	vm1 =	veq.s32 v6, v1  }
0x6d3: {  	v5 =	vnsel vm1, $0x0, v5  }
0x6d4: {  	(xrf0) =	vadd.scan.msk.s32 $0xffff, v5;
	_ =	sdelay $0x5  }
0x6d5: {  	v5, _, _ =	vpop (xrf0)  }
0x6d6: {  	v6 =	vbroadcast v5, $0xF;
	_ =	sdelay $0x1  }
0x6d7: {  	v7 =	vshll.u32 v6, $0x3  }
0x6d8: {  	v6 =	vand.u32 $0x7F, v6;
	v7 =	vand.u32 $0xFFFFFC00, v7  }
0x6d9: {  	v6 =	vor.u32 v6, v7  }
0x6da: {  	v7 =	vadd.s32 v2, v6  }
0x6db: {  	v6 =	vadd.s32 v4, v6;
	_ =	sdelay $0x3  }
0x6dc: {  	v7 =	vld.idx.msk [tilespmem:v7+s2+$0x0], $0xffff  }
0x6dd: {  	v6 =	vld.idx.msk [tilespmem:v6+s2+$0x0], $0xffff;
	_ =	sdelay $0x4  }
0x6de: {  	vm1 =	vne.s32 v7, $0x4000;
	vm2 =	vne.s32 v6, $0x4000  }
0x6df: {  	vm2 =	vmand vm2, vm0;
	v6 =	vsel vm1, $0x1, v3  }
0x6e0: {  	(xrf0) =	vadd.scan.msk.s32 $0xffff, v6;
	v6 =	vsel vm2, $0x1, v3  }
0x6e1: {  	(xrf0) =	vadd.scan.msk.s32 $0xffff, v6;
	_ =	sdelay $0x4  }
0x6e2: {  	(v2sf) =	vpush v5, $0xF;
	v6, _, _ =	vpop (xrf0)  }
0x6e3: {  	(v2sf) =	vpush v6, $0xF;
	v5, _, _ =	vpop (xrf0)  }
0x6e4: {  	(v2sf) =	vpush v5, $0xF;
	_ =	sdelay $0xc  }
0x6e5: {  	s7 =	spop (v2sf)  }
0x6e6: {  	s19 =	spop (v2sf)  }
0x6e7: {  	s8 =	spop (v2sf)  }
0x6e8: {  	s6 =	sadd.s32 s19, s8  }
0x6e9: {  	s8 =	sshll.u32 s6, $0x8  }
0x6ea: {  	s8 =	sshra.s32 s8, $0x2  }
0x6eb: {  	p0 =	slt.s32 s6, $0x1;
	v7 =	vld [tilespmem:s8+$0x1F090]  }
.Ltmp171:
0x6ec: {  	v5 =	vld [tilespmem:s8+$0x1F0A0];
	(pc) =	sbr.rel @p0 .LBB2_168-.Ltmp171, $2  }
0x6ed: {  	v6 =	vld [tilespmem:s8+$0x1F0B0]  }
0x6ee: {  	v8 =	vld [tilespmem:s8+$0x1F080];
	_ =	sdelay $0x2  }
0x6ef: {  	s8 =	sshll.u32 s5, $0x9  }
0x6f0: {  	s8 =	sshra.s32 s8, $0x2  }
0x6f1: {  	s10 =	sadd.s32 $0x1A4A0, s8  }
0x6f2: {  	v12 =	vld [tilespmem:s10+$0x10]  }
0x6f3: {  	p0 =	sne.s32 s6, $0x1;
	v9 =	vld [tilespmem:s10+$0xFFFFFFF0]  }
.Ltmp172:
0x6f4: {  	v10 =	vld [tilespmem:s10+$0x0];
	(pc) =	sbr.rel @!p0 .LBB2_167-.Ltmp172, $2  }
0x6f5: {  	v11 =	vld [tilespmem:s10+$0xFFFFFFE0];
	_ =	sdelay $0x2  }
0x6f6: {  	s8 =	sadd.s32 $0xFFFFFFFF, s6;
	s10 =	sadd.s32 $0x80, s10;
	v6 =	vadd.f32 v12, v6  }
.LBB2_166:
0x6f7: {  	v12 =	vld [tilespmem:s10+$0x10];
	p0 =	sne.s32 s8, $0x1;
	s8 =	sadd.s32 $0xFFFFFFFF, s8;
	v7 =	vadd.f32 v9, v7  }
.Ltmp173:
0x6f8: {  	v5 =	vadd.f32 v10, v5;
	v9 =	vld [tilespmem:s10+$0xFFFFFFF0];
	(pc) =	sbr.rel @p0 .LBB2_166-.Ltmp173, $3  }
0x6f9: {  	v8 =	vadd.f32 v11, v8;
	v10 =	vld [tilespmem:s10+$0x0]  }
0x6fa: {  	v11 =	vld [tilespmem:s10+$0xFFFFFFE0];
	_ =	sdelay $0x1  }
0x6fb: {  	s10 =	sadd.s32 $0x80, s10;
	v6 =	vadd.f32 v12, v6  }
.Ltmp174:
0x6fc: {  	_ = 	snop;
	(pc) =	sbr.rel .LBB2_167-.Ltmp174, $1  }
0x6fd: {  	_ =	sdelay $0x3  }
.LBB2_2:
.Ltmp175:
0x6fe: {  	(pc) =	sbr.rel .LBB2_6-.Ltmp175, $2  }
0x6ff: {  	_ =	sdelay $0x2  }
0x700: {  	s1 =	simm.s32 $0x0;
	s0 =	simm.s32 $0x0  }
.LBB2_4:
.Ltmp176:
0x701: {  	(pc) =	sbr.rel .LBB2_6-.Ltmp176, $2  }
0x702: {  	_ =	sdelay $0x2  }
0x703: {  	s1 =	simm.s32 $0x0  }
.LBB2_27:
0x704: {  	_ =	sfence.sel $0x180000  }
0x705: {  	[bflag:$0x0] =	sbarrier.arrive $0xFFFF  }
0x706: {  	_ =	strace $0x90000047  }
0x707: {  	s0 =	stileid.u32;
	[bflag:$0x2] =	sbarrier.arrive $0xFFFF  }
0x708: {  	p0 =	sne.s32 s0, $0x0;
	s0 =	rddreg [dreg:$0x2]  }
0x709: {  	s0 =	sadd.s32 @!p0 $0x100000, s0  }
0x70a: {  	[sflag:s0] =	ssyncadd.tile.s32 @!p0 $0x1;
	_ =	shalt  }
.Lfunc_end2:
_tile_overlayer_lowered:
.L_overlay_start_2:
0x70b: {  	(tag) =	ssettag $0x2  }
0x70c: {  	s0 =	rddreg [dreg:$0x0];
	s2 =	stileid.u32  }
0x70d: {  	s1 =	rddreg [dreg:$0x1];
	p0 =	sne.s32 s2, $0x0  }
0x70e: {  	s3 =	rddreg [dreg:$0x2];
	[bflag:$0x3] =	sbarrier.arrive $0xFFFF;
	s2 =	simm.s32 @!p0 $0x1C07  }
0x70f: {  	[timem:s3], [sflag:s2] =	dma.local @!p0 [hbm:s0], s1  }
0x710: {  	s0 =	simm.s32 @!p0 $0x7  }
0x711: {  	_ =	swait.ge @!p0 [sflag:s0], s1  }
0x712: {  	s1 =	ssub.s32 @!p0 $0x0, s1;
	[sflag:s0] =	ssyncset.done @!p0 $0x0  }
0x713: {  	[sflag:s0] =	ssyncadd.s32 @!p0 s1  }
0x714: {  	[bflag:$0x3] =	sbarrier.arrive $0xFFFF  }
0x715: {  	_ =	shalt  }

</sc_bundles>
